<compile_context>
chip_gen: v7x
topology: tpu7x:2x2x1
jax: 0.10.2.dev20260603
libtpu: 0.0.44.dev20260713+nightly
codegen_flags: <defaults>
</compile_context>

<pallas_src>
import functools

import jax
import jax.numpy as jnp
import numpy as np
from jax import lax
from jax.experimental import pallas as pl
from jax.experimental.pallas import tpu as pltpu
from jax.experimental.pallas import tpu_sc as plsc

B = 4
A = 9
H = 50
W = 50
N = A * H * W
NP = 22528
ROWS = NP // 128
M = 6144
PRE_NMS_TOPN = 6000
POST_NMS_TOPN = 1000
OUT_SLOTS = 1024
MIN_THRESHOLD = 16.0
NMS_THRESH = 0.7
IMG_W = 800.0
IMG_H = 800.0
NEG = -1.0e30


def _anchor_consts():
    base_size, ratios, scales, stride = 16, np.array([0.5, 1.0, 2.0]), np.array([8.0, 16.0, 32.0]), 16

    def whctrs(a):
        w = a[2] - a[0] + 1.0
        h = a[3] - a[1] + 1.0
        return w, h, a[0] + 0.5 * (w - 1.0), a[1] + 0.5 * (h - 1.0)

    def mk(ws, hs, xc, yc):
        ws = ws[:, None]
        hs = hs[:, None]
        return np.hstack([xc - 0.5 * (ws - 1.0), yc - 0.5 * (hs - 1.0),
                          xc + 0.5 * (ws - 1.0), yc + 0.5 * (hs - 1.0)])

    basea = np.array([0.0, 0.0, base_size - 1.0, base_size - 1.0])
    w, h, xc, yc = whctrs(basea)
    size = w * h
    ws = np.round(np.sqrt(size / ratios))
    hs = np.round(ws * ratios)
    ra = mk(ws, hs, xc, yc)
    out = []
    for i in range(ra.shape[0]):
        w, h, xc, yc = whctrs(ra[i])
        out.append(mk(w * scales, h * scales, xc, yc))
    anchors = np.vstack(out).astype(np.float32)

    sx = np.arange(W) * stride
    sy = np.arange(H) * stride
    mx, my = np.meshgrid(sx, sy)
    shifts = np.stack([mx.ravel(), my.ravel(), mx.ravel(), my.ravel()], axis=1)
    shifts = shifts.reshape(-1, 1, 4).astype(np.float32)
    alla = (anchors + shifts).reshape(-1, 4)

    aw = alla[:, 2] - alla[:, 0] + 1.0
    ah = alla[:, 3] - alla[:, 1] + 1.0
    ax = alla[:, 0] + 0.5 * aw
    ay = alla[:, 1] + 0.5 * ah

    def padr(v, fill):
        return np.concatenate([v, np.full((NP - N,), fill, np.float32)]).reshape(ROWS, 128)

    return (padr(aw, 1.0), padr(ah, 1.0), padr(ax, 0.0), padr(ay, 0.0))


_AW, _AH, _AX, _AY = _anchor_consts()


def _k1_body(dx, dy, dw, dh, sc, aw, ah, ax, ay,
             x1o, y1o, x2o, y2o, mso, kco):
    awv, ahv, axv, ayv = aw[...], ah[...], ax[...], ay[...]
    pcx = dx[...] * awv + axv
    pcy = dy[...] * ahv + ayv
    pw = jnp.exp(dw[...]) * awv
    ph = jnp.exp(dh[...]) * ahv
    x1 = jnp.clip(pcx - 0.5 * pw, 0.0, IMG_W - 1.0)
    y1 = jnp.clip(pcy - 0.5 * ph, 0.0, IMG_H - 1.0)
    x2 = jnp.clip(pcx + 0.5 * pw, 0.0, IMG_W - 1.0)
    y2 = jnp.clip(pcy + 0.5 * ph, 0.0, IMG_H - 1.0)
    keep = ((x2 - x1 + 1.0 >= MIN_THRESHOLD)
            & (y2 - y1 + 1.0 >= MIN_THRESHOLD))
    x1o[...] = x1
    y1o[...] = y1
    x2o[...] = x2
    y2o[...] = y2
    mso[...] = jnp.where(keep, sc[...], NEG)
    kc = jnp.sum(keep.astype(jnp.float32), axis=(1, 2), keepdims=True)
    kco[...] = jnp.broadcast_to(kc, (B, 8, 128))


def _run_k1(dx, dy, dw, dh, sc):
    outs = pl.pallas_call(
        _k1_body,
        out_shape=(
            jax.ShapeDtypeStruct((B, ROWS, 128), jnp.float32),
            jax.ShapeDtypeStruct((B, ROWS, 128), jnp.float32),
            jax.ShapeDtypeStruct((B, ROWS, 128), jnp.float32),
            jax.ShapeDtypeStruct((B, ROWS, 128), jnp.float32),
            jax.ShapeDtypeStruct((B, ROWS, 128), jnp.float32),
            jax.ShapeDtypeStruct((B, 8, 128), jnp.float32),
        ),
    )(dx, dy, dw, dh, sc,
      jnp.asarray(_AW), jnp.asarray(_AH), jnp.asarray(_AX), jnp.asarray(_AY))
    return outs


_NB = 1024


def _k2a_body(msj, kcr, flago):
    bi = pl.program_id(0)
    kc = kcr[0, 0, 0].astype(jnp.int32)
    tgt = jnp.minimum(jnp.int32(M), kc)
    s = msj[0]
    k = jax.lax.bitcast_convert_type(s, jnp.int32)
    m = jnp.where(k >= 0, k, k ^ jnp.int32(0x7FFFFFFF))
    kel = s > (NEG * 0.5)
    b1 = (m >> 22) + _NB // 2
    b2 = (m >> 12) & (_NB - 1)
    bcol = lax.broadcasted_iota(jnp.int32, (_NB, 1), 0)
    cab = jnp.zeros((_NB, 1), jnp.float32)
    hb = jnp.zeros((_NB, 1), jnp.float32)
    for c in range(NP // _CJ):
        b1c = b1[:, c * _CJ:(c + 1) * _CJ]
        kc_ = kel[:, c * _CJ:(c + 1) * _CJ]
        cab = cab + jnp.sum(((b1c > bcol) & kc_).astype(jnp.float32),
                            axis=1, keepdims=True)
        hb = hb + jnp.sum(((b1c == bcol) & kc_).astype(jnp.float32),
                          axis=1, keepdims=True)
    tgtf = tgt.astype(jnp.float32)
    t1 = jnp.sum((cab >= tgtf).astype(jnp.int32))
    cab_t1 = jnp.sum(jnp.where(bcol == t1, cab, 0.0))
    t2g = tgtf - cab_t1
    cab2 = jnp.zeros((_NB, 1), jnp.float32)
    for c in range(NP // _CJ):
        b1c = b1[:, c * _CJ:(c + 1) * _CJ]
        b2c = b2[:, c * _CJ:(c + 1) * _CJ]
        kc_ = kel[:, c * _CJ:(c + 1) * _CJ]
        cab2 = cab2 + jnp.sum(((b1c == t1) & (b2c > bcol)
                               & kc_).astype(jnp.float32),
                              axis=1, keepdims=True)
    t2 = jnp.sum((cab2 >= t2g).astype(jnp.int32))
    flag = kel & ((b1 > t1) | ((b1 == t1) & (b2 >= t2)))
    flago[0] = flag.astype(jnp.float32)


def _run_k2a(ms, kc):
    msj = ms.reshape(B, 1, NP)
    flag = pl.pallas_call(
        _k2a_body,
        grid=(B,),
        in_specs=[
            pl.BlockSpec((1, 1, NP), lambda b: (b, 0, 0)),
            pl.BlockSpec((1, 8, 128), lambda b: (b, 0, 0)),
        ],
        out_specs=pl.BlockSpec((1, 1, NP), lambda b: (b, 0, 0)),
        out_shape=jax.ShapeDtypeStruct((B, 1, NP), jnp.float32),
    )(msj, kc)
    return flag.reshape(B, NP)


NCAP = 8192


def _k2c_body(flag_h, x1_h, y1_h, x2_h, y2_h, ss_h,
              c1_h, c2_h, c3_h, c4_h, c5_h,
              fv, i1, i2, i3, i4, i5, o1, o2, o3, o4, o5):
    wid = lax.axis_index("c") * _NS + lax.axis_index("s")

    @pl.when(wid < B)
    def _():
        bidx = wid
        neg = jnp.full((16,), -1.0e38, jnp.float32)
        zf = jnp.zeros((16,), jnp.float32)

        def init(k2, c):
            o16 = pl.multiple_of(k2 * 16, 16)
            o1[pl.ds(o16, 16)] = zf
            o2[pl.ds(o16, 16)] = zf
            o3[pl.ds(o16, 16)] = zf
            o4[pl.ds(o16, 16)] = zf
            o5[pl.ds(o16, 16)] = neg
            return c

        lax.fori_loop(0, NCAP // 16, init, 0)

        def macro(mc, base0):
            off = pl.multiple_of(mc * _MC, _MC)
            pltpu.sync_copy(flag_h.at[bidx, pl.ds(off, _MC)], fv)
            pltpu.sync_copy(x1_h.at[bidx, pl.ds(off, _MC)], i1)
            pltpu.sync_copy(y1_h.at[bidx, pl.ds(off, _MC)], i2)
            pltpu.sync_copy(x2_h.at[bidx, pl.ds(off, _MC)], i3)
            pltpu.sync_copy(y2_h.at[bidx, pl.ds(off, _MC)], i4)
            pltpu.sync_copy(ss_h.at[bidx, pl.ds(off, _MC)], i5)

            def chunk(k2, base):
                o16 = pl.multiple_of(k2 * 16, 16)
                kv = fv[pl.ds(o16, 16)] > 0.5
                ki = kv.astype(jnp.int32)
                slot = base + plsc.cumsum(ki) - 1
                m2 = kv & (slot < NCAP)
                slotc = jnp.where(m2, slot, 0)
                plsc.store_scatter(o1, [slotc], i1[pl.ds(o16, 16)], mask=m2)
                plsc.store_scatter(o2, [slotc], i2[pl.ds(o16, 16)], mask=m2)
                plsc.store_scatter(o3, [slotc], i3[pl.ds(o16, 16)], mask=m2)
                plsc.store_scatter(o4, [slotc], i4[pl.ds(o16, 16)], mask=m2)
                plsc.store_scatter(o5, [slotc], i5[pl.ds(o16, 16)], mask=m2)
                return base + jnp.sum(ki)

            return lax.fori_loop(0, _MC // 16, chunk, base0)

        lax.fori_loop(0, NP // _MC, macro, jnp.int32(0))
        pltpu.sync_copy(o1, c1_h.at[bidx])
        pltpu.sync_copy(o2, c2_h.at[bidx])
        pltpu.sync_copy(o3, c3_h.at[bidx])
        pltpu.sync_copy(o4, c4_h.at[bidx])
        pltpu.sync_copy(o5, c5_h.at[bidx])


def _run_k2c(flag, x1, y1, x2, y2, ms):
    fvec = jax.ShapeDtypeStruct((B, NCAP), jnp.float32)
    run = pl.kernel(
        _k2c_body,
        out_type=(fvec,) * 5,
        compiler_params=pltpu.CompilerParams(needs_layout_passes=False),
        mesh=plsc.VectorSubcoreMesh(core_axis_name="c", subcore_axis_name="s"),
        scratch_types=[pltpu.VMEM((_MC,), jnp.float32)] * 6
        + [pltpu.VMEM((NCAP,), jnp.float32)] * 5,
    )
    return run(flag, x1, y1, x2, y2, ms)


_TI = 512
_CJ = 2048


def _k2_body(msi, msj, ranko):
    t = pl.program_id(1)
    si = msi[0]
    ii = t * _TI + lax.broadcasted_iota(jnp.int32, (_TI, 1), 0)
    acc = jnp.zeros((_TI, 1), jnp.float32)
    for c in range(NCAP // _CJ):
        sj = msj[0, :, c * _CJ:(c + 1) * _CJ]
        jj = c * _CJ + lax.broadcasted_iota(jnp.int32, (1, _CJ), 1)
        gt = sj > si
        tie = (sj == si) & (jj < ii)
        acc = acc + jnp.sum((gt | tie).astype(jnp.float32), axis=1,
                            keepdims=True)
    ranko[0] = acc.astype(jnp.int32)


def _run_k2(cms):
    msi = cms.reshape(B, NCAP, 1)
    msj = cms.reshape(B, 1, NCAP)
    rank = pl.pallas_call(
        _k2_body,
        grid=(B, NCAP // _TI),
        in_specs=[
            pl.BlockSpec((1, _TI, 1), lambda b, t: (b, t, 0)),
            pl.BlockSpec((1, 1, NCAP), lambda b, t: (b, 0, 0)),
        ],
        out_specs=pl.BlockSpec((1, _TI, 1), lambda b, t: (b, t, 0)),
        out_shape=jax.ShapeDtypeStruct((B, NCAP, 1), jnp.int32),
    )(msi, msj)
    return rank.reshape(B, NCAP)


_MC = NP // 2
_NC = 2
_NS = 16


def _k3_body(rank_h, x1_h, y1_h, x2_h, y2_h, ss_h,
             o1_h, o2_h, o3_h, o4_h, o5_h,
             rank_v, i1, i2, i3, i4, i5, o1, o2, o3, o4, o5):
    wid = lax.axis_index("c") * _NS + lax.axis_index("s")

    @pl.when(wid < B)
    def _():
        bidx = wid
        pltpu.sync_copy(rank_h.at[bidx], rank_v)
        pltpu.sync_copy(x1_h.at[bidx], i1)
        pltpu.sync_copy(y1_h.at[bidx], i2)
        pltpu.sync_copy(x2_h.at[bidx], i3)
        pltpu.sync_copy(y2_h.at[bidx], i4)
        pltpu.sync_copy(ss_h.at[bidx], i5)

        def chunk(k, c2):
            o16 = pl.multiple_of(k * 16, 16)
            idx = rank_v[pl.ds(o16, 16)]
            msk = idx < M
            idxc = jnp.where(msk, idx, 0)
            plsc.store_scatter(o1, [idxc], i1[pl.ds(o16, 16)], mask=msk)
            plsc.store_scatter(o2, [idxc], i2[pl.ds(o16, 16)], mask=msk)
            plsc.store_scatter(o3, [idxc], i3[pl.ds(o16, 16)], mask=msk)
            plsc.store_scatter(o4, [idxc], i4[pl.ds(o16, 16)], mask=msk)
            plsc.store_scatter(o5, [idxc], i5[pl.ds(o16, 16)], mask=msk)
            return c2

        lax.fori_loop(0, NCAP // 16, chunk, 0)
        pltpu.sync_copy(o1, o1_h.at[bidx])
        pltpu.sync_copy(o2, o2_h.at[bidx])
        pltpu.sync_copy(o3, o3_h.at[bidx])
        pltpu.sync_copy(o4, o4_h.at[bidx])
        pltpu.sync_copy(o5, o5_h.at[bidx])


def _run_k3(rank, x1, y1, x2, y2, ms):
    fvec = jax.ShapeDtypeStruct((B, M), jnp.float32)
    run = pl.kernel(
        _k3_body,
        out_type=(fvec,) * 5,
        compiler_params=pltpu.CompilerParams(needs_layout_passes=False),
        mesh=plsc.VectorSubcoreMesh(core_axis_name="c", subcore_axis_name="s"),
        scratch_types=[
            pltpu.VMEM((NCAP,), jnp.int32),
            pltpu.VMEM((NCAP,), jnp.float32),
            pltpu.VMEM((NCAP,), jnp.float32),
            pltpu.VMEM((NCAP,), jnp.float32),
            pltpu.VMEM((NCAP,), jnp.float32),
            pltpu.VMEM((NCAP,), jnp.float32),
            pltpu.VMEM((M,), jnp.float32),
            pltpu.VMEM((M,), jnp.float32),
            pltpu.VMEM((M,), jnp.float32),
            pltpu.VMEM((M,), jnp.float32),
            pltpu.VMEM((M,), jnp.float32),
        ],
    )
    return run(rank, x1, y1, x2, y2, ms)


_MR = M // 128
_CHR = 2


def _k4_body(x1r, y1r, x2r, y2r, kcr, kepto):
    kc = jnp.min(kcr[...]).astype(jnp.int32)
    pre_n = jnp.minimum(PRE_NMS_TOPN, kc)
    sub = lax.broadcasted_iota(jnp.int32, (B, _MR, 128), 1)
    lan = lax.broadcasted_iota(jnp.int32, (B, _MR, 128), 2)
    pos = sub * 128 + lan
    active = (pos < pre_n).astype(jnp.float32)
    ploc = (lax.broadcasted_iota(jnp.int32, (B, _CHR, 128), 1) * 128
            + lax.broadcasted_iota(jnp.int32, (B, _CHR, 128), 2))
    kept_chunks = []
    cnt = jnp.zeros((B, 1, 1), jnp.float32)
    x1f, y1f, x2f, y2f = x1r[...], y1r[...], x2r[...], y2r[...]
    topn = jnp.float32(POST_NMS_TOPN)
    for k in range(_MR // _CHR):
        r0 = k * _CHR
        x1 = x1f[:, r0:, :]
        y1 = y1f[:, r0:, :]
        x2 = x2f[:, r0:, :]
        y2 = y2f[:, r0:, :]
        areas = (x2 - x1 + 1.0) * (y2 - y1 + 1.0)
        prel = pos[:, r0:, :] - r0 * 128
        xc1 = x1[:, :_CHR, :]
        yc1 = y1[:, :_CHR, :]
        xc2 = x2[:, :_CHR, :]
        yc2 = y2[:, :_CHR, :]

        def body(jj, st):
            act, keptc, cn = st
            mjf = (ploc == jj).astype(jnp.float32)
            actc = act[:, :_CHR, :]
            kb0 = jnp.sum(actc * mjf, axis=(1, 2), keepdims=True)
            kb = kb0 * (cn < topn).astype(jnp.float32)
            ex1 = jnp.sum(xc1 * mjf, axis=(1, 2), keepdims=True)
            ey1 = jnp.sum(yc1 * mjf, axis=(1, 2), keepdims=True)
            ex2 = jnp.sum(xc2 * mjf, axis=(1, 2), keepdims=True)
            ey2 = jnp.sum(yc2 * mjf, axis=(1, 2), keepdims=True)
            aj = (ex2 - ex1 + 1.0) * (ey2 - ey1 + 1.0)
            xx1 = jnp.maximum(ex1, x1)
            yy1 = jnp.maximum(ey1, y1)
            xx2 = jnp.minimum(ex2, x2)
            yy2 = jnp.minimum(ey2, y2)
            ww = jnp.maximum(0.0, xx2 - xx1 + 1.0)
            hh = jnp.maximum(0.0, yy2 - yy1 + 1.0)
            inter = ww * hh
            iou = inter / (aj + areas - inter)
            supf = ((kb > 0.0) & (iou > NMS_THRESH)
                    & (prel > jj)).astype(jnp.float32)
            keptc = jnp.maximum(keptc, kb * mjf)
            act = act * (1.0 - supf)
            return act, keptc, cn + kb

        def run_chunk(st):
            return lax.fori_loop(0, _CHR * 128, body, st)

        def skip_chunk(st):
            return st

        active, keptc, cnt = lax.cond(
            jnp.min(cnt) < topn, run_chunk, skip_chunk,
            (active, jnp.zeros((B, _CHR, 128), jnp.float32), cnt))
        kept_chunks.append(keptc)
        active = active[:, _CHR:, :]
    kepto[...] = jnp.concatenate(kept_chunks, axis=1)


def _run_k4(xs1, ys1, xs2, ys2, kc):
    shp = (B, _MR, 128)
    kept = pl.pallas_call(
        _k4_body,
        out_shape=jax.ShapeDtypeStruct(shp, jnp.float32),
    )(xs1.reshape(shp), ys1.reshape(shp), xs2.reshape(shp), ys2.reshape(shp),
      kc)
    return kept.reshape(B, M)


def _k5_body(kept_h, x1_h, y1_h, x2_h, y2_h, ss_h,
             ob_h, os_h,
             kept_v, i1, i2, i3, i4, i5, ob, os_):
    wid = lax.axis_index("c") * _NS + lax.axis_index("s")

    @pl.when(wid < B)
    def _():
        bidx = wid
        pltpu.sync_copy(kept_h.at[bidx], kept_v)
        pltpu.sync_copy(x1_h.at[bidx], i1)
        pltpu.sync_copy(y1_h.at[bidx], i2)
        pltpu.sync_copy(x2_h.at[bidx], i3)
        pltpu.sync_copy(y2_h.at[bidx], i4)
        pltpu.sync_copy(ss_h.at[bidx], i5)

        zf = jnp.zeros((16,), jnp.float32)

        def zb(k, c):
            ob[pl.ds(pl.multiple_of(k * 16, 16), 16)] = zf
            return c

        lax.fori_loop(0, (OUT_SLOTS * 4) // 16, zb, 0)

        def zs(k, c):
            os_[pl.ds(pl.multiple_of(k * 16, 16), 16)] = zf
            return c

        lax.fori_loop(0, OUT_SLOTS // 16, zs, 0)

        def chunk(k, base):
            o16 = pl.multiple_of(k * 16, 16)
            kv = kept_v[pl.ds(o16, 16)] > 0.5
            ki = kv.astype(jnp.int32)
            slot = base + plsc.cumsum(ki) - 1
            m2 = kv & (slot < POST_NMS_TOPN)
            slotc = jnp.where(m2, slot, 0)
            plsc.store_scatter(os_, [slotc], i5[pl.ds(o16, 16)], mask=m2)
            sb = slotc * 4
            plsc.store_scatter(ob, [sb], i1[pl.ds(o16, 16)], mask=m2)
            plsc.store_scatter(ob, [sb + 1], i2[pl.ds(o16, 16)], mask=m2)
            plsc.store_scatter(ob, [sb + 2], i3[pl.ds(o16, 16)], mask=m2)
            plsc.store_scatter(ob, [sb + 3], i4[pl.ds(o16, 16)], mask=m2)
            return base + jnp.sum(ki)

        lax.fori_loop(0, M // 16, chunk, jnp.int32(0))
        pltpu.sync_copy(ob, ob_h.at[bidx])
        pltpu.sync_copy(os_, os_h.at[bidx])


def _run_k5(kept, xs1, ys1, xs2, ys2, ss):
    run = pl.kernel(
        _k5_body,
        out_type=(
            jax.ShapeDtypeStruct((B, OUT_SLOTS * 4), jnp.float32),
            jax.ShapeDtypeStruct((B, OUT_SLOTS), jnp.float32),
        ),
        compiler_params=pltpu.CompilerParams(needs_layout_passes=False),
        mesh=plsc.VectorSubcoreMesh(core_axis_name="c", subcore_axis_name="s"),
        scratch_types=[
            pltpu.VMEM((M,), jnp.float32),
            pltpu.VMEM((M,), jnp.float32),
            pltpu.VMEM((M,), jnp.float32),
            pltpu.VMEM((M,), jnp.float32),
            pltpu.VMEM((M,), jnp.float32),
            pltpu.VMEM((M,), jnp.float32),
            pltpu.VMEM((OUT_SLOTS * 4,), jnp.float32),
            pltpu.VMEM((OUT_SLOTS,), jnp.float32),
        ],
    )
    return run(kept, xs1, ys1, xs2, ys2, ss)


@jax.jit
def kernel(labels_pred, bbox_reg):
    scores = jnp.transpose(labels_pred, (0, 2, 3, 1)).reshape(B, N, 2)[..., 1]
    breg = jnp.transpose(bbox_reg, (0, 2, 3, 1)).reshape(B, N, 4)
    pad = ((0, 0), (0, NP - N))

    def prep(v):
        return jnp.pad(v, pad).reshape(B, ROWS, 128)

    dx = prep(breg[..., 0])
    dy = prep(breg[..., 1])
    dw = prep(breg[..., 2])
    dh = prep(breg[..., 3])
    sc = prep(scores)

    x1, y1, x2, y2, ms, kc = _run_k1(dx, dy, dw, dh, sc)
    flat = lambda v: v.reshape(B, NP)
    flag = _run_k2a(flat(ms), kc)
    c1, c2, c3, c4, c5 = _run_k2c(flag, flat(x1), flat(y1), flat(x2),
                                  flat(y2), flat(ms))
    crank = _run_k2(c5)
    xs1, ys1, xs2, ys2, ss = _run_k3(crank, c1, c2, c3, c4, c5)
    kept = _run_k4(xs1, ys1, xs2, ys2, kc)
    ob, os_ = _run_k5(kept, xs1, ys1, xs2, ys2, ss)
    boxes_out = ob.reshape(B, OUT_SLOTS, 4)[:, :POST_NMS_TOPN]
    scores_out = os_[:, :POST_NMS_TOPN]
    return boxes_out, scores_out

# --- scband reference (transcript-rebuilt; emitter-appended) ---
"""Pipeline reference for scband-proposal-layer-90486370992178 (READ-ONLY COPY).

The authoritative reference and input builder live on the scoring server;
editing this copy changes nothing except your own understanding.
"""

import jax, jax.numpy as jnp
import numpy as np

BASE_SIZE = 16
RATIOS = np.array([0.5, 1.0, 2.0])
SCALES = np.array([8.0, 16.0, 32.0])
ANCHOR_STRIDE = 16
PRE_NMS_TOPN = 6000
POST_NMS_TOPN = 1000
MIN_THRESHOLD = 16.0
NMS_THRESH = 0.7
IMG_W = 800
IMG_H = 800
B, A, H, W = 4, 9, 50, 50


def _whctrs(anchor):
    w = anchor[2] - anchor[0] + 1.0
    h = anchor[3] - anchor[1] + 1.0
    return w, h, anchor[0] + 0.5 * (w - 1.0), anchor[1] + 0.5 * (h - 1.0)


def _mkanchors(ws, hs, x_ctr, y_ctr):
    ws = ws[:, None]
    hs = hs[:, None]
    return np.hstack([x_ctr - 0.5 * (ws - 1.0), y_ctr - 0.5 * (hs - 1.0),
                      x_ctr + 0.5 * (ws - 1.0), y_ctr + 0.5 * (hs - 1.0)])


def generate_anchors(base_size, ratios, scales):
    base = np.array([0.0, 0.0, base_size - 1.0, base_size - 1.0])
    w, h, xc, yc = _whctrs(base)
    size = w * h
    ws = np.round(np.sqrt(size / ratios))
    hs = np.round(ws * ratios)
    ratio_anchors = _mkanchors(ws, hs, xc, yc)
    out = []
    for i in range(ratio_anchors.shape[0]):
        w, h, xc, yc = _whctrs(ratio_anchors[i])
        out.append(_mkanchors(w * scales, h * scales, xc, yc))
    return np.vstack(out).astype(np.float32)


def get_anchor_shifts(width, height, stride):
    sx = np.arange(width) * stride
    sy = np.arange(height) * stride
    mx, my = np.meshgrid(sx, sy)
    shifts = np.stack([mx.ravel(), my.ravel(), mx.ravel(), my.ravel()], axis=1)
    return shifts.reshape(-1, 1, 4).astype(np.float32)


def bbox_reg_to_coord(breg, anchors):
    aw = anchors[:, 2] - anchors[:, 0] + 1.0
    ah = anchors[:, 3] - anchors[:, 1] + 1.0
    ax = anchors[:, 0] + 0.5 * aw
    ay = anchors[:, 1] + 0.5 * ah
    dx, dy, dw, dh = breg[..., 0], breg[..., 1], breg[..., 2], breg[..., 3]
    pcx = dx * aw + ax
    pcy = dy * ah + ay
    pw = jnp.exp(dw) * aw
    ph = jnp.exp(dh) * ah
    return jnp.stack([pcx - 0.5 * pw, pcy - 0.5 * ph, pcx + 0.5 * pw, pcy + 0.5 * ph], axis=-1)


def clip_boxes(bp):
    x1 = jnp.clip(bp[..., 0], 0.0, IMG_W - 1.0)
    y1 = jnp.clip(bp[..., 1], 0.0, IMG_H - 1.0)
    x2 = jnp.clip(bp[..., 2], 0.0, IMG_W - 1.0)
    y2 = jnp.clip(bp[..., 3], 0.0, IMG_H - 1.0)
    return jnp.stack([x1, y1, x2, y2], axis=-1)


def nms_numpy(boxes, scores, thresh, top_n):
    x1, y1, x2, y2 = boxes[:, 0], boxes[:, 1], boxes[:, 2], boxes[:, 3]
    areas = (x2 - x1 + 1.0) * (y2 - y1 + 1.0)
    order = np.argsort(-scores)
    keep = []
    while order.size > 0 and len(keep) < top_n:
        i = order[0]
        keep.append(i)
        rest = order[1:]
        xx1 = np.maximum(x1[i], x1[rest])
        yy1 = np.maximum(y1[i], y1[rest])
        xx2 = np.minimum(x2[i], x2[rest])
        yy2 = np.minimum(y2[i], y2[rest])
        w = np.maximum(0.0, xx2 - xx1 + 1.0)
        h = np.maximum(0.0, yy2 - yy1 + 1.0)
        inter = w * h
        iou = inter / (areas[i] + areas[rest] - inter)
        order = rest[iou <= thresh]
    return np.array(keep, dtype=np.int64)


def setup_inputs(seed: int = 0):
    key = jax.random.key(seed)
    k1, k2 = jax.random.split(key)
    labels_pred = jax.random.normal(k1, (B, 2 * A, H, W), dtype=jnp.float32)
    bbox_reg = jax.random.normal(k2, (B, 4 * A, H, W), dtype=jnp.float32)
    return {"labels_pred": labels_pred, "bbox_reg": bbox_reg}


def reference(labels_pred, bbox_reg):
    batch = labels_pred.shape[0]
    h, w = labels_pred.shape[-2], labels_pred.shape[-1]
    anchors = generate_anchors(BASE_SIZE, RATIOS, SCALES)
    shifts = get_anchor_shifts(w, h, ANCHOR_STRIDE)
    all_anchors = jnp.asarray((anchors + shifts).reshape(-1, 4))
    n = all_anchors.shape[0]
    scores = jnp.transpose(labels_pred, (0, 2, 3, 1)).reshape(batch, n, 2)[..., 1]
    breg = jnp.transpose(bbox_reg, (0, 2, 3, 1)).reshape(batch, n, 4)
    bbox_pred = clip_boxes(bbox_reg_to_coord(breg, all_anchors))
    keep = ((bbox_pred[..., 2] - bbox_pred[..., 0] + 1.0 >= MIN_THRESHOLD)
            & (bbox_pred[..., 3] - bbox_pred[..., 1] + 1.0 >= MIN_THRESHOLD))
    pre_n = jnp.minimum(PRE_NMS_TOPN, keep.sum(axis=1).min())
    order = jnp.argsort(-scores, axis=1)
    boxes_out = jnp.zeros((batch, POST_NMS_TOPN, 4), dtype=jnp.float32)
    scores_out = jnp.zeros((batch, POST_NMS_TOPN), dtype=jnp.float32)
    idx_range = jnp.arange(n)
    slot_range = jnp.arange(POST_NMS_TOPN)
    for i in range(batch):
        oi = order[i]
        keep_i = keep[i][oi]
        rank = jnp.cumsum(keep_i.astype(jnp.int32)) - 1
        valid = keep_i & (rank < pre_n)
        bi = bbox_pred[i][oi]
        si = scores[i][oi]
        x1, y1, x2, y2 = bi[:, 0], bi[:, 1], bi[:, 2], bi[:, 3]
        areas = (x2 - x1 + 1.0) * (y2 - y1 + 1.0)

        def body(j, state):
            active, out_idx, count = state
            is_keep = active[j] & (count < POST_NMS_TOPN)
            xx1 = jnp.maximum(x1[j], x1)
            yy1 = jnp.maximum(y1[j], y1)
            xx2 = jnp.minimum(x2[j], x2)
            yy2 = jnp.minimum(y2[j], y2)
            ww = jnp.maximum(0.0, xx2 - xx1 + 1.0)
            hh = jnp.maximum(0.0, yy2 - yy1 + 1.0)
            inter = ww * hh
            iou = inter / (areas[j] + areas - inter)
            suppress = is_keep & (iou > NMS_THRESH) & (idx_range > j)
            active = active & ~suppress
            out_idx = jnp.where(is_keep & (slot_range == count), j, out_idx)
            count = count + is_keep.astype(jnp.int32)
            return active, out_idx, count

        active, out_idx, count = jax.lax.fori_loop(
            0, n, body,
            (valid, jnp.zeros((POST_NMS_TOPN,), dtype=jnp.int32), jnp.int32(0)))
        slot_valid = slot_range < count
        kb_boxes = jnp.where(slot_valid[:, None], bi[out_idx], 0.0)
        kb_scores = jnp.where(slot_valid, si[out_idx], 0.0)
        boxes_out = boxes_out.at[i].set(kb_boxes)
        scores_out = scores_out.at[i].set(kb_scores)
    return boxes_out, scores_out

if __name__ == "__main__":
    import jax
    _d = setup_inputs()
    print(jax.jit(kernel)(*tuple(_d.values())))

</pallas_src>

<mosaic_0001>
#map = affine_map<(d0, d1) -> (0, 0)>
module attributes {stable_mosaic.version = 14 : i64} {
  func.func @_k2c_body(%arg0: i32, %arg1: i32, %arg2: memref<4x22528xf32, #tpu.memory_space<hbm>>, %arg3: memref<4x22528xf32, #tpu.memory_space<hbm>>, %arg4: memref<4x22528xf32, #tpu.memory_space<hbm>>, %arg5: memref<4x22528xf32, #tpu.memory_space<hbm>>, %arg6: memref<4x22528xf32, #tpu.memory_space<hbm>>, %arg7: memref<4x22528xf32, #tpu.memory_space<hbm>>, %arg8: memref<4x8192xf32, #tpu.memory_space<hbm>>, %arg9: memref<4x8192xf32, #tpu.memory_space<hbm>>, %arg10: memref<4x8192xf32, #tpu.memory_space<hbm>>, %arg11: memref<4x8192xf32, #tpu.memory_space<hbm>>, %arg12: memref<4x8192xf32, #tpu.memory_space<hbm>>, %arg13: memref<11264xf32, #tpu.memory_space<vmem>>, %arg14: memref<11264xf32, #tpu.memory_space<vmem>>, %arg15: memref<11264xf32, #tpu.memory_space<vmem>>, %arg16: memref<11264xf32, #tpu.memory_space<vmem>>, %arg17: memref<11264xf32, #tpu.memory_space<vmem>>, %arg18: memref<11264xf32, #tpu.memory_space<vmem>>, %arg19: memref<8192xf32, #tpu.memory_space<vmem>>, %arg20: memref<8192xf32, #tpu.memory_space<vmem>>, %arg21: memref<8192xf32, #tpu.memory_space<vmem>>, %arg22: memref<8192xf32, #tpu.memory_space<vmem>>, %arg23: memref<8192xf32, #tpu.memory_space<vmem>>) attributes {dimension_semantics = [#tpu.dimension_semantics<core_parallel>, #tpu.dimension_semantics<subcore_parallel>], iteration_bounds = array<i64: 2, 16>, scalar_prefetch = 0 : i64, scratch_operands = 11 : i64, tpu.core_type = #tpu.core_type<sc_vector_subcore>, window_params = [{transform_indices = #map}, {transform_indices = #map}, {transform_indices = #map}, {transform_indices = #map}, {transform_indices = #map}, {transform_indices = #map}, {transform_indices = #map}, {transform_indices = #map}, {transform_indices = #map}, {transform_indices = #map}, {transform_indices = #map}]} {
    %mul3A = arith.constant 16 : i32
    %mul3A_0 = arith.muli %arg0, %mul3A : i32
    %add3A = arith.addi %mul3A_0, %arg1 : i32
    %lt3A = arith.constant 4 : i32
    %lt3A_1 = arith.cmpi slt, %add3A, %lt3A : i32
    %convert_element_type3A = arith.extui %lt3A_1 : i1 to i32
    %cond3A = arith.constant 0 : i32
    %cond3A_2 = arith.cmpi ne, %convert_element_type3A, %cond3A : i32
    scf.if %cond3A_2 {
      %broadcast_in_dim3A = arith.constant -9.99999968E+37 : f32
      %broadcast_in_dim3A_3 = vector.broadcast %broadcast_in_dim3A : f32 to vector<16xf32>
      %broadcast_in_dim3A_4 = arith.constant 0.000000e+00 : f32
      %broadcast_in_dim3A_5 = vector.broadcast %broadcast_in_dim3A_4 : f32 to vector<16xf32>
      %scan3A = arith.constant 0 : i32
      %scan3A_6 = arith.constant 0 : i32
      %scan3A_7 = arith.constant 512 : i32
      %scan3A_8 = arith.addi %scan3A_6, %scan3A_7 : i32
      %scan3A_9 = arith.constant 1 : i32
      scf.for %scan3A_18 = %scan3A_6 to %scan3A_8 step %scan3A_9  : i32 {
        %mul3A_19 = arith.constant 16 : i32
        %mul3A_20 = arith.muli %scan3A_18, %mul3A_19 : i32
        %multiple_of3A = tpu.assume_multiple %mul3A_20, 16 : i32
        %swap3A = arith.index_cast %multiple_of3A : i32 to index
        %swap3A_21 = tpu.vector_load %arg19[%swap3A] {strides = array<i32>} : memref<8192xf32, #tpu.memory_space<vmem>>, vector<16xf32>,
        tpu.vector_store %arg19[%swap3A], %broadcast_in_dim3A_5 {strides = array<i32>} : memref<8192xf32, #tpu.memory_space<vmem>>, vector<16xf32>,
        %swap3A_22 = arith.index_cast %multiple_of3A : i32 to index
        %swap3A_23 = tpu.vector_load %arg20[%swap3A_22] {strides = array<i32>} : memref<8192xf32, #tpu.memory_space<vmem>>, vector<16xf32>,
        tpu.vector_store %arg20[%swap3A_22], %broadcast_in_dim3A_5 {strides = array<i32>} : memref<8192xf32, #tpu.memory_space<vmem>>, vector<16xf32>,
        %swap3A_24 = arith.index_cast %multiple_of3A : i32 to index
        %swap3A_25 = tpu.vector_load %arg21[%swap3A_24] {strides = array<i32>} : memref<8192xf32, #tpu.memory_space<vmem>>, vector<16xf32>,
        tpu.vector_store %arg21[%swap3A_24], %broadcast_in_dim3A_5 {strides = array<i32>} : memref<8192xf32, #tpu.memory_space<vmem>>, vector<16xf32>,
        %swap3A_26 = arith.index_cast %multiple_of3A : i32 to index
        %swap3A_27 = tpu.vector_load %arg22[%swap3A_26] {strides = array<i32>} : memref<8192xf32, #tpu.memory_space<vmem>>, vector<16xf32>,
        tpu.vector_store %arg22[%swap3A_26], %broadcast_in_dim3A_5 {strides = array<i32>} : memref<8192xf32, #tpu.memory_space<vmem>>, vector<16xf32>,
        %swap3A_28 = arith.index_cast %multiple_of3A : i32 to index
        %swap3A_29 = tpu.vector_load %arg23[%swap3A_28] {strides = array<i32>} : memref<8192xf32, #tpu.memory_space<vmem>>, vector<16xf32>,
        tpu.vector_store %arg23[%swap3A_28], %broadcast_in_dim3A_3 {strides = array<i32>} : memref<8192xf32, #tpu.memory_space<vmem>>, vector<16xf32>,
      }
      %scan3A_10 = arith.constant 512 : i32
      %scan3A_11 = arith.constant 0 : i32
      %scan3A_12 = arith.constant 0 : i32
      %scan3A_13 = arith.constant 2 : i32
      %scan3A_14 = arith.addi %scan3A_12, %scan3A_13 : i32
      %scan3A_15 = arith.constant 1 : i32
      %scan3A_16 = scf.for %scan3A_18 = %scan3A_12 to %scan3A_14 step %scan3A_15 iter_args(%scan3A_19 = %scan3A_11) -> (i32)  : i32 {
        %mul3A_20 = arith.constant 11264 : i32
        %mul3A_21 = arith.muli %scan3A_18, %mul3A_20 : i32
        %multiple_of3A = tpu.assume_multiple %mul3A_21, 11264 : i32
        "tpu.region"() ({
          %run_scoped3A = tpu.sem_alloc : memref<!tpu.dma_semaphore, #tpu.memory_space<semaphore_mem>>
          %dma_start3A = tpu.memref_slice %arg2[%add3A, %multiple_of3A] : memref<4x22528xf32, #tpu.memory_space<hbm>> -> memref<1x11264xf32, #tpu.memory_space<hbm>>
          %dma_start3A_28 = tpu.memref_squeeze %dma_start3A : memref<1x11264xf32, #tpu.memory_space<hbm>> -> memref<11264xf32, #tpu.memory_space<hbm>>
          %dma_start3A_29 = tpu.memref_slice %arg2[%add3A, %multiple_of3A] : memref<4x22528xf32, #tpu.memory_space<hbm>> -> memref<1x11264xf32, #tpu.memory_space<hbm>>
          %dma_start3A_30 = tpu.memref_squeeze %dma_start3A_29 : memref<1x11264xf32, #tpu.memory_space<hbm>> -> memref<11264xf32, #tpu.memory_space<hbm>>
          tpu.enqueue_dma source(%dma_start3A_30 : memref<11264xf32, #tpu.memory_space<hbm>>) target(%arg13 : memref<11264xf32, #tpu.memory_space<vmem>>) target_semaphore(%run_scoped3A : memref<!tpu.dma_semaphore, #tpu.memory_space<semaphore_mem>>)
          %dma_wait3A = tpu.memref_slice %arg2[%add3A, %multiple_of3A] : memref<4x22528xf32, #tpu.memory_space<hbm>> -> memref<1x11264xf32, #tpu.memory_space<hbm>>
          %dma_wait3A_31 = tpu.memref_squeeze %dma_wait3A : memref<1x11264xf32, #tpu.memory_space<hbm>> -> memref<11264xf32, #tpu.memory_space<hbm>>
          %dma_wait3A_32 = tpu.memref_slice %arg2[%add3A, %multiple_of3A] : memref<4x22528xf32, #tpu.memory_space<hbm>> -> memref<1x11264xf32, #tpu.memory_space<hbm>>
          %dma_wait3A_33 = tpu.memref_squeeze %dma_wait3A_32 : memref<1x11264xf32, #tpu.memory_space<hbm>> -> memref<11264xf32, #tpu.memory_space<hbm>>
          tpu.wait_dma2 semaphore(%run_scoped3A : memref<!tpu.dma_semaphore, #tpu.memory_space<semaphore_mem>>) src(%dma_wait3A_33 : memref<11264xf32, #tpu.memory_space<hbm>>) dst(%arg13 : memref<11264xf32, #tpu.memory_space<vmem>>)
          tpu.yield
        }) : () -> ()
        "tpu.region"() ({
          %run_scoped3A = tpu.sem_alloc : memref<!tpu.dma_semaphore, #tpu.memory_space<semaphore_mem>>
          %dma_start3A = tpu.memref_slice %arg3[%add3A, %multiple_of3A] : memref<4x22528xf32, #tpu.memory_space<hbm>> -> memref<1x11264xf32, #tpu.memory_space<hbm>>
          %dma_start3A_28 = tpu.memref_squeeze %dma_start3A : memref<1x11264xf32, #tpu.memory_space<hbm>> -> memref<11264xf32, #tpu.memory_space<hbm>>
          %dma_start3A_29 = tpu.memref_slice %arg3[%add3A, %multiple_of3A] : memref<4x22528xf32, #tpu.memory_space<hbm>> -> memref<1x11264xf32, #tpu.memory_space<hbm>>
          %dma_start3A_30 = tpu.memref_squeeze %dma_start3A_29 : memref<1x11264xf32, #tpu.memory_space<hbm>> -> memref<11264xf32, #tpu.memory_space<hbm>>
          tpu.enqueue_dma source(%dma_start3A_30 : memref<11264xf32, #tpu.memory_space<hbm>>) target(%arg14 : memref<11264xf32, #tpu.memory_space<vmem>>) target_semaphore(%run_scoped3A : memref<!tpu.dma_semaphore, #tpu.memory_space<semaphore_mem>>)
          %dma_wait3A = tpu.memref_slice %arg3[%add3A, %multiple_of3A] : memref<4x22528xf32, #tpu.memory_space<hbm>> -> memref<1x11264xf32, #tpu.memory_space<hbm>>
          %dma_wait3A_31 = tpu.memref_squeeze %dma_wait3A : memref<1x11264xf32, #tpu.memory_space<hbm>> -> memref<11264xf32, #tpu.memory_space<hbm>>
          %dma_wait3A_32 = tpu.memref_slice %arg3[%add3A, %multiple_of3A] : memref<4x22528xf32, #tpu.memory_space<hbm>> -> memref<1x11264xf32, #tpu.memory_space<hbm>>
          %dma_wait3A_33 = tpu.memref_squeeze %dma_wait3A_32 : memref<1x11264xf32, #tpu.memory_space<hbm>> -> memref<11264xf32, #tpu.memory_space<hbm>>
          tpu.wait_dma2 semaphore(%run_scoped3A : memref<!tpu.dma_semaphore, #tpu.memory_space<semaphore_mem>>) src(%dma_wait3A_33 : memref<11264xf32, #tpu.memory_space<hbm>>) dst(%arg14 : memref<11264xf32, #tpu.memory_space<vmem>>)
          tpu.yield
        }) : () -> ()
        "tpu.region"() ({
          %run_scoped3A = tpu.sem_alloc : memref<!tpu.dma_semaphore, #tpu.memory_space<semaphore_mem>>
          %dma_start3A = tpu.memref_slice %arg4[%add3A, %multiple_of3A] : memref<4x22528xf32, #tpu.memory_space<hbm>> -> memref<1x11264xf32, #tpu.memory_space<hbm>>
          %dma_start3A_28 = tpu.memref_squeeze %dma_start3A : memref<1x11264xf32, #tpu.memory_space<hbm>> -> memref<11264xf32, #tpu.memory_space<hbm>>
          %dma_start3A_29 = tpu.memref_slice %arg4[%add3A, %multiple_of3A] : memref<4x22528xf32, #tpu.memory_space<hbm>> -> memref<1x11264xf32, #tpu.memory_space<hbm>>
          %dma_start3A_30 = tpu.memref_squeeze %dma_start3A_29 : memref<1x11264xf32, #tpu.memory_space<hbm>> -> memref<11264xf32, #tpu.memory_space<hbm>>
          tpu.enqueue_dma source(%dma_start3A_30 : memref<11264xf32, #tpu.memory_space<hbm>>) target(%arg15 : memref<11264xf32, #tpu.memory_space<vmem>>) target_semaphore(%run_scoped3A : memref<!tpu.dma_semaphore, #tpu.memory_space<semaphore_mem>>)
          %dma_wait3A = tpu.memref_slice %arg4[%add3A, %multiple_of3A] : memref<4x22528xf32, #tpu.memory_space<hbm>> -> memref<1x11264xf32, #tpu.memory_space<hbm>>
          %dma_wait3A_31 = tpu.memref_squeeze %dma_wait3A : memref<1x11264xf32, #tpu.memory_space<hbm>> -> memref<11264xf32, #tpu.memory_space<hbm>>
          %dma_wait3A_32 = tpu.memref_slice %arg4[%add3A, %multiple_of3A] : memref<4x22528xf32, #tpu.memory_space<hbm>> -> memref<1x11264xf32, #tpu.memory_space<hbm>>
          %dma_wait3A_33 = tpu.memref_squeeze %dma_wait3A_32 : memref<1x11264xf32, #tpu.memory_space<hbm>> -> memref<11264xf32, #tpu.memory_space<hbm>>
          tpu.wait_dma2 semaphore(%run_scoped3A : memref<!tpu.dma_semaphore, #tpu.memory_space<semaphore_mem>>) src(%dma_wait3A_33 : memref<11264xf32, #tpu.memory_space<hbm>>) dst(%arg15 : memref<11264xf32, #tpu.memory_space<vmem>>)
          tpu.yield
        }) : () -> ()
        "tpu.region"() ({
          %run_scoped3A = tpu.sem_alloc : memref<!tpu.dma_semaphore, #tpu.memory_space<semaphore_mem>>
          %dma_start3A = tpu.memref_slice %arg5[%add3A, %multiple_of3A] : memref<4x22528xf32, #tpu.memory_space<hbm>> -> memref<1x11264xf32, #tpu.memory_space<hbm>>
          %dma_start3A_28 = tpu.memref_squeeze %dma_start3A : memref<1x11264xf32, #tpu.memory_space<hbm>> -> memref<11264xf32, #tpu.memory_space<hbm>>
          %dma_start3A_29 = tpu.memref_slice %arg5[%add3A, %multiple_of3A] : memref<4x22528xf32, #tpu.memory_space<hbm>> -> memref<1x11264xf32, #tpu.memory_space<hbm>>
          %dma_start3A_30 = tpu.memref_squeeze %dma_start3A_29 : memref<1x11264xf32, #tpu.memory_space<hbm>> -> memref<11264xf32, #tpu.memory_space<hbm>>
          tpu.enqueue_dma source(%dma_start3A_30 : memref<11264xf32, #tpu.memory_space<hbm>>) target(%arg16 : memref<11264xf32, #tpu.memory_space<vmem>>) target_semaphore(%run_scoped3A : memref<!tpu.dma_semaphore, #tpu.memory_space<semaphore_mem>>)
          %dma_wait3A = tpu.memref_slice %arg5[%add3A, %multiple_of3A] : memref<4x22528xf32, #tpu.memory_space<hbm>> -> memref<1x11264xf32, #tpu.memory_space<hbm>>
          %dma_wait3A_31 = tpu.memref_squeeze %dma_wait3A : memref<1x11264xf32, #tpu.memory_space<hbm>> -> memref<11264xf32, #tpu.memory_space<hbm>>
          %dma_wait3A_32 = tpu.memref_slice %arg5[%add3A, %multiple_of3A] : memref<4x22528xf32, #tpu.memory_space<hbm>> -> memref<1x11264xf32, #tpu.memory_space<hbm>>
          %dma_wait3A_33 = tpu.memref_squeeze %dma_wait3A_32 : memref<1x11264xf32, #tpu.memory_space<hbm>> -> memref<11264xf32, #tpu.memory_space<hbm>>
          tpu.wait_dma2 semaphore(%run_scoped3A : memref<!tpu.dma_semaphore, #tpu.memory_space<semaphore_mem>>) src(%dma_wait3A_33 : memref<11264xf32, #tpu.memory_space<hbm>>) dst(%arg16 : memref<11264xf32, #tpu.memory_space<vmem>>)
          tpu.yield
        }) : () -> ()
        "tpu.region"() ({
          %run_scoped3A = tpu.sem_alloc : memref<!tpu.dma_semaphore, #tpu.memory_space<semaphore_mem>>
          %dma_start3A = tpu.memref_slice %arg6[%add3A, %multiple_of3A] : memref<4x22528xf32, #tpu.memory_space<hbm>> -> memref<1x11264xf32, #tpu.memory_space<hbm>>
          %dma_start3A_28 = tpu.memref_squeeze %dma_start3A : memref<1x11264xf32, #tpu.memory_space<hbm>> -> memref<11264xf32, #tpu.memory_space<hbm>>
          %dma_start3A_29 = tpu.memref_slice %arg6[%add3A, %multiple_of3A] : memref<4x22528xf32, #tpu.memory_space<hbm>> -> memref<1x11264xf32, #tpu.memory_space<hbm>>
          %dma_start3A_30 = tpu.memref_squeeze %dma_start3A_29 : memref<1x11264xf32, #tpu.memory_space<hbm>> -> memref<11264xf32, #tpu.memory_space<hbm>>
          tpu.enqueue_dma source(%dma_start3A_30 : memref<11264xf32, #tpu.memory_space<hbm>>) target(%arg17 : memref<11264xf32, #tpu.memory_space<vmem>>) target_semaphore(%run_scoped3A : memref<!tpu.dma_semaphore, #tpu.memory_space<semaphore_mem>>)
          %dma_wait3A = tpu.memref_slice %arg6[%add3A, %multiple_of3A] : memref<4x22528xf32, #tpu.memory_space<hbm>> -> memref<1x11264xf32, #tpu.memory_space<hbm>>
          %dma_wait3A_31 = tpu.memref_squeeze %dma_wait3A : memref<1x11264xf32, #tpu.memory_space<hbm>> -> memref<11264xf32, #tpu.memory_space<hbm>>
          %dma_wait3A_32 = tpu.memref_slice %arg6[%add3A, %multiple_of3A] : memref<4x22528xf32, #tpu.memory_space<hbm>> -> memref<1x11264xf32, #tpu.memory_space<hbm>>
          %dma_wait3A_33 = tpu.memref_squeeze %dma_wait3A_32 : memref<1x11264xf32, #tpu.memory_space<hbm>> -> memref<11264xf32, #tpu.memory_space<hbm>>
          tpu.wait_dma2 semaphore(%run_scoped3A : memref<!tpu.dma_semaphore, #tpu.memory_space<semaphore_mem>>) src(%dma_wait3A_33 : memref<11264xf32, #tpu.memory_space<hbm>>) dst(%arg17 : memref<11264xf32, #tpu.memory_space<vmem>>)
          tpu.yield
        }) : () -> ()
        "tpu.region"() ({
          %run_scoped3A = tpu.sem_alloc : memref<!tpu.dma_semaphore, #tpu.memory_space<semaphore_mem>>
          %dma_start3A = tpu.memref_slice %arg7[%add3A, %multiple_of3A] : memref<4x22528xf32, #tpu.memory_space<hbm>> -> memref<1x11264xf32, #tpu.memory_space<hbm>>
          %dma_start3A_28 = tpu.memref_squeeze %dma_start3A : memref<1x11264xf32, #tpu.memory_space<hbm>> -> memref<11264xf32, #tpu.memory_space<hbm>>
          %dma_start3A_29 = tpu.memref_slice %arg7[%add3A, %multiple_of3A] : memref<4x22528xf32, #tpu.memory_space<hbm>> -> memref<1x11264xf32, #tpu.memory_space<hbm>>
          %dma_start3A_30 = tpu.memref_squeeze %dma_start3A_29 : memref<1x11264xf32, #tpu.memory_space<hbm>> -> memref<11264xf32, #tpu.memory_space<hbm>>
          tpu.enqueue_dma source(%dma_start3A_30 : memref<11264xf32, #tpu.memory_space<hbm>>) target(%arg18 : memref<11264xf32, #tpu.memory_space<vmem>>) target_semaphore(%run_scoped3A : memref<!tpu.dma_semaphore, #tpu.memory_space<semaphore_mem>>)
          %dma_wait3A = tpu.memref_slice %arg7[%add3A, %multiple_of3A] : memref<4x22528xf32, #tpu.memory_space<hbm>> -> memref<1x11264xf32, #tpu.memory_space<hbm>>
          %dma_wait3A_31 = tpu.memref_squeeze %dma_wait3A : memref<1x11264xf32, #tpu.memory_space<hbm>> -> memref<11264xf32, #tpu.memory_space<hbm>>
          %dma_wait3A_32 = tpu.memref_slice %arg7[%add3A, %multiple_of3A] : memref<4x22528xf32, #tpu.memory_space<hbm>> -> memref<1x11264xf32, #tpu.memory_space<hbm>>
          %dma_wait3A_33 = tpu.memref_squeeze %dma_wait3A_32 : memref<1x11264xf32, #tpu.memory_space<hbm>> -> memref<11264xf32, #tpu.memory_space<hbm>>
          tpu.wait_dma2 semaphore(%run_scoped3A : memref<!tpu.dma_semaphore, #tpu.memory_space<semaphore_mem>>) src(%dma_wait3A_33 : memref<11264xf32, #tpu.memory_space<hbm>>) dst(%arg18 : memref<11264xf32, #tpu.memory_space<vmem>>)
          tpu.yield
        }) : () -> ()
        %scan3A_22 = arith.constant 0 : i32
        %scan3A_23 = arith.constant 704 : i32
        %scan3A_24 = arith.addi %scan3A_22, %scan3A_23 : i32
        %scan3A_25 = arith.constant 1 : i32
        %scan3A_26 = scf.for %scan3A_28 = %scan3A_22 to %scan3A_24 step %scan3A_25 iter_args(%scan3A_29 = %scan3A_19) -> (i32)  : i32 {
          %mul3A_30 = arith.constant 16 : i32
          %mul3A_31 = arith.muli %scan3A_28, %mul3A_30 : i32
          %multiple_of3A_32 = tpu.assume_multiple %mul3A_31, 16 : i32
          %get3A = arith.index_cast %multiple_of3A_32 : i32 to index
          %get3A_33 = tpu.vector_load %arg13[%get3A] {strides = array<i32>} : memref<11264xf32, #tpu.memory_space<vmem>>, vector<16xf32>,
          %gt3A = arith.constant 5.000000e-01 : f32
          %gt3A_34 = vector.broadcast %gt3A : f32 to vector<16xf32>
          %gt3A_35 = arith.cmpf ogt, %get3A_33, %gt3A_34 : vector<16xf32>
          %convert_element_type3A_36 = arith.extui %gt3A_35 : vector<16xi1> to vector<16xi32>
          %broadcast_in_dim3A_37 = arith.constant true
          %broadcast_in_dim3A_38 = vector.broadcast %broadcast_in_dim3A_37 : i1 to vector<16xi1>
          %masked_cumsum3A = tpu.scan <sum>, %convert_element_type3A_36 masked %broadcast_in_dim3A_38 : vector<16xi32>, vector<16xi1> -> vector<16xi32>
          %add3A_39 = vector.broadcast %scan3A_29 : i32 to vector<16xi32>
          %add3A_40 = arith.addi %add3A_39, %masked_cumsum3A : vector<16xi32>
          %sub3A = arith.constant 1 : i32
          %sub3A_41 = vector.broadcast %sub3A : i32 to vector<16xi32>
          %sub3A_42 = arith.subi %add3A_40, %sub3A_41 : vector<16xi32>
          %lt3A_43 = arith.constant 8192 : i32
          %lt3A_44 = vector.broadcast %lt3A_43 : i32 to vector<16xi32>
          %lt3A_45 = arith.cmpi slt, %sub3A_42, %lt3A_44 : vector<16xi32>
          %and3A = arith.andi %gt3A_35, %lt3A_45 : vector<16xi1>
          %jit3A = arith.constant 0 : i32
          %broadcast_in_dim3A_46 = vector.broadcast %jit3A : i32 to vector<16xi32>
          %select_n3A = arith.select %and3A, %sub3A_42, %broadcast_in_dim3A_46 : vector<16xi1>, vector<16xi32>
          %get3A_47 = arith.index_cast %multiple_of3A_32 : i32 to index
          %get3A_48 = tpu.vector_load %arg14[%get3A_47] {strides = array<i32>} : memref<11264xf32, #tpu.memory_space<vmem>>, vector<16xf32>,
          tpu.vector_store_idx %arg19[%select_n3A], %get3A_48 masked %and3A : memref<8192xf32, #tpu.memory_space<vmem>>[vector<16xi32>], vector<16xf32>, vector<16xi1>
          %get3A_49 = arith.index_cast %multiple_of3A_32 : i32 to index
          %get3A_50 = tpu.vector_load %arg15[%get3A_49] {strides = array<i32>} : memref<11264xf32, #tpu.memory_space<vmem>>, vector<16xf32>,
          tpu.vector_store_idx %arg20[%select_n3A], %get3A_50 masked %and3A : memref<8192xf32, #tpu.memory_space<vmem>>[vector<16xi32>], vector<16xf32>, vector<16xi1>
          %get3A_51 = arith.index_cast %multiple_of3A_32 : i32 to index
          %get3A_52 = tpu.vector_load %arg16[%get3A_51] {strides = array<i32>} : memref<11264xf32, #tpu.memory_space<vmem>>, vector<16xf32>,
          tpu.vector_store_idx %arg21[%select_n3A], %get3A_52 masked %and3A : memref<8192xf32, #tpu.memory_space<vmem>>[vector<16xi32>], vector<16xf32>, vector<16xi1>
          %get3A_53 = arith.index_cast %multiple_of3A_32 : i32 to index
          %get3A_54 = tpu.vector_load %arg17[%get3A_53] {strides = array<i32>} : memref<11264xf32, #tpu.memory_space<vmem>>, vector<16xf32>,
          tpu.vector_store_idx %arg22[%select_n3A], %get3A_54 masked %and3A : memref<8192xf32, #tpu.memory_space<vmem>>[vector<16xi32>], vector<16xf32>, vector<16xi1>
          %get3A_55 = arith.index_cast %multiple_of3A_32 : i32 to index
          %get3A_56 = tpu.vector_load %arg18[%get3A_55] {strides = array<i32>} : memref<11264xf32, #tpu.memory_space<vmem>>, vector<16xf32>,
          tpu.vector_store_idx %arg23[%select_n3A], %get3A_56 masked %and3A : memref<8192xf32, #tpu.memory_space<vmem>>[vector<16xi32>], vector<16xf32>, vector<16xi1>
          %reduce_sum3A = arith.constant true
          %reduce_sum3A_57 = vector.broadcast %reduce_sum3A : i1 to vector<16xi1>
          %reduce_sum3A_58 = tpu.scan <sum>, %convert_element_type3A_36 masked %reduce_sum3A_57 : vector<16xi32>, vector<16xi1> -> vector<16xi32>
          %reduce_sum3A_59 = vector.extract %reduce_sum3A_58[15] : i32 from vector<16xi32>
          %add3A_60 = arith.addi %scan3A_29, %reduce_sum3A_59 : i32
          scf.yield %add3A_60 : i32
        }
        %scan3A_27 = arith.constant 704 : i32
        scf.yield %scan3A_26 : i32
      }
      %scan3A_17 = arith.constant 2 : i32
      "tpu.region"() ({
        %run_scoped3A = tpu.sem_alloc : memref<!tpu.dma_semaphore, #tpu.memory_space<semaphore_mem>>
        %dma_start3A = arith.constant 0 : i32
        %dma_start3A_18 = tpu.memref_slice %arg8[%add3A, %dma_start3A] : memref<4x8192xf32, #tpu.memory_space<hbm>> -> memref<1x8192xf32, #tpu.memory_space<hbm>>
        %dma_start3A_19 = tpu.memref_squeeze %dma_start3A_18 : memref<1x8192xf32, #tpu.memory_space<hbm>> -> memref<8192xf32, #tpu.memory_space<hbm>>
        %dma_start3A_20 = arith.constant 0 : i32
        %dma_start3A_21 = tpu.memref_slice %arg8[%add3A, %dma_start3A_20] : memref<4x8192xf32, #tpu.memory_space<hbm>> -> memref<1x8192xf32, #tpu.memory_space<hbm>>
        %dma_start3A_22 = tpu.memref_squeeze %dma_start3A_21 : memref<1x8192xf32, #tpu.memory_space<hbm>> -> memref<8192xf32, #tpu.memory_space<hbm>>
        tpu.enqueue_dma source(%arg19 : memref<8192xf32, #tpu.memory_space<vmem>>) target(%dma_start3A_22 : memref<8192xf32, #tpu.memory_space<hbm>>) target_semaphore(%run_scoped3A : memref<!tpu.dma_semaphore, #tpu.memory_space<semaphore_mem>>)
        %dma_wait3A = arith.constant 0 : i32
        %dma_wait3A_23 = tpu.memref_slice %arg8[%add3A, %dma_wait3A] : memref<4x8192xf32, #tpu.memory_space<hbm>> -> memref<1x8192xf32, #tpu.memory_space<hbm>>
        %dma_wait3A_24 = tpu.memref_squeeze %dma_wait3A_23 : memref<1x8192xf32, #tpu.memory_space<hbm>> -> memref<8192xf32, #tpu.memory_space<hbm>>
        %dma_wait3A_25 = arith.constant 0 : i32
        %dma_wait3A_26 = tpu.memref_slice %arg8[%add3A, %dma_wait3A_25] : memref<4x8192xf32, #tpu.memory_space<hbm>> -> memref<1x8192xf32, #tpu.memory_space<hbm>>
        %dma_wait3A_27 = tpu.memref_squeeze %dma_wait3A_26 : memref<1x8192xf32, #tpu.memory_space<hbm>> -> memref<8192xf32, #tpu.memory_space<hbm>>
        tpu.wait_dma2 semaphore(%run_scoped3A : memref<!tpu.dma_semaphore, #tpu.memory_space<semaphore_mem>>) src(%arg19 : memref<8192xf32, #tpu.memory_space<vmem>>) dst(%dma_wait3A_27 : memref<8192xf32, #tpu.memory_space<hbm>>)
        tpu.yield
      }) : () -> ()
      "tpu.region"() ({
        %run_scoped3A = tpu.sem_alloc : memref<!tpu.dma_semaphore, #tpu.memory_space<semaphore_mem>>
        %dma_start3A = arith.constant 0 : i32
        %dma_start3A_18 = tpu.memref_slice %arg9[%add3A, %dma_start3A] : memref<4x8192xf32, #tpu.memory_space<hbm>> -> memref<1x8192xf32, #tpu.memory_space<hbm>>
        %dma_start3A_19 = tpu.memref_squeeze %dma_start3A_18 : memref<1x8192xf32, #tpu.memory_space<hbm>> -> memref<8192xf32, #tpu.memory_space<hbm>>
        %dma_start3A_20 = arith.constant 0 : i32
        %dma_start3A_21 = tpu.memref_slice %arg9[%add3A, %dma_start3A_20] : memref<4x8192xf32, #tpu.memory_space<hbm>> -> memref<1x8192xf32, #tpu.memory_space<hbm>>
        %dma_start3A_22 = tpu.memref_squeeze %dma_start3A_21 : memref<1x8192xf32, #tpu.memory_space<hbm>> -> memref<8192xf32, #tpu.memory_space<hbm>>
        tpu.enqueue_dma source(%arg20 : memref<8192xf32, #tpu.memory_space<vmem>>) target(%dma_start3A_22 : memref<8192xf32, #tpu.memory_space<hbm>>) target_semaphore(%run_scoped3A : memref<!tpu.dma_semaphore, #tpu.memory_space<semaphore_mem>>)
        %dma_wait3A = arith.constant 0 : i32
        %dma_wait3A_23 = tpu.memref_slice %arg9[%add3A, %dma_wait3A] : memref<4x8192xf32, #tpu.memory_space<hbm>> -> memref<1x8192xf32, #tpu.memory_space<hbm>>
        %dma_wait3A_24 = tpu.memref_squeeze %dma_wait3A_23 : memref<1x8192xf32, #tpu.memory_space<hbm>> -> memref<8192xf32, #tpu.memory_space<hbm>>
        %dma_wait3A_25 = arith.constant 0 : i32
        %dma_wait3A_26 = tpu.memref_slice %arg9[%add3A, %dma_wait3A_25] : memref<4x8192xf32, #tpu.memory_space<hbm>> -> memref<1x8192xf32, #tpu.memory_space<hbm>>
        %dma_wait3A_27 = tpu.memref_squeeze %dma_wait3A_26 : memref<1x8192xf32, #tpu.memory_space<hbm>> -> memref<8192xf32, #tpu.memory_space<hbm>>
        tpu.wait_dma2 semaphore(%run_scoped3A : memref<!tpu.dma_semaphore, #tpu.memory_space<semaphore_mem>>) src(%arg20 : memref<8192xf32, #tpu.memory_space<vmem>>) dst(%dma_wait3A_27 : memref<8192xf32, #tpu.memory_space<hbm>>)
        tpu.yield
      }) : () -> ()
      "tpu.region"() ({
        %run_scoped3A = tpu.sem_alloc : memref<!tpu.dma_semaphore, #tpu.memory_space<semaphore_mem>>
        %dma_start3A = arith.constant 0 : i32
        %dma_start3A_18 = tpu.memref_slice %arg10[%add3A, %dma_start3A] : memref<4x8192xf32, #tpu.memory_space<hbm>> -> memref<1x8192xf32, #tpu.memory_space<hbm>>
        %dma_start3A_19 = tpu.memref_squeeze %dma_start3A_18 : memref<1x8192xf32, #tpu.memory_space<hbm>> -> memref<8192xf32, #tpu.memory_space<hbm>>
        %dma_start3A_20 = arith.constant 0 : i32
        %dma_start3A_21 = tpu.memref_slice %arg10[%add3A, %dma_start3A_20] : memref<4x8192xf32, #tpu.memory_space<hbm>> -> memref<1x8192xf32, #tpu.memory_space<hbm>>
        %dma_start3A_22 = tpu.memref_squeeze %dma_start3A_21 : memref<1x8192xf32, #tpu.memory_space<hbm>> -> memref<8192xf32, #tpu.memory_space<hbm>>
        tpu.enqueue_dma source(%arg21 : memref<8192xf32, #tpu.memory_space<vmem>>) target(%dma_start3A_22 : memref<8192xf32, #tpu.memory_space<hbm>>) target_semaphore(%run_scoped3A : memref<!tpu.dma_semaphore, #tpu.memory_space<semaphore_mem>>)
        %dma_wait3A = arith.constant 0 : i32
        %dma_wait3A_23 = tpu.memref_slice %arg10[%add3A, %dma_wait3A] : memref<4x8192xf32, #tpu.memory_space<hbm>> -> memref<1x8192xf32, #tpu.memory_space<hbm>>
        %dma_wait3A_24 = tpu.memref_squeeze %dma_wait3A_23 : memref<1x8192xf32, #tpu.memory_space<hbm>> -> memref<8192xf32, #tpu.memory_space<hbm>>
        %dma_wait3A_25 = arith.constant 0 : i32
        %dma_wait3A_26 = tpu.memref_slice %arg10[%add3A, %dma_wait3A_25] : memref<4x8192xf32, #tpu.memory_space<hbm>> -> memref<1x8192xf32, #tpu.memory_space<hbm>>
        %dma_wait3A_27 = tpu.memref_squeeze %dma_wait3A_26 : memref<1x8192xf32, #tpu.memory_space<hbm>> -> memref<8192xf32, #tpu.memory_space<hbm>>
        tpu.wait_dma2 semaphore(%run_scoped3A : memref<!tpu.dma_semaphore, #tpu.memory_space<semaphore_mem>>) src(%arg21 : memref<8192xf32, #tpu.memory_space<vmem>>) dst(%dma_wait3A_27 : memref<8192xf32, #tpu.memory_space<hbm>>)
        tpu.yield
      }) : () -> ()
      "tpu.region"() ({
        %run_scoped3A = tpu.sem_alloc : memref<!tpu.dma_semaphore, #tpu.memory_space<semaphore_mem>>
        %dma_start3A = arith.constant 0 : i32
        %dma_start3A_18 = tpu.memref_slice %arg11[%add3A, %dma_start3A] : memref<4x8192xf32, #tpu.memory_space<hbm>> -> memref<1x8192xf32, #tpu.memory_space<hbm>>
        %dma_start3A_19 = tpu.memref_squeeze %dma_start3A_18 : memref<1x8192xf32, #tpu.memory_space<hbm>> -> memref<8192xf32, #tpu.memory_space<hbm>>
        %dma_start3A_20 = arith.constant 0 : i32
        %dma_start3A_21 = tpu.memref_slice %arg11[%add3A, %dma_start3A_20] : memref<4x8192xf32, #tpu.memory_space<hbm>> -> memref<1x8192xf32, #tpu.memory_space<hbm>>
        %dma_start3A_22 = tpu.memref_squeeze %dma_start3A_21 : memref<1x8192xf32, #tpu.memory_space<hbm>> -> memref<8192xf32, #tpu.memory_space<hbm>>
        tpu.enqueue_dma source(%arg22 : memref<8192xf32, #tpu.memory_space<vmem>>) target(%dma_start3A_22 : memref<8192xf32, #tpu.memory_space<hbm>>) target_semaphore(%run_scoped3A : memref<!tpu.dma_semaphore, #tpu.memory_space<semaphore_mem>>)
        %dma_wait3A = arith.constant 0 : i32
        %dma_wait3A_23 = tpu.memref_slice %arg11[%add3A, %dma_wait3A] : memref<4x8192xf32, #tpu.memory_space<hbm>> -> memref<1x8192xf32, #tpu.memory_space<hbm>>
        %dma_wait3A_24 = tpu.memref_squeeze %dma_wait3A_23 : memref<1x8192xf32, #tpu.memory_space<hbm>> -> memref<8192xf32, #tpu.memory_space<hbm>>
        %dma_wait3A_25 = arith.constant 0 : i32
        %dma_wait3A_26 = tpu.memref_slice %arg11[%add3A, %dma_wait3A_25] : memref<4x8192xf32, #tpu.memory_space<hbm>> -> memref<1x8192xf32, #tpu.memory_space<hbm>>
        %dma_wait3A_27 = tpu.memref_squeeze %dma_wait3A_26 : memref<1x8192xf32, #tpu.memory_space<hbm>> -> memref<8192xf32, #tpu.memory_space<hbm>>
        tpu.wait_dma2 semaphore(%run_scoped3A : memref<!tpu.dma_semaphore, #tpu.memory_space<semaphore_mem>>) src(%arg22 : memref<8192xf32, #tpu.memory_space<vmem>>) dst(%dma_wait3A_27 : memref<8192xf32, #tpu.memory_space<hbm>>)
        tpu.yield
      }) : () -> ()
      "tpu.region"() ({
        %run_scoped3A = tpu.sem_alloc : memref<!tpu.dma_semaphore, #tpu.memory_space<semaphore_mem>>
        %dma_start3A = arith.constant 0 : i32
        %dma_start3A_18 = tpu.memref_slice %arg12[%add3A, %dma_start3A] : memref<4x8192xf32, #tpu.memory_space<hbm>> -> memref<1x8192xf32, #tpu.memory_space<hbm>>
        %dma_start3A_19 = tpu.memref_squeeze %dma_start3A_18 : memref<1x8192xf32, #tpu.memory_space<hbm>> -> memref<8192xf32, #tpu.memory_space<hbm>>
        %dma_start3A_20 = arith.constant 0 : i32
        %dma_start3A_21 = tpu.memref_slice %arg12[%add3A, %dma_start3A_20] : memref<4x8192xf32, #tpu.memory_space<hbm>> -> memref<1x8192xf32, #tpu.memory_space<hbm>>
        %dma_start3A_22 = tpu.memref_squeeze %dma_start3A_21 : memref<1x8192xf32, #tpu.memory_space<hbm>> -> memref<8192xf32, #tpu.memory_space<hbm>>
        tpu.enqueue_dma source(%arg23 : memref<8192xf32, #tpu.memory_space<vmem>>) target(%dma_start3A_22 : memref<8192xf32, #tpu.memory_space<hbm>>) target_semaphore(%run_scoped3A : memref<!tpu.dma_semaphore, #tpu.memory_space<semaphore_mem>>)
        %dma_wait3A = arith.constant 0 : i32
        %dma_wait3A_23 = tpu.memref_slice %arg12[%add3A, %dma_wait3A] : memref<4x8192xf32, #tpu.memory_space<hbm>> -> memref<1x8192xf32, #tpu.memory_space<hbm>>
        %dma_wait3A_24 = tpu.memref_squeeze %dma_wait3A_23 : memref<1x8192xf32, #tpu.memory_space<hbm>> -> memref<8192xf32, #tpu.memory_space<hbm>>
        %dma_wait3A_25 = arith.constant 0 : i32
        %dma_wait3A_26 = tpu.memref_slice %arg12[%add3A, %dma_wait3A_25] : memref<4x8192xf32, #tpu.memory_space<hbm>> -> memref<1x8192xf32, #tpu.memory_space<hbm>>
        %dma_wait3A_27 = tpu.memref_squeeze %dma_wait3A_26 : memref<1x8192xf32, #tpu.memory_space<hbm>> -> memref<8192xf32, #tpu.memory_space<hbm>>
        tpu.wait_dma2 semaphore(%run_scoped3A : memref<!tpu.dma_semaphore, #tpu.memory_space<semaphore_mem>>) src(%arg23 : memref<8192xf32, #tpu.memory_space<vmem>>) dst(%dma_wait3A_27 : memref<8192xf32, #tpu.memory_space<hbm>>)
        tpu.yield
      }) : () -> ()
    } else {
    }
    return
  }
}

#map = affine_map<(d0, d1) -> (0, 0)>
module attributes {stable_mosaic.version = 14 : i64} {
  func.func @_k3_body(%arg0: i32, %arg1: i32, %arg2: memref<4x8192xi32, #tpu.memory_space<hbm>>, %arg3: memref<4x8192xf32, #tpu.memory_space<hbm>>, %arg4: memref<4x8192xf32, #tpu.memory_space<hbm>>, %arg5: memref<4x8192xf32, #tpu.memory_space<hbm>>, %arg6: memref<4x8192xf32, #tpu.memory_space<hbm>>, %arg7: memref<4x8192xf32, #tpu.memory_space<hbm>>, %arg8: memref<4x6144xf32, #tpu.memory_space<hbm>>, %arg9: memref<4x6144xf32, #tpu.memory_space<hbm>>, %arg10: memref<4x6144xf32, #tpu.memory_space<hbm>>, %arg11: memref<4x6144xf32, #tpu.memory_space<hbm>>, %arg12: memref<4x6144xf32, #tpu.memory_space<hbm>>, %arg13: memref<8192xi32, #tpu.memory_space<vmem>>, %arg14: memref<8192xf32, #tpu.memory_space<vmem>>, %arg15: memref<8192xf32, #tpu.memory_space<vmem>>, %arg16: memref<8192xf32, #tpu.memory_space<vmem>>, %arg17: memref<8192xf32, #tpu.memory_space<vmem>>, %arg18: memref<8192xf32, #tpu.memory_space<vmem>>, %arg19: memref<6144xf32, #tpu.memory_space<vmem>>, %arg20: memref<6144xf32, #tpu.memory_space<vmem>>, %arg21: memref<6144xf32, #tpu.memory_space<vmem>>, %arg22: memref<6144xf32, #tpu.memory_space<vmem>>, %arg23: memref<6144xf32, #tpu.memory_space<vmem>>) attributes {dimension_semantics = [#tpu.dimension_semantics<core_parallel>, #tpu.dimension_semantics<subcore_parallel>], iteration_bounds = array<i64: 2, 16>, scalar_prefetch = 0 : i64, scratch_operands = 11 : i64, tpu.core_type = #tpu.core_type<sc_vector_subcore>, window_params = [{transform_indices = #map}, {transform_indices = #map}, {transform_indices = #map}, {transform_indices = #map}, {transform_indices = #map}, {transform_indices = #map}, {transform_indices = #map}, {transform_indices = #map}, {transform_indices = #map}, {transform_indices = #map}, {transform_indices = #map}]} {
    %mul3A = arith.constant 16 : i32
    %mul3A_0 = arith.muli %arg0, %mul3A : i32
    %add3A = arith.addi %mul3A_0, %arg1 : i32
    %lt3A = arith.constant 4 : i32
    %lt3A_1 = arith.cmpi slt, %add3A, %lt3A : i32
    %convert_element_type3A = arith.extui %lt3A_1 : i1 to i32
    %cond3A = arith.constant 0 : i32
    %cond3A_2 = arith.cmpi ne, %convert_element_type3A, %cond3A : i32
    scf.if %cond3A_2 {
      "tpu.region"() ({
        %run_scoped3A = tpu.sem_alloc : memref<!tpu.dma_semaphore, #tpu.memory_space<semaphore_mem>>
        %dma_start3A = arith.constant 0 : i32
        %dma_start3A_8 = tpu.memref_slice %arg2[%add3A, %dma_start3A] : memref<4x8192xi32, #tpu.memory_space<hbm>> -> memref<1x8192xi32, #tpu.memory_space<hbm>>
        %dma_start3A_9 = tpu.memref_squeeze %dma_start3A_8 : memref<1x8192xi32, #tpu.memory_space<hbm>> -> memref<8192xi32, #tpu.memory_space<hbm>>
        %dma_start3A_10 = arith.constant 0 : i32
        %dma_start3A_11 = tpu.memref_slice %arg2[%add3A, %dma_start3A_10] : memref<4x8192xi32, #tpu.memory_space<hbm>> -> memref<1x8192xi32, #tpu.memory_space<hbm>>
        %dma_start3A_12 = tpu.memref_squeeze %dma_start3A_11 : memref<1x8192xi32, #tpu.memory_space<hbm>> -> memref<8192xi32, #tpu.memory_space<hbm>>
        tpu.enqueue_dma source(%dma_start3A_12 : memref<8192xi32, #tpu.memory_space<hbm>>) target(%arg13 : memref<8192xi32, #tpu.memory_space<vmem>>) target_semaphore(%run_scoped3A : memref<!tpu.dma_semaphore, #tpu.memory_space<semaphore_mem>>)
        %dma_wait3A = arith.constant 0 : i32
        %dma_wait3A_13 = tpu.memref_slice %arg2[%add3A, %dma_wait3A] : memref<4x8192xi32, #tpu.memory_space<hbm>> -> memref<1x8192xi32, #tpu.memory_space<hbm>>
        %dma_wait3A_14 = tpu.memref_squeeze %dma_wait3A_13 : memref<1x8192xi32, #tpu.memory_space<hbm>> -> memref<8192xi32, #tpu.memory_space<hbm>>
        %dma_wait3A_15 = arith.constant 0 : i32
        %dma_wait3A_16 = tpu.memref_slice %arg2[%add3A, %dma_wait3A_15] : memref<4x8192xi32, #tpu.memory_space<hbm>> -> memref<1x8192xi32, #tpu.memory_space<hbm>>
        %dma_wait3A_17 = tpu.memref_squeeze %dma_wait3A_16 : memref<1x8192xi32, #tpu.memory_space<hbm>> -> memref<8192xi32, #tpu.memory_space<hbm>>
        tpu.wait_dma2 semaphore(%run_scoped3A : memref<!tpu.dma_semaphore, #tpu.memory_space<semaphore_mem>>) src(%dma_wait3A_17 : memref<8192xi32, #tpu.memory_space<hbm>>) dst(%arg13 : memref<8192xi32, #tpu.memory_space<vmem>>)
        tpu.yield
      }) : () -> ()
      "tpu.region"() ({
        %run_scoped3A = tpu.sem_alloc : memref<!tpu.dma_semaphore, #tpu.memory_space<semaphore_mem>>
        %dma_start3A = arith.constant 0 : i32
        %dma_start3A_8 = tpu.memref_slice %arg3[%add3A, %dma_start3A] : memref<4x8192xf32, #tpu.memory_space<hbm>> -> memref<1x8192xf32, #tpu.memory_space<hbm>>
        %dma_start3A_9 = tpu.memref_squeeze %dma_start3A_8 : memref<1x8192xf32, #tpu.memory_space<hbm>> -> memref<8192xf32, #tpu.memory_space<hbm>>
        %dma_start3A_10 = arith.constant 0 : i32
        %dma_start3A_11 = tpu.memref_slice %arg3[%add3A, %dma_start3A_10] : memref<4x8192xf32, #tpu.memory_space<hbm>> -> memref<1x8192xf32, #tpu.memory_space<hbm>>
        %dma_start3A_12 = tpu.memref_squeeze %dma_start3A_11 : memref<1x8192xf32, #tpu.memory_space<hbm>> -> memref<8192xf32, #tpu.memory_space<hbm>>
        tpu.enqueue_dma source(%dma_start3A_12 : memref<8192xf32, #tpu.memory_space<hbm>>) target(%arg14 : memref<8192xf32, #tpu.memory_space<vmem>>) target_semaphore(%run_scoped3A : memref<!tpu.dma_semaphore, #tpu.memory_space<semaphore_mem>>)
        %dma_wait3A = arith.constant 0 : i32
        %dma_wait3A_13 = tpu.memref_slice %arg3[%add3A, %dma_wait3A] : memref<4x8192xf32, #tpu.memory_space<hbm>> -> memref<1x8192xf32, #tpu.memory_space<hbm>>
        %dma_wait3A_14 = tpu.memref_squeeze %dma_wait3A_13 : memref<1x8192xf32, #tpu.memory_space<hbm>> -> memref<8192xf32, #tpu.memory_space<hbm>>
        %dma_wait3A_15 = arith.constant 0 : i32
        %dma_wait3A_16 = tpu.memref_slice %arg3[%add3A, %dma_wait3A_15] : memref<4x8192xf32, #tpu.memory_space<hbm>> -> memref<1x8192xf32, #tpu.memory_space<hbm>>
        %dma_wait3A_17 = tpu.memref_squeeze %dma_wait3A_16 : memref<1x8192xf32, #tpu.memory_space<hbm>> -> memref<8192xf32, #tpu.memory_space<hbm>>
        tpu.wait_dma2 semaphore(%run_scoped3A : memref<!tpu.dma_semaphore, #tpu.memory_space<semaphore_mem>>) src(%dma_wait3A_17 : memref<8192xf32, #tpu.memory_space<hbm>>) dst(%arg14 : memref<8192xf32, #tpu.memory_space<vmem>>)
        tpu.yield
      }) : () -> ()
      "tpu.region"() ({
        %run_scoped3A = tpu.sem_alloc : memref<!tpu.dma_semaphore, #tpu.memory_space<semaphore_mem>>
        %dma_start3A = arith.constant 0 : i32
        %dma_start3A_8 = tpu.memref_slice %arg4[%add3A, %dma_start3A] : memref<4x8192xf32, #tpu.memory_space<hbm>> -> memref<1x8192xf32, #tpu.memory_space<hbm>>
        %dma_start3A_9 = tpu.memref_squeeze %dma_start3A_8 : memref<1x8192xf32, #tpu.memory_space<hbm>> -> memref<8192xf32, #tpu.memory_space<hbm>>
        %dma_start3A_10 = arith.constant 0 : i32
        %dma_start3A_11 = tpu.memref_slice %arg4[%add3A, %dma_start3A_10] : memref<4x8192xf32, #tpu.memory_space<hbm>> -> memref<1x8192xf32, #tpu.memory_space<hbm>>
        %dma_start3A_12 = tpu.memref_squeeze %dma_start3A_11 : memref<1x8192xf32, #tpu.memory_space<hbm>> -> memref<8192xf32, #tpu.memory_space<hbm>>
        tpu.enqueue_dma source(%dma_start3A_12 : memref<8192xf32, #tpu.memory_space<hbm>>) target(%arg15 : memref<8192xf32, #tpu.memory_space<vmem>>) target_semaphore(%run_scoped3A : memref<!tpu.dma_semaphore, #tpu.memory_space<semaphore_mem>>)
        %dma_wait3A = arith.constant 0 : i32
        %dma_wait3A_13 = tpu.memref_slice %arg4[%add3A, %dma_wait3A] : memref<4x8192xf32, #tpu.memory_space<hbm>> -> memref<1x8192xf32, #tpu.memory_space<hbm>>
        %dma_wait3A_14 = tpu.memref_squeeze %dma_wait3A_13 : memref<1x8192xf32, #tpu.memory_space<hbm>> -> memref<8192xf32, #tpu.memory_space<hbm>>
        %dma_wait3A_15 = arith.constant 0 : i32
        %dma_wait3A_16 = tpu.memref_slice %arg4[%add3A, %dma_wait3A_15] : memref<4x8192xf32, #tpu.memory_space<hbm>> -> memref<1x8192xf32, #tpu.memory_space<hbm>>
        %dma_wait3A_17 = tpu.memref_squeeze %dma_wait3A_16 : memref<1x8192xf32, #tpu.memory_space<hbm>> -> memref<8192xf32, #tpu.memory_space<hbm>>
        tpu.wait_dma2 semaphore(%run_scoped3A : memref<!tpu.dma_semaphore, #tpu.memory_space<semaphore_mem>>) src(%dma_wait3A_17 : memref<8192xf32, #tpu.memory_space<hbm>>) dst(%arg15 : memref<8192xf32, #tpu.memory_space<vmem>>)
        tpu.yield
      }) : () -> ()
      "tpu.region"() ({
        %run_scoped3A = tpu.sem_alloc : memref<!tpu.dma_semaphore, #tpu.memory_space<semaphore_mem>>
        %dma_start3A = arith.constant 0 : i32
        %dma_start3A_8 = tpu.memref_slice %arg5[%add3A, %dma_start3A] : memref<4x8192xf32, #tpu.memory_space<hbm>> -> memref<1x8192xf32, #tpu.memory_space<hbm>>
        %dma_start3A_9 = tpu.memref_squeeze %dma_start3A_8 : memref<1x8192xf32, #tpu.memory_space<hbm>> -> memref<8192xf32, #tpu.memory_space<hbm>>
        %dma_start3A_10 = arith.constant 0 : i32
        %dma_start3A_11 = tpu.memref_slice %arg5[%add3A, %dma_start3A_10] : memref<4x8192xf32, #tpu.memory_space<hbm>> -> memref<1x8192xf32, #tpu.memory_space<hbm>>
        %dma_start3A_12 = tpu.memref_squeeze %dma_start3A_11 : memref<1x8192xf32, #tpu.memory_space<hbm>> -> memref<8192xf32, #tpu.memory_space<hbm>>
        tpu.enqueue_dma source(%dma_start3A_12 : memref<8192xf32, #tpu.memory_space<hbm>>) target(%arg16 : memref<8192xf32, #tpu.memory_space<vmem>>) target_semaphore(%run_scoped3A : memref<!tpu.dma_semaphore, #tpu.memory_space<semaphore_mem>>)
        %dma_wait3A = arith.constant 0 : i32
        %dma_wait3A_13 = tpu.memref_slice %arg5[%add3A, %dma_wait3A] : memref<4x8192xf32, #tpu.memory_space<hbm>> -> memref<1x8192xf32, #tpu.memory_space<hbm>>
        %dma_wait3A_14 = tpu.memref_squeeze %dma_wait3A_13 : memref<1x8192xf32, #tpu.memory_space<hbm>> -> memref<8192xf32, #tpu.memory_space<hbm>>
        %dma_wait3A_15 = arith.constant 0 : i32
        %dma_wait3A_16 = tpu.memref_slice %arg5[%add3A, %dma_wait3A_15] : memref<4x8192xf32, #tpu.memory_space<hbm>> -> memref<1x8192xf32, #tpu.memory_space<hbm>>
        %dma_wait3A_17 = tpu.memref_squeeze %dma_wait3A_16 : memref<1x8192xf32, #tpu.memory_space<hbm>> -> memref<8192xf32, #tpu.memory_space<hbm>>
        tpu.wait_dma2 semaphore(%run_scoped3A : memref<!tpu.dma_semaphore, #tpu.memory_space<semaphore_mem>>) src(%dma_wait3A_17 : memref<8192xf32, #tpu.memory_space<hbm>>) dst(%arg16 : memref<8192xf32, #tpu.memory_space<vmem>>)
        tpu.yield
      }) : () -> ()
      "tpu.region"() ({
        %run_scoped3A = tpu.sem_alloc : memref<!tpu.dma_semaphore, #tpu.memory_space<semaphore_mem>>
        %dma_start3A = arith.constant 0 : i32
        %dma_start3A_8 = tpu.memref_slice %arg6[%add3A, %dma_start3A] : memref<4x8192xf32, #tpu.memory_space<hbm>> -> memref<1x8192xf32, #tpu.memory_space<hbm>>
        %dma_start3A_9 = tpu.memref_squeeze %dma_start3A_8 : memref<1x8192xf32, #tpu.memory_space<hbm>> -> memref<8192xf32, #tpu.memory_space<hbm>>
        %dma_start3A_10 = arith.constant 0 : i32
        %dma_start3A_11 = tpu.memref_slice %arg6[%add3A, %dma_start3A_10] : memref<4x8192xf32, #tpu.memory_space<hbm>> -> memref<1x8192xf32, #tpu.memory_space<hbm>>
        %dma_start3A_12 = tpu.memref_squeeze %dma_start3A_11 : memref<1x8192xf32, #tpu.memory_space<hbm>> -> memref<8192xf32, #tpu.memory_space<hbm>>
        tpu.enqueue_dma source(%dma_start3A_12 : memref<8192xf32, #tpu.memory_space<hbm>>) target(%arg17 : memref<8192xf32, #tpu.memory_space<vmem>>) target_semaphore(%run_scoped3A : memref<!tpu.dma_semaphore, #tpu.memory_space<semaphore_mem>>)
        %dma_wait3A = arith.constant 0 : i32
        %dma_wait3A_13 = tpu.memref_slice %arg6[%add3A, %dma_wait3A] : memref<4x8192xf32, #tpu.memory_space<hbm>> -> memref<1x8192xf32, #tpu.memory_space<hbm>>
        %dma_wait3A_14 = tpu.memref_squeeze %dma_wait3A_13 : memref<1x8192xf32, #tpu.memory_space<hbm>> -> memref<8192xf32, #tpu.memory_space<hbm>>
        %dma_wait3A_15 = arith.constant 0 : i32
        %dma_wait3A_16 = tpu.memref_slice %arg6[%add3A, %dma_wait3A_15] : memref<4x8192xf32, #tpu.memory_space<hbm>> -> memref<1x8192xf32, #tpu.memory_space<hbm>>
        %dma_wait3A_17 = tpu.memref_squeeze %dma_wait3A_16 : memref<1x8192xf32, #tpu.memory_space<hbm>> -> memref<8192xf32, #tpu.memory_space<hbm>>
        tpu.wait_dma2 semaphore(%run_scoped3A : memref<!tpu.dma_semaphore, #tpu.memory_space<semaphore_mem>>) src(%dma_wait3A_17 : memref<8192xf32, #tpu.memory_space<hbm>>) dst(%arg17 : memref<8192xf32, #tpu.memory_space<vmem>>)
        tpu.yield
      }) : () -> ()
      "tpu.region"() ({
        %run_scoped3A = tpu.sem_alloc : memref<!tpu.dma_semaphore, #tpu.memory_space<semaphore_mem>>
        %dma_start3A = arith.constant 0 : i32
        %dma_start3A_8 = tpu.memref_slice %arg7[%add3A, %dma_start3A] : memref<4x8192xf32, #tpu.memory_space<hbm>> -> memref<1x8192xf32, #tpu.memory_space<hbm>>
        %dma_start3A_9 = tpu.memref_squeeze %dma_start3A_8 : memref<1x8192xf32, #tpu.memory_space<hbm>> -> memref<8192xf32, #tpu.memory_space<hbm>>
        %dma_start3A_10 = arith.constant 0 : i32
        %dma_start3A_11 = tpu.memref_slice %arg7[%add3A, %dma_start3A_10] : memref<4x8192xf32, #tpu.memory_space<hbm>> -> memref<1x8192xf32, #tpu.memory_space<hbm>>
        %dma_start3A_12 = tpu.memref_squeeze %dma_start3A_11 : memref<1x8192xf32, #tpu.memory_space<hbm>> -> memref<8192xf32, #tpu.memory_space<hbm>>
        tpu.enqueue_dma source(%dma_start3A_12 : memref<8192xf32, #tpu.memory_space<hbm>>) target(%arg18 : memref<8192xf32, #tpu.memory_space<vmem>>) target_semaphore(%run_scoped3A : memref<!tpu.dma_semaphore, #tpu.memory_space<semaphore_mem>>)
        %dma_wait3A = arith.constant 0 : i32
        %dma_wait3A_13 = tpu.memref_slice %arg7[%add3A, %dma_wait3A] : memref<4x8192xf32, #tpu.memory_space<hbm>> -> memref<1x8192xf32, #tpu.memory_space<hbm>>
        %dma_wait3A_14 = tpu.memref_squeeze %dma_wait3A_13 : memref<1x8192xf32, #tpu.memory_space<hbm>> -> memref<8192xf32, #tpu.memory_space<hbm>>
        %dma_wait3A_15 = arith.constant 0 : i32
        %dma_wait3A_16 = tpu.memref_slice %arg7[%add3A, %dma_wait3A_15] : memref<4x8192xf32, #tpu.memory_space<hbm>> -> memref<1x8192xf32, #tpu.memory_space<hbm>>
        %dma_wait3A_17 = tpu.memref_squeeze %dma_wait3A_16 : memref<1x8192xf32, #tpu.memory_space<hbm>> -> memref<8192xf32, #tpu.memory_space<hbm>>
        tpu.wait_dma2 semaphore(%run_scoped3A : memref<!tpu.dma_semaphore, #tpu.memory_space<semaphore_mem>>) src(%dma_wait3A_17 : memref<8192xf32, #tpu.memory_space<hbm>>) dst(%arg18 : memref<8192xf32, #tpu.memory_space<vmem>>)
        tpu.yield
      }) : () -> ()
      %scan3A = arith.constant 0 : i32
      %scan3A_3 = arith.constant 0 : i32
      %scan3A_4 = arith.constant 512 : i32
      %scan3A_5 = arith.addi %scan3A_3, %scan3A_4 : i32
      %scan3A_6 = arith.constant 1 : i32
      scf.for %scan3A_8 = %scan3A_3 to %scan3A_5 step %scan3A_6  : i32 {
        %mul3A_9 = arith.constant 16 : i32
        %mul3A_10 = arith.muli %scan3A_8, %mul3A_9 : i32
        %multiple_of3A = tpu.assume_multiple %mul3A_10, 16 : i32
        %get3A = arith.index_cast %multiple_of3A : i32 to index
        %get3A_11 = tpu.vector_load %arg13[%get3A] {strides = array<i32>} : memref<8192xi32, #tpu.memory_space<vmem>>, vector<16xi32>,
        %lt3A_12 = arith.constant 6144 : i32
        %lt3A_13 = vector.broadcast %lt3A_12 : i32 to vector<16xi32>
        %lt3A_14 = arith.cmpi slt, %get3A_11, %lt3A_13 : vector<16xi32>
        %jit3A = arith.constant 0 : i32
        %broadcast_in_dim3A = vector.broadcast %jit3A : i32 to vector<16xi32>
        %select_n3A = arith.select %lt3A_14, %get3A_11, %broadcast_in_dim3A : vector<16xi1>, vector<16xi32>
        %get3A_15 = arith.index_cast %multiple_of3A : i32 to index
        %get3A_16 = tpu.vector_load %arg14[%get3A_15] {strides = array<i32>} : memref<8192xf32, #tpu.memory_space<vmem>>, vector<16xf32>,
        tpu.vector_store_idx %arg19[%select_n3A], %get3A_16 masked %lt3A_14 : memref<6144xf32, #tpu.memory_space<vmem>>[vector<16xi32>], vector<16xf32>, vector<16xi1>
        %get3A_17 = arith.index_cast %multiple_of3A : i32 to index
        %get3A_18 = tpu.vector_load %arg15[%get3A_17] {strides = array<i32>} : memref<8192xf32, #tpu.memory_space<vmem>>, vector<16xf32>,
        tpu.vector_store_idx %arg20[%select_n3A], %get3A_18 masked %lt3A_14 : memref<6144xf32, #tpu.memory_space<vmem>>[vector<16xi32>], vector<16xf32>, vector<16xi1>
        %get3A_19 = arith.index_cast %multiple_of3A : i32 to index
        %get3A_20 = tpu.vector_load %arg16[%get3A_19] {strides = array<i32>} : memref<8192xf32, #tpu.memory_space<vmem>>, vector<16xf32>,
        tpu.vector_store_idx %arg21[%select_n3A], %get3A_20 masked %lt3A_14 : memref<6144xf32, #tpu.memory_space<vmem>>[vector<16xi32>], vector<16xf32>, vector<16xi1>
        %get3A_21 = arith.index_cast %multiple_of3A : i32 to index
        %get3A_22 = tpu.vector_load %arg17[%get3A_21] {strides = array<i32>} : memref<8192xf32, #tpu.memory_space<vmem>>, vector<16xf32>,
        tpu.vector_store_idx %arg22[%select_n3A], %get3A_22 masked %lt3A_14 : memref<6144xf32, #tpu.memory_space<vmem>>[vector<16xi32>], vector<16xf32>, vector<16xi1>
        %get3A_23 = arith.index_cast %multiple_of3A : i32 to index
        %get3A_24 = tpu.vector_load %arg18[%get3A_23] {strides = array<i32>} : memref<8192xf32, #tpu.memory_space<vmem>>, vector<16xf32>,
        tpu.vector_store_idx %arg23[%select_n3A], %get3A_24 masked %lt3A_14 : memref<6144xf32, #tpu.memory_space<vmem>>[vector<16xi32>], vector<16xf32>, vector<16xi1>
      }
      %scan3A_7 = arith.constant 512 : i32
      "tpu.region"() ({
        %run_scoped3A = tpu.sem_alloc : memref<!tpu.dma_semaphore, #tpu.memory_space<semaphore_mem>>
        %dma_start3A = arith.constant 0 : i32
        %dma_start3A_8 = tpu.memref_slice %arg8[%add3A, %dma_start3A] : memref<4x6144xf32, #tpu.memory_space<hbm>> -> memref<1x6144xf32, #tpu.memory_space<hbm>>
        %dma_start3A_9 = tpu.memref_squeeze %dma_start3A_8 : memref<1x6144xf32, #tpu.memory_space<hbm>> -> memref<6144xf32, #tpu.memory_space<hbm>>
        %dma_start3A_10 = arith.constant 0 : i32
        %dma_start3A_11 = tpu.memref_slice %arg8[%add3A, %dma_start3A_10] : memref<4x6144xf32, #tpu.memory_space<hbm>> -> memref<1x6144xf32, #tpu.memory_space<hbm>>
        %dma_start3A_12 = tpu.memref_squeeze %dma_start3A_11 : memref<1x6144xf32, #tpu.memory_space<hbm>> -> memref<6144xf32, #tpu.memory_space<hbm>>
        tpu.enqueue_dma source(%arg19 : memref<6144xf32, #tpu.memory_space<vmem>>) target(%dma_start3A_12 : memref<6144xf32, #tpu.memory_space<hbm>>) target_semaphore(%run_scoped3A : memref<!tpu.dma_semaphore, #tpu.memory_space<semaphore_mem>>)
        %dma_wait3A = arith.constant 0 : i32
        %dma_wait3A_13 = tpu.memref_slice %arg8[%add3A, %dma_wait3A] : memref<4x6144xf32, #tpu.memory_space<hbm>> -> memref<1x6144xf32, #tpu.memory_space<hbm>>
        %dma_wait3A_14 = tpu.memref_squeeze %dma_wait3A_13 : memref<1x6144xf32, #tpu.memory_space<hbm>> -> memref<6144xf32, #tpu.memory_space<hbm>>
        %dma_wait3A_15 = arith.constant 0 : i32
        %dma_wait3A_16 = tpu.memref_slice %arg8[%add3A, %dma_wait3A_15] : memref<4x6144xf32, #tpu.memory_space<hbm>> -> memref<1x6144xf32, #tpu.memory_space<hbm>>
        %dma_wait3A_17 = tpu.memref_squeeze %dma_wait3A_16 : memref<1x6144xf32, #tpu.memory_space<hbm>> -> memref<6144xf32, #tpu.memory_space<hbm>>
        tpu.wait_dma2 semaphore(%run_scoped3A : memref<!tpu.dma_semaphore, #tpu.memory_space<semaphore_mem>>) src(%arg19 : memref<6144xf32, #tpu.memory_space<vmem>>) dst(%dma_wait3A_17 : memref<6144xf32, #tpu.memory_space<hbm>>)
        tpu.yield
      }) : () -> ()
      "tpu.region"() ({
        %run_scoped3A = tpu.sem_alloc : memref<!tpu.dma_semaphore, #tpu.memory_space<semaphore_mem>>
        %dma_start3A = arith.constant 0 : i32
        %dma_start3A_8 = tpu.memref_slice %arg9[%add3A, %dma_start3A] : memref<4x6144xf32, #tpu.memory_space<hbm>> -> memref<1x6144xf32, #tpu.memory_space<hbm>>
        %dma_start3A_9 = tpu.memref_squeeze %dma_start3A_8 : memref<1x6144xf32, #tpu.memory_space<hbm>> -> memref<6144xf32, #tpu.memory_space<hbm>>
        %dma_start3A_10 = arith.constant 0 : i32
        %dma_start3A_11 = tpu.memref_slice %arg9[%add3A, %dma_start3A_10] : memref<4x6144xf32, #tpu.memory_space<hbm>> -> memref<1x6144xf32, #tpu.memory_space<hbm>>
        %dma_start3A_12 = tpu.memref_squeeze %dma_start3A_11 : memref<1x6144xf32, #tpu.memory_space<hbm>> -> memref<6144xf32, #tpu.memory_space<hbm>>
        tpu.enqueue_dma source(%arg20 : memref<6144xf32, #tpu.memory_space<vmem>>) target(%dma_start3A_12 : memref<6144xf32, #tpu.memory_space<hbm>>) target_semaphore(%run_scoped3A : memref<!tpu.dma_semaphore, #tpu.memory_space<semaphore_mem>>)
        %dma_wait3A = arith.constant 0 : i32
        %dma_wait3A_13 = tpu.memref_slice %arg9[%add3A, %dma_wait3A] : memref<4x6144xf32, #tpu.memory_space<hbm>> -> memref<1x6144xf32, #tpu.memory_space<hbm>>
        %dma_wait3A_14 = tpu.memref_squeeze %dma_wait3A_13 : memref<1x6144xf32, #tpu.memory_space<hbm>> -> memref<6144xf32, #tpu.memory_space<hbm>>
        %dma_wait3A_15 = arith.constant 0 : i32
        %dma_wait3A_16 = tpu.memref_slice %arg9[%add3A, %dma_wait3A_15] : memref<4x6144xf32, #tpu.memory_space<hbm>> -> memref<1x6144xf32, #tpu.memory_space<hbm>>
        %dma_wait3A_17 = tpu.memref_squeeze %dma_wait3A_16 : memref<1x6144xf32, #tpu.memory_space<hbm>> -> memref<6144xf32, #tpu.memory_space<hbm>>
        tpu.wait_dma2 semaphore(%run_scoped3A : memref<!tpu.dma_semaphore, #tpu.memory_space<semaphore_mem>>) src(%arg20 : memref<6144xf32, #tpu.memory_space<vmem>>) dst(%dma_wait3A_17 : memref<6144xf32, #tpu.memory_space<hbm>>)
        tpu.yield
      }) : () -> ()
      "tpu.region"() ({
        %run_scoped3A = tpu.sem_alloc : memref<!tpu.dma_semaphore, #tpu.memory_space<semaphore_mem>>
        %dma_start3A = arith.constant 0 : i32
        %dma_start3A_8 = tpu.memref_slice %arg10[%add3A, %dma_start3A] : memref<4x6144xf32, #tpu.memory_space<hbm>> -> memref<1x6144xf32, #tpu.memory_space<hbm>>
        %dma_start3A_9 = tpu.memref_squeeze %dma_start3A_8 : memref<1x6144xf32, #tpu.memory_space<hbm>> -> memref<6144xf32, #tpu.memory_space<hbm>>
        %dma_start3A_10 = arith.constant 0 : i32
        %dma_start3A_11 = tpu.memref_slice %arg10[%add3A, %dma_start3A_10] : memref<4x6144xf32, #tpu.memory_space<hbm>> -> memref<1x6144xf32, #tpu.memory_space<hbm>>
        %dma_start3A_12 = tpu.memref_squeeze %dma_start3A_11 : memref<1x6144xf32, #tpu.memory_space<hbm>> -> memref<6144xf32, #tpu.memory_space<hbm>>
        tpu.enqueue_dma source(%arg21 : memref<6144xf32, #tpu.memory_space<vmem>>) target(%dma_start3A_12 : memref<6144xf32, #tpu.memory_space<hbm>>) target_semaphore(%run_scoped3A : memref<!tpu.dma_semaphore, #tpu.memory_space<semaphore_mem>>)
        %dma_wait3A = arith.constant 0 : i32
        %dma_wait3A_13 = tpu.memref_slice %arg10[%add3A, %dma_wait3A] : memref<4x6144xf32, #tpu.memory_space<hbm>> -> memref<1x6144xf32, #tpu.memory_space<hbm>>
        %dma_wait3A_14 = tpu.memref_squeeze %dma_wait3A_13 : memref<1x6144xf32, #tpu.memory_space<hbm>> -> memref<6144xf32, #tpu.memory_space<hbm>>
        %dma_wait3A_15 = arith.constant 0 : i32
        %dma_wait3A_16 = tpu.memref_slice %arg10[%add3A, %dma_wait3A_15] : memref<4x6144xf32, #tpu.memory_space<hbm>> -> memref<1x6144xf32, #tpu.memory_space<hbm>>
        %dma_wait3A_17 = tpu.memref_squeeze %dma_wait3A_16 : memref<1x6144xf32, #tpu.memory_space<hbm>> -> memref<6144xf32, #tpu.memory_space<hbm>>
        tpu.wait_dma2 semaphore(%run_scoped3A : memref<!tpu.dma_semaphore, #tpu.memory_space<semaphore_mem>>) src(%arg21 : memref<6144xf32, #tpu.memory_space<vmem>>) dst(%dma_wait3A_17 : memref<6144xf32, #tpu.memory_space<hbm>>)
        tpu.yield
      }) : () -> ()
      "tpu.region"() ({
        %run_scoped3A = tpu.sem_alloc : memref<!tpu.dma_semaphore, #tpu.memory_space<semaphore_mem>>
        %dma_start3A = arith.constant 0 : i32
        %dma_start3A_8 = tpu.memref_slice %arg11[%add3A, %dma_start3A] : memref<4x6144xf32, #tpu.memory_space<hbm>> -> memref<1x6144xf32, #tpu.memory_space<hbm>>
        %dma_start3A_9 = tpu.memref_squeeze %dma_start3A_8 : memref<1x6144xf32, #tpu.memory_space<hbm>> -> memref<6144xf32, #tpu.memory_space<hbm>>
        %dma_start3A_10 = arith.constant 0 : i32
        %dma_start3A_11 = tpu.memref_slice %arg11[%add3A, %dma_start3A_10] : memref<4x6144xf32, #tpu.memory_space<hbm>> -> memref<1x6144xf32, #tpu.memory_space<hbm>>
        %dma_start3A_12 = tpu.memref_squeeze %dma_start3A_11 : memref<1x6144xf32, #tpu.memory_space<hbm>> -> memref<6144xf32, #tpu.memory_space<hbm>>
        tpu.enqueue_dma source(%arg22 : memref<6144xf32, #tpu.memory_space<vmem>>) target(%dma_start3A_12 : memref<6144xf32, #tpu.memory_space<hbm>>) target_semaphore(%run_scoped3A : memref<!tpu.dma_semaphore, #tpu.memory_space<semaphore_mem>>)
        %dma_wait3A = arith.constant 0 : i32
        %dma_wait3A_13 = tpu.memref_slice %arg11[%add3A, %dma_wait3A] : memref<4x6144xf32, #tpu.memory_space<hbm>> -> memref<1x6144xf32, #tpu.memory_space<hbm>>
        %dma_wait3A_14 = tpu.memref_squeeze %dma_wait3A_13 : memref<1x6144xf32, #tpu.memory_space<hbm>> -> memref<6144xf32, #tpu.memory_space<hbm>>
        %dma_wait3A_15 = arith.constant 0 : i32
        %dma_wait3A_16 = tpu.memref_slice %arg11[%add3A, %dma_wait3A_15] : memref<4x6144xf32, #tpu.memory_space<hbm>> -> memref<1x6144xf32, #tpu.memory_space<hbm>>
        %dma_wait3A_17 = tpu.memref_squeeze %dma_wait3A_16 : memref<1x6144xf32, #tpu.memory_space<hbm>> -> memref<6144xf32, #tpu.memory_space<hbm>>
        tpu.wait_dma2 semaphore(%run_scoped3A : memref<!tpu.dma_semaphore, #tpu.memory_space<semaphore_mem>>) src(%arg22 : memref<6144xf32, #tpu.memory_space<vmem>>) dst(%dma_wait3A_17 : memref<6144xf32, #tpu.memory_space<hbm>>)
        tpu.yield
      }) : () -> ()
      "tpu.region"() ({
        %run_scoped3A = tpu.sem_alloc : memref<!tpu.dma_semaphore, #tpu.memory_space<semaphore_mem>>
        %dma_start3A = arith.constant 0 : i32
        %dma_start3A_8 = tpu.memref_slice %arg12[%add3A, %dma_start3A] : memref<4x6144xf32, #tpu.memory_space<hbm>> -> memref<1x6144xf32, #tpu.memory_space<hbm>>
        %dma_start3A_9 = tpu.memref_squeeze %dma_start3A_8 : memref<1x6144xf32, #tpu.memory_space<hbm>> -> memref<6144xf32, #tpu.memory_space<hbm>>
        %dma_start3A_10 = arith.constant 0 : i32
        %dma_start3A_11 = tpu.memref_slice %arg12[%add3A, %dma_start3A_10] : memref<4x6144xf32, #tpu.memory_space<hbm>> -> memref<1x6144xf32, #tpu.memory_space<hbm>>
        %dma_start3A_12 = tpu.memref_squeeze %dma_start3A_11 : memref<1x6144xf32, #tpu.memory_space<hbm>> -> memref<6144xf32, #tpu.memory_space<hbm>>
        tpu.enqueue_dma source(%arg23 : memref<6144xf32, #tpu.memory_space<vmem>>) target(%dma_start3A_12 : memref<6144xf32, #tpu.memory_space<hbm>>) target_semaphore(%run_scoped3A : memref<!tpu.dma_semaphore, #tpu.memory_space<semaphore_mem>>)
        %dma_wait3A = arith.constant 0 : i32
        %dma_wait3A_13 = tpu.memref_slice %arg12[%add3A, %dma_wait3A] : memref<4x6144xf32, #tpu.memory_space<hbm>> -> memref<1x6144xf32, #tpu.memory_space<hbm>>
        %dma_wait3A_14 = tpu.memref_squeeze %dma_wait3A_13 : memref<1x6144xf32, #tpu.memory_space<hbm>> -> memref<6144xf32, #tpu.memory_space<hbm>>
        %dma_wait3A_15 = arith.constant 0 : i32
        %dma_wait3A_16 = tpu.memref_slice %arg12[%add3A, %dma_wait3A_15] : memref<4x6144xf32, #tpu.memory_space<hbm>> -> memref<1x6144xf32, #tpu.memory_space<hbm>>
        %dma_wait3A_17 = tpu.memref_squeeze %dma_wait3A_16 : memref<1x6144xf32, #tpu.memory_space<hbm>> -> memref<6144xf32, #tpu.memory_space<hbm>>
        tpu.wait_dma2 semaphore(%run_scoped3A : memref<!tpu.dma_semaphore, #tpu.memory_space<semaphore_mem>>) src(%arg23 : memref<6144xf32, #tpu.memory_space<vmem>>) dst(%dma_wait3A_17 : memref<6144xf32, #tpu.memory_space<hbm>>)
        tpu.yield
      }) : () -> ()
    } else {
    }
    return
  }
}

#map = affine_map<(d0, d1) -> (0, 0)>
module attributes {stable_mosaic.version = 14 : i64} {
  func.func @_k5_body(%arg0: i32, %arg1: i32, %arg2: memref<4x6144xf32, #tpu.memory_space<hbm>>, %arg3: memref<4x6144xf32, #tpu.memory_space<hbm>>, %arg4: memref<4x6144xf32, #tpu.memory_space<hbm>>, %arg5: memref<4x6144xf32, #tpu.memory_space<hbm>>, %arg6: memref<4x6144xf32, #tpu.memory_space<hbm>>, %arg7: memref<4x6144xf32, #tpu.memory_space<hbm>>, %arg8: memref<4x4096xf32, #tpu.memory_space<hbm>>, %arg9: memref<4x1024xf32, #tpu.memory_space<hbm>>, %arg10: memref<6144xf32, #tpu.memory_space<vmem>>, %arg11: memref<6144xf32, #tpu.memory_space<vmem>>, %arg12: memref<6144xf32, #tpu.memory_space<vmem>>, %arg13: memref<6144xf32, #tpu.memory_space<vmem>>, %arg14: memref<6144xf32, #tpu.memory_space<vmem>>, %arg15: memref<6144xf32, #tpu.memory_space<vmem>>, %arg16: memref<4096xf32, #tpu.memory_space<vmem>>, %arg17: memref<1024xf32, #tpu.memory_space<vmem>>) attributes {dimension_semantics = [#tpu.dimension_semantics<core_parallel>, #tpu.dimension_semantics<subcore_parallel>], iteration_bounds = array<i64: 2, 16>, scalar_prefetch = 0 : i64, scratch_operands = 8 : i64, tpu.core_type = #tpu.core_type<sc_vector_subcore>, window_params = [{transform_indices = #map}, {transform_indices = #map}, {transform_indices = #map}, {transform_indices = #map}, {transform_indices = #map}, {transform_indices = #map}, {transform_indices = #map}, {transform_indices = #map}]} {
    %mul3A = arith.constant 16 : i32
    %mul3A_0 = arith.muli %arg0, %mul3A : i32
    %add3A = arith.addi %mul3A_0, %arg1 : i32
    %lt3A = arith.constant 4 : i32
    %lt3A_1 = arith.cmpi slt, %add3A, %lt3A : i32
    %convert_element_type3A = arith.extui %lt3A_1 : i1 to i32
    %cond3A = arith.constant 0 : i32
    %cond3A_2 = arith.cmpi ne, %convert_element_type3A, %cond3A : i32
    scf.if %cond3A_2 {
      "tpu.region"() ({
        %run_scoped3A = tpu.sem_alloc : memref<!tpu.dma_semaphore, #tpu.memory_space<semaphore_mem>>
        %dma_start3A = arith.constant 0 : i32
        %dma_start3A_22 = tpu.memref_slice %arg2[%add3A, %dma_start3A] : memref<4x6144xf32, #tpu.memory_space<hbm>> -> memref<1x6144xf32, #tpu.memory_space<hbm>>
        %dma_start3A_23 = tpu.memref_squeeze %dma_start3A_22 : memref<1x6144xf32, #tpu.memory_space<hbm>> -> memref<6144xf32, #tpu.memory_space<hbm>>
        %dma_start3A_24 = arith.constant 0 : i32
        %dma_start3A_25 = tpu.memref_slice %arg2[%add3A, %dma_start3A_24] : memref<4x6144xf32, #tpu.memory_space<hbm>> -> memref<1x6144xf32, #tpu.memory_space<hbm>>
        %dma_start3A_26 = tpu.memref_squeeze %dma_start3A_25 : memref<1x6144xf32, #tpu.memory_space<hbm>> -> memref<6144xf32, #tpu.memory_space<hbm>>
        tpu.enqueue_dma source(%dma_start3A_26 : memref<6144xf32, #tpu.memory_space<hbm>>) target(%arg10 : memref<6144xf32, #tpu.memory_space<vmem>>) target_semaphore(%run_scoped3A : memref<!tpu.dma_semaphore, #tpu.memory_space<semaphore_mem>>)
        %dma_wait3A = arith.constant 0 : i32
        %dma_wait3A_27 = tpu.memref_slice %arg2[%add3A, %dma_wait3A] : memref<4x6144xf32, #tpu.memory_space<hbm>> -> memref<1x6144xf32, #tpu.memory_space<hbm>>
        %dma_wait3A_28 = tpu.memref_squeeze %dma_wait3A_27 : memref<1x6144xf32, #tpu.memory_space<hbm>> -> memref<6144xf32, #tpu.memory_space<hbm>>
        %dma_wait3A_29 = arith.constant 0 : i32
        %dma_wait3A_30 = tpu.memref_slice %arg2[%add3A, %dma_wait3A_29] : memref<4x6144xf32, #tpu.memory_space<hbm>> -> memref<1x6144xf32, #tpu.memory_space<hbm>>
        %dma_wait3A_31 = tpu.memref_squeeze %dma_wait3A_30 : memref<1x6144xf32, #tpu.memory_space<hbm>> -> memref<6144xf32, #tpu.memory_space<hbm>>
        tpu.wait_dma2 semaphore(%run_scoped3A : memref<!tpu.dma_semaphore, #tpu.memory_space<semaphore_mem>>) src(%dma_wait3A_31 : memref<6144xf32, #tpu.memory_space<hbm>>) dst(%arg10 : memref<6144xf32, #tpu.memory_space<vmem>>)
        tpu.yield
      }) : () -> ()
      "tpu.region"() ({
        %run_scoped3A = tpu.sem_alloc : memref<!tpu.dma_semaphore, #tpu.memory_space<semaphore_mem>>
        %dma_start3A = arith.constant 0 : i32
        %dma_start3A_22 = tpu.memref_slice %arg3[%add3A, %dma_start3A] : memref<4x6144xf32, #tpu.memory_space<hbm>> -> memref<1x6144xf32, #tpu.memory_space<hbm>>
        %dma_start3A_23 = tpu.memref_squeeze %dma_start3A_22 : memref<1x6144xf32, #tpu.memory_space<hbm>> -> memref<6144xf32, #tpu.memory_space<hbm>>
        %dma_start3A_24 = arith.constant 0 : i32
        %dma_start3A_25 = tpu.memref_slice %arg3[%add3A, %dma_start3A_24] : memref<4x6144xf32, #tpu.memory_space<hbm>> -> memref<1x6144xf32, #tpu.memory_space<hbm>>
        %dma_start3A_26 = tpu.memref_squeeze %dma_start3A_25 : memref<1x6144xf32, #tpu.memory_space<hbm>> -> memref<6144xf32, #tpu.memory_space<hbm>>
        tpu.enqueue_dma source(%dma_start3A_26 : memref<6144xf32, #tpu.memory_space<hbm>>) target(%arg11 : memref<6144xf32, #tpu.memory_space<vmem>>) target_semaphore(%run_scoped3A : memref<!tpu.dma_semaphore, #tpu.memory_space<semaphore_mem>>)
        %dma_wait3A = arith.constant 0 : i32
        %dma_wait3A_27 = tpu.memref_slice %arg3[%add3A, %dma_wait3A] : memref<4x6144xf32, #tpu.memory_space<hbm>> -> memref<1x6144xf32, #tpu.memory_space<hbm>>
        %dma_wait3A_28 = tpu.memref_squeeze %dma_wait3A_27 : memref<1x6144xf32, #tpu.memory_space<hbm>> -> memref<6144xf32, #tpu.memory_space<hbm>>
        %dma_wait3A_29 = arith.constant 0 : i32
        %dma_wait3A_30 = tpu.memref_slice %arg3[%add3A, %dma_wait3A_29] : memref<4x6144xf32, #tpu.memory_space<hbm>> -> memref<1x6144xf32, #tpu.memory_space<hbm>>
        %dma_wait3A_31 = tpu.memref_squeeze %dma_wait3A_30 : memref<1x6144xf32, #tpu.memory_space<hbm>> -> memref<6144xf32, #tpu.memory_space<hbm>>
        tpu.wait_dma2 semaphore(%run_scoped3A : memref<!tpu.dma_semaphore, #tpu.memory_space<semaphore_mem>>) src(%dma_wait3A_31 : memref<6144xf32, #tpu.memory_space<hbm>>) dst(%arg11 : memref<6144xf32, #tpu.memory_space<vmem>>)
        tpu.yield
      }) : () -> ()
      "tpu.region"() ({
        %run_scoped3A = tpu.sem_alloc : memref<!tpu.dma_semaphore, #tpu.memory_space<semaphore_mem>>
        %dma_start3A = arith.constant 0 : i32
        %dma_start3A_22 = tpu.memref_slice %arg4[%add3A, %dma_start3A] : memref<4x6144xf32, #tpu.memory_space<hbm>> -> memref<1x6144xf32, #tpu.memory_space<hbm>>
        %dma_start3A_23 = tpu.memref_squeeze %dma_start3A_22 : memref<1x6144xf32, #tpu.memory_space<hbm>> -> memref<6144xf32, #tpu.memory_space<hbm>>
        %dma_start3A_24 = arith.constant 0 : i32
        %dma_start3A_25 = tpu.memref_slice %arg4[%add3A, %dma_start3A_24] : memref<4x6144xf32, #tpu.memory_space<hbm>> -> memref<1x6144xf32, #tpu.memory_space<hbm>>
        %dma_start3A_26 = tpu.memref_squeeze %dma_start3A_25 : memref<1x6144xf32, #tpu.memory_space<hbm>> -> memref<6144xf32, #tpu.memory_space<hbm>>
        tpu.enqueue_dma source(%dma_start3A_26 : memref<6144xf32, #tpu.memory_space<hbm>>) target(%arg12 : memref<6144xf32, #tpu.memory_space<vmem>>) target_semaphore(%run_scoped3A : memref<!tpu.dma_semaphore, #tpu.memory_space<semaphore_mem>>)
        %dma_wait3A = arith.constant 0 : i32
        %dma_wait3A_27 = tpu.memref_slice %arg4[%add3A, %dma_wait3A] : memref<4x6144xf32, #tpu.memory_space<hbm>> -> memref<1x6144xf32, #tpu.memory_space<hbm>>
        %dma_wait3A_28 = tpu.memref_squeeze %dma_wait3A_27 : memref<1x6144xf32, #tpu.memory_space<hbm>> -> memref<6144xf32, #tpu.memory_space<hbm>>
        %dma_wait3A_29 = arith.constant 0 : i32
        %dma_wait3A_30 = tpu.memref_slice %arg4[%add3A, %dma_wait3A_29] : memref<4x6144xf32, #tpu.memory_space<hbm>> -> memref<1x6144xf32, #tpu.memory_space<hbm>>
        %dma_wait3A_31 = tpu.memref_squeeze %dma_wait3A_30 : memref<1x6144xf32, #tpu.memory_space<hbm>> -> memref<6144xf32, #tpu.memory_space<hbm>>
        tpu.wait_dma2 semaphore(%run_scoped3A : memref<!tpu.dma_semaphore, #tpu.memory_space<semaphore_mem>>) src(%dma_wait3A_31 : memref<6144xf32, #tpu.memory_space<hbm>>) dst(%arg12 : memref<6144xf32, #tpu.memory_space<vmem>>)
        tpu.yield
      }) : () -> ()
      "tpu.region"() ({
        %run_scoped3A = tpu.sem_alloc : memref<!tpu.dma_semaphore, #tpu.memory_space<semaphore_mem>>
        %dma_start3A = arith.constant 0 : i32
        %dma_start3A_22 = tpu.memref_slice %arg5[%add3A, %dma_start3A] : memref<4x6144xf32, #tpu.memory_space<hbm>> -> memref<1x6144xf32, #tpu.memory_space<hbm>>
        %dma_start3A_23 = tpu.memref_squeeze %dma_start3A_22 : memref<1x6144xf32, #tpu.memory_space<hbm>> -> memref<6144xf32, #tpu.memory_space<hbm>>
        %dma_start3A_24 = arith.constant 0 : i32
        %dma_start3A_25 = tpu.memref_slice %arg5[%add3A, %dma_start3A_24] : memref<4x6144xf32, #tpu.memory_space<hbm>> -> memref<1x6144xf32, #tpu.memory_space<hbm>>
        %dma_start3A_26 = tpu.memref_squeeze %dma_start3A_25 : memref<1x6144xf32, #tpu.memory_space<hbm>> -> memref<6144xf32, #tpu.memory_space<hbm>>
        tpu.enqueue_dma source(%dma_start3A_26 : memref<6144xf32, #tpu.memory_space<hbm>>) target(%arg13 : memref<6144xf32, #tpu.memory_space<vmem>>) target_semaphore(%run_scoped3A : memref<!tpu.dma_semaphore, #tpu.memory_space<semaphore_mem>>)
        %dma_wait3A = arith.constant 0 : i32
        %dma_wait3A_27 = tpu.memref_slice %arg5[%add3A, %dma_wait3A] : memref<4x6144xf32, #tpu.memory_space<hbm>> -> memref<1x6144xf32, #tpu.memory_space<hbm>>
        %dma_wait3A_28 = tpu.memref_squeeze %dma_wait3A_27 : memref<1x6144xf32, #tpu.memory_space<hbm>> -> memref<6144xf32, #tpu.memory_space<hbm>>
        %dma_wait3A_29 = arith.constant 0 : i32
        %dma_wait3A_30 = tpu.memref_slice %arg5[%add3A, %dma_wait3A_29] : memref<4x6144xf32, #tpu.memory_space<hbm>> -> memref<1x6144xf32, #tpu.memory_space<hbm>>
        %dma_wait3A_31 = tpu.memref_squeeze %dma_wait3A_30 : memref<1x6144xf32, #tpu.memory_space<hbm>> -> memref<6144xf32, #tpu.memory_space<hbm>>
        tpu.wait_dma2 semaphore(%run_scoped3A : memref<!tpu.dma_semaphore, #tpu.memory_space<semaphore_mem>>) src(%dma_wait3A_31 : memref<6144xf32, #tpu.memory_space<hbm>>) dst(%arg13 : memref<6144xf32, #tpu.memory_space<vmem>>)
        tpu.yield
      }) : () -> ()
      "tpu.region"() ({
        %run_scoped3A = tpu.sem_alloc : memref<!tpu.dma_semaphore, #tpu.memory_space<semaphore_mem>>
        %dma_start3A = arith.constant 0 : i32
        %dma_start3A_22 = tpu.memref_slice %arg6[%add3A, %dma_start3A] : memref<4x6144xf32, #tpu.memory_space<hbm>> -> memref<1x6144xf32, #tpu.memory_space<hbm>>
        %dma_start3A_23 = tpu.memref_squeeze %dma_start3A_22 : memref<1x6144xf32, #tpu.memory_space<hbm>> -> memref<6144xf32, #tpu.memory_space<hbm>>
        %dma_start3A_24 = arith.constant 0 : i32
        %dma_start3A_25 = tpu.memref_slice %arg6[%add3A, %dma_start3A_24] : memref<4x6144xf32, #tpu.memory_space<hbm>> -> memref<1x6144xf32, #tpu.memory_space<hbm>>
        %dma_start3A_26 = tpu.memref_squeeze %dma_start3A_25 : memref<1x6144xf32, #tpu.memory_space<hbm>> -> memref<6144xf32, #tpu.memory_space<hbm>>
        tpu.enqueue_dma source(%dma_start3A_26 : memref<6144xf32, #tpu.memory_space<hbm>>) target(%arg14 : memref<6144xf32, #tpu.memory_space<vmem>>) target_semaphore(%run_scoped3A : memref<!tpu.dma_semaphore, #tpu.memory_space<semaphore_mem>>)
        %dma_wait3A = arith.constant 0 : i32
        %dma_wait3A_27 = tpu.memref_slice %arg6[%add3A, %dma_wait3A] : memref<4x6144xf32, #tpu.memory_space<hbm>> -> memref<1x6144xf32, #tpu.memory_space<hbm>>
        %dma_wait3A_28 = tpu.memref_squeeze %dma_wait3A_27 : memref<1x6144xf32, #tpu.memory_space<hbm>> -> memref<6144xf32, #tpu.memory_space<hbm>>
        %dma_wait3A_29 = arith.constant 0 : i32
        %dma_wait3A_30 = tpu.memref_slice %arg6[%add3A, %dma_wait3A_29] : memref<4x6144xf32, #tpu.memory_space<hbm>> -> memref<1x6144xf32, #tpu.memory_space<hbm>>
        %dma_wait3A_31 = tpu.memref_squeeze %dma_wait3A_30 : memref<1x6144xf32, #tpu.memory_space<hbm>> -> memref<6144xf32, #tpu.memory_space<hbm>>
        tpu.wait_dma2 semaphore(%run_scoped3A : memref<!tpu.dma_semaphore, #tpu.memory_space<semaphore_mem>>) src(%dma_wait3A_31 : memref<6144xf32, #tpu.memory_space<hbm>>) dst(%arg14 : memref<6144xf32, #tpu.memory_space<vmem>>)
        tpu.yield
      }) : () -> ()
      "tpu.region"() ({
        %run_scoped3A = tpu.sem_alloc : memref<!tpu.dma_semaphore, #tpu.memory_space<semaphore_mem>>
        %dma_start3A = arith.constant 0 : i32
        %dma_start3A_22 = tpu.memref_slice %arg7[%add3A, %dma_start3A] : memref<4x6144xf32, #tpu.memory_space<hbm>> -> memref<1x6144xf32, #tpu.memory_space<hbm>>
        %dma_start3A_23 = tpu.memref_squeeze %dma_start3A_22 : memref<1x6144xf32, #tpu.memory_space<hbm>> -> memref<6144xf32, #tpu.memory_space<hbm>>
        %dma_start3A_24 = arith.constant 0 : i32
        %dma_start3A_25 = tpu.memref_slice %arg7[%add3A, %dma_start3A_24] : memref<4x6144xf32, #tpu.memory_space<hbm>> -> memref<1x6144xf32, #tpu.memory_space<hbm>>
        %dma_start3A_26 = tpu.memref_squeeze %dma_start3A_25 : memref<1x6144xf32, #tpu.memory_space<hbm>> -> memref<6144xf32, #tpu.memory_space<hbm>>
        tpu.enqueue_dma source(%dma_start3A_26 : memref<6144xf32, #tpu.memory_space<hbm>>) target(%arg15 : memref<6144xf32, #tpu.memory_space<vmem>>) target_semaphore(%run_scoped3A : memref<!tpu.dma_semaphore, #tpu.memory_space<semaphore_mem>>)
        %dma_wait3A = arith.constant 0 : i32
        %dma_wait3A_27 = tpu.memref_slice %arg7[%add3A, %dma_wait3A] : memref<4x6144xf32, #tpu.memory_space<hbm>> -> memref<1x6144xf32, #tpu.memory_space<hbm>>
        %dma_wait3A_28 = tpu.memref_squeeze %dma_wait3A_27 : memref<1x6144xf32, #tpu.memory_space<hbm>> -> memref<6144xf32, #tpu.memory_space<hbm>>
        %dma_wait3A_29 = arith.constant 0 : i32
        %dma_wait3A_30 = tpu.memref_slice %arg7[%add3A, %dma_wait3A_29] : memref<4x6144xf32, #tpu.memory_space<hbm>> -> memref<1x6144xf32, #tpu.memory_space<hbm>>
        %dma_wait3A_31 = tpu.memref_squeeze %dma_wait3A_30 : memref<1x6144xf32, #tpu.memory_space<hbm>> -> memref<6144xf32, #tpu.memory_space<hbm>>
        tpu.wait_dma2 semaphore(%run_scoped3A : memref<!tpu.dma_semaphore, #tpu.memory_space<semaphore_mem>>) src(%dma_wait3A_31 : memref<6144xf32, #tpu.memory_space<hbm>>) dst(%arg15 : memref<6144xf32, #tpu.memory_space<vmem>>)
        tpu.yield
      }) : () -> ()
      %broadcast_in_dim3A = arith.constant 0.000000e+00 : f32
      %broadcast_in_dim3A_3 = vector.broadcast %broadcast_in_dim3A : f32 to vector<16xf32>
      %scan3A = arith.constant 0 : i32
      %scan3A_4 = arith.constant 0 : i32
      %scan3A_5 = arith.constant 256 : i32
      %scan3A_6 = arith.addi %scan3A_4, %scan3A_5 : i32
      %scan3A_7 = arith.constant 1 : i32
      scf.for %scan3A_22 = %scan3A_4 to %scan3A_6 step %scan3A_7  : i32 {
        %mul3A_23 = arith.constant 16 : i32
        %mul3A_24 = arith.muli %scan3A_22, %mul3A_23 : i32
        %multiple_of3A = tpu.assume_multiple %mul3A_24, 16 : i32
        %swap3A = arith.index_cast %multiple_of3A : i32 to index
        %swap3A_25 = tpu.vector_load %arg16[%swap3A] {strides = array<i32>} : memref<4096xf32, #tpu.memory_space<vmem>>, vector<16xf32>,
        tpu.vector_store %arg16[%swap3A], %broadcast_in_dim3A_3 {strides = array<i32>} : memref<4096xf32, #tpu.memory_space<vmem>>, vector<16xf32>,
      }
      %scan3A_8 = arith.constant 256 : i32
      %scan3A_9 = arith.constant 0 : i32
      %scan3A_10 = arith.constant 0 : i32
      %scan3A_11 = arith.constant 64 : i32
      %scan3A_12 = arith.addi %scan3A_10, %scan3A_11 : i32
      %scan3A_13 = arith.constant 1 : i32
      scf.for %scan3A_22 = %scan3A_10 to %scan3A_12 step %scan3A_13  : i32 {
        %mul3A_23 = arith.constant 16 : i32
        %mul3A_24 = arith.muli %scan3A_22, %mul3A_23 : i32
        %multiple_of3A = tpu.assume_multiple %mul3A_24, 16 : i32
        %swap3A = arith.index_cast %multiple_of3A : i32 to index
        %swap3A_25 = tpu.vector_load %arg17[%swap3A] {strides = array<i32>} : memref<1024xf32, #tpu.memory_space<vmem>>, vector<16xf32>,
        tpu.vector_store %arg17[%swap3A], %broadcast_in_dim3A_3 {strides = array<i32>} : memref<1024xf32, #tpu.memory_space<vmem>>, vector<16xf32>,
      }
      %scan3A_14 = arith.constant 64 : i32
      %scan3A_15 = arith.constant 0 : i32
      %scan3A_16 = arith.constant 0 : i32
      %scan3A_17 = arith.constant 384 : i32
      %scan3A_18 = arith.addi %scan3A_16, %scan3A_17 : i32
      %scan3A_19 = arith.constant 1 : i32
      %scan3A_20 = scf.for %scan3A_22 = %scan3A_16 to %scan3A_18 step %scan3A_19 iter_args(%scan3A_23 = %scan3A_15) -> (i32)  : i32 {
        %mul3A_24 = arith.constant 16 : i32
        %mul3A_25 = arith.muli %scan3A_22, %mul3A_24 : i32
        %multiple_of3A = tpu.assume_multiple %mul3A_25, 16 : i32
        %get3A = arith.index_cast %multiple_of3A : i32 to index
        %get3A_26 = tpu.vector_load %arg10[%get3A] {strides = array<i32>} : memref<6144xf32, #tpu.memory_space<vmem>>, vector<16xf32>,
        %gt3A = arith.constant 5.000000e-01 : f32
        %gt3A_27 = vector.broadcast %gt3A : f32 to vector<16xf32>
        %gt3A_28 = arith.cmpf ogt, %get3A_26, %gt3A_27 : vector<16xf32>
        %convert_element_type3A_29 = arith.extui %gt3A_28 : vector<16xi1> to vector<16xi32>
        %broadcast_in_dim3A_30 = arith.constant true
        %broadcast_in_dim3A_31 = vector.broadcast %broadcast_in_dim3A_30 : i1 to vector<16xi1>
        %masked_cumsum3A = tpu.scan <sum>, %convert_element_type3A_29 masked %broadcast_in_dim3A_31 : vector<16xi32>, vector<16xi1> -> vector<16xi32>
        %add3A_32 = vector.broadcast %scan3A_23 : i32 to vector<16xi32>
        %add3A_33 = arith.addi %add3A_32, %masked_cumsum3A : vector<16xi32>
        %sub3A = arith.constant 1 : i32
        %sub3A_34 = vector.broadcast %sub3A : i32 to vector<16xi32>
        %sub3A_35 = arith.subi %add3A_33, %sub3A_34 : vector<16xi32>
        %lt3A_36 = arith.constant 1000 : i32
        %lt3A_37 = vector.broadcast %lt3A_36 : i32 to vector<16xi32>
        %lt3A_38 = arith.cmpi slt, %sub3A_35, %lt3A_37 : vector<16xi32>
        %and3A = arith.andi %gt3A_28, %lt3A_38 : vector<16xi1>
        %jit3A = arith.constant 0 : i32
        %broadcast_in_dim3A_39 = vector.broadcast %jit3A : i32 to vector<16xi32>
        %select_n3A = arith.select %and3A, %sub3A_35, %broadcast_in_dim3A_39 : vector<16xi1>, vector<16xi32>
        %get3A_40 = arith.index_cast %multiple_of3A : i32 to index
        %get3A_41 = tpu.vector_load %arg15[%get3A_40] {strides = array<i32>} : memref<6144xf32, #tpu.memory_space<vmem>>, vector<16xf32>,
        tpu.vector_store_idx %arg17[%select_n3A], %get3A_41 masked %and3A : memref<1024xf32, #tpu.memory_space<vmem>>[vector<16xi32>], vector<16xf32>, vector<16xi1>
        %mul3A_42 = arith.constant 4 : i32
        %mul3A_43 = vector.broadcast %mul3A_42 : i32 to vector<16xi32>
        %mul3A_44 = arith.muli %select_n3A, %mul3A_43 : vector<16xi32>
        %get3A_45 = arith.index_cast %multiple_of3A : i32 to index
        %get3A_46 = tpu.vector_load %arg11[%get3A_45] {strides = array<i32>} : memref<6144xf32, #tpu.memory_space<vmem>>, vector<16xf32>,
        tpu.vector_store_idx %arg16[%mul3A_44], %get3A_46 masked %and3A : memref<4096xf32, #tpu.memory_space<vmem>>[vector<16xi32>], vector<16xf32>, vector<16xi1>
        %add3A_47 = arith.constant 1 : i32
        %add3A_48 = vector.broadcast %add3A_47 : i32 to vector<16xi32>
        %add3A_49 = arith.addi %mul3A_44, %add3A_48 : vector<16xi32>
        %get3A_50 = arith.index_cast %multiple_of3A : i32 to index
        %get3A_51 = tpu.vector_load %arg12[%get3A_50] {strides = array<i32>} : memref<6144xf32, #tpu.memory_space<vmem>>, vector<16xf32>,
        tpu.vector_store_idx %arg16[%add3A_49], %get3A_51 masked %and3A : memref<4096xf32, #tpu.memory_space<vmem>>[vector<16xi32>], vector<16xf32>, vector<16xi1>
        %add3A_52 = arith.constant 2 : i32
        %add3A_53 = vector.broadcast %add3A_52 : i32 to vector<16xi32>
        %add3A_54 = arith.addi %mul3A_44, %add3A_53 : vector<16xi32>
        %get3A_55 = arith.index_cast %multiple_of3A : i32 to index
        %get3A_56 = tpu.vector_load %arg13[%get3A_55] {strides = array<i32>} : memref<6144xf32, #tpu.memory_space<vmem>>, vector<16xf32>,
        tpu.vector_store_idx %arg16[%add3A_54], %get3A_56 masked %and3A : memref<4096xf32, #tpu.memory_space<vmem>>[vector<16xi32>], vector<16xf32>, vector<16xi1>
        %add3A_57 = arith.constant 3 : i32
        %add3A_58 = vector.broadcast %add3A_57 : i32 to vector<16xi32>
        %add3A_59 = arith.addi %mul3A_44, %add3A_58 : vector<16xi32>
        %get3A_60 = arith.index_cast %multiple_of3A : i32 to index
        %get3A_61 = tpu.vector_load %arg14[%get3A_60] {strides = array<i32>} : memref<6144xf32, #tpu.memory_space<vmem>>, vector<16xf32>,
        tpu.vector_store_idx %arg16[%add3A_59], %get3A_61 masked %and3A : memref<4096xf32, #tpu.memory_space<vmem>>[vector<16xi32>], vector<16xf32>, vector<16xi1>
        %reduce_sum3A = arith.constant true
        %reduce_sum3A_62 = vector.broadcast %reduce_sum3A : i1 to vector<16xi1>
        %reduce_sum3A_63 = tpu.scan <sum>, %convert_element_type3A_29 masked %reduce_sum3A_62 : vector<16xi32>, vector<16xi1> -> vector<16xi32>
        %reduce_sum3A_64 = vector.extract %reduce_sum3A_63[15] : i32 from vector<16xi32>
        %add3A_65 = arith.addi %scan3A_23, %reduce_sum3A_64 : i32
        scf.yield %add3A_65 : i32
      }
      %scan3A_21 = arith.constant 384 : i32
      "tpu.region"() ({
        %run_scoped3A = tpu.sem_alloc : memref<!tpu.dma_semaphore, #tpu.memory_space<semaphore_mem>>
        %dma_start3A = arith.constant 0 : i32
        %dma_start3A_22 = tpu.memref_slice %arg8[%add3A, %dma_start3A] : memref<4x4096xf32, #tpu.memory_space<hbm>> -> memref<1x4096xf32, #tpu.memory_space<hbm>>
        %dma_start3A_23 = tpu.memref_squeeze %dma_start3A_22 : memref<1x4096xf32, #tpu.memory_space<hbm>> -> memref<4096xf32, #tpu.memory_space<hbm>>
        %dma_start3A_24 = arith.constant 0 : i32
        %dma_start3A_25 = tpu.memref_slice %arg8[%add3A, %dma_start3A_24] : memref<4x4096xf32, #tpu.memory_space<hbm>> -> memref<1x4096xf32, #tpu.memory_space<hbm>>
        %dma_start3A_26 = tpu.memref_squeeze %dma_start3A_25 : memref<1x4096xf32, #tpu.memory_space<hbm>> -> memref<4096xf32, #tpu.memory_space<hbm>>
        tpu.enqueue_dma source(%arg16 : memref<4096xf32, #tpu.memory_space<vmem>>) target(%dma_start3A_26 : memref<4096xf32, #tpu.memory_space<hbm>>) target_semaphore(%run_scoped3A : memref<!tpu.dma_semaphore, #tpu.memory_space<semaphore_mem>>)
        %dma_wait3A = arith.constant 0 : i32
        %dma_wait3A_27 = tpu.memref_slice %arg8[%add3A, %dma_wait3A] : memref<4x4096xf32, #tpu.memory_space<hbm>> -> memref<1x4096xf32, #tpu.memory_space<hbm>>
        %dma_wait3A_28 = tpu.memref_squeeze %dma_wait3A_27 : memref<1x4096xf32, #tpu.memory_space<hbm>> -> memref<4096xf32, #tpu.memory_space<hbm>>
        %dma_wait3A_29 = arith.constant 0 : i32
        %dma_wait3A_30 = tpu.memref_slice %arg8[%add3A, %dma_wait3A_29] : memref<4x4096xf32, #tpu.memory_space<hbm>> -> memref<1x4096xf32, #tpu.memory_space<hbm>>
        %dma_wait3A_31 = tpu.memref_squeeze %dma_wait3A_30 : memref<1x4096xf32, #tpu.memory_space<hbm>> -> memref<4096xf32, #tpu.memory_space<hbm>>
        tpu.wait_dma2 semaphore(%run_scoped3A : memref<!tpu.dma_semaphore, #tpu.memory_space<semaphore_mem>>) src(%arg16 : memref<4096xf32, #tpu.memory_space<vmem>>) dst(%dma_wait3A_31 : memref<4096xf32, #tpu.memory_space<hbm>>)
        tpu.yield
      }) : () -> ()
      "tpu.region"() ({
        %run_scoped3A = tpu.sem_alloc : memref<!tpu.dma_semaphore, #tpu.memory_space<semaphore_mem>>
        %dma_start3A = arith.constant 0 : i32
        %dma_start3A_22 = tpu.memref_slice %arg9[%add3A, %dma_start3A] : memref<4x1024xf32, #tpu.memory_space<hbm>> -> memref<1x1024xf32, #tpu.memory_space<hbm>>
        %dma_start3A_23 = tpu.memref_squeeze %dma_start3A_22 : memref<1x1024xf32, #tpu.memory_space<hbm>> -> memref<1024xf32, #tpu.memory_space<hbm>>
        %dma_start3A_24 = arith.constant 0 : i32
        %dma_start3A_25 = tpu.memref_slice %arg9[%add3A, %dma_start3A_24] : memref<4x1024xf32, #tpu.memory_space<hbm>> -> memref<1x1024xf32, #tpu.memory_space<hbm>>
        %dma_start3A_26 = tpu.memref_squeeze %dma_start3A_25 : memref<1x1024xf32, #tpu.memory_space<hbm>> -> memref<1024xf32, #tpu.memory_space<hbm>>
        tpu.enqueue_dma source(%arg17 : memref<1024xf32, #tpu.memory_space<vmem>>) target(%dma_start3A_26 : memref<1024xf32, #tpu.memory_space<hbm>>) target_semaphore(%run_scoped3A : memref<!tpu.dma_semaphore, #tpu.memory_space<semaphore_mem>>)
        %dma_wait3A = arith.constant 0 : i32
        %dma_wait3A_27 = tpu.memref_slice %arg9[%add3A, %dma_wait3A] : memref<4x1024xf32, #tpu.memory_space<hbm>> -> memref<1x1024xf32, #tpu.memory_space<hbm>>
        %dma_wait3A_28 = tpu.memref_squeeze %dma_wait3A_27 : memref<1x1024xf32, #tpu.memory_space<hbm>> -> memref<1024xf32, #tpu.memory_space<hbm>>
        %dma_wait3A_29 = arith.constant 0 : i32
        %dma_wait3A_30 = tpu.memref_slice %arg9[%add3A, %dma_wait3A_29] : memref<4x1024xf32, #tpu.memory_space<hbm>> -> memref<1x1024xf32, #tpu.memory_space<hbm>>
        %dma_wait3A_31 = tpu.memref_squeeze %dma_wait3A_30 : memref<1x1024xf32, #tpu.memory_space<hbm>> -> memref<1024xf32, #tpu.memory_space<hbm>>
        tpu.wait_dma2 semaphore(%run_scoped3A : memref<!tpu.dma_semaphore, #tpu.memory_space<semaphore_mem>>) src(%arg17 : memref<1024xf32, #tpu.memory_space<vmem>>) dst(%dma_wait3A_31 : memref<1024xf32, #tpu.memory_space<hbm>>)
        tpu.yield
      }) : () -> ()
    } else {
    }
    return
  }
}

module attributes {stable_mosaic.version = 14 : i64} {
  func.func @_k1_body(%arg0: memref<4x176x128xf32, #tpu.memory_space<vmem>>, %arg1: memref<4x176x128xf32, #tpu.memory_space<vmem>>, %arg2: memref<4x176x128xf32, #tpu.memory_space<vmem>>, %arg3: memref<4x176x128xf32, #tpu.memory_space<vmem>>, %arg4: memref<4x176x128xf32, #tpu.memory_space<vmem>>, %arg5: memref<176x128xf32, #tpu.memory_space<vmem>>, %arg6: memref<176x128xf32, #tpu.memory_space<vmem>>, %arg7: memref<176x128xf32, #tpu.memory_space<vmem>>, %arg8: memref<176x128xf32, #tpu.memory_space<vmem>>, %arg9: memref<4x176x128xf32, #tpu.memory_space<vmem>>, %arg10: memref<4x176x128xf32, #tpu.memory_space<vmem>>, %arg11: memref<4x176x128xf32, #tpu.memory_space<vmem>>, %arg12: memref<4x176x128xf32, #tpu.memory_space<vmem>>, %arg13: memref<4x176x128xf32, #tpu.memory_space<vmem>>, %arg14: memref<4x8x128xf32, #tpu.memory_space<vmem>>) attributes {dimension_semantics = [], scalar_prefetch = 0 : i64, scratch_operands = 0 : i64, tpu.core_type = #tpu.core_type<tc>} {
    %get3A = arith.constant 0 : index
    %get3A_0 = arith.constant 0 : index
    %get3A_1 = vector.load %arg5[%get3A, %get3A_0] : memref<176x128xf32, #tpu.memory_space<vmem>>, vector<176x128xf32>
    %get3A_2 = arith.constant 0 : index
    %get3A_3 = arith.constant 0 : index
    %get3A_4 = vector.load %arg6[%get3A_2, %get3A_3] : memref<176x128xf32, #tpu.memory_space<vmem>>, vector<176x128xf32>
    %get3A_5 = arith.constant 0 : index
    %get3A_6 = arith.constant 0 : index
    %get3A_7 = vector.load %arg7[%get3A_5, %get3A_6] : memref<176x128xf32, #tpu.memory_space<vmem>>, vector<176x128xf32>
    %get3A_8 = arith.constant 0 : index
    %get3A_9 = arith.constant 0 : index
    %get3A_10 = vector.load %arg8[%get3A_8, %get3A_9] : memref<176x128xf32, #tpu.memory_space<vmem>>, vector<176x128xf32>
    %get3A_11 = arith.constant 0 : index
    %get3A_12 = arith.constant 0 : index
    %get3A_13 = arith.constant 0 : index
    %get3A_14 = vector.load %arg0[%get3A_11, %get3A_12, %get3A_13] : memref<4x176x128xf32, #tpu.memory_space<vmem>>, vector<4x176x128xf32>
    %broadcast_in_dim3A = vector.shape_cast %get3A_1 : vector<176x128xf32> to vector<1x176x128xf32>
    %mul3A = vector.broadcast %broadcast_in_dim3A : vector<1x176x128xf32> to vector<4x176x128xf32>
    %mul3A_15 = arith.mulf %get3A_14, %mul3A : vector<4x176x128xf32>
    %broadcast_in_dim3A_16 = vector.shape_cast %get3A_7 : vector<176x128xf32> to vector<1x176x128xf32>
    %add3A = vector.broadcast %broadcast_in_dim3A_16 : vector<1x176x128xf32> to vector<4x176x128xf32>
    %add3A_17 = arith.addf %mul3A_15, %add3A : vector<4x176x128xf32>
    %get3A_18 = arith.constant 0 : index
    %get3A_19 = arith.constant 0 : index
    %get3A_20 = arith.constant 0 : index
    %get3A_21 = vector.load %arg1[%get3A_18, %get3A_19, %get3A_20] : memref<4x176x128xf32, #tpu.memory_space<vmem>>, vector<4x176x128xf32>
    %broadcast_in_dim3A_22 = vector.shape_cast %get3A_4 : vector<176x128xf32> to vector<1x176x128xf32>
    %mul3A_23 = vector.broadcast %broadcast_in_dim3A_22 : vector<1x176x128xf32> to vector<4x176x128xf32>
    %mul3A_24 = arith.mulf %get3A_21, %mul3A_23 : vector<4x176x128xf32>
    %broadcast_in_dim3A_25 = vector.shape_cast %get3A_10 : vector<176x128xf32> to vector<1x176x128xf32>
    %add3A_26 = vector.broadcast %broadcast_in_dim3A_25 : vector<1x176x128xf32> to vector<4x176x128xf32>
    %add3A_27 = arith.addf %mul3A_24, %add3A_26 : vector<4x176x128xf32>
    %get3A_28 = arith.constant 0 : index
    %get3A_29 = arith.constant 0 : index
    %get3A_30 = arith.constant 0 : index
    %get3A_31 = vector.load %arg2[%get3A_28, %get3A_29, %get3A_30] : memref<4x176x128xf32, #tpu.memory_space<vmem>>, vector<4x176x128xf32>
    %exp3A = math.exp %get3A_31 : vector<4x176x128xf32>
    %broadcast_in_dim3A_32 = vector.shape_cast %get3A_1 : vector<176x128xf32> to vector<1x176x128xf32>
    %mul3A_33 = vector.broadcast %broadcast_in_dim3A_32 : vector<1x176x128xf32> to vector<4x176x128xf32>
    %mul3A_34 = arith.mulf %exp3A, %mul3A_33 : vector<4x176x128xf32>
    %get3A_35 = arith.constant 0 : index
    %get3A_36 = arith.constant 0 : index
    %get3A_37 = arith.constant 0 : index
    %get3A_38 = vector.load %arg3[%get3A_35, %get3A_36, %get3A_37] : memref<4x176x128xf32, #tpu.memory_space<vmem>>, vector<4x176x128xf32>
    %exp3A_39 = math.exp %get3A_38 : vector<4x176x128xf32>
    %broadcast_in_dim3A_40 = vector.shape_cast %get3A_4 : vector<176x128xf32> to vector<1x176x128xf32>
    %mul3A_41 = vector.broadcast %broadcast_in_dim3A_40 : vector<1x176x128xf32> to vector<4x176x128xf32>
    %mul3A_42 = arith.mulf %exp3A_39, %mul3A_41 : vector<4x176x128xf32>
    %mul3A_43 = arith.constant 5.000000e-01 : f32
    %mul3A_44 = vector.broadcast %mul3A_43 : f32 to vector<4x176x128xf32>
    %mul3A_45 = arith.mulf %mul3A_44, %mul3A_34 : vector<4x176x128xf32>
    %sub3A = arith.subf %add3A_17, %mul3A_45 : vector<4x176x128xf32>
    %jit3A = arith.constant 0.000000e+00 : f32
    %jit3A_46 = arith.constant 7.990000e+02 : f32
    %max3A = vector.broadcast %jit3A : f32 to vector<4x176x128xf32>
    %max3A_47 = arith.maximumf %max3A, %sub3A : vector<4x176x128xf32>
    %min3A = vector.broadcast %jit3A_46 : f32 to vector<4x176x128xf32>
    %min3A_48 = arith.minimumf %min3A, %max3A_47 : vector<4x176x128xf32>
    %mul3A_49 = arith.constant 5.000000e-01 : f32
    %mul3A_50 = vector.broadcast %mul3A_49 : f32 to vector<4x176x128xf32>
    %mul3A_51 = arith.mulf %mul3A_50, %mul3A_42 : vector<4x176x128xf32>
    %sub3A_52 = arith.subf %add3A_27, %mul3A_51 : vector<4x176x128xf32>
    %jit3A_53 = arith.constant 0.000000e+00 : f32
    %jit3A_54 = arith.constant 7.990000e+02 : f32
    %max3A_55 = vector.broadcast %jit3A_53 : f32 to vector<4x176x128xf32>
    %max3A_56 = arith.maximumf %max3A_55, %sub3A_52 : vector<4x176x128xf32>
    %min3A_57 = vector.broadcast %jit3A_54 : f32 to vector<4x176x128xf32>
    %min3A_58 = arith.minimumf %min3A_57, %max3A_56 : vector<4x176x128xf32>
    %mul3A_59 = arith.constant 5.000000e-01 : f32
    %mul3A_60 = vector.broadcast %mul3A_59 : f32 to vector<4x176x128xf32>
    %mul3A_61 = arith.mulf %mul3A_60, %mul3A_34 : vector<4x176x128xf32>
    %add3A_62 = arith.addf %add3A_17, %mul3A_61 : vector<4x176x128xf32>
    %jit3A_63 = arith.constant 0.000000e+00 : f32
    %jit3A_64 = arith.constant 7.990000e+02 : f32
    %max3A_65 = vector.broadcast %jit3A_63 : f32 to vector<4x176x128xf32>
    %max3A_66 = arith.maximumf %max3A_65, %add3A_62 : vector<4x176x128xf32>
    %min3A_67 = vector.broadcast %jit3A_64 : f32 to vector<4x176x128xf32>
    %min3A_68 = arith.minimumf %min3A_67, %max3A_66 : vector<4x176x128xf32>
    %mul3A_69 = arith.constant 5.000000e-01 : f32
    %mul3A_70 = vector.broadcast %mul3A_69 : f32 to vector<4x176x128xf32>
    %mul3A_71 = arith.mulf %mul3A_70, %mul3A_42 : vector<4x176x128xf32>
    %add3A_72 = arith.addf %add3A_27, %mul3A_71 : vector<4x176x128xf32>
    %jit3A_73 = arith.constant 0.000000e+00 : f32
    %jit3A_74 = arith.constant 7.990000e+02 : f32
    %max3A_75 = vector.broadcast %jit3A_73 : f32 to vector<4x176x128xf32>
    %max3A_76 = arith.maximumf %max3A_75, %add3A_72 : vector<4x176x128xf32>
    %min3A_77 = vector.broadcast %jit3A_74 : f32 to vector<4x176x128xf32>
    %min3A_78 = arith.minimumf %min3A_77, %max3A_76 : vector<4x176x128xf32>
    %sub3A_79 = arith.subf %min3A_68, %min3A_48 : vector<4x176x128xf32>
    %add3A_80 = arith.constant 1.000000e+00 : f32
    %add3A_81 = vector.broadcast %add3A_80 : f32 to vector<4x176x128xf32>
    %add3A_82 = arith.addf %sub3A_79, %add3A_81 : vector<4x176x128xf32>
    %ge3A = arith.constant 1.600000e+01 : f32
    %ge3A_83 = vector.broadcast %ge3A : f32 to vector<4x176x128xf32>
    %ge3A_84 = arith.cmpf oge, %add3A_82, %ge3A_83 : vector<4x176x128xf32>
    %sub3A_85 = arith.subf %min3A_78, %min3A_58 : vector<4x176x128xf32>
    %add3A_86 = arith.constant 1.000000e+00 : f32
    %add3A_87 = vector.broadcast %add3A_86 : f32 to vector<4x176x128xf32>
    %add3A_88 = arith.addf %sub3A_85, %add3A_87 : vector<4x176x128xf32>
    %ge3A_89 = arith.constant 1.600000e+01 : f32
    %ge3A_90 = vector.broadcast %ge3A_89 : f32 to vector<4x176x128xf32>
    %ge3A_91 = arith.cmpf oge, %add3A_88, %ge3A_90 : vector<4x176x128xf32>
    %and3A = arith.andi %ge3A_84, %ge3A_91 : vector<4x176x128xi1>
    %swap3A = arith.constant 0 : index
    %swap3A_92 = arith.constant 0 : index
    %swap3A_93 = arith.constant 0 : index
    %swap3A_94 = vector.load %arg9[%swap3A, %swap3A_92, %swap3A_93] : memref<4x176x128xf32, #tpu.memory_space<vmem>>, vector<4x176x128xf32>
    tpu.vector_store %arg9[%swap3A, %swap3A_92, %swap3A_93], %min3A_48 {strides = array<i32>} : memref<4x176x128xf32, #tpu.memory_space<vmem>>, vector<4x176x128xf32>,
    %swap3A_95 = arith.constant 0 : index
    %swap3A_96 = arith.constant 0 : index
    %swap3A_97 = arith.constant 0 : index
    %swap3A_98 = vector.load %arg10[%swap3A_95, %swap3A_96, %swap3A_97] : memref<4x176x128xf32, #tpu.memory_space<vmem>>, vector<4x176x128xf32>
    tpu.vector_store %arg10[%swap3A_95, %swap3A_96, %swap3A_97], %min3A_58 {strides = array<i32>} : memref<4x176x128xf32, #tpu.memory_space<vmem>>, vector<4x176x128xf32>,
    %swap3A_99 = arith.constant 0 : index
    %swap3A_100 = arith.constant 0 : index
    %swap3A_101 = arith.constant 0 : index
    %swap3A_102 = vector.load %arg11[%swap3A_99, %swap3A_100, %swap3A_101] : memref<4x176x128xf32, #tpu.memory_space<vmem>>, vector<4x176x128xf32>
    tpu.vector_store %arg11[%swap3A_99, %swap3A_100, %swap3A_101], %min3A_68 {strides = array<i32>} : memref<4x176x128xf32, #tpu.memory_space<vmem>>, vector<4x176x128xf32>,
    %swap3A_103 = arith.constant 0 : index
    %swap3A_104 = arith.constant 0 : index
    %swap3A_105 = arith.constant 0 : index
    %swap3A_106 = vector.load %arg12[%swap3A_103, %swap3A_104, %swap3A_105] : memref<4x176x128xf32, #tpu.memory_space<vmem>>, vector<4x176x128xf32>
    tpu.vector_store %arg12[%swap3A_103, %swap3A_104, %swap3A_105], %min3A_78 {strides = array<i32>} : memref<4x176x128xf32, #tpu.memory_space<vmem>>, vector<4x176x128xf32>,
    %get3A_107 = arith.constant 0 : index
    %get3A_108 = arith.constant 0 : index
    %get3A_109 = arith.constant 0 : index
    %get3A_110 = vector.load %arg4[%get3A_107, %get3A_108, %get3A_109] : memref<4x176x128xf32, #tpu.memory_space<vmem>>, vector<4x176x128xf32>
    %jit3A_111 = arith.constant -1.000000e+30 : f32
    %broadcast_in_dim3A_112 = vector.broadcast %jit3A_111 : f32 to vector<4x176x128xf32>
    %select_n3A = arith.select %and3A, %get3A_110, %broadcast_in_dim3A_112 : vector<4x176x128xi1>, vector<4x176x128xf32>
    %swap3A_113 = arith.constant 0 : index
    %swap3A_114 = arith.constant 0 : index
    %swap3A_115 = arith.constant 0 : index
    %swap3A_116 = vector.load %arg13[%swap3A_113, %swap3A_114, %swap3A_115] : memref<4x176x128xf32, #tpu.memory_space<vmem>>, vector<4x176x128xf32>
    tpu.vector_store %arg13[%swap3A_113, %swap3A_114, %swap3A_115], %select_n3A {strides = array<i32>} : memref<4x176x128xf32, #tpu.memory_space<vmem>>, vector<4x176x128xf32>,
    %convert_element_type3A = arith.extui %and3A : vector<4x176x128xi1> to vector<4x176x128xi32>
    %convert_element_type3A_117 = arith.sitofp %convert_element_type3A : vector<4x176x128xi32> to vector<4x176x128xf32>
    %reduce_sum3A = arith.constant dense<0.000000e+00> : vector<4xf32>
    %reduce_sum3A_118 = vector.multi_reduction <add>, %convert_element_type3A_117, %reduce_sum3A [1, 2] : vector<4x176x128xf32> to vector<4xf32>
    %broadcast_in_dim3A_119 = vector.shape_cast %reduce_sum3A_118 : vector<4xf32> to vector<4x1x1xf32>
    %broadcast_in_dim3A_120 = vector.shape_cast %broadcast_in_dim3A_119 : vector<4x1x1xf32> to vector<4x1x1xf32>
    %broadcast_in_dim3A_121 = vector.broadcast %broadcast_in_dim3A_120 : vector<4x1x1xf32> to vector<4x8x128xf32>
    %swap3A_122 = arith.constant 0 : index
    %swap3A_123 = arith.constant 0 : index
    %swap3A_124 = arith.constant 0 : index
    %swap3A_125 = vector.load %arg14[%swap3A_122, %swap3A_123, %swap3A_124] : memref<4x8x128xf32, #tpu.memory_space<vmem>>, vector<4x8x128xf32>
    tpu.vector_store %arg14[%swap3A_122, %swap3A_123, %swap3A_124], %broadcast_in_dim3A_121 {strides = array<i32>} : memref<4x8x128xf32, #tpu.memory_space<vmem>>, vector<4x8x128xf32>,
    return
  }
}

module attributes {stable_mosaic.version = 14 : i64} {
  func.func @_k2a_body(%arg0: i32, %arg1: memref<1x1x22528xf32, #tpu.memory_space<vmem>>, %arg2: memref<1x8x128xf32, #tpu.memory_space<vmem>>, %arg3: memref<1x1x22528xf32, #tpu.memory_space<vmem>>) attributes {dimension_semantics = [#tpu.dimension_semantics<arbitrary>], iteration_bounds = array<i64: 4>, scalar_prefetch = 0 : i64, scratch_operands = 0 : i64, tpu.core_type = #tpu.core_type<tc>, window_params = [{transform_indices = @transform_0, window_bounds = array<i64: 1, 1, 22528>}, {transform_indices = @transform_1, window_bounds = array<i64: 1, 8, 128>}, {transform_indices = @transform_2, window_bounds = array<i64: 1, 1, 22528>}]} {
    %get3A = arith.constant 0 : index
    %get3A_0 = arith.constant 0 : index
    %get3A_1 = arith.constant 0 : index
    %get3A_2 = vector.load %arg2[%get3A, %get3A_0, %get3A_1] : memref<1x8x128xf32, #tpu.memory_space<vmem>>, vector<1x1x1xf32>
    %get3A_3 = vector.extract %get3A_2[0, 0, 0] : f32 from vector<1x1x1xf32>
    %convert_element_type3A = arith.fptosi %get3A_3 : f32 to i32
    %min3A = arith.constant 6144 : i32
    %min3A_4 = arith.minsi %min3A, %convert_element_type3A : i32
    %get3A_5 = arith.constant 0 : index
    %get3A_6 = arith.constant 0 : index
    %get3A_7 = arith.constant 0 : index
    %get3A_8 = vector.load %arg1[%get3A_5, %get3A_6, %get3A_7] : memref<1x1x22528xf32, #tpu.memory_space<vmem>>, vector<1x1x22528xf32>
    %get3A_9 = vector.shape_cast %get3A_8 : vector<1x1x22528xf32> to vector<1x22528xf32>
    %bitcast_convert_type3A = tpu.bitcast %get3A_9 : vector<1x22528xf32> -> vector<1x22528xi32>
    %ge3A = arith.constant 0 : i32
    %ge3A_10 = vector.broadcast %ge3A : i32 to vector<1x22528xi32>
    %ge3A_11 = arith.cmpi sge, %bitcast_convert_type3A, %ge3A_10 : vector<1x22528xi32>
    %xor3A = arith.constant 2147483647 : i32
    %xor3A_12 = vector.broadcast %xor3A : i32 to vector<1x22528xi32>
    %xor3A_13 = arith.xori %bitcast_convert_type3A, %xor3A_12 : vector<1x22528xi32>
    %select_n3A = arith.select %ge3A_11, %bitcast_convert_type3A, %xor3A_13 : vector<1x22528xi1>, vector<1x22528xi32>
    %gt3A = arith.constant -5.000000e+29 : f32
    %gt3A_14 = vector.broadcast %gt3A : f32 to vector<1x22528xf32>
    %gt3A_15 = arith.cmpf ogt, %get3A_9, %gt3A_14 : vector<1x22528xf32>
    %shift_right_arithmetic3A = arith.constant 22 : i32
    %shift_right_arithmetic3A_16 = vector.broadcast %shift_right_arithmetic3A : i32 to vector<1x22528xi32>
    %shift_right_arithmetic3A_17 = arith.shrsi %select_n3A, %shift_right_arithmetic3A_16 : vector<1x22528xi32>
    %add3A = arith.constant 512 : i32
    %add3A_18 = vector.broadcast %add3A : i32 to vector<1x22528xi32>
    %add3A_19 = arith.addi %shift_right_arithmetic3A_17, %add3A_18 : vector<1x22528xi32>
    %shift_right_arithmetic3A_20 = arith.constant 12 : i32
    %shift_right_arithmetic3A_21 = vector.broadcast %shift_right_arithmetic3A_20 : i32 to vector<1x22528xi32>
    %shift_right_arithmetic3A_22 = arith.shrsi %select_n3A, %shift_right_arithmetic3A_21 : vector<1x22528xi32>
    %and3A = arith.constant 1023 : i32
    %and3A_23 = vector.broadcast %and3A : i32 to vector<1x22528xi32>
    %and3A_24 = arith.andi %shift_right_arithmetic3A_22, %and3A_23 : vector<1x22528xi32>
    %iota3A = tpu.iota {dimensions = array<i32: 0>} : vector<1024x1xi32>
    %broadcast_in_dim3A = arith.constant 0.000000e+00 : f32
    %broadcast_in_dim3A_25 = vector.broadcast %broadcast_in_dim3A : f32 to vector<1024x1xf32>
    %slice3A = vector.extract_strided_slice %add3A_19 {offsets = [0, 0], sizes = [1, 2048], strides = [1, 1]} : vector<1x22528xi32> to vector<1x2048xi32>
    %slice3A_26 = vector.extract_strided_slice %gt3A_15 {offsets = [0, 0], sizes = [1, 2048], strides = [1, 1]} : vector<1x22528xi1> to vector<1x2048xi1>
    %gt3A_27 = vector.broadcast %slice3A : vector<1x2048xi32> to vector<1024x2048xi32>
    %gt3A_28 = vector.broadcast %iota3A : vector<1024x1xi32> to vector<1024x2048xi32>
    %gt3A_29 = arith.cmpi sgt, %gt3A_27, %gt3A_28 : vector<1024x2048xi32>
    %and3A_30 = vector.broadcast %slice3A_26 : vector<1x2048xi1> to vector<1024x2048xi1>
    %and3A_31 = arith.andi %gt3A_29, %and3A_30 : vector<1024x2048xi1>
    %convert_element_type3A_32 = arith.extui %and3A_31 : vector<1024x2048xi1> to vector<1024x2048xi32>
    %convert_element_type3A_33 = arith.sitofp %convert_element_type3A_32 : vector<1024x2048xi32> to vector<1024x2048xf32>
    %reduce_sum3A = arith.constant dense<0.000000e+00> : vector<1024xf32>
    %reduce_sum3A_34 = vector.multi_reduction <add>, %convert_element_type3A_33, %reduce_sum3A [1] : vector<1024x2048xf32> to vector<1024xf32>
    %broadcast_in_dim3A_35 = vector.shape_cast %reduce_sum3A_34 : vector<1024xf32> to vector<1024x1xf32>
    %add3A_36 = arith.addf %broadcast_in_dim3A_25, %broadcast_in_dim3A_35 : vector<1024x1xf32>
    %slice3A_37 = vector.extract_strided_slice %add3A_19 {offsets = [0, 2048], sizes = [1, 2048], strides = [1, 1]} : vector<1x22528xi32> to vector<1x2048xi32>
    %slice3A_38 = vector.extract_strided_slice %gt3A_15 {offsets = [0, 2048], sizes = [1, 2048], strides = [1, 1]} : vector<1x22528xi1> to vector<1x2048xi1>
    %gt3A_39 = vector.broadcast %slice3A_37 : vector<1x2048xi32> to vector<1024x2048xi32>
    %gt3A_40 = vector.broadcast %iota3A : vector<1024x1xi32> to vector<1024x2048xi32>
    %gt3A_41 = arith.cmpi sgt, %gt3A_39, %gt3A_40 : vector<1024x2048xi32>
    %and3A_42 = vector.broadcast %slice3A_38 : vector<1x2048xi1> to vector<1024x2048xi1>
    %and3A_43 = arith.andi %gt3A_41, %and3A_42 : vector<1024x2048xi1>
    %convert_element_type3A_44 = arith.extui %and3A_43 : vector<1024x2048xi1> to vector<1024x2048xi32>
    %convert_element_type3A_45 = arith.sitofp %convert_element_type3A_44 : vector<1024x2048xi32> to vector<1024x2048xf32>
    %reduce_sum3A_46 = arith.constant dense<0.000000e+00> : vector<1024xf32>
    %reduce_sum3A_47 = vector.multi_reduction <add>, %convert_element_type3A_45, %reduce_sum3A_46 [1] : vector<1024x2048xf32> to vector<1024xf32>
    %broadcast_in_dim3A_48 = vector.shape_cast %reduce_sum3A_47 : vector<1024xf32> to vector<1024x1xf32>
    %add3A_49 = arith.addf %add3A_36, %broadcast_in_dim3A_48 : vector<1024x1xf32>
    %slice3A_50 = vector.extract_strided_slice %add3A_19 {offsets = [0, 4096], sizes = [1, 2048], strides = [1, 1]} : vector<1x22528xi32> to vector<1x2048xi32>
    %slice3A_51 = vector.extract_strided_slice %gt3A_15 {offsets = [0, 4096], sizes = [1, 2048], strides = [1, 1]} : vector<1x22528xi1> to vector<1x2048xi1>
    %gt3A_52 = vector.broadcast %slice3A_50 : vector<1x2048xi32> to vector<1024x2048xi32>
    %gt3A_53 = vector.broadcast %iota3A : vector<1024x1xi32> to vector<1024x2048xi32>
    %gt3A_54 = arith.cmpi sgt, %gt3A_52, %gt3A_53 : vector<1024x2048xi32>
    %and3A_55 = vector.broadcast %slice3A_51 : vector<1x2048xi1> to vector<1024x2048xi1>
    %and3A_56 = arith.andi %gt3A_54, %and3A_55 : vector<1024x2048xi1>
    %convert_element_type3A_57 = arith.extui %and3A_56 : vector<1024x2048xi1> to vector<1024x2048xi32>
    %convert_element_type3A_58 = arith.sitofp %convert_element_type3A_57 : vector<1024x2048xi32> to vector<1024x2048xf32>
    %reduce_sum3A_59 = arith.constant dense<0.000000e+00> : vector<1024xf32>
    %reduce_sum3A_60 = vector.multi_reduction <add>, %convert_element_type3A_58, %reduce_sum3A_59 [1] : vector<1024x2048xf32> to vector<1024xf32>
    %broadcast_in_dim3A_61 = vector.shape_cast %reduce_sum3A_60 : vector<1024xf32> to vector<1024x1xf32>
    %add3A_62 = arith.addf %add3A_49, %broadcast_in_dim3A_61 : vector<1024x1xf32>
    %slice3A_63 = vector.extract_strided_slice %add3A_19 {offsets = [0, 6144], sizes = [1, 2048], strides = [1, 1]} : vector<1x22528xi32> to vector<1x2048xi32>
    %slice3A_64 = vector.extract_strided_slice %gt3A_15 {offsets = [0, 6144], sizes = [1, 2048], strides = [1, 1]} : vector<1x22528xi1> to vector<1x2048xi1>
    %gt3A_65 = vector.broadcast %slice3A_63 : vector<1x2048xi32> to vector<1024x2048xi32>
    %gt3A_66 = vector.broadcast %iota3A : vector<1024x1xi32> to vector<1024x2048xi32>
    %gt3A_67 = arith.cmpi sgt, %gt3A_65, %gt3A_66 : vector<1024x2048xi32>
    %and3A_68 = vector.broadcast %slice3A_64 : vector<1x2048xi1> to vector<1024x2048xi1>
    %and3A_69 = arith.andi %gt3A_67, %and3A_68 : vector<1024x2048xi1>
    %convert_element_type3A_70 = arith.extui %and3A_69 : vector<1024x2048xi1> to vector<1024x2048xi32>
    %convert_element_type3A_71 = arith.sitofp %convert_element_type3A_70 : vector<1024x2048xi32> to vector<1024x2048xf32>
    %reduce_sum3A_72 = arith.constant dense<0.000000e+00> : vector<1024xf32>
    %reduce_sum3A_73 = vector.multi_reduction <add>, %convert_element_type3A_71, %reduce_sum3A_72 [1] : vector<1024x2048xf32> to vector<1024xf32>
    %broadcast_in_dim3A_74 = vector.shape_cast %reduce_sum3A_73 : vector<1024xf32> to vector<1024x1xf32>
    %add3A_75 = arith.addf %add3A_62, %broadcast_in_dim3A_74 : vector<1024x1xf32>
    %slice3A_76 = vector.extract_strided_slice %add3A_19 {offsets = [0, 8192], sizes = [1, 2048], strides = [1, 1]} : vector<1x22528xi32> to vector<1x2048xi32>
    %slice3A_77 = vector.extract_strided_slice %gt3A_15 {offsets = [0, 8192], sizes = [1, 2048], strides = [1, 1]} : vector<1x22528xi1> to vector<1x2048xi1>
    %gt3A_78 = vector.broadcast %slice3A_76 : vector<1x2048xi32> to vector<1024x2048xi32>
    %gt3A_79 = vector.broadcast %iota3A : vector<1024x1xi32> to vector<1024x2048xi32>
    %gt3A_80 = arith.cmpi sgt, %gt3A_78, %gt3A_79 : vector<1024x2048xi32>
    %and3A_81 = vector.broadcast %slice3A_77 : vector<1x2048xi1> to vector<1024x2048xi1>
    %and3A_82 = arith.andi %gt3A_80, %and3A_81 : vector<1024x2048xi1>
    %convert_element_type3A_83 = arith.extui %and3A_82 : vector<1024x2048xi1> to vector<1024x2048xi32>
    %convert_element_type3A_84 = arith.sitofp %convert_element_type3A_83 : vector<1024x2048xi32> to vector<1024x2048xf32>
    %reduce_sum3A_85 = arith.constant dense<0.000000e+00> : vector<1024xf32>
    %reduce_sum3A_86 = vector.multi_reduction <add>, %convert_element_type3A_84, %reduce_sum3A_85 [1] : vector<1024x2048xf32> to vector<1024xf32>
    %broadcast_in_dim3A_87 = vector.shape_cast %reduce_sum3A_86 : vector<1024xf32> to vector<1024x1xf32>
    %add3A_88 = arith.addf %add3A_75, %broadcast_in_dim3A_87 : vector<1024x1xf32>
    %slice3A_89 = vector.extract_strided_slice %add3A_19 {offsets = [0, 10240], sizes = [1, 2048], strides = [1, 1]} : vector<1x22528xi32> to vector<1x2048xi32>
    %slice3A_90 = vector.extract_strided_slice %gt3A_15 {offsets = [0, 10240], sizes = [1, 2048], strides = [1, 1]} : vector<1x22528xi1> to vector<1x2048xi1>
    %gt3A_91 = vector.broadcast %slice3A_89 : vector<1x2048xi32> to vector<1024x2048xi32>
    %gt3A_92 = vector.broadcast %iota3A : vector<1024x1xi32> to vector<1024x2048xi32>
    %gt3A_93 = arith.cmpi sgt, %gt3A_91, %gt3A_92 : vector<1024x2048xi32>
    %and3A_94 = vector.broadcast %slice3A_90 : vector<1x2048xi1> to vector<1024x2048xi1>
    %and3A_95 = arith.andi %gt3A_93, %and3A_94 : vector<1024x2048xi1>
    %convert_element_type3A_96 = arith.extui %and3A_95 : vector<1024x2048xi1> to vector<1024x2048xi32>
    %convert_element_type3A_97 = arith.sitofp %convert_element_type3A_96 : vector<1024x2048xi32> to vector<1024x2048xf32>
    %reduce_sum3A_98 = arith.constant dense<0.000000e+00> : vector<1024xf32>
    %reduce_sum3A_99 = vector.multi_reduction <add>, %convert_element_type3A_97, %reduce_sum3A_98 [1] : vector<1024x2048xf32> to vector<1024xf32>
    %broadcast_in_dim3A_100 = vector.shape_cast %reduce_sum3A_99 : vector<1024xf32> to vector<1024x1xf32>
    %add3A_101 = arith.addf %add3A_88, %broadcast_in_dim3A_100 : vector<1024x1xf32>
    %slice3A_102 = vector.extract_strided_slice %add3A_19 {offsets = [0, 12288], sizes = [1, 2048], strides = [1, 1]} : vector<1x22528xi32> to vector<1x2048xi32>
    %slice3A_103 = vector.extract_strided_slice %gt3A_15 {offsets = [0, 12288], sizes = [1, 2048], strides = [1, 1]} : vector<1x22528xi1> to vector<1x2048xi1>
    %gt3A_104 = vector.broadcast %slice3A_102 : vector<1x2048xi32> to vector<1024x2048xi32>
    %gt3A_105 = vector.broadcast %iota3A : vector<1024x1xi32> to vector<1024x2048xi32>
    %gt3A_106 = arith.cmpi sgt, %gt3A_104, %gt3A_105 : vector<1024x2048xi32>
    %and3A_107 = vector.broadcast %slice3A_103 : vector<1x2048xi1> to vector<1024x2048xi1>
    %and3A_108 = arith.andi %gt3A_106, %and3A_107 : vector<1024x2048xi1>
    %convert_element_type3A_109 = arith.extui %and3A_108 : vector<1024x2048xi1> to vector<1024x2048xi32>
    %convert_element_type3A_110 = arith.sitofp %convert_element_type3A_109 : vector<1024x2048xi32> to vector<1024x2048xf32>
    %reduce_sum3A_111 = arith.constant dense<0.000000e+00> : vector<1024xf32>
    %reduce_sum3A_112 = vector.multi_reduction <add>, %convert_element_type3A_110, %reduce_sum3A_111 [1] : vector<1024x2048xf32> to vector<1024xf32>
    %broadcast_in_dim3A_113 = vector.shape_cast %reduce_sum3A_112 : vector<1024xf32> to vector<1024x1xf32>
    %add3A_114 = arith.addf %add3A_101, %broadcast_in_dim3A_113 : vector<1024x1xf32>
    %slice3A_115 = vector.extract_strided_slice %add3A_19 {offsets = [0, 14336], sizes = [1, 2048], strides = [1, 1]} : vector<1x22528xi32> to vector<1x2048xi32>
    %slice3A_116 = vector.extract_strided_slice %gt3A_15 {offsets = [0, 14336], sizes = [1, 2048], strides = [1, 1]} : vector<1x22528xi1> to vector<1x2048xi1>
    %gt3A_117 = vector.broadcast %slice3A_115 : vector<1x2048xi32> to vector<1024x2048xi32>
    %gt3A_118 = vector.broadcast %iota3A : vector<1024x1xi32> to vector<1024x2048xi32>
    %gt3A_119 = arith.cmpi sgt, %gt3A_117, %gt3A_118 : vector<1024x2048xi32>
    %and3A_120 = vector.broadcast %slice3A_116 : vector<1x2048xi1> to vector<1024x2048xi1>
    %and3A_121 = arith.andi %gt3A_119, %and3A_120 : vector<1024x2048xi1>
    %convert_element_type3A_122 = arith.extui %and3A_121 : vector<1024x2048xi1> to vector<1024x2048xi32>
    %convert_element_type3A_123 = arith.sitofp %convert_element_type3A_122 : vector<1024x2048xi32> to vector<1024x2048xf32>
    %reduce_sum3A_124 = arith.constant dense<0.000000e+00> : vector<1024xf32>
    %reduce_sum3A_125 = vector.multi_reduction <add>, %convert_element_type3A_123, %reduce_sum3A_124 [1] : vector<1024x2048xf32> to vector<1024xf32>
    %broadcast_in_dim3A_126 = vector.shape_cast %reduce_sum3A_125 : vector<1024xf32> to vector<1024x1xf32>
    %add3A_127 = arith.addf %add3A_114, %broadcast_in_dim3A_126 : vector<1024x1xf32>
    %slice3A_128 = vector.extract_strided_slice %add3A_19 {offsets = [0, 16384], sizes = [1, 2048], strides = [1, 1]} : vector<1x22528xi32> to vector<1x2048xi32>
    %slice3A_129 = vector.extract_strided_slice %gt3A_15 {offsets = [0, 16384], sizes = [1, 2048], strides = [1, 1]} : vector<1x22528xi1> to vector<1x2048xi1>
    %gt3A_130 = vector.broadcast %slice3A_128 : vector<1x2048xi32> to vector<1024x2048xi32>
    %gt3A_131 = vector.broadcast %iota3A : vector<1024x1xi32> to vector<1024x2048xi32>
    %gt3A_132 = arith.cmpi sgt, %gt3A_130, %gt3A_131 : vector<1024x2048xi32>
    %and3A_133 = vector.broadcast %slice3A_129 : vector<1x2048xi1> to vector<1024x2048xi1>
    %and3A_134 = arith.andi %gt3A_132, %and3A_133 : vector<1024x2048xi1>
    %convert_element_type3A_135 = arith.extui %and3A_134 : vector<1024x2048xi1> to vector<1024x2048xi32>
    %convert_element_type3A_136 = arith.sitofp %convert_element_type3A_135 : vector<1024x2048xi32> to vector<1024x2048xf32>
    %reduce_sum3A_137 = arith.constant dense<0.000000e+00> : vector<1024xf32>
    %reduce_sum3A_138 = vector.multi_reduction <add>, %convert_element_type3A_136, %reduce_sum3A_137 [1] : vector<1024x2048xf32> to vector<1024xf32>
    %broadcast_in_dim3A_139 = vector.shape_cast %reduce_sum3A_138 : vector<1024xf32> to vector<1024x1xf32>
    %add3A_140 = arith.addf %add3A_127, %broadcast_in_dim3A_139 : vector<1024x1xf32>
    %slice3A_141 = vector.extract_strided_slice %add3A_19 {offsets = [0, 18432], sizes = [1, 2048], strides = [1, 1]} : vector<1x22528xi32> to vector<1x2048xi32>
    %slice3A_142 = vector.extract_strided_slice %gt3A_15 {offsets = [0, 18432], sizes = [1, 2048], strides = [1, 1]} : vector<1x22528xi1> to vector<1x2048xi1>
    %gt3A_143 = vector.broadcast %slice3A_141 : vector<1x2048xi32> to vector<1024x2048xi32>
    %gt3A_144 = vector.broadcast %iota3A : vector<1024x1xi32> to vector<1024x2048xi32>
    %gt3A_145 = arith.cmpi sgt, %gt3A_143, %gt3A_144 : vector<1024x2048xi32>
    %and3A_146 = vector.broadcast %slice3A_142 : vector<1x2048xi1> to vector<1024x2048xi1>
    %and3A_147 = arith.andi %gt3A_145, %and3A_146 : vector<1024x2048xi1>
    %convert_element_type3A_148 = arith.extui %and3A_147 : vector<1024x2048xi1> to vector<1024x2048xi32>
    %convert_element_type3A_149 = arith.sitofp %convert_element_type3A_148 : vector<1024x2048xi32> to vector<1024x2048xf32>
    %reduce_sum3A_150 = arith.constant dense<0.000000e+00> : vector<1024xf32>
    %reduce_sum3A_151 = vector.multi_reduction <add>, %convert_element_type3A_149, %reduce_sum3A_150 [1] : vector<1024x2048xf32> to vector<1024xf32>
    %broadcast_in_dim3A_152 = vector.shape_cast %reduce_sum3A_151 : vector<1024xf32> to vector<1024x1xf32>
    %add3A_153 = arith.addf %add3A_140, %broadcast_in_dim3A_152 : vector<1024x1xf32>
    %slice3A_154 = vector.extract_strided_slice %add3A_19 {offsets = [0, 20480], sizes = [1, 2048], strides = [1, 1]} : vector<1x22528xi32> to vector<1x2048xi32>
    %slice3A_155 = vector.extract_strided_slice %gt3A_15 {offsets = [0, 20480], sizes = [1, 2048], strides = [1, 1]} : vector<1x22528xi1> to vector<1x2048xi1>
    %gt3A_156 = vector.broadcast %slice3A_154 : vector<1x2048xi32> to vector<1024x2048xi32>
    %gt3A_157 = vector.broadcast %iota3A : vector<1024x1xi32> to vector<1024x2048xi32>
    %gt3A_158 = arith.cmpi sgt, %gt3A_156, %gt3A_157 : vector<1024x2048xi32>
    %and3A_159 = vector.broadcast %slice3A_155 : vector<1x2048xi1> to vector<1024x2048xi1>
    %and3A_160 = arith.andi %gt3A_158, %and3A_159 : vector<1024x2048xi1>
    %convert_element_type3A_161 = arith.extui %and3A_160 : vector<1024x2048xi1> to vector<1024x2048xi32>
    %convert_element_type3A_162 = arith.sitofp %convert_element_type3A_161 : vector<1024x2048xi32> to vector<1024x2048xf32>
    %reduce_sum3A_163 = arith.constant dense<0.000000e+00> : vector<1024xf32>
    %reduce_sum3A_164 = vector.multi_reduction <add>, %convert_element_type3A_162, %reduce_sum3A_163 [1] : vector<1024x2048xf32> to vector<1024xf32>
    %broadcast_in_dim3A_165 = vector.shape_cast %reduce_sum3A_164 : vector<1024xf32> to vector<1024x1xf32>
    %add3A_166 = arith.addf %add3A_153, %broadcast_in_dim3A_165 : vector<1024x1xf32>
    %convert_element_type3A_167 = arith.sitofp %min3A_4 : i32 to f32
    %ge3A_168 = vector.broadcast %convert_element_type3A_167 : f32 to vector<1024x1xf32>
    %ge3A_169 = arith.cmpf oge, %add3A_166, %ge3A_168 : vector<1024x1xf32>
    %convert_element_type3A_170 = arith.extui %ge3A_169 : vector<1024x1xi1> to vector<1024x1xi32>
    %reduce_sum3A_171 = vector.shape_cast %convert_element_type3A_170 : vector<1024x1xi32> to vector<1x1024x1xi32>
    %reduce_sum3A_172 = arith.constant dense<0> : vector<1xi32>
    %reduce_sum3A_173 = vector.multi_reduction <add>, %reduce_sum3A_171, %reduce_sum3A_172 [1, 2] : vector<1x1024x1xi32> to vector<1xi32>
    %reduce_sum3A_174 = vector.shape_cast %reduce_sum3A_173 : vector<1xi32> to vector<1x1x1xi32>
    %reduce_sum3A_175 = vector.extract %reduce_sum3A_174[0, 0, 0] : i32 from vector<1x1x1xi32>
    %eq3A = vector.broadcast %reduce_sum3A_175 : i32 to vector<1024x1xi32>
    %eq3A_176 = arith.cmpi eq, %iota3A, %eq3A : vector<1024x1xi32>
    %jit3A = arith.constant 0.000000e+00 : f32
    %broadcast_in_dim3A_177 = vector.broadcast %jit3A : f32 to vector<1024x1xf32>
    %select_n3A_178 = arith.select %eq3A_176, %add3A_166, %broadcast_in_dim3A_177 : vector<1024x1xi1>, vector<1024x1xf32>
    %reduce_sum3A_179 = vector.shape_cast %select_n3A_178 : vector<1024x1xf32> to vector<1x1024x1xf32>
    %reduce_sum3A_180 = arith.constant dense<0.000000e+00> : vector<1xf32>
    %reduce_sum3A_181 = vector.multi_reduction <add>, %reduce_sum3A_179, %reduce_sum3A_180 [1, 2] : vector<1x1024x1xf32> to vector<1xf32>
    %reduce_sum3A_182 = vector.shape_cast %reduce_sum3A_181 : vector<1xf32> to vector<1x1x1xf32>
    %reduce_sum3A_183 = vector.extract %reduce_sum3A_182[0, 0, 0] : f32 from vector<1x1x1xf32>
    %sub3A = arith.subf %convert_element_type3A_167, %reduce_sum3A_183 : f32
    %broadcast_in_dim3A_184 = arith.constant 0.000000e+00 : f32
    %broadcast_in_dim3A_185 = vector.broadcast %broadcast_in_dim3A_184 : f32 to vector<1024x1xf32>
    %slice3A_186 = vector.extract_strided_slice %add3A_19 {offsets = [0, 0], sizes = [1, 2048], strides = [1, 1]} : vector<1x22528xi32> to vector<1x2048xi32>
    %slice3A_187 = vector.extract_strided_slice %and3A_24 {offsets = [0, 0], sizes = [1, 2048], strides = [1, 1]} : vector<1x22528xi32> to vector<1x2048xi32>
    %slice3A_188 = vector.extract_strided_slice %gt3A_15 {offsets = [0, 0], sizes = [1, 2048], strides = [1, 1]} : vector<1x22528xi1> to vector<1x2048xi1>
    %eq3A_189 = vector.broadcast %reduce_sum3A_175 : i32 to vector<1x2048xi32>
    %eq3A_190 = arith.cmpi eq, %slice3A_186, %eq3A_189 : vector<1x2048xi32>
    %gt3A_191 = vector.broadcast %slice3A_187 : vector<1x2048xi32> to vector<1024x2048xi32>
    %gt3A_192 = vector.broadcast %iota3A : vector<1024x1xi32> to vector<1024x2048xi32>
    %gt3A_193 = arith.cmpi sgt, %gt3A_191, %gt3A_192 : vector<1024x2048xi32>
    %and3A_194 = vector.broadcast %eq3A_190 : vector<1x2048xi1> to vector<1024x2048xi1>
    %and3A_195 = arith.andi %and3A_194, %gt3A_193 : vector<1024x2048xi1>
    %and3A_196 = vector.broadcast %slice3A_188 : vector<1x2048xi1> to vector<1024x2048xi1>
    %and3A_197 = arith.andi %and3A_195, %and3A_196 : vector<1024x2048xi1>
    %convert_element_type3A_198 = arith.extui %and3A_197 : vector<1024x2048xi1> to vector<1024x2048xi32>
    %convert_element_type3A_199 = arith.sitofp %convert_element_type3A_198 : vector<1024x2048xi32> to vector<1024x2048xf32>
    %reduce_sum3A_200 = arith.constant dense<0.000000e+00> : vector<1024xf32>
    %reduce_sum3A_201 = vector.multi_reduction <add>, %convert_element_type3A_199, %reduce_sum3A_200 [1] : vector<1024x2048xf32> to vector<1024xf32>
    %broadcast_in_dim3A_202 = vector.shape_cast %reduce_sum3A_201 : vector<1024xf32> to vector<1024x1xf32>
    %add3A_203 = arith.addf %broadcast_in_dim3A_185, %broadcast_in_dim3A_202 : vector<1024x1xf32>
    %slice3A_204 = vector.extract_strided_slice %add3A_19 {offsets = [0, 2048], sizes = [1, 2048], strides = [1, 1]} : vector<1x22528xi32> to vector<1x2048xi32>
    %slice3A_205 = vector.extract_strided_slice %and3A_24 {offsets = [0, 2048], sizes = [1, 2048], strides = [1, 1]} : vector<1x22528xi32> to vector<1x2048xi32>
    %slice3A_206 = vector.extract_strided_slice %gt3A_15 {offsets = [0, 2048], sizes = [1, 2048], strides = [1, 1]} : vector<1x22528xi1> to vector<1x2048xi1>
    %eq3A_207 = vector.broadcast %reduce_sum3A_175 : i32 to vector<1x2048xi32>
    %eq3A_208 = arith.cmpi eq, %slice3A_204, %eq3A_207 : vector<1x2048xi32>
    %gt3A_209 = vector.broadcast %slice3A_205 : vector<1x2048xi32> to vector<1024x2048xi32>
    %gt3A_210 = vector.broadcast %iota3A : vector<1024x1xi32> to vector<1024x2048xi32>
    %gt3A_211 = arith.cmpi sgt, %gt3A_209, %gt3A_210 : vector<1024x2048xi32>
    %and3A_212 = vector.broadcast %eq3A_208 : vector<1x2048xi1> to vector<1024x2048xi1>
    %and3A_213 = arith.andi %and3A_212, %gt3A_211 : vector<1024x2048xi1>
    %and3A_214 = vector.broadcast %slice3A_206 : vector<1x2048xi1> to vector<1024x2048xi1>
    %and3A_215 = arith.andi %and3A_213, %and3A_214 : vector<1024x2048xi1>
    %convert_element_type3A_216 = arith.extui %and3A_215 : vector<1024x2048xi1> to vector<1024x2048xi32>
    %convert_element_type3A_217 = arith.sitofp %convert_element_type3A_216 : vector<1024x2048xi32> to vector<1024x2048xf32>
    %reduce_sum3A_218 = arith.constant dense<0.000000e+00> : vector<1024xf32>
    %reduce_sum3A_219 = vector.multi_reduction <add>, %convert_element_type3A_217, %reduce_sum3A_218 [1] : vector<1024x2048xf32> to vector<1024xf32>
    %broadcast_in_dim3A_220 = vector.shape_cast %reduce_sum3A_219 : vector<1024xf32> to vector<1024x1xf32>
    %add3A_221 = arith.addf %add3A_203, %broadcast_in_dim3A_220 : vector<1024x1xf32>
    %slice3A_222 = vector.extract_strided_slice %add3A_19 {offsets = [0, 4096], sizes = [1, 2048], strides = [1, 1]} : vector<1x22528xi32> to vector<1x2048xi32>
    %slice3A_223 = vector.extract_strided_slice %and3A_24 {offsets = [0, 4096], sizes = [1, 2048], strides = [1, 1]} : vector<1x22528xi32> to vector<1x2048xi32>
    %slice3A_224 = vector.extract_strided_slice %gt3A_15 {offsets = [0, 4096], sizes = [1, 2048], strides = [1, 1]} : vector<1x22528xi1> to vector<1x2048xi1>
    %eq3A_225 = vector.broadcast %reduce_sum3A_175 : i32 to vector<1x2048xi32>
    %eq3A_226 = arith.cmpi eq, %slice3A_222, %eq3A_225 : vector<1x2048xi32>
    %gt3A_227 = vector.broadcast %slice3A_223 : vector<1x2048xi32> to vector<1024x2048xi32>
    %gt3A_228 = vector.broadcast %iota3A : vector<1024x1xi32> to vector<1024x2048xi32>
    %gt3A_229 = arith.cmpi sgt, %gt3A_227, %gt3A_228 : vector<1024x2048xi32>
    %and3A_230 = vector.broadcast %eq3A_226 : vector<1x2048xi1> to vector<1024x2048xi1>
    %and3A_231 = arith.andi %and3A_230, %gt3A_229 : vector<1024x2048xi1>
    %and3A_232 = vector.broadcast %slice3A_224 : vector<1x2048xi1> to vector<1024x2048xi1>
    %and3A_233 = arith.andi %and3A_231, %and3A_232 : vector<1024x2048xi1>
    %convert_element_type3A_234 = arith.extui %and3A_233 : vector<1024x2048xi1> to vector<1024x2048xi32>
    %convert_element_type3A_235 = arith.sitofp %convert_element_type3A_234 : vector<1024x2048xi32> to vector<1024x2048xf32>
    %reduce_sum3A_236 = arith.constant dense<0.000000e+00> : vector<1024xf32>
    %reduce_sum3A_237 = vector.multi_reduction <add>, %convert_element_type3A_235, %reduce_sum3A_236 [1] : vector<1024x2048xf32> to vector<1024xf32>
    %broadcast_in_dim3A_238 = vector.shape_cast %reduce_sum3A_237 : vector<1024xf32> to vector<1024x1xf32>
    %add3A_239 = arith.addf %add3A_221, %broadcast_in_dim3A_238 : vector<1024x1xf32>
    %slice3A_240 = vector.extract_strided_slice %add3A_19 {offsets = [0, 6144], sizes = [1, 2048], strides = [1, 1]} : vector<1x22528xi32> to vector<1x2048xi32>
    %slice3A_241 = vector.extract_strided_slice %and3A_24 {offsets = [0, 6144], sizes = [1, 2048], strides = [1, 1]} : vector<1x22528xi32> to vector<1x2048xi32>
    %slice3A_242 = vector.extract_strided_slice %gt3A_15 {offsets = [0, 6144], sizes = [1, 2048], strides = [1, 1]} : vector<1x22528xi1> to vector<1x2048xi1>
    %eq3A_243 = vector.broadcast %reduce_sum3A_175 : i32 to vector<1x2048xi32>
    %eq3A_244 = arith.cmpi eq, %slice3A_240, %eq3A_243 : vector<1x2048xi32>
    %gt3A_245 = vector.broadcast %slice3A_241 : vector<1x2048xi32> to vector<1024x2048xi32>
    %gt3A_246 = vector.broadcast %iota3A : vector<1024x1xi32> to vector<1024x2048xi32>
    %gt3A_247 = arith.cmpi sgt, %gt3A_245, %gt3A_246 : vector<1024x2048xi32>
    %and3A_248 = vector.broadcast %eq3A_244 : vector<1x2048xi1> to vector<1024x2048xi1>
    %and3A_249 = arith.andi %and3A_248, %gt3A_247 : vector<1024x2048xi1>
    %and3A_250 = vector.broadcast %slice3A_242 : vector<1x2048xi1> to vector<1024x2048xi1>
    %and3A_251 = arith.andi %and3A_249, %and3A_250 : vector<1024x2048xi1>
    %convert_element_type3A_252 = arith.extui %and3A_251 : vector<1024x2048xi1> to vector<1024x2048xi32>
    %convert_element_type3A_253 = arith.sitofp %convert_element_type3A_252 : vector<1024x2048xi32> to vector<1024x2048xf32>
    %reduce_sum3A_254 = arith.constant dense<0.000000e+00> : vector<1024xf32>
    %reduce_sum3A_255 = vector.multi_reduction <add>, %convert_element_type3A_253, %reduce_sum3A_254 [1] : vector<1024x2048xf32> to vector<1024xf32>
    %broadcast_in_dim3A_256 = vector.shape_cast %reduce_sum3A_255 : vector<1024xf32> to vector<1024x1xf32>
    %add3A_257 = arith.addf %add3A_239, %broadcast_in_dim3A_256 : vector<1024x1xf32>
    %slice3A_258 = vector.extract_strided_slice %add3A_19 {offsets = [0, 8192], sizes = [1, 2048], strides = [1, 1]} : vector<1x22528xi32> to vector<1x2048xi32>
    %slice3A_259 = vector.extract_strided_slice %and3A_24 {offsets = [0, 8192], sizes = [1, 2048], strides = [1, 1]} : vector<1x22528xi32> to vector<1x2048xi32>
    %slice3A_260 = vector.extract_strided_slice %gt3A_15 {offsets = [0, 8192], sizes = [1, 2048], strides = [1, 1]} : vector<1x22528xi1> to vector<1x2048xi1>
    %eq3A_261 = vector.broadcast %reduce_sum3A_175 : i32 to vector<1x2048xi32>
    %eq3A_262 = arith.cmpi eq, %slice3A_258, %eq3A_261 : vector<1x2048xi32>
    %gt3A_263 = vector.broadcast %slice3A_259 : vector<1x2048xi32> to vector<1024x2048xi32>
    %gt3A_264 = vector.broadcast %iota3A : vector<1024x1xi32> to vector<1024x2048xi32>
    %gt3A_265 = arith.cmpi sgt, %gt3A_263, %gt3A_264 : vector<1024x2048xi32>
    %and3A_266 = vector.broadcast %eq3A_262 : vector<1x2048xi1> to vector<1024x2048xi1>
    %and3A_267 = arith.andi %and3A_266, %gt3A_265 : vector<1024x2048xi1>
    %and3A_268 = vector.broadcast %slice3A_260 : vector<1x2048xi1> to vector<1024x2048xi1>
    %and3A_269 = arith.andi %and3A_267, %and3A_268 : vector<1024x2048xi1>
    %convert_element_type3A_270 = arith.extui %and3A_269 : vector<1024x2048xi1> to vector<1024x2048xi32>
    %convert_element_type3A_271 = arith.sitofp %convert_element_type3A_270 : vector<1024x2048xi32> to vector<1024x2048xf32>
    %reduce_sum3A_272 = arith.constant dense<0.000000e+00> : vector<1024xf32>
    %reduce_sum3A_273 = vector.multi_reduction <add>, %convert_element_type3A_271, %reduce_sum3A_272 [1] : vector<1024x2048xf32> to vector<1024xf32>
    %broadcast_in_dim3A_274 = vector.shape_cast %reduce_sum3A_273 : vector<1024xf32> to vector<1024x1xf32>
    %add3A_275 = arith.addf %add3A_257, %broadcast_in_dim3A_274 : vector<1024x1xf32>
    %slice3A_276 = vector.extract_strided_slice %add3A_19 {offsets = [0, 10240], sizes = [1, 2048], strides = [1, 1]} : vector<1x22528xi32> to vector<1x2048xi32>
    %slice3A_277 = vector.extract_strided_slice %and3A_24 {offsets = [0, 10240], sizes = [1, 2048], strides = [1, 1]} : vector<1x22528xi32> to vector<1x2048xi32>
    %slice3A_278 = vector.extract_strided_slice %gt3A_15 {offsets = [0, 10240], sizes = [1, 2048], strides = [1, 1]} : vector<1x22528xi1> to vector<1x2048xi1>
    %eq3A_279 = vector.broadcast %reduce_sum3A_175 : i32 to vector<1x2048xi32>
    %eq3A_280 = arith.cmpi eq, %slice3A_276, %eq3A_279 : vector<1x2048xi32>
    %gt3A_281 = vector.broadcast %slice3A_277 : vector<1x2048xi32> to vector<1024x2048xi32>
    %gt3A_282 = vector.broadcast %iota3A : vector<1024x1xi32> to vector<1024x2048xi32>
    %gt3A_283 = arith.cmpi sgt, %gt3A_281, %gt3A_282 : vector<1024x2048xi32>
    %and3A_284 = vector.broadcast %eq3A_280 : vector<1x2048xi1> to vector<1024x2048xi1>
    %and3A_285 = arith.andi %and3A_284, %gt3A_283 : vector<1024x2048xi1>
    %and3A_286 = vector.broadcast %slice3A_278 : vector<1x2048xi1> to vector<1024x2048xi1>
    %and3A_287 = arith.andi %and3A_285, %and3A_286 : vector<1024x2048xi1>
    %convert_element_type3A_288 = arith.extui %and3A_287 : vector<1024x2048xi1> to vector<1024x2048xi32>
    %convert_element_type3A_289 = arith.sitofp %convert_element_type3A_288 : vector<1024x2048xi32> to vector<1024x2048xf32>
    %reduce_sum3A_290 = arith.constant dense<0.000000e+00> : vector<1024xf32>
    %reduce_sum3A_291 = vector.multi_reduction <add>, %convert_element_type3A_289, %reduce_sum3A_290 [1] : vector<1024x2048xf32> to vector<1024xf32>
    %broadcast_in_dim3A_292 = vector.shape_cast %reduce_sum3A_291 : vector<1024xf32> to vector<1024x1xf32>
    %add3A_293 = arith.addf %add3A_275, %broadcast_in_dim3A_292 : vector<1024x1xf32>
    %slice3A_294 = vector.extract_strided_slice %add3A_19 {offsets = [0, 12288], sizes = [1, 2048], strides = [1, 1]} : vector<1x22528xi32> to vector<1x2048xi32>
    %slice3A_295 = vector.extract_strided_slice %and3A_24 {offsets = [0, 12288], sizes = [1, 2048], strides = [1, 1]} : vector<1x22528xi32> to vector<1x2048xi32>
    %slice3A_296 = vector.extract_strided_slice %gt3A_15 {offsets = [0, 12288], sizes = [1, 2048], strides = [1, 1]} : vector<1x22528xi1> to vector<1x2048xi1>
    %eq3A_297 = vector.broadcast %reduce_sum3A_175 : i32 to vector<1x2048xi32>
    %eq3A_298 = arith.cmpi eq, %slice3A_294, %eq3A_297 : vector<1x2048xi32>
    %gt3A_299 = vector.broadcast %slice3A_295 : vector<1x2048xi32> to vector<1024x2048xi32>
    %gt3A_300 = vector.broadcast %iota3A : vector<1024x1xi32> to vector<1024x2048xi32>
    %gt3A_301 = arith.cmpi sgt, %gt3A_299, %gt3A_300 : vector<1024x2048xi32>
    %and3A_302 = vector.broadcast %eq3A_298 : vector<1x2048xi1> to vector<1024x2048xi1>
    %and3A_303 = arith.andi %and3A_302, %gt3A_301 : vector<1024x2048xi1>
    %and3A_304 = vector.broadcast %slice3A_296 : vector<1x2048xi1> to vector<1024x2048xi1>
    %and3A_305 = arith.andi %and3A_303, %and3A_304 : vector<1024x2048xi1>
    %convert_element_type3A_306 = arith.extui %and3A_305 : vector<1024x2048xi1> to vector<1024x2048xi32>
    %convert_element_type3A_307 = arith.sitofp %convert_element_type3A_306 : vector<1024x2048xi32> to vector<1024x2048xf32>
    %reduce_sum3A_308 = arith.constant dense<0.000000e+00> : vector<1024xf32>
    %reduce_sum3A_309 = vector.multi_reduction <add>, %convert_element_type3A_307, %reduce_sum3A_308 [1] : vector<1024x2048xf32> to vector<1024xf32>
    %broadcast_in_dim3A_310 = vector.shape_cast %reduce_sum3A_309 : vector<1024xf32> to vector<1024x1xf32>
    %add3A_311 = arith.addf %add3A_293, %broadcast_in_dim3A_310 : vector<1024x1xf32>
    %slice3A_312 = vector.extract_strided_slice %add3A_19 {offsets = [0, 14336], sizes = [1, 2048], strides = [1, 1]} : vector<1x22528xi32> to vector<1x2048xi32>
    %slice3A_313 = vector.extract_strided_slice %and3A_24 {offsets = [0, 14336], sizes = [1, 2048], strides = [1, 1]} : vector<1x22528xi32> to vector<1x2048xi32>
    %slice3A_314 = vector.extract_strided_slice %gt3A_15 {offsets = [0, 14336], sizes = [1, 2048], strides = [1, 1]} : vector<1x22528xi1> to vector<1x2048xi1>
    %eq3A_315 = vector.broadcast %reduce_sum3A_175 : i32 to vector<1x2048xi32>
    %eq3A_316 = arith.cmpi eq, %slice3A_312, %eq3A_315 : vector<1x2048xi32>
    %gt3A_317 = vector.broadcast %slice3A_313 : vector<1x2048xi32> to vector<1024x2048xi32>
    %gt3A_318 = vector.broadcast %iota3A : vector<1024x1xi32> to vector<1024x2048xi32>
    %gt3A_319 = arith.cmpi sgt, %gt3A_317, %gt3A_318 : vector<1024x2048xi32>
    %and3A_320 = vector.broadcast %eq3A_316 : vector<1x2048xi1> to vector<1024x2048xi1>
    %and3A_321 = arith.andi %and3A_320, %gt3A_319 : vector<1024x2048xi1>
    %and3A_322 = vector.broadcast %slice3A_314 : vector<1x2048xi1> to vector<1024x2048xi1>
    %and3A_323 = arith.andi %and3A_321, %and3A_322 : vector<1024x2048xi1>
    %convert_element_type3A_324 = arith.extui %and3A_323 : vector<1024x2048xi1> to vector<1024x2048xi32>
    %convert_element_type3A_325 = arith.sitofp %convert_element_type3A_324 : vector<1024x2048xi32> to vector<1024x2048xf32>
    %reduce_sum3A_326 = arith.constant dense<0.000000e+00> : vector<1024xf32>
    %reduce_sum3A_327 = vector.multi_reduction <add>, %convert_element_type3A_325, %reduce_sum3A_326 [1] : vector<1024x2048xf32> to vector<1024xf32>
    %broadcast_in_dim3A_328 = vector.shape_cast %reduce_sum3A_327 : vector<1024xf32> to vector<1024x1xf32>
    %add3A_329 = arith.addf %add3A_311, %broadcast_in_dim3A_328 : vector<1024x1xf32>
    %slice3A_330 = vector.extract_strided_slice %add3A_19 {offsets = [0, 16384], sizes = [1, 2048], strides = [1, 1]} : vector<1x22528xi32> to vector<1x2048xi32>
    %slice3A_331 = vector.extract_strided_slice %and3A_24 {offsets = [0, 16384], sizes = [1, 2048], strides = [1, 1]} : vector<1x22528xi32> to vector<1x2048xi32>
    %slice3A_332 = vector.extract_strided_slice %gt3A_15 {offsets = [0, 16384], sizes = [1, 2048], strides = [1, 1]} : vector<1x22528xi1> to vector<1x2048xi1>
    %eq3A_333 = vector.broadcast %reduce_sum3A_175 : i32 to vector<1x2048xi32>
    %eq3A_334 = arith.cmpi eq, %slice3A_330, %eq3A_333 : vector<1x2048xi32>
    %gt3A_335 = vector.broadcast %slice3A_331 : vector<1x2048xi32> to vector<1024x2048xi32>
    %gt3A_336 = vector.broadcast %iota3A : vector<1024x1xi32> to vector<1024x2048xi32>
    %gt3A_337 = arith.cmpi sgt, %gt3A_335, %gt3A_336 : vector<1024x2048xi32>
    %and3A_338 = vector.broadcast %eq3A_334 : vector<1x2048xi1> to vector<1024x2048xi1>
    %and3A_339 = arith.andi %and3A_338, %gt3A_337 : vector<1024x2048xi1>
    %and3A_340 = vector.broadcast %slice3A_332 : vector<1x2048xi1> to vector<1024x2048xi1>
    %and3A_341 = arith.andi %and3A_339, %and3A_340 : vector<1024x2048xi1>
    %convert_element_type3A_342 = arith.extui %and3A_341 : vector<1024x2048xi1> to vector<1024x2048xi32>
    %convert_element_type3A_343 = arith.sitofp %convert_element_type3A_342 : vector<1024x2048xi32> to vector<1024x2048xf32>
    %reduce_sum3A_344 = arith.constant dense<0.000000e+00> : vector<1024xf32>
    %reduce_sum3A_345 = vector.multi_reduction <add>, %convert_element_type3A_343, %reduce_sum3A_344 [1] : vector<1024x2048xf32> to vector<1024xf32>
    %broadcast_in_dim3A_346 = vector.shape_cast %reduce_sum3A_345 : vector<1024xf32> to vector<1024x1xf32>
    %add3A_347 = arith.addf %add3A_329, %broadcast_in_dim3A_346 : vector<1024x1xf32>
    %slice3A_348 = vector.extract_strided_slice %add3A_19 {offsets = [0, 18432], sizes = [1, 2048], strides = [1, 1]} : vector<1x22528xi32> to vector<1x2048xi32>
    %slice3A_349 = vector.extract_strided_slice %and3A_24 {offsets = [0, 18432], sizes = [1, 2048], strides = [1, 1]} : vector<1x22528xi32> to vector<1x2048xi32>
    %slice3A_350 = vector.extract_strided_slice %gt3A_15 {offsets = [0, 18432], sizes = [1, 2048], strides = [1, 1]} : vector<1x22528xi1> to vector<1x2048xi1>
    %eq3A_351 = vector.broadcast %reduce_sum3A_175 : i32 to vector<1x2048xi32>
    %eq3A_352 = arith.cmpi eq, %slice3A_348, %eq3A_351 : vector<1x2048xi32>
    %gt3A_353 = vector.broadcast %slice3A_349 : vector<1x2048xi32> to vector<1024x2048xi32>
    %gt3A_354 = vector.broadcast %iota3A : vector<1024x1xi32> to vector<1024x2048xi32>
    %gt3A_355 = arith.cmpi sgt, %gt3A_353, %gt3A_354 : vector<1024x2048xi32>
    %and3A_356 = vector.broadcast %eq3A_352 : vector<1x2048xi1> to vector<1024x2048xi1>
    %and3A_357 = arith.andi %and3A_356, %gt3A_355 : vector<1024x2048xi1>
    %and3A_358 = vector.broadcast %slice3A_350 : vector<1x2048xi1> to vector<1024x2048xi1>
    %and3A_359 = arith.andi %and3A_357, %and3A_358 : vector<1024x2048xi1>
    %convert_element_type3A_360 = arith.extui %and3A_359 : vector<1024x2048xi1> to vector<1024x2048xi32>
    %convert_element_type3A_361 = arith.sitofp %convert_element_type3A_360 : vector<1024x2048xi32> to vector<1024x2048xf32>
    %reduce_sum3A_362 = arith.constant dense<0.000000e+00> : vector<1024xf32>
    %reduce_sum3A_363 = vector.multi_reduction <add>, %convert_element_type3A_361, %reduce_sum3A_362 [1] : vector<1024x2048xf32> to vector<1024xf32>
    %broadcast_in_dim3A_364 = vector.shape_cast %reduce_sum3A_363 : vector<1024xf32> to vector<1024x1xf32>
    %add3A_365 = arith.addf %add3A_347, %broadcast_in_dim3A_364 : vector<1024x1xf32>
    %slice3A_366 = vector.extract_strided_slice %add3A_19 {offsets = [0, 20480], sizes = [1, 2048], strides = [1, 1]} : vector<1x22528xi32> to vector<1x2048xi32>
    %slice3A_367 = vector.extract_strided_slice %and3A_24 {offsets = [0, 20480], sizes = [1, 2048], strides = [1, 1]} : vector<1x22528xi32> to vector<1x2048xi32>
    %slice3A_368 = vector.extract_strided_slice %gt3A_15 {offsets = [0, 20480], sizes = [1, 2048], strides = [1, 1]} : vector<1x22528xi1> to vector<1x2048xi1>
    %eq3A_369 = vector.broadcast %reduce_sum3A_175 : i32 to vector<1x2048xi32>
    %eq3A_370 = arith.cmpi eq, %slice3A_366, %eq3A_369 : vector<1x2048xi32>
    %gt3A_371 = vector.broadcast %slice3A_367 : vector<1x2048xi32> to vector<1024x2048xi32>
    %gt3A_372 = vector.broadcast %iota3A : vector<1024x1xi32> to vector<1024x2048xi32>
    %gt3A_373 = arith.cmpi sgt, %gt3A_371, %gt3A_372 : vector<1024x2048xi32>
    %and3A_374 = vector.broadcast %eq3A_370 : vector<1x2048xi1> to vector<1024x2048xi1>
    %and3A_375 = arith.andi %and3A_374, %gt3A_373 : vector<1024x2048xi1>
    %and3A_376 = vector.broadcast %slice3A_368 : vector<1x2048xi1> to vector<1024x2048xi1>
    %and3A_377 = arith.andi %and3A_375, %and3A_376 : vector<1024x2048xi1>
    %convert_element_type3A_378 = arith.extui %and3A_377 : vector<1024x2048xi1> to vector<1024x2048xi32>
    %convert_element_type3A_379 = arith.sitofp %convert_element_type3A_378 : vector<1024x2048xi32> to vector<1024x2048xf32>
    %reduce_sum3A_380 = arith.constant dense<0.000000e+00> : vector<1024xf32>
    %reduce_sum3A_381 = vector.multi_reduction <add>, %convert_element_type3A_379, %reduce_sum3A_380 [1] : vector<1024x2048xf32> to vector<1024xf32>
    %broadcast_in_dim3A_382 = vector.shape_cast %reduce_sum3A_381 : vector<1024xf32> to vector<1024x1xf32>
    %add3A_383 = arith.addf %add3A_365, %broadcast_in_dim3A_382 : vector<1024x1xf32>
    %ge3A_384 = vector.broadcast %sub3A : f32 to vector<1024x1xf32>
    %ge3A_385 = arith.cmpf oge, %add3A_383, %ge3A_384 : vector<1024x1xf32>
    %convert_element_type3A_386 = arith.extui %ge3A_385 : vector<1024x1xi1> to vector<1024x1xi32>
    %reduce_sum3A_387 = vector.shape_cast %convert_element_type3A_386 : vector<1024x1xi32> to vector<1x1024x1xi32>
    %reduce_sum3A_388 = arith.constant dense<0> : vector<1xi32>
    %reduce_sum3A_389 = vector.multi_reduction <add>, %reduce_sum3A_387, %reduce_sum3A_388 [1, 2] : vector<1x1024x1xi32> to vector<1xi32>
    %reduce_sum3A_390 = vector.shape_cast %reduce_sum3A_389 : vector<1xi32> to vector<1x1x1xi32>
    %reduce_sum3A_391 = vector.extract %reduce_sum3A_390[0, 0, 0] : i32 from vector<1x1x1xi32>
    %gt3A_392 = vector.broadcast %reduce_sum3A_175 : i32 to vector<1x22528xi32>
    %gt3A_393 = arith.cmpi sgt, %add3A_19, %gt3A_392 : vector<1x22528xi32>
    %eq3A_394 = vector.broadcast %reduce_sum3A_175 : i32 to vector<1x22528xi32>
    %eq3A_395 = arith.cmpi eq, %add3A_19, %eq3A_394 : vector<1x22528xi32>
    %ge3A_396 = vector.broadcast %reduce_sum3A_391 : i32 to vector<1x22528xi32>
    %ge3A_397 = arith.cmpi sge, %and3A_24, %ge3A_396 : vector<1x22528xi32>
    %and3A_398 = arith.andi %eq3A_395, %ge3A_397 : vector<1x22528xi1>
    %or3A = arith.ori %gt3A_393, %and3A_398 : vector<1x22528xi1>
    %and3A_399 = arith.andi %gt3A_15, %or3A : vector<1x22528xi1>
    %convert_element_type3A_400 = arith.extui %and3A_399 : vector<1x22528xi1> to vector<1x22528xi32>
    %convert_element_type3A_401 = arith.sitofp %convert_element_type3A_400 : vector<1x22528xi32> to vector<1x22528xf32>
    %swap3A = arith.constant 0 : index
    %swap3A_402 = arith.constant 0 : index
    %swap3A_403 = arith.constant 0 : index
    %swap3A_404 = vector.load %arg3[%swap3A, %swap3A_402, %swap3A_403] : memref<1x1x22528xf32, #tpu.memory_space<vmem>>, vector<1x1x22528xf32>
    %swap3A_405 = vector.shape_cast %swap3A_404 : vector<1x1x22528xf32> to vector<1x22528xf32>
    %swap3A_406 = vector.shape_cast %convert_element_type3A_401 : vector<1x22528xf32> to vector<1x1x22528xf32>
    tpu.vector_store %arg3[%swap3A, %swap3A_402, %swap3A_403], %swap3A_406 {strides = array<i32>} : memref<1x1x22528xf32, #tpu.memory_space<vmem>>, vector<1x1x22528xf32>,
    return
  }
  func.func @transform_0(%arg0: i32) -> (i32, i32, i32) {
    %c0_i32 = arith.constant 0 : i32
    %c0_i32_0 = arith.constant 0 : i32
    %c0_i32_1 = arith.constant 0 : i32
    return %arg0, %c0_i32, %c0_i32_0 : i32, i32, i32
  }
  func.func @transform_1(%arg0: i32) -> (i32, i32, i32) {
    %c0_i32 = arith.constant 0 : i32
    %c0_i32_0 = arith.constant 0 : i32
    %c0_i32_1 = arith.constant 0 : i32
    return %arg0, %c0_i32, %c0_i32_0 : i32, i32, i32
  }
  func.func @transform_2(%arg0: i32) -> (i32, i32, i32) {
    %c0_i32 = arith.constant 0 : i32
    %c0_i32_0 = arith.constant 0 : i32
    %c0_i32_1 = arith.constant 0 : i32
    return %arg0, %c0_i32, %c0_i32_0 : i32, i32, i32
  }
}

module attributes {stable_mosaic.version = 14 : i64} {
  func.func @_k2_body(%arg0: i32, %arg1: i32, %arg2: memref<1x512x1xf32, #tpu.memory_space<vmem>>, %arg3: memref<1x1x8192xf32, #tpu.memory_space<vmem>>, %arg4: memref<1x512x1xi32, #tpu.memory_space<vmem>>) attributes {dimension_semantics = [#tpu.dimension_semantics<arbitrary>, #tpu.dimension_semantics<arbitrary>], iteration_bounds = array<i64: 4, 16>, scalar_prefetch = 0 : i64, scratch_operands = 0 : i64, tpu.core_type = #tpu.core_type<tc>, window_params = [{transform_indices = @transform_0, window_bounds = array<i64: 1, 512, 1>}, {transform_indices = @transform_1, window_bounds = array<i64: 1, 1, 8192>}, {transform_indices = @transform_2, window_bounds = array<i64: 1, 512, 1>}]} {
    %get3A = arith.constant 0 : index
    %get3A_0 = arith.constant 0 : index
    %get3A_1 = arith.constant 0 : index
    %get3A_2 = vector.load %arg2[%get3A, %get3A_0, %get3A_1] : memref<1x512x1xf32, #tpu.memory_space<vmem>>, vector<1x512x1xf32>
    %get3A_3 = vector.shape_cast %get3A_2 : vector<1x512x1xf32> to vector<512x1xf32>
    %mul3A = arith.constant 512 : i32
    %mul3A_4 = arith.muli %arg1, %mul3A : i32
    %iota3A = tpu.iota {dimensions = array<i32: 0>} : vector<512x1xi32>
    %add3A = vector.broadcast %mul3A_4 : i32 to vector<512x1xi32>
    %add3A_5 = arith.addi %add3A, %iota3A : vector<512x1xi32>
    %broadcast_in_dim3A = arith.constant 0.000000e+00 : f32
    %broadcast_in_dim3A_6 = vector.broadcast %broadcast_in_dim3A : f32 to vector<512x1xf32>
    %get3A_7 = arith.constant 0 : index
    %get3A_8 = arith.constant 0 : index
    %get3A_9 = arith.constant 0 : index
    %get3A_10 = vector.load %arg3[%get3A_7, %get3A_8, %get3A_9] : memref<1x1x8192xf32, #tpu.memory_space<vmem>>, vector<1x1x2048xf32>
    %get3A_11 = vector.shape_cast %get3A_10 : vector<1x1x2048xf32> to vector<1x2048xf32>
    %iota3A_12 = tpu.iota {dimensions = array<i32: 1>} : vector<1x2048xi32>
    %add3A_13 = arith.constant 0 : i32
    %add3A_14 = vector.broadcast %add3A_13 : i32 to vector<1x2048xi32>
    %add3A_15 = arith.addi %add3A_14, %iota3A_12 : vector<1x2048xi32>
    %gt3A = vector.broadcast %get3A_11 : vector<1x2048xf32> to vector<512x2048xf32>
    %gt3A_16 = vector.broadcast %get3A_3 : vector<512x1xf32> to vector<512x2048xf32>
    %gt3A_17 = arith.cmpf ogt, %gt3A, %gt3A_16 : vector<512x2048xf32>
    %eq3A = vector.broadcast %get3A_11 : vector<1x2048xf32> to vector<512x2048xf32>
    %eq3A_18 = vector.broadcast %get3A_3 : vector<512x1xf32> to vector<512x2048xf32>
    %eq3A_19 = arith.cmpf oeq, %eq3A, %eq3A_18 : vector<512x2048xf32>
    %lt3A = vector.broadcast %add3A_15 : vector<1x2048xi32> to vector<512x2048xi32>
    %lt3A_20 = vector.broadcast %add3A_5 : vector<512x1xi32> to vector<512x2048xi32>
    %lt3A_21 = arith.cmpi slt, %lt3A, %lt3A_20 : vector<512x2048xi32>
    %and3A = arith.andi %eq3A_19, %lt3A_21 : vector<512x2048xi1>
    %or3A = arith.ori %gt3A_17, %and3A : vector<512x2048xi1>
    %convert_element_type3A = arith.extui %or3A : vector<512x2048xi1> to vector<512x2048xi32>
    %convert_element_type3A_22 = arith.sitofp %convert_element_type3A : vector<512x2048xi32> to vector<512x2048xf32>
    %reduce_sum3A = arith.constant dense<0.000000e+00> : vector<512xf32>
    %reduce_sum3A_23 = vector.multi_reduction <add>, %convert_element_type3A_22, %reduce_sum3A [1] : vector<512x2048xf32> to vector<512xf32>
    %broadcast_in_dim3A_24 = vector.shape_cast %reduce_sum3A_23 : vector<512xf32> to vector<512x1xf32>
    %add3A_25 = arith.addf %broadcast_in_dim3A_6, %broadcast_in_dim3A_24 : vector<512x1xf32>
    %get3A_26 = arith.constant 0 : index
    %get3A_27 = arith.constant 0 : index
    %get3A_28 = arith.constant 2048 : index
    %get3A_29 = vector.load %arg3[%get3A_26, %get3A_27, %get3A_28] : memref<1x1x8192xf32, #tpu.memory_space<vmem>>, vector<1x1x2048xf32>
    %get3A_30 = vector.shape_cast %get3A_29 : vector<1x1x2048xf32> to vector<1x2048xf32>
    %iota3A_31 = tpu.iota {dimensions = array<i32: 1>} : vector<1x2048xi32>
    %add3A_32 = arith.constant 2048 : i32
    %add3A_33 = vector.broadcast %add3A_32 : i32 to vector<1x2048xi32>
    %add3A_34 = arith.addi %add3A_33, %iota3A_31 : vector<1x2048xi32>
    %gt3A_35 = vector.broadcast %get3A_30 : vector<1x2048xf32> to vector<512x2048xf32>
    %gt3A_36 = vector.broadcast %get3A_3 : vector<512x1xf32> to vector<512x2048xf32>
    %gt3A_37 = arith.cmpf ogt, %gt3A_35, %gt3A_36 : vector<512x2048xf32>
    %eq3A_38 = vector.broadcast %get3A_30 : vector<1x2048xf32> to vector<512x2048xf32>
    %eq3A_39 = vector.broadcast %get3A_3 : vector<512x1xf32> to vector<512x2048xf32>
    %eq3A_40 = arith.cmpf oeq, %eq3A_38, %eq3A_39 : vector<512x2048xf32>
    %lt3A_41 = vector.broadcast %add3A_34 : vector<1x2048xi32> to vector<512x2048xi32>
    %lt3A_42 = vector.broadcast %add3A_5 : vector<512x1xi32> to vector<512x2048xi32>
    %lt3A_43 = arith.cmpi slt, %lt3A_41, %lt3A_42 : vector<512x2048xi32>
    %and3A_44 = arith.andi %eq3A_40, %lt3A_43 : vector<512x2048xi1>
    %or3A_45 = arith.ori %gt3A_37, %and3A_44 : vector<512x2048xi1>
    %convert_element_type3A_46 = arith.extui %or3A_45 : vector<512x2048xi1> to vector<512x2048xi32>
    %convert_element_type3A_47 = arith.sitofp %convert_element_type3A_46 : vector<512x2048xi32> to vector<512x2048xf32>
    %reduce_sum3A_48 = arith.constant dense<0.000000e+00> : vector<512xf32>
    %reduce_sum3A_49 = vector.multi_reduction <add>, %convert_element_type3A_47, %reduce_sum3A_48 [1] : vector<512x2048xf32> to vector<512xf32>
    %broadcast_in_dim3A_50 = vector.shape_cast %reduce_sum3A_49 : vector<512xf32> to vector<512x1xf32>
    %add3A_51 = arith.addf %add3A_25, %broadcast_in_dim3A_50 : vector<512x1xf32>
    %get3A_52 = arith.constant 0 : index
    %get3A_53 = arith.constant 0 : index
    %get3A_54 = arith.constant 4096 : index
    %get3A_55 = vector.load %arg3[%get3A_52, %get3A_53, %get3A_54] : memref<1x1x8192xf32, #tpu.memory_space<vmem>>, vector<1x1x2048xf32>
    %get3A_56 = vector.shape_cast %get3A_55 : vector<1x1x2048xf32> to vector<1x2048xf32>
    %iota3A_57 = tpu.iota {dimensions = array<i32: 1>} : vector<1x2048xi32>
    %add3A_58 = arith.constant 4096 : i32
    %add3A_59 = vector.broadcast %add3A_58 : i32 to vector<1x2048xi32>
    %add3A_60 = arith.addi %add3A_59, %iota3A_57 : vector<1x2048xi32>
    %gt3A_61 = vector.broadcast %get3A_56 : vector<1x2048xf32> to vector<512x2048xf32>
    %gt3A_62 = vector.broadcast %get3A_3 : vector<512x1xf32> to vector<512x2048xf32>
    %gt3A_63 = arith.cmpf ogt, %gt3A_61, %gt3A_62 : vector<512x2048xf32>
    %eq3A_64 = vector.broadcast %get3A_56 : vector<1x2048xf32> to vector<512x2048xf32>
    %eq3A_65 = vector.broadcast %get3A_3 : vector<512x1xf32> to vector<512x2048xf32>
    %eq3A_66 = arith.cmpf oeq, %eq3A_64, %eq3A_65 : vector<512x2048xf32>
    %lt3A_67 = vector.broadcast %add3A_60 : vector<1x2048xi32> to vector<512x2048xi32>
    %lt3A_68 = vector.broadcast %add3A_5 : vector<512x1xi32> to vector<512x2048xi32>
    %lt3A_69 = arith.cmpi slt, %lt3A_67, %lt3A_68 : vector<512x2048xi32>
    %and3A_70 = arith.andi %eq3A_66, %lt3A_69 : vector<512x2048xi1>
    %or3A_71 = arith.ori %gt3A_63, %and3A_70 : vector<512x2048xi1>
    %convert_element_type3A_72 = arith.extui %or3A_71 : vector<512x2048xi1> to vector<512x2048xi32>
    %convert_element_type3A_73 = arith.sitofp %convert_element_type3A_72 : vector<512x2048xi32> to vector<512x2048xf32>
    %reduce_sum3A_74 = arith.constant dense<0.000000e+00> : vector<512xf32>
    %reduce_sum3A_75 = vector.multi_reduction <add>, %convert_element_type3A_73, %reduce_sum3A_74 [1] : vector<512x2048xf32> to vector<512xf32>
    %broadcast_in_dim3A_76 = vector.shape_cast %reduce_sum3A_75 : vector<512xf32> to vector<512x1xf32>
    %add3A_77 = arith.addf %add3A_51, %broadcast_in_dim3A_76 : vector<512x1xf32>
    %get3A_78 = arith.constant 0 : index
    %get3A_79 = arith.constant 0 : index
    %get3A_80 = arith.constant 6144 : index
    %get3A_81 = vector.load %arg3[%get3A_78, %get3A_79, %get3A_80] : memref<1x1x8192xf32, #tpu.memory_space<vmem>>, vector<1x1x2048xf32>
    %get3A_82 = vector.shape_cast %get3A_81 : vector<1x1x2048xf32> to vector<1x2048xf32>
    %iota3A_83 = tpu.iota {dimensions = array<i32: 1>} : vector<1x2048xi32>
    %add3A_84 = arith.constant 6144 : i32
    %add3A_85 = vector.broadcast %add3A_84 : i32 to vector<1x2048xi32>
    %add3A_86 = arith.addi %add3A_85, %iota3A_83 : vector<1x2048xi32>
    %gt3A_87 = vector.broadcast %get3A_82 : vector<1x2048xf32> to vector<512x2048xf32>
    %gt3A_88 = vector.broadcast %get3A_3 : vector<512x1xf32> to vector<512x2048xf32>
    %gt3A_89 = arith.cmpf ogt, %gt3A_87, %gt3A_88 : vector<512x2048xf32>
    %eq3A_90 = vector.broadcast %get3A_82 : vector<1x2048xf32> to vector<512x2048xf32>
    %eq3A_91 = vector.broadcast %get3A_3 : vector<512x1xf32> to vector<512x2048xf32>
    %eq3A_92 = arith.cmpf oeq, %eq3A_90, %eq3A_91 : vector<512x2048xf32>
    %lt3A_93 = vector.broadcast %add3A_86 : vector<1x2048xi32> to vector<512x2048xi32>
    %lt3A_94 = vector.broadcast %add3A_5 : vector<512x1xi32> to vector<512x2048xi32>
    %lt3A_95 = arith.cmpi slt, %lt3A_93, %lt3A_94 : vector<512x2048xi32>
    %and3A_96 = arith.andi %eq3A_92, %lt3A_95 : vector<512x2048xi1>
    %or3A_97 = arith.ori %gt3A_89, %and3A_96 : vector<512x2048xi1>
    %convert_element_type3A_98 = arith.extui %or3A_97 : vector<512x2048xi1> to vector<512x2048xi32>
    %convert_element_type3A_99 = arith.sitofp %convert_element_type3A_98 : vector<512x2048xi32> to vector<512x2048xf32>
    %reduce_sum3A_100 = arith.constant dense<0.000000e+00> : vector<512xf32>
    %reduce_sum3A_101 = vector.multi_reduction <add>, %convert_element_type3A_99, %reduce_sum3A_100 [1] : vector<512x2048xf32> to vector<512xf32>
    %broadcast_in_dim3A_102 = vector.shape_cast %reduce_sum3A_101 : vector<512xf32> to vector<512x1xf32>
    %add3A_103 = arith.addf %add3A_77, %broadcast_in_dim3A_102 : vector<512x1xf32>
    %convert_element_type3A_104 = arith.fptosi %add3A_103 : vector<512x1xf32> to vector<512x1xi32>
    %swap3A = arith.constant 0 : index
    %swap3A_105 = arith.constant 0 : index
    %swap3A_106 = arith.constant 0 : index
    %swap3A_107 = vector.load %arg4[%swap3A, %swap3A_105, %swap3A_106] : memref<1x512x1xi32, #tpu.memory_space<vmem>>, vector<1x512x1xi32>
    %swap3A_108 = vector.shape_cast %swap3A_107 : vector<1x512x1xi32> to vector<512x1xi32>
    %swap3A_109 = vector.shape_cast %convert_element_type3A_104 : vector<512x1xi32> to vector<1x512x1xi32>
    tpu.vector_store %arg4[%swap3A, %swap3A_105, %swap3A_106], %swap3A_109 {strides = array<i32>} : memref<1x512x1xi32, #tpu.memory_space<vmem>>, vector<1x512x1xi32>,
    return
  }
  func.func @transform_0(%arg0: i32, %arg1: i32) -> (i32, i32, i32) {
    %c0_i32 = arith.constant 0 : i32
    %c0_i32_0 = arith.constant 0 : i32
    return %arg0, %arg1, %c0_i32 : i32, i32, i32
  }
  func.func @transform_1(%arg0: i32, %arg1: i32) -> (i32, i32, i32) {
    %c0_i32 = arith.constant 0 : i32
    %c0_i32_0 = arith.constant 0 : i32
    %c0_i32_1 = arith.constant 0 : i32
    return %arg0, %c0_i32, %c0_i32_0 : i32, i32, i32
  }
  func.func @transform_2(%arg0: i32, %arg1: i32) -> (i32, i32, i32) {
    %c0_i32 = arith.constant 0 : i32
    %c0_i32_0 = arith.constant 0 : i32
    return %arg0, %arg1, %c0_i32 : i32, i32, i32
  }
}

module attributes {stable_mosaic.version = 14 : i64} {
  func.func @_k4_body(%arg0: memref<4x48x128xf32, #tpu.memory_space<vmem>>, %arg1: memref<4x48x128xf32, #tpu.memory_space<vmem>>, %arg2: memref<4x48x128xf32, #tpu.memory_space<vmem>>, %arg3: memref<4x48x128xf32, #tpu.memory_space<vmem>>, %arg4: memref<4x8x128xf32, #tpu.memory_space<vmem>>, %arg5: memref<4x48x128xf32, #tpu.memory_space<vmem>>) attributes {dimension_semantics = [], scalar_prefetch = 0 : i64, scratch_operands = 0 : i64, tpu.core_type = #tpu.core_type<tc>} {
    %get3A = arith.constant 0 : index
    %get3A_0 = arith.constant 0 : index
    %get3A_1 = arith.constant 0 : index
    %get3A_2 = vector.load %arg4[%get3A, %get3A_0, %get3A_1] : memref<4x8x128xf32, #tpu.memory_space<vmem>>, vector<4x8x128xf32>
    %reduce_min3A = vector.shape_cast %get3A_2 : vector<4x8x128xf32> to vector<1x4x8x128xf32>
    %reduce_min3A_3 = arith.constant dense<0x7F800000> : vector<1xf32>
    %reduce_min3A_4 = vector.multi_reduction <minimumf>, %reduce_min3A, %reduce_min3A_3 [1, 2, 3] : vector<1x4x8x128xf32> to vector<1xf32>
    %reduce_min3A_5 = vector.shape_cast %reduce_min3A_4 : vector<1xf32> to vector<1x1x1x1xf32>
    %reduce_min3A_6 = vector.extract %reduce_min3A_5[0, 0, 0, 0] : f32 from vector<1x1x1x1xf32>
    %convert_element_type3A = arith.fptosi %reduce_min3A_6 : f32 to i32
    %min3A = arith.constant 6000 : i32
    %min3A_7 = arith.minsi %min3A, %convert_element_type3A : i32
    %iota3A = tpu.iota {dimensions = array<i32: 1>} : vector<4x48x128xi32>
    %iota3A_8 = tpu.iota {dimensions = array<i32: 2>} : vector<4x48x128xi32>
    %mul3A = arith.constant 128 : i32
    %mul3A_9 = vector.broadcast %mul3A : i32 to vector<4x48x128xi32>
    %mul3A_10 = arith.muli %iota3A, %mul3A_9 : vector<4x48x128xi32>
    %add3A = arith.addi %mul3A_10, %iota3A_8 : vector<4x48x128xi32>
    %lt3A = vector.broadcast %min3A_7 : i32 to vector<4x48x128xi32>
    %lt3A_11 = arith.cmpi slt, %add3A, %lt3A : vector<4x48x128xi32>
    %convert_element_type3A_12 = arith.extui %lt3A_11 : vector<4x48x128xi1> to vector<4x48x128xi32>
    %convert_element_type3A_13 = arith.sitofp %convert_element_type3A_12 : vector<4x48x128xi32> to vector<4x48x128xf32>
    %iota3A_14 = tpu.iota {dimensions = array<i32: 1>} : vector<4x2x128xi32>
    %mul3A_15 = arith.constant 128 : i32
    %mul3A_16 = vector.broadcast %mul3A_15 : i32 to vector<4x2x128xi32>
    %mul3A_17 = arith.muli %iota3A_14, %mul3A_16 : vector<4x2x128xi32>
    %iota3A_18 = tpu.iota {dimensions = array<i32: 2>} : vector<4x2x128xi32>
    %add3A_19 = arith.addi %mul3A_17, %iota3A_18 : vector<4x2x128xi32>
    %broadcast_in_dim3A = arith.constant 0.000000e+00 : f32
    %broadcast_in_dim3A_20 = vector.broadcast %broadcast_in_dim3A : f32 to vector<4x1x1xf32>
    %get3A_21 = arith.constant 0 : index
    %get3A_22 = arith.constant 0 : index
    %get3A_23 = arith.constant 0 : index
    %get3A_24 = vector.load %arg0[%get3A_21, %get3A_22, %get3A_23] : memref<4x48x128xf32, #tpu.memory_space<vmem>>, vector<4x48x128xf32>
    %get3A_25 = arith.constant 0 : index
    %get3A_26 = arith.constant 0 : index
    %get3A_27 = arith.constant 0 : index
    %get3A_28 = vector.load %arg1[%get3A_25, %get3A_26, %get3A_27] : memref<4x48x128xf32, #tpu.memory_space<vmem>>, vector<4x48x128xf32>
    %get3A_29 = arith.constant 0 : index
    %get3A_30 = arith.constant 0 : index
    %get3A_31 = arith.constant 0 : index
    %get3A_32 = vector.load %arg2[%get3A_29, %get3A_30, %get3A_31] : memref<4x48x128xf32, #tpu.memory_space<vmem>>, vector<4x48x128xf32>
    %get3A_33 = arith.constant 0 : index
    %get3A_34 = arith.constant 0 : index
    %get3A_35 = arith.constant 0 : index
    %get3A_36 = vector.load %arg3[%get3A_33, %get3A_34, %get3A_35] : memref<4x48x128xf32, #tpu.memory_space<vmem>>, vector<4x48x128xf32>
    %sub3A = arith.subf %get3A_32, %get3A_24 : vector<4x48x128xf32>
    %add3A_37 = arith.constant 1.000000e+00 : f32
    %add3A_38 = vector.broadcast %add3A_37 : f32 to vector<4x48x128xf32>
    %add3A_39 = arith.addf %sub3A, %add3A_38 : vector<4x48x128xf32>
    %sub3A_40 = arith.subf %get3A_36, %get3A_28 : vector<4x48x128xf32>
    %add3A_41 = arith.constant 1.000000e+00 : f32
    %add3A_42 = vector.broadcast %add3A_41 : f32 to vector<4x48x128xf32>
    %add3A_43 = arith.addf %sub3A_40, %add3A_42 : vector<4x48x128xf32>
    %mul3A_44 = arith.mulf %add3A_39, %add3A_43 : vector<4x48x128xf32>
    %sub3A_45 = arith.constant 0 : i32
    %sub3A_46 = vector.broadcast %sub3A_45 : i32 to vector<4x48x128xi32>
    %sub3A_47 = arith.subi %add3A, %sub3A_46 : vector<4x48x128xi32>
    %slice3A = vector.extract_strided_slice %get3A_24 {offsets = [0, 0, 0], sizes = [4, 2, 128], strides = [1, 1, 1]} : vector<4x48x128xf32> to vector<4x2x128xf32>
    %slice3A_48 = vector.extract_strided_slice %get3A_28 {offsets = [0, 0, 0], sizes = [4, 2, 128], strides = [1, 1, 1]} : vector<4x48x128xf32> to vector<4x2x128xf32>
    %slice3A_49 = vector.extract_strided_slice %get3A_32 {offsets = [0, 0, 0], sizes = [4, 2, 128], strides = [1, 1, 1]} : vector<4x48x128xf32> to vector<4x2x128xf32>
    %slice3A_50 = vector.extract_strided_slice %get3A_36 {offsets = [0, 0, 0], sizes = [4, 2, 128], strides = [1, 1, 1]} : vector<4x48x128xf32> to vector<4x2x128xf32>
    %reduce_min3A_51 = vector.shape_cast %broadcast_in_dim3A_20 : vector<4x1x1xf32> to vector<1x4x1x1xf32>
    %reduce_min3A_52 = arith.constant dense<0x7F800000> : vector<1xf32>
    %reduce_min3A_53 = vector.multi_reduction <minimumf>, %reduce_min3A_51, %reduce_min3A_52 [1, 2, 3] : vector<1x4x1x1xf32> to vector<1xf32>
    %reduce_min3A_54 = vector.shape_cast %reduce_min3A_53 : vector<1xf32> to vector<1x1x1x1xf32>
    %reduce_min3A_55 = vector.extract %reduce_min3A_54[0, 0, 0, 0] : f32 from vector<1x1x1x1xf32>
    %lt3A_56 = arith.constant 1.000000e+03 : f32
    %lt3A_57 = arith.cmpf olt, %reduce_min3A_55, %lt3A_56 : f32
    %broadcast_in_dim3A_58 = arith.constant 0.000000e+00 : f32
    %broadcast_in_dim3A_59 = vector.broadcast %broadcast_in_dim3A_58 : f32 to vector<4x2x128xf32>
    %convert_element_type3A_60 = arith.extui %lt3A_57 : i1 to i32
    %cond3A = arith.constant 1.000000e+03 : f32
    %cond3A_61 = arith.constant 0 : i32
    %cond3A_62 = arith.cmpi ne, %convert_element_type3A_60, %cond3A_61 : i32
    %cond3A_63:3 = scf.if %cond3A_62 -> (vector<4x48x128xf32>, vector<4x2x128xf32>, vector<4x1x1xf32>) {
      %scan3A = arith.constant 0 : i32
      %scan3A_891 = arith.constant 256 : i32
      %scan3A_892 = arith.addi %scan3A, %scan3A_891 : i32
      %scan3A_893 = arith.constant 1 : i32
      %scan3A_894:3 = scf.for %scan3A_896 = %scan3A to %scan3A_892 step %scan3A_893 iter_args(%scan3A_897 = %convert_element_type3A_13, %scan3A_898 = %broadcast_in_dim3A_59, %scan3A_899 = %broadcast_in_dim3A_20) -> (vector<4x48x128xf32>, vector<4x2x128xf32>, vector<4x1x1xf32>)  : i32 {
        %eq3A = vector.broadcast %scan3A_896 : i32 to vector<4x2x128xi32>
        %eq3A_900 = arith.cmpi eq, %add3A_19, %eq3A : vector<4x2x128xi32>
        %convert_element_type3A_901 = arith.extui %eq3A_900 : vector<4x2x128xi1> to vector<4x2x128xi32>
        %convert_element_type3A_902 = arith.sitofp %convert_element_type3A_901 : vector<4x2x128xi32> to vector<4x2x128xf32>
        %slice3A_903 = vector.extract_strided_slice %scan3A_897 {offsets = [0, 0, 0], sizes = [4, 2, 128], strides = [1, 1, 1]} : vector<4x48x128xf32> to vector<4x2x128xf32>
        %mul3A_904 = arith.mulf %slice3A_903, %convert_element_type3A_902 : vector<4x2x128xf32>
        %reduce_sum3A = arith.constant dense<0.000000e+00> : vector<4xf32>
        %reduce_sum3A_905 = vector.multi_reduction <add>, %mul3A_904, %reduce_sum3A [1, 2] : vector<4x2x128xf32> to vector<4xf32>
        %broadcast_in_dim3A_906 = vector.shape_cast %reduce_sum3A_905 : vector<4xf32> to vector<4x1x1xf32>
        %lt3A_907 = vector.broadcast %cond3A : f32 to vector<4x1x1xf32>
        %lt3A_908 = arith.cmpf olt, %scan3A_899, %lt3A_907 : vector<4x1x1xf32>
        %convert_element_type3A_909 = arith.extui %lt3A_908 : vector<4x1x1xi1> to vector<4x1x1xi32>
        %convert_element_type3A_910 = arith.sitofp %convert_element_type3A_909 : vector<4x1x1xi32> to vector<4x1x1xf32>
        %mul3A_911 = arith.mulf %broadcast_in_dim3A_906, %convert_element_type3A_910 : vector<4x1x1xf32>
        %mul3A_912 = arith.mulf %slice3A, %convert_element_type3A_902 : vector<4x2x128xf32>
        %reduce_sum3A_913 = arith.constant dense<0.000000e+00> : vector<4xf32>
        %reduce_sum3A_914 = vector.multi_reduction <add>, %mul3A_912, %reduce_sum3A_913 [1, 2] : vector<4x2x128xf32> to vector<4xf32>
        %broadcast_in_dim3A_915 = vector.shape_cast %reduce_sum3A_914 : vector<4xf32> to vector<4x1x1xf32>
        %mul3A_916 = arith.mulf %slice3A_48, %convert_element_type3A_902 : vector<4x2x128xf32>
        %reduce_sum3A_917 = arith.constant dense<0.000000e+00> : vector<4xf32>
        %reduce_sum3A_918 = vector.multi_reduction <add>, %mul3A_916, %reduce_sum3A_917 [1, 2] : vector<4x2x128xf32> to vector<4xf32>
        %broadcast_in_dim3A_919 = vector.shape_cast %reduce_sum3A_918 : vector<4xf32> to vector<4x1x1xf32>
        %mul3A_920 = arith.mulf %slice3A_49, %convert_element_type3A_902 : vector<4x2x128xf32>
        %reduce_sum3A_921 = arith.constant dense<0.000000e+00> : vector<4xf32>
        %reduce_sum3A_922 = vector.multi_reduction <add>, %mul3A_920, %reduce_sum3A_921 [1, 2] : vector<4x2x128xf32> to vector<4xf32>
        %broadcast_in_dim3A_923 = vector.shape_cast %reduce_sum3A_922 : vector<4xf32> to vector<4x1x1xf32>
        %mul3A_924 = arith.mulf %slice3A_50, %convert_element_type3A_902 : vector<4x2x128xf32>
        %reduce_sum3A_925 = arith.constant dense<0.000000e+00> : vector<4xf32>
        %reduce_sum3A_926 = vector.multi_reduction <add>, %mul3A_924, %reduce_sum3A_925 [1, 2] : vector<4x2x128xf32> to vector<4xf32>
        %broadcast_in_dim3A_927 = vector.shape_cast %reduce_sum3A_926 : vector<4xf32> to vector<4x1x1xf32>
        %sub3A_928 = arith.subf %broadcast_in_dim3A_923, %broadcast_in_dim3A_915 : vector<4x1x1xf32>
        %add3A_929 = arith.constant 1.000000e+00 : f32
        %add3A_930 = vector.broadcast %add3A_929 : f32 to vector<4x1x1xf32>
        %add3A_931 = arith.addf %sub3A_928, %add3A_930 : vector<4x1x1xf32>
        %sub3A_932 = arith.subf %broadcast_in_dim3A_927, %broadcast_in_dim3A_919 : vector<4x1x1xf32>
        %add3A_933 = arith.constant 1.000000e+00 : f32
        %add3A_934 = vector.broadcast %add3A_933 : f32 to vector<4x1x1xf32>
        %add3A_935 = arith.addf %sub3A_932, %add3A_934 : vector<4x1x1xf32>
        %mul3A_936 = arith.mulf %add3A_931, %add3A_935 : vector<4x1x1xf32>
        %max3A = vector.broadcast %broadcast_in_dim3A_915 : vector<4x1x1xf32> to vector<4x48x128xf32>
        %max3A_937 = arith.maximumf %max3A, %get3A_24 : vector<4x48x128xf32>
        %max3A_938 = vector.broadcast %broadcast_in_dim3A_919 : vector<4x1x1xf32> to vector<4x48x128xf32>
        %max3A_939 = arith.maximumf %max3A_938, %get3A_28 : vector<4x48x128xf32>
        %min3A_940 = vector.broadcast %broadcast_in_dim3A_923 : vector<4x1x1xf32> to vector<4x48x128xf32>
        %min3A_941 = arith.minimumf %min3A_940, %get3A_32 : vector<4x48x128xf32>
        %min3A_942 = vector.broadcast %broadcast_in_dim3A_927 : vector<4x1x1xf32> to vector<4x48x128xf32>
        %min3A_943 = arith.minimumf %min3A_942, %get3A_36 : vector<4x48x128xf32>
        %sub3A_944 = arith.subf %min3A_941, %max3A_937 : vector<4x48x128xf32>
        %add3A_945 = arith.constant 1.000000e+00 : f32
        %add3A_946 = vector.broadcast %add3A_945 : f32 to vector<4x48x128xf32>
        %add3A_947 = arith.addf %sub3A_944, %add3A_946 : vector<4x48x128xf32>
        %max3A_948 = arith.constant 0.000000e+00 : f32
        %max3A_949 = vector.broadcast %max3A_948 : f32 to vector<4x48x128xf32>
        %max3A_950 = arith.maximumf %max3A_949, %add3A_947 : vector<4x48x128xf32>
        %sub3A_951 = arith.subf %min3A_943, %max3A_939 : vector<4x48x128xf32>
        %add3A_952 = arith.constant 1.000000e+00 : f32
        %add3A_953 = vector.broadcast %add3A_952 : f32 to vector<4x48x128xf32>
        %add3A_954 = arith.addf %sub3A_951, %add3A_953 : vector<4x48x128xf32>
        %max3A_955 = arith.constant 0.000000e+00 : f32
        %max3A_956 = vector.broadcast %max3A_955 : f32 to vector<4x48x128xf32>
        %max3A_957 = arith.maximumf %max3A_956, %add3A_954 : vector<4x48x128xf32>
        %mul3A_958 = arith.mulf %max3A_950, %max3A_957 : vector<4x48x128xf32>
        %add3A_959 = vector.broadcast %mul3A_936 : vector<4x1x1xf32> to vector<4x48x128xf32>
        %add3A_960 = arith.addf %add3A_959, %mul3A_44 : vector<4x48x128xf32>
        %sub3A_961 = arith.subf %add3A_960, %mul3A_958 : vector<4x48x128xf32>
        %div3A = arith.divf %mul3A_958, %sub3A_961 : vector<4x48x128xf32>
        %gt3A = arith.constant 0.000000e+00 : f32
        %gt3A_962 = vector.broadcast %gt3A : f32 to vector<4x1x1xf32>
        %gt3A_963 = arith.cmpf ogt, %mul3A_911, %gt3A_962 : vector<4x1x1xf32>
        %gt3A_964 = arith.constant 0.699999988 : f32
        %gt3A_965 = vector.broadcast %gt3A_964 : f32 to vector<4x48x128xf32>
        %gt3A_966 = arith.cmpf ogt, %div3A, %gt3A_965 : vector<4x48x128xf32>
        %and3A = vector.broadcast %gt3A_963 : vector<4x1x1xi1> to vector<4x48x128xi1>
        %and3A_967 = arith.andi %and3A, %gt3A_966 : vector<4x48x128xi1>
        %gt3A_968 = vector.broadcast %scan3A_896 : i32 to vector<4x48x128xi32>
        %gt3A_969 = arith.cmpi sgt, %sub3A_47, %gt3A_968 : vector<4x48x128xi32>
        %and3A_970 = arith.andi %and3A_967, %gt3A_969 : vector<4x48x128xi1>
        %convert_element_type3A_971 = arith.extui %and3A_970 : vector<4x48x128xi1> to vector<4x48x128xi32>
        %convert_element_type3A_972 = arith.sitofp %convert_element_type3A_971 : vector<4x48x128xi32> to vector<4x48x128xf32>
        %mul3A_973 = vector.broadcast %mul3A_911 : vector<4x1x1xf32> to vector<4x2x128xf32>
        %mul3A_974 = arith.mulf %mul3A_973, %convert_element_type3A_902 : vector<4x2x128xf32>
        %max3A_975 = arith.maximumf %scan3A_898, %mul3A_974 : vector<4x2x128xf32>
        %sub3A_976 = arith.constant 1.000000e+00 : f32
        %sub3A_977 = vector.broadcast %sub3A_976 : f32 to vector<4x48x128xf32>
        %sub3A_978 = arith.subf %sub3A_977, %convert_element_type3A_972 : vector<4x48x128xf32>
        %mul3A_979 = arith.mulf %scan3A_897, %sub3A_978 : vector<4x48x128xf32>
        %add3A_980 = arith.addf %scan3A_899, %mul3A_911 : vector<4x1x1xf32>
        scf.yield %mul3A_979, %max3A_975, %add3A_980 : vector<4x48x128xf32>, vector<4x2x128xf32>, vector<4x1x1xf32>
      }
      %scan3A_895 = arith.constant 256 : i32
      scf.yield %scan3A_894#0, %scan3A_894#1, %scan3A_894#2 : vector<4x48x128xf32>, vector<4x2x128xf32>, vector<4x1x1xf32>
    } else {
      scf.yield %convert_element_type3A_13, %broadcast_in_dim3A_59, %broadcast_in_dim3A_20 : vector<4x48x128xf32>, vector<4x2x128xf32>, vector<4x1x1xf32>
    }
    %slice3A_64 = vector.extract_strided_slice %cond3A_63#0 {offsets = [0, 2, 0], sizes = [4, 46, 128], strides = [1, 1, 1]} : vector<4x48x128xf32> to vector<4x46x128xf32>
    %slice3A_65 = vector.extract_strided_slice %get3A_24 {offsets = [0, 2, 0], sizes = [4, 46, 128], strides = [1, 1, 1]} : vector<4x48x128xf32> to vector<4x46x128xf32>
    %slice3A_66 = vector.extract_strided_slice %get3A_28 {offsets = [0, 2, 0], sizes = [4, 46, 128], strides = [1, 1, 1]} : vector<4x48x128xf32> to vector<4x46x128xf32>
    %slice3A_67 = vector.extract_strided_slice %get3A_32 {offsets = [0, 2, 0], sizes = [4, 46, 128], strides = [1, 1, 1]} : vector<4x48x128xf32> to vector<4x46x128xf32>
    %slice3A_68 = vector.extract_strided_slice %get3A_36 {offsets = [0, 2, 0], sizes = [4, 46, 128], strides = [1, 1, 1]} : vector<4x48x128xf32> to vector<4x46x128xf32>
    %sub3A_69 = arith.subf %slice3A_67, %slice3A_65 : vector<4x46x128xf32>
    %add3A_70 = arith.constant 1.000000e+00 : f32
    %add3A_71 = vector.broadcast %add3A_70 : f32 to vector<4x46x128xf32>
    %add3A_72 = arith.addf %sub3A_69, %add3A_71 : vector<4x46x128xf32>
    %sub3A_73 = arith.subf %slice3A_68, %slice3A_66 : vector<4x46x128xf32>
    %add3A_74 = arith.constant 1.000000e+00 : f32
    %add3A_75 = vector.broadcast %add3A_74 : f32 to vector<4x46x128xf32>
    %add3A_76 = arith.addf %sub3A_73, %add3A_75 : vector<4x46x128xf32>
    %mul3A_77 = arith.mulf %add3A_72, %add3A_76 : vector<4x46x128xf32>
    %slice3A_78 = vector.extract_strided_slice %add3A {offsets = [0, 2, 0], sizes = [4, 46, 128], strides = [1, 1, 1]} : vector<4x48x128xi32> to vector<4x46x128xi32>
    %sub3A_79 = arith.constant 256 : i32
    %sub3A_80 = vector.broadcast %sub3A_79 : i32 to vector<4x46x128xi32>
    %sub3A_81 = arith.subi %slice3A_78, %sub3A_80 : vector<4x46x128xi32>
    %slice3A_82 = vector.extract_strided_slice %slice3A_65 {offsets = [0, 0, 0], sizes = [4, 2, 128], strides = [1, 1, 1]} : vector<4x46x128xf32> to vector<4x2x128xf32>
    %slice3A_83 = vector.extract_strided_slice %slice3A_66 {offsets = [0, 0, 0], sizes = [4, 2, 128], strides = [1, 1, 1]} : vector<4x46x128xf32> to vector<4x2x128xf32>
    %slice3A_84 = vector.extract_strided_slice %slice3A_67 {offsets = [0, 0, 0], sizes = [4, 2, 128], strides = [1, 1, 1]} : vector<4x46x128xf32> to vector<4x2x128xf32>
    %slice3A_85 = vector.extract_strided_slice %slice3A_68 {offsets = [0, 0, 0], sizes = [4, 2, 128], strides = [1, 1, 1]} : vector<4x46x128xf32> to vector<4x2x128xf32>
    %reduce_min3A_86 = vector.shape_cast %cond3A_63#2 : vector<4x1x1xf32> to vector<1x4x1x1xf32>
    %reduce_min3A_87 = arith.constant dense<0x7F800000> : vector<1xf32>
    %reduce_min3A_88 = vector.multi_reduction <minimumf>, %reduce_min3A_86, %reduce_min3A_87 [1, 2, 3] : vector<1x4x1x1xf32> to vector<1xf32>
    %reduce_min3A_89 = vector.shape_cast %reduce_min3A_88 : vector<1xf32> to vector<1x1x1x1xf32>
    %reduce_min3A_90 = vector.extract %reduce_min3A_89[0, 0, 0, 0] : f32 from vector<1x1x1x1xf32>
    %lt3A_91 = arith.constant 1.000000e+03 : f32
    %lt3A_92 = arith.cmpf olt, %reduce_min3A_90, %lt3A_91 : f32
    %broadcast_in_dim3A_93 = arith.constant 0.000000e+00 : f32
    %broadcast_in_dim3A_94 = vector.broadcast %broadcast_in_dim3A_93 : f32 to vector<4x2x128xf32>
    %convert_element_type3A_95 = arith.extui %lt3A_92 : i1 to i32
    %cond3A_96 = arith.constant 1.000000e+03 : f32
    %cond3A_97 = arith.constant 0 : i32
    %cond3A_98 = arith.cmpi ne, %convert_element_type3A_95, %cond3A_97 : i32
    %cond3A_99:3 = scf.if %cond3A_98 -> (vector<4x46x128xf32>, vector<4x2x128xf32>, vector<4x1x1xf32>) {
      %scan3A = arith.constant 0 : i32
      %scan3A_891 = arith.constant 256 : i32
      %scan3A_892 = arith.addi %scan3A, %scan3A_891 : i32
      %scan3A_893 = arith.constant 1 : i32
      %scan3A_894:3 = scf.for %scan3A_896 = %scan3A to %scan3A_892 step %scan3A_893 iter_args(%scan3A_897 = %slice3A_64, %scan3A_898 = %broadcast_in_dim3A_94, %scan3A_899 = %cond3A_63#2) -> (vector<4x46x128xf32>, vector<4x2x128xf32>, vector<4x1x1xf32>)  : i32 {
        %eq3A = vector.broadcast %scan3A_896 : i32 to vector<4x2x128xi32>
        %eq3A_900 = arith.cmpi eq, %add3A_19, %eq3A : vector<4x2x128xi32>
        %convert_element_type3A_901 = arith.extui %eq3A_900 : vector<4x2x128xi1> to vector<4x2x128xi32>
        %convert_element_type3A_902 = arith.sitofp %convert_element_type3A_901 : vector<4x2x128xi32> to vector<4x2x128xf32>
        %slice3A_903 = vector.extract_strided_slice %scan3A_897 {offsets = [0, 0, 0], sizes = [4, 2, 128], strides = [1, 1, 1]} : vector<4x46x128xf32> to vector<4x2x128xf32>
        %mul3A_904 = arith.mulf %slice3A_903, %convert_element_type3A_902 : vector<4x2x128xf32>
        %reduce_sum3A = arith.constant dense<0.000000e+00> : vector<4xf32>
        %reduce_sum3A_905 = vector.multi_reduction <add>, %mul3A_904, %reduce_sum3A [1, 2] : vector<4x2x128xf32> to vector<4xf32>
        %broadcast_in_dim3A_906 = vector.shape_cast %reduce_sum3A_905 : vector<4xf32> to vector<4x1x1xf32>
        %lt3A_907 = vector.broadcast %cond3A_96 : f32 to vector<4x1x1xf32>
        %lt3A_908 = arith.cmpf olt, %scan3A_899, %lt3A_907 : vector<4x1x1xf32>
        %convert_element_type3A_909 = arith.extui %lt3A_908 : vector<4x1x1xi1> to vector<4x1x1xi32>
        %convert_element_type3A_910 = arith.sitofp %convert_element_type3A_909 : vector<4x1x1xi32> to vector<4x1x1xf32>
        %mul3A_911 = arith.mulf %broadcast_in_dim3A_906, %convert_element_type3A_910 : vector<4x1x1xf32>
        %mul3A_912 = arith.mulf %slice3A_82, %convert_element_type3A_902 : vector<4x2x128xf32>
        %reduce_sum3A_913 = arith.constant dense<0.000000e+00> : vector<4xf32>
        %reduce_sum3A_914 = vector.multi_reduction <add>, %mul3A_912, %reduce_sum3A_913 [1, 2] : vector<4x2x128xf32> to vector<4xf32>
        %broadcast_in_dim3A_915 = vector.shape_cast %reduce_sum3A_914 : vector<4xf32> to vector<4x1x1xf32>
        %mul3A_916 = arith.mulf %slice3A_83, %convert_element_type3A_902 : vector<4x2x128xf32>
        %reduce_sum3A_917 = arith.constant dense<0.000000e+00> : vector<4xf32>
        %reduce_sum3A_918 = vector.multi_reduction <add>, %mul3A_916, %reduce_sum3A_917 [1, 2] : vector<4x2x128xf32> to vector<4xf32>
        %broadcast_in_dim3A_919 = vector.shape_cast %reduce_sum3A_918 : vector<4xf32> to vector<4x1x1xf32>
        %mul3A_920 = arith.mulf %slice3A_84, %convert_element_type3A_902 : vector<4x2x128xf32>
        %reduce_sum3A_921 = arith.constant dense<0.000000e+00> : vector<4xf32>
        %reduce_sum3A_922 = vector.multi_reduction <add>, %mul3A_920, %reduce_sum3A_921 [1, 2] : vector<4x2x128xf32> to vector<4xf32>
        %broadcast_in_dim3A_923 = vector.shape_cast %reduce_sum3A_922 : vector<4xf32> to vector<4x1x1xf32>
        %mul3A_924 = arith.mulf %slice3A_85, %convert_element_type3A_902 : vector<4x2x128xf32>
        %reduce_sum3A_925 = arith.constant dense<0.000000e+00> : vector<4xf32>
        %reduce_sum3A_926 = vector.multi_reduction <add>, %mul3A_924, %reduce_sum3A_925 [1, 2] : vector<4x2x128xf32> to vector<4xf32>
        %broadcast_in_dim3A_927 = vector.shape_cast %reduce_sum3A_926 : vector<4xf32> to vector<4x1x1xf32>
        %sub3A_928 = arith.subf %broadcast_in_dim3A_923, %broadcast_in_dim3A_915 : vector<4x1x1xf32>
        %add3A_929 = arith.constant 1.000000e+00 : f32
        %add3A_930 = vector.broadcast %add3A_929 : f32 to vector<4x1x1xf32>
        %add3A_931 = arith.addf %sub3A_928, %add3A_930 : vector<4x1x1xf32>
        %sub3A_932 = arith.subf %broadcast_in_dim3A_927, %broadcast_in_dim3A_919 : vector<4x1x1xf32>
        %add3A_933 = arith.constant 1.000000e+00 : f32
        %add3A_934 = vector.broadcast %add3A_933 : f32 to vector<4x1x1xf32>
        %add3A_935 = arith.addf %sub3A_932, %add3A_934 : vector<4x1x1xf32>
        %mul3A_936 = arith.mulf %add3A_931, %add3A_935 : vector<4x1x1xf32>
        %max3A = vector.broadcast %broadcast_in_dim3A_915 : vector<4x1x1xf32> to vector<4x46x128xf32>
        %max3A_937 = arith.maximumf %max3A, %slice3A_65 : vector<4x46x128xf32>
        %max3A_938 = vector.broadcast %broadcast_in_dim3A_919 : vector<4x1x1xf32> to vector<4x46x128xf32>
        %max3A_939 = arith.maximumf %max3A_938, %slice3A_66 : vector<4x46x128xf32>
        %min3A_940 = vector.broadcast %broadcast_in_dim3A_923 : vector<4x1x1xf32> to vector<4x46x128xf32>
        %min3A_941 = arith.minimumf %min3A_940, %slice3A_67 : vector<4x46x128xf32>
        %min3A_942 = vector.broadcast %broadcast_in_dim3A_927 : vector<4x1x1xf32> to vector<4x46x128xf32>
        %min3A_943 = arith.minimumf %min3A_942, %slice3A_68 : vector<4x46x128xf32>
        %sub3A_944 = arith.subf %min3A_941, %max3A_937 : vector<4x46x128xf32>
        %add3A_945 = arith.constant 1.000000e+00 : f32
        %add3A_946 = vector.broadcast %add3A_945 : f32 to vector<4x46x128xf32>
        %add3A_947 = arith.addf %sub3A_944, %add3A_946 : vector<4x46x128xf32>
        %max3A_948 = arith.constant 0.000000e+00 : f32
        %max3A_949 = vector.broadcast %max3A_948 : f32 to vector<4x46x128xf32>
        %max3A_950 = arith.maximumf %max3A_949, %add3A_947 : vector<4x46x128xf32>
        %sub3A_951 = arith.subf %min3A_943, %max3A_939 : vector<4x46x128xf32>
        %add3A_952 = arith.constant 1.000000e+00 : f32
        %add3A_953 = vector.broadcast %add3A_952 : f32 to vector<4x46x128xf32>
        %add3A_954 = arith.addf %sub3A_951, %add3A_953 : vector<4x46x128xf32>
        %max3A_955 = arith.constant 0.000000e+00 : f32
        %max3A_956 = vector.broadcast %max3A_955 : f32 to vector<4x46x128xf32>
        %max3A_957 = arith.maximumf %max3A_956, %add3A_954 : vector<4x46x128xf32>
        %mul3A_958 = arith.mulf %max3A_950, %max3A_957 : vector<4x46x128xf32>
        %add3A_959 = vector.broadcast %mul3A_936 : vector<4x1x1xf32> to vector<4x46x128xf32>
        %add3A_960 = arith.addf %add3A_959, %mul3A_77 : vector<4x46x128xf32>
        %sub3A_961 = arith.subf %add3A_960, %mul3A_958 : vector<4x46x128xf32>
        %div3A = arith.divf %mul3A_958, %sub3A_961 : vector<4x46x128xf32>
        %gt3A = arith.constant 0.000000e+00 : f32
        %gt3A_962 = vector.broadcast %gt3A : f32 to vector<4x1x1xf32>
        %gt3A_963 = arith.cmpf ogt, %mul3A_911, %gt3A_962 : vector<4x1x1xf32>
        %gt3A_964 = arith.constant 0.699999988 : f32
        %gt3A_965 = vector.broadcast %gt3A_964 : f32 to vector<4x46x128xf32>
        %gt3A_966 = arith.cmpf ogt, %div3A, %gt3A_965 : vector<4x46x128xf32>
        %and3A = vector.broadcast %gt3A_963 : vector<4x1x1xi1> to vector<4x46x128xi1>
        %and3A_967 = arith.andi %and3A, %gt3A_966 : vector<4x46x128xi1>
        %gt3A_968 = vector.broadcast %scan3A_896 : i32 to vector<4x46x128xi32>
        %gt3A_969 = arith.cmpi sgt, %sub3A_81, %gt3A_968 : vector<4x46x128xi32>
        %and3A_970 = arith.andi %and3A_967, %gt3A_969 : vector<4x46x128xi1>
        %convert_element_type3A_971 = arith.extui %and3A_970 : vector<4x46x128xi1> to vector<4x46x128xi32>
        %convert_element_type3A_972 = arith.sitofp %convert_element_type3A_971 : vector<4x46x128xi32> to vector<4x46x128xf32>
        %mul3A_973 = vector.broadcast %mul3A_911 : vector<4x1x1xf32> to vector<4x2x128xf32>
        %mul3A_974 = arith.mulf %mul3A_973, %convert_element_type3A_902 : vector<4x2x128xf32>
        %max3A_975 = arith.maximumf %scan3A_898, %mul3A_974 : vector<4x2x128xf32>
        %sub3A_976 = arith.constant 1.000000e+00 : f32
        %sub3A_977 = vector.broadcast %sub3A_976 : f32 to vector<4x46x128xf32>
        %sub3A_978 = arith.subf %sub3A_977, %convert_element_type3A_972 : vector<4x46x128xf32>
        %mul3A_979 = arith.mulf %scan3A_897, %sub3A_978 : vector<4x46x128xf32>
        %add3A_980 = arith.addf %scan3A_899, %mul3A_911 : vector<4x1x1xf32>
        scf.yield %mul3A_979, %max3A_975, %add3A_980 : vector<4x46x128xf32>, vector<4x2x128xf32>, vector<4x1x1xf32>
      }
      %scan3A_895 = arith.constant 256 : i32
      scf.yield %scan3A_894#0, %scan3A_894#1, %scan3A_894#2 : vector<4x46x128xf32>, vector<4x2x128xf32>, vector<4x1x1xf32>
    } else {
      scf.yield %slice3A_64, %broadcast_in_dim3A_94, %cond3A_63#2 : vector<4x46x128xf32>, vector<4x2x128xf32>, vector<4x1x1xf32>
    }
    %slice3A_100 = vector.extract_strided_slice %cond3A_99#0 {offsets = [0, 2, 0], sizes = [4, 44, 128], strides = [1, 1, 1]} : vector<4x46x128xf32> to vector<4x44x128xf32>
    %slice3A_101 = vector.extract_strided_slice %get3A_24 {offsets = [0, 4, 0], sizes = [4, 44, 128], strides = [1, 1, 1]} : vector<4x48x128xf32> to vector<4x44x128xf32>
    %slice3A_102 = vector.extract_strided_slice %get3A_28 {offsets = [0, 4, 0], sizes = [4, 44, 128], strides = [1, 1, 1]} : vector<4x48x128xf32> to vector<4x44x128xf32>
    %slice3A_103 = vector.extract_strided_slice %get3A_32 {offsets = [0, 4, 0], sizes = [4, 44, 128], strides = [1, 1, 1]} : vector<4x48x128xf32> to vector<4x44x128xf32>
    %slice3A_104 = vector.extract_strided_slice %get3A_36 {offsets = [0, 4, 0], sizes = [4, 44, 128], strides = [1, 1, 1]} : vector<4x48x128xf32> to vector<4x44x128xf32>
    %sub3A_105 = arith.subf %slice3A_103, %slice3A_101 : vector<4x44x128xf32>
    %add3A_106 = arith.constant 1.000000e+00 : f32
    %add3A_107 = vector.broadcast %add3A_106 : f32 to vector<4x44x128xf32>
    %add3A_108 = arith.addf %sub3A_105, %add3A_107 : vector<4x44x128xf32>
    %sub3A_109 = arith.subf %slice3A_104, %slice3A_102 : vector<4x44x128xf32>
    %add3A_110 = arith.constant 1.000000e+00 : f32
    %add3A_111 = vector.broadcast %add3A_110 : f32 to vector<4x44x128xf32>
    %add3A_112 = arith.addf %sub3A_109, %add3A_111 : vector<4x44x128xf32>
    %mul3A_113 = arith.mulf %add3A_108, %add3A_112 : vector<4x44x128xf32>
    %slice3A_114 = vector.extract_strided_slice %add3A {offsets = [0, 4, 0], sizes = [4, 44, 128], strides = [1, 1, 1]} : vector<4x48x128xi32> to vector<4x44x128xi32>
    %sub3A_115 = arith.constant 512 : i32
    %sub3A_116 = vector.broadcast %sub3A_115 : i32 to vector<4x44x128xi32>
    %sub3A_117 = arith.subi %slice3A_114, %sub3A_116 : vector<4x44x128xi32>
    %slice3A_118 = vector.extract_strided_slice %slice3A_101 {offsets = [0, 0, 0], sizes = [4, 2, 128], strides = [1, 1, 1]} : vector<4x44x128xf32> to vector<4x2x128xf32>
    %slice3A_119 = vector.extract_strided_slice %slice3A_102 {offsets = [0, 0, 0], sizes = [4, 2, 128], strides = [1, 1, 1]} : vector<4x44x128xf32> to vector<4x2x128xf32>
    %slice3A_120 = vector.extract_strided_slice %slice3A_103 {offsets = [0, 0, 0], sizes = [4, 2, 128], strides = [1, 1, 1]} : vector<4x44x128xf32> to vector<4x2x128xf32>
    %slice3A_121 = vector.extract_strided_slice %slice3A_104 {offsets = [0, 0, 0], sizes = [4, 2, 128], strides = [1, 1, 1]} : vector<4x44x128xf32> to vector<4x2x128xf32>
    %reduce_min3A_122 = vector.shape_cast %cond3A_99#2 : vector<4x1x1xf32> to vector<1x4x1x1xf32>
    %reduce_min3A_123 = arith.constant dense<0x7F800000> : vector<1xf32>
    %reduce_min3A_124 = vector.multi_reduction <minimumf>, %reduce_min3A_122, %reduce_min3A_123 [1, 2, 3] : vector<1x4x1x1xf32> to vector<1xf32>
    %reduce_min3A_125 = vector.shape_cast %reduce_min3A_124 : vector<1xf32> to vector<1x1x1x1xf32>
    %reduce_min3A_126 = vector.extract %reduce_min3A_125[0, 0, 0, 0] : f32 from vector<1x1x1x1xf32>
    %lt3A_127 = arith.constant 1.000000e+03 : f32
    %lt3A_128 = arith.cmpf olt, %reduce_min3A_126, %lt3A_127 : f32
    %broadcast_in_dim3A_129 = arith.constant 0.000000e+00 : f32
    %broadcast_in_dim3A_130 = vector.broadcast %broadcast_in_dim3A_129 : f32 to vector<4x2x128xf32>
    %convert_element_type3A_131 = arith.extui %lt3A_128 : i1 to i32
    %cond3A_132 = arith.constant 1.000000e+03 : f32
    %cond3A_133 = arith.constant 0 : i32
    %cond3A_134 = arith.cmpi ne, %convert_element_type3A_131, %cond3A_133 : i32
    %cond3A_135:3 = scf.if %cond3A_134 -> (vector<4x44x128xf32>, vector<4x2x128xf32>, vector<4x1x1xf32>) {
      %scan3A = arith.constant 0 : i32
      %scan3A_891 = arith.constant 256 : i32
      %scan3A_892 = arith.addi %scan3A, %scan3A_891 : i32
      %scan3A_893 = arith.constant 1 : i32
      %scan3A_894:3 = scf.for %scan3A_896 = %scan3A to %scan3A_892 step %scan3A_893 iter_args(%scan3A_897 = %slice3A_100, %scan3A_898 = %broadcast_in_dim3A_130, %scan3A_899 = %cond3A_99#2) -> (vector<4x44x128xf32>, vector<4x2x128xf32>, vector<4x1x1xf32>)  : i32 {
        %eq3A = vector.broadcast %scan3A_896 : i32 to vector<4x2x128xi32>
        %eq3A_900 = arith.cmpi eq, %add3A_19, %eq3A : vector<4x2x128xi32>
        %convert_element_type3A_901 = arith.extui %eq3A_900 : vector<4x2x128xi1> to vector<4x2x128xi32>
        %convert_element_type3A_902 = arith.sitofp %convert_element_type3A_901 : vector<4x2x128xi32> to vector<4x2x128xf32>
        %slice3A_903 = vector.extract_strided_slice %scan3A_897 {offsets = [0, 0, 0], sizes = [4, 2, 128], strides = [1, 1, 1]} : vector<4x44x128xf32> to vector<4x2x128xf32>
        %mul3A_904 = arith.mulf %slice3A_903, %convert_element_type3A_902 : vector<4x2x128xf32>
        %reduce_sum3A = arith.constant dense<0.000000e+00> : vector<4xf32>
        %reduce_sum3A_905 = vector.multi_reduction <add>, %mul3A_904, %reduce_sum3A [1, 2] : vector<4x2x128xf32> to vector<4xf32>
        %broadcast_in_dim3A_906 = vector.shape_cast %reduce_sum3A_905 : vector<4xf32> to vector<4x1x1xf32>
        %lt3A_907 = vector.broadcast %cond3A_132 : f32 to vector<4x1x1xf32>
        %lt3A_908 = arith.cmpf olt, %scan3A_899, %lt3A_907 : vector<4x1x1xf32>
        %convert_element_type3A_909 = arith.extui %lt3A_908 : vector<4x1x1xi1> to vector<4x1x1xi32>
        %convert_element_type3A_910 = arith.sitofp %convert_element_type3A_909 : vector<4x1x1xi32> to vector<4x1x1xf32>
        %mul3A_911 = arith.mulf %broadcast_in_dim3A_906, %convert_element_type3A_910 : vector<4x1x1xf32>
        %mul3A_912 = arith.mulf %slice3A_118, %convert_element_type3A_902 : vector<4x2x128xf32>
        %reduce_sum3A_913 = arith.constant dense<0.000000e+00> : vector<4xf32>
        %reduce_sum3A_914 = vector.multi_reduction <add>, %mul3A_912, %reduce_sum3A_913 [1, 2] : vector<4x2x128xf32> to vector<4xf32>
        %broadcast_in_dim3A_915 = vector.shape_cast %reduce_sum3A_914 : vector<4xf32> to vector<4x1x1xf32>
        %mul3A_916 = arith.mulf %slice3A_119, %convert_element_type3A_902 : vector<4x2x128xf32>
        %reduce_sum3A_917 = arith.constant dense<0.000000e+00> : vector<4xf32>
        %reduce_sum3A_918 = vector.multi_reduction <add>, %mul3A_916, %reduce_sum3A_917 [1, 2] : vector<4x2x128xf32> to vector<4xf32>
        %broadcast_in_dim3A_919 = vector.shape_cast %reduce_sum3A_918 : vector<4xf32> to vector<4x1x1xf32>
        %mul3A_920 = arith.mulf %slice3A_120, %convert_element_type3A_902 : vector<4x2x128xf32>
        %reduce_sum3A_921 = arith.constant dense<0.000000e+00> : vector<4xf32>
        %reduce_sum3A_922 = vector.multi_reduction <add>, %mul3A_920, %reduce_sum3A_921 [1, 2] : vector<4x2x128xf32> to vector<4xf32>
        %broadcast_in_dim3A_923 = vector.shape_cast %reduce_sum3A_922 : vector<4xf32> to vector<4x1x1xf32>
        %mul3A_924 = arith.mulf %slice3A_121, %convert_element_type3A_902 : vector<4x2x128xf32>
        %reduce_sum3A_925 = arith.constant dense<0.000000e+00> : vector<4xf32>
        %reduce_sum3A_926 = vector.multi_reduction <add>, %mul3A_924, %reduce_sum3A_925 [1, 2] : vector<4x2x128xf32> to vector<4xf32>
        %broadcast_in_dim3A_927 = vector.shape_cast %reduce_sum3A_926 : vector<4xf32> to vector<4x1x1xf32>
        %sub3A_928 = arith.subf %broadcast_in_dim3A_923, %broadcast_in_dim3A_915 : vector<4x1x1xf32>
        %add3A_929 = arith.constant 1.000000e+00 : f32
        %add3A_930 = vector.broadcast %add3A_929 : f32 to vector<4x1x1xf32>
        %add3A_931 = arith.addf %sub3A_928, %add3A_930 : vector<4x1x1xf32>
        %sub3A_932 = arith.subf %broadcast_in_dim3A_927, %broadcast_in_dim3A_919 : vector<4x1x1xf32>
        %add3A_933 = arith.constant 1.000000e+00 : f32
        %add3A_934 = vector.broadcast %add3A_933 : f32 to vector<4x1x1xf32>
        %add3A_935 = arith.addf %sub3A_932, %add3A_934 : vector<4x1x1xf32>
        %mul3A_936 = arith.mulf %add3A_931, %add3A_935 : vector<4x1x1xf32>
        %max3A = vector.broadcast %broadcast_in_dim3A_915 : vector<4x1x1xf32> to vector<4x44x128xf32>
        %max3A_937 = arith.maximumf %max3A, %slice3A_101 : vector<4x44x128xf32>
        %max3A_938 = vector.broadcast %broadcast_in_dim3A_919 : vector<4x1x1xf32> to vector<4x44x128xf32>
        %max3A_939 = arith.maximumf %max3A_938, %slice3A_102 : vector<4x44x128xf32>
        %min3A_940 = vector.broadcast %broadcast_in_dim3A_923 : vector<4x1x1xf32> to vector<4x44x128xf32>
        %min3A_941 = arith.minimumf %min3A_940, %slice3A_103 : vector<4x44x128xf32>
        %min3A_942 = vector.broadcast %broadcast_in_dim3A_927 : vector<4x1x1xf32> to vector<4x44x128xf32>
        %min3A_943 = arith.minimumf %min3A_942, %slice3A_104 : vector<4x44x128xf32>
        %sub3A_944 = arith.subf %min3A_941, %max3A_937 : vector<4x44x128xf32>
        %add3A_945 = arith.constant 1.000000e+00 : f32
        %add3A_946 = vector.broadcast %add3A_945 : f32 to vector<4x44x128xf32>
        %add3A_947 = arith.addf %sub3A_944, %add3A_946 : vector<4x44x128xf32>
        %max3A_948 = arith.constant 0.000000e+00 : f32
        %max3A_949 = vector.broadcast %max3A_948 : f32 to vector<4x44x128xf32>
        %max3A_950 = arith.maximumf %max3A_949, %add3A_947 : vector<4x44x128xf32>
        %sub3A_951 = arith.subf %min3A_943, %max3A_939 : vector<4x44x128xf32>
        %add3A_952 = arith.constant 1.000000e+00 : f32
        %add3A_953 = vector.broadcast %add3A_952 : f32 to vector<4x44x128xf32>
        %add3A_954 = arith.addf %sub3A_951, %add3A_953 : vector<4x44x128xf32>
        %max3A_955 = arith.constant 0.000000e+00 : f32
        %max3A_956 = vector.broadcast %max3A_955 : f32 to vector<4x44x128xf32>
        %max3A_957 = arith.maximumf %max3A_956, %add3A_954 : vector<4x44x128xf32>
        %mul3A_958 = arith.mulf %max3A_950, %max3A_957 : vector<4x44x128xf32>
        %add3A_959 = vector.broadcast %mul3A_936 : vector<4x1x1xf32> to vector<4x44x128xf32>
        %add3A_960 = arith.addf %add3A_959, %mul3A_113 : vector<4x44x128xf32>
        %sub3A_961 = arith.subf %add3A_960, %mul3A_958 : vector<4x44x128xf32>
        %div3A = arith.divf %mul3A_958, %sub3A_961 : vector<4x44x128xf32>
        %gt3A = arith.constant 0.000000e+00 : f32
        %gt3A_962 = vector.broadcast %gt3A : f32 to vector<4x1x1xf32>
        %gt3A_963 = arith.cmpf ogt, %mul3A_911, %gt3A_962 : vector<4x1x1xf32>
        %gt3A_964 = arith.constant 0.699999988 : f32
        %gt3A_965 = vector.broadcast %gt3A_964 : f32 to vector<4x44x128xf32>
        %gt3A_966 = arith.cmpf ogt, %div3A, %gt3A_965 : vector<4x44x128xf32>
        %and3A = vector.broadcast %gt3A_963 : vector<4x1x1xi1> to vector<4x44x128xi1>
        %and3A_967 = arith.andi %and3A, %gt3A_966 : vector<4x44x128xi1>
        %gt3A_968 = vector.broadcast %scan3A_896 : i32 to vector<4x44x128xi32>
        %gt3A_969 = arith.cmpi sgt, %sub3A_117, %gt3A_968 : vector<4x44x128xi32>
        %and3A_970 = arith.andi %and3A_967, %gt3A_969 : vector<4x44x128xi1>
        %convert_element_type3A_971 = arith.extui %and3A_970 : vector<4x44x128xi1> to vector<4x44x128xi32>
        %convert_element_type3A_972 = arith.sitofp %convert_element_type3A_971 : vector<4x44x128xi32> to vector<4x44x128xf32>
        %mul3A_973 = vector.broadcast %mul3A_911 : vector<4x1x1xf32> to vector<4x2x128xf32>
        %mul3A_974 = arith.mulf %mul3A_973, %convert_element_type3A_902 : vector<4x2x128xf32>
        %max3A_975 = arith.maximumf %scan3A_898, %mul3A_974 : vector<4x2x128xf32>
        %sub3A_976 = arith.constant 1.000000e+00 : f32
        %sub3A_977 = vector.broadcast %sub3A_976 : f32 to vector<4x44x128xf32>
        %sub3A_978 = arith.subf %sub3A_977, %convert_element_type3A_972 : vector<4x44x128xf32>
        %mul3A_979 = arith.mulf %scan3A_897, %sub3A_978 : vector<4x44x128xf32>
        %add3A_980 = arith.addf %scan3A_899, %mul3A_911 : vector<4x1x1xf32>
        scf.yield %mul3A_979, %max3A_975, %add3A_980 : vector<4x44x128xf32>, vector<4x2x128xf32>, vector<4x1x1xf32>
      }
      %scan3A_895 = arith.constant 256 : i32
      scf.yield %scan3A_894#0, %scan3A_894#1, %scan3A_894#2 : vector<4x44x128xf32>, vector<4x2x128xf32>, vector<4x1x1xf32>
    } else {
      scf.yield %slice3A_100, %broadcast_in_dim3A_130, %cond3A_99#2 : vector<4x44x128xf32>, vector<4x2x128xf32>, vector<4x1x1xf32>
    }
    %slice3A_136 = vector.extract_strided_slice %cond3A_135#0 {offsets = [0, 2, 0], sizes = [4, 42, 128], strides = [1, 1, 1]} : vector<4x44x128xf32> to vector<4x42x128xf32>
    %slice3A_137 = vector.extract_strided_slice %get3A_24 {offsets = [0, 6, 0], sizes = [4, 42, 128], strides = [1, 1, 1]} : vector<4x48x128xf32> to vector<4x42x128xf32>
    %slice3A_138 = vector.extract_strided_slice %get3A_28 {offsets = [0, 6, 0], sizes = [4, 42, 128], strides = [1, 1, 1]} : vector<4x48x128xf32> to vector<4x42x128xf32>
    %slice3A_139 = vector.extract_strided_slice %get3A_32 {offsets = [0, 6, 0], sizes = [4, 42, 128], strides = [1, 1, 1]} : vector<4x48x128xf32> to vector<4x42x128xf32>
    %slice3A_140 = vector.extract_strided_slice %get3A_36 {offsets = [0, 6, 0], sizes = [4, 42, 128], strides = [1, 1, 1]} : vector<4x48x128xf32> to vector<4x42x128xf32>
    %sub3A_141 = arith.subf %slice3A_139, %slice3A_137 : vector<4x42x128xf32>
    %add3A_142 = arith.constant 1.000000e+00 : f32
    %add3A_143 = vector.broadcast %add3A_142 : f32 to vector<4x42x128xf32>
    %add3A_144 = arith.addf %sub3A_141, %add3A_143 : vector<4x42x128xf32>
    %sub3A_145 = arith.subf %slice3A_140, %slice3A_138 : vector<4x42x128xf32>
    %add3A_146 = arith.constant 1.000000e+00 : f32
    %add3A_147 = vector.broadcast %add3A_146 : f32 to vector<4x42x128xf32>
    %add3A_148 = arith.addf %sub3A_145, %add3A_147 : vector<4x42x128xf32>
    %mul3A_149 = arith.mulf %add3A_144, %add3A_148 : vector<4x42x128xf32>
    %slice3A_150 = vector.extract_strided_slice %add3A {offsets = [0, 6, 0], sizes = [4, 42, 128], strides = [1, 1, 1]} : vector<4x48x128xi32> to vector<4x42x128xi32>
    %sub3A_151 = arith.constant 768 : i32
    %sub3A_152 = vector.broadcast %sub3A_151 : i32 to vector<4x42x128xi32>
    %sub3A_153 = arith.subi %slice3A_150, %sub3A_152 : vector<4x42x128xi32>
    %slice3A_154 = vector.extract_strided_slice %slice3A_137 {offsets = [0, 0, 0], sizes = [4, 2, 128], strides = [1, 1, 1]} : vector<4x42x128xf32> to vector<4x2x128xf32>
    %slice3A_155 = vector.extract_strided_slice %slice3A_138 {offsets = [0, 0, 0], sizes = [4, 2, 128], strides = [1, 1, 1]} : vector<4x42x128xf32> to vector<4x2x128xf32>
    %slice3A_156 = vector.extract_strided_slice %slice3A_139 {offsets = [0, 0, 0], sizes = [4, 2, 128], strides = [1, 1, 1]} : vector<4x42x128xf32> to vector<4x2x128xf32>
    %slice3A_157 = vector.extract_strided_slice %slice3A_140 {offsets = [0, 0, 0], sizes = [4, 2, 128], strides = [1, 1, 1]} : vector<4x42x128xf32> to vector<4x2x128xf32>
    %reduce_min3A_158 = vector.shape_cast %cond3A_135#2 : vector<4x1x1xf32> to vector<1x4x1x1xf32>
    %reduce_min3A_159 = arith.constant dense<0x7F800000> : vector<1xf32>
    %reduce_min3A_160 = vector.multi_reduction <minimumf>, %reduce_min3A_158, %reduce_min3A_159 [1, 2, 3] : vector<1x4x1x1xf32> to vector<1xf32>
    %reduce_min3A_161 = vector.shape_cast %reduce_min3A_160 : vector<1xf32> to vector<1x1x1x1xf32>
    %reduce_min3A_162 = vector.extract %reduce_min3A_161[0, 0, 0, 0] : f32 from vector<1x1x1x1xf32>
    %lt3A_163 = arith.constant 1.000000e+03 : f32
    %lt3A_164 = arith.cmpf olt, %reduce_min3A_162, %lt3A_163 : f32
    %broadcast_in_dim3A_165 = arith.constant 0.000000e+00 : f32
    %broadcast_in_dim3A_166 = vector.broadcast %broadcast_in_dim3A_165 : f32 to vector<4x2x128xf32>
    %convert_element_type3A_167 = arith.extui %lt3A_164 : i1 to i32
    %cond3A_168 = arith.constant 1.000000e+03 : f32
    %cond3A_169 = arith.constant 0 : i32
    %cond3A_170 = arith.cmpi ne, %convert_element_type3A_167, %cond3A_169 : i32
    %cond3A_171:3 = scf.if %cond3A_170 -> (vector<4x42x128xf32>, vector<4x2x128xf32>, vector<4x1x1xf32>) {
      %scan3A = arith.constant 0 : i32
      %scan3A_891 = arith.constant 256 : i32
      %scan3A_892 = arith.addi %scan3A, %scan3A_891 : i32
      %scan3A_893 = arith.constant 1 : i32
      %scan3A_894:3 = scf.for %scan3A_896 = %scan3A to %scan3A_892 step %scan3A_893 iter_args(%scan3A_897 = %slice3A_136, %scan3A_898 = %broadcast_in_dim3A_166, %scan3A_899 = %cond3A_135#2) -> (vector<4x42x128xf32>, vector<4x2x128xf32>, vector<4x1x1xf32>)  : i32 {
        %eq3A = vector.broadcast %scan3A_896 : i32 to vector<4x2x128xi32>
        %eq3A_900 = arith.cmpi eq, %add3A_19, %eq3A : vector<4x2x128xi32>
        %convert_element_type3A_901 = arith.extui %eq3A_900 : vector<4x2x128xi1> to vector<4x2x128xi32>
        %convert_element_type3A_902 = arith.sitofp %convert_element_type3A_901 : vector<4x2x128xi32> to vector<4x2x128xf32>
        %slice3A_903 = vector.extract_strided_slice %scan3A_897 {offsets = [0, 0, 0], sizes = [4, 2, 128], strides = [1, 1, 1]} : vector<4x42x128xf32> to vector<4x2x128xf32>
        %mul3A_904 = arith.mulf %slice3A_903, %convert_element_type3A_902 : vector<4x2x128xf32>
        %reduce_sum3A = arith.constant dense<0.000000e+00> : vector<4xf32>
        %reduce_sum3A_905 = vector.multi_reduction <add>, %mul3A_904, %reduce_sum3A [1, 2] : vector<4x2x128xf32> to vector<4xf32>
        %broadcast_in_dim3A_906 = vector.shape_cast %reduce_sum3A_905 : vector<4xf32> to vector<4x1x1xf32>
        %lt3A_907 = vector.broadcast %cond3A_168 : f32 to vector<4x1x1xf32>
        %lt3A_908 = arith.cmpf olt, %scan3A_899, %lt3A_907 : vector<4x1x1xf32>
        %convert_element_type3A_909 = arith.extui %lt3A_908 : vector<4x1x1xi1> to vector<4x1x1xi32>
        %convert_element_type3A_910 = arith.sitofp %convert_element_type3A_909 : vector<4x1x1xi32> to vector<4x1x1xf32>
        %mul3A_911 = arith.mulf %broadcast_in_dim3A_906, %convert_element_type3A_910 : vector<4x1x1xf32>
        %mul3A_912 = arith.mulf %slice3A_154, %convert_element_type3A_902 : vector<4x2x128xf32>
        %reduce_sum3A_913 = arith.constant dense<0.000000e+00> : vector<4xf32>
        %reduce_sum3A_914 = vector.multi_reduction <add>, %mul3A_912, %reduce_sum3A_913 [1, 2] : vector<4x2x128xf32> to vector<4xf32>
        %broadcast_in_dim3A_915 = vector.shape_cast %reduce_sum3A_914 : vector<4xf32> to vector<4x1x1xf32>
        %mul3A_916 = arith.mulf %slice3A_155, %convert_element_type3A_902 : vector<4x2x128xf32>
        %reduce_sum3A_917 = arith.constant dense<0.000000e+00> : vector<4xf32>
        %reduce_sum3A_918 = vector.multi_reduction <add>, %mul3A_916, %reduce_sum3A_917 [1, 2] : vector<4x2x128xf32> to vector<4xf32>
        %broadcast_in_dim3A_919 = vector.shape_cast %reduce_sum3A_918 : vector<4xf32> to vector<4x1x1xf32>
        %mul3A_920 = arith.mulf %slice3A_156, %convert_element_type3A_902 : vector<4x2x128xf32>
        %reduce_sum3A_921 = arith.constant dense<0.000000e+00> : vector<4xf32>
        %reduce_sum3A_922 = vector.multi_reduction <add>, %mul3A_920, %reduce_sum3A_921 [1, 2] : vector<4x2x128xf32> to vector<4xf32>
        %broadcast_in_dim3A_923 = vector.shape_cast %reduce_sum3A_922 : vector<4xf32> to vector<4x1x1xf32>
        %mul3A_924 = arith.mulf %slice3A_157, %convert_element_type3A_902 : vector<4x2x128xf32>
        %reduce_sum3A_925 = arith.constant dense<0.000000e+00> : vector<4xf32>
        %reduce_sum3A_926 = vector.multi_reduction <add>, %mul3A_924, %reduce_sum3A_925 [1, 2] : vector<4x2x128xf32> to vector<4xf32>
        %broadcast_in_dim3A_927 = vector.shape_cast %reduce_sum3A_926 : vector<4xf32> to vector<4x1x1xf32>
        %sub3A_928 = arith.subf %broadcast_in_dim3A_923, %broadcast_in_dim3A_915 : vector<4x1x1xf32>
        %add3A_929 = arith.constant 1.000000e+00 : f32
        %add3A_930 = vector.broadcast %add3A_929 : f32 to vector<4x1x1xf32>
        %add3A_931 = arith.addf %sub3A_928, %add3A_930 : vector<4x1x1xf32>
        %sub3A_932 = arith.subf %broadcast_in_dim3A_927, %broadcast_in_dim3A_919 : vector<4x1x1xf32>
        %add3A_933 = arith.constant 1.000000e+00 : f32
        %add3A_934 = vector.broadcast %add3A_933 : f32 to vector<4x1x1xf32>
        %add3A_935 = arith.addf %sub3A_932, %add3A_934 : vector<4x1x1xf32>
        %mul3A_936 = arith.mulf %add3A_931, %add3A_935 : vector<4x1x1xf32>
        %max3A = vector.broadcast %broadcast_in_dim3A_915 : vector<4x1x1xf32> to vector<4x42x128xf32>
        %max3A_937 = arith.maximumf %max3A, %slice3A_137 : vector<4x42x128xf32>
        %max3A_938 = vector.broadcast %broadcast_in_dim3A_919 : vector<4x1x1xf32> to vector<4x42x128xf32>
        %max3A_939 = arith.maximumf %max3A_938, %slice3A_138 : vector<4x42x128xf32>
        %min3A_940 = vector.broadcast %broadcast_in_dim3A_923 : vector<4x1x1xf32> to vector<4x42x128xf32>
        %min3A_941 = arith.minimumf %min3A_940, %slice3A_139 : vector<4x42x128xf32>
        %min3A_942 = vector.broadcast %broadcast_in_dim3A_927 : vector<4x1x1xf32> to vector<4x42x128xf32>
        %min3A_943 = arith.minimumf %min3A_942, %slice3A_140 : vector<4x42x128xf32>
        %sub3A_944 = arith.subf %min3A_941, %max3A_937 : vector<4x42x128xf32>
        %add3A_945 = arith.constant 1.000000e+00 : f32
        %add3A_946 = vector.broadcast %add3A_945 : f32 to vector<4x42x128xf32>
        %add3A_947 = arith.addf %sub3A_944, %add3A_946 : vector<4x42x128xf32>
        %max3A_948 = arith.constant 0.000000e+00 : f32
        %max3A_949 = vector.broadcast %max3A_948 : f32 to vector<4x42x128xf32>
        %max3A_950 = arith.maximumf %max3A_949, %add3A_947 : vector<4x42x128xf32>
        %sub3A_951 = arith.subf %min3A_943, %max3A_939 : vector<4x42x128xf32>
        %add3A_952 = arith.constant 1.000000e+00 : f32
        %add3A_953 = vector.broadcast %add3A_952 : f32 to vector<4x42x128xf32>
        %add3A_954 = arith.addf %sub3A_951, %add3A_953 : vector<4x42x128xf32>
        %max3A_955 = arith.constant 0.000000e+00 : f32
        %max3A_956 = vector.broadcast %max3A_955 : f32 to vector<4x42x128xf32>
        %max3A_957 = arith.maximumf %max3A_956, %add3A_954 : vector<4x42x128xf32>
        %mul3A_958 = arith.mulf %max3A_950, %max3A_957 : vector<4x42x128xf32>
        %add3A_959 = vector.broadcast %mul3A_936 : vector<4x1x1xf32> to vector<4x42x128xf32>
        %add3A_960 = arith.addf %add3A_959, %mul3A_149 : vector<4x42x128xf32>
        %sub3A_961 = arith.subf %add3A_960, %mul3A_958 : vector<4x42x128xf32>
        %div3A = arith.divf %mul3A_958, %sub3A_961 : vector<4x42x128xf32>
        %gt3A = arith.constant 0.000000e+00 : f32
        %gt3A_962 = vector.broadcast %gt3A : f32 to vector<4x1x1xf32>
        %gt3A_963 = arith.cmpf ogt, %mul3A_911, %gt3A_962 : vector<4x1x1xf32>
        %gt3A_964 = arith.constant 0.699999988 : f32
        %gt3A_965 = vector.broadcast %gt3A_964 : f32 to vector<4x42x128xf32>
        %gt3A_966 = arith.cmpf ogt, %div3A, %gt3A_965 : vector<4x42x128xf32>
        %and3A = vector.broadcast %gt3A_963 : vector<4x1x1xi1> to vector<4x42x128xi1>
        %and3A_967 = arith.andi %and3A, %gt3A_966 : vector<4x42x128xi1>
        %gt3A_968 = vector.broadcast %scan3A_896 : i32 to vector<4x42x128xi32>
        %gt3A_969 = arith.cmpi sgt, %sub3A_153, %gt3A_968 : vector<4x42x128xi32>
        %and3A_970 = arith.andi %and3A_967, %gt3A_969 : vector<4x42x128xi1>
        %convert_element_type3A_971 = arith.extui %and3A_970 : vector<4x42x128xi1> to vector<4x42x128xi32>
        %convert_element_type3A_972 = arith.sitofp %convert_element_type3A_971 : vector<4x42x128xi32> to vector<4x42x128xf32>
        %mul3A_973 = vector.broadcast %mul3A_911 : vector<4x1x1xf32> to vector<4x2x128xf32>
        %mul3A_974 = arith.mulf %mul3A_973, %convert_element_type3A_902 : vector<4x2x128xf32>
        %max3A_975 = arith.maximumf %scan3A_898, %mul3A_974 : vector<4x2x128xf32>
        %sub3A_976 = arith.constant 1.000000e+00 : f32
        %sub3A_977 = vector.broadcast %sub3A_976 : f32 to vector<4x42x128xf32>
        %sub3A_978 = arith.subf %sub3A_977, %convert_element_type3A_972 : vector<4x42x128xf32>
        %mul3A_979 = arith.mulf %scan3A_897, %sub3A_978 : vector<4x42x128xf32>
        %add3A_980 = arith.addf %scan3A_899, %mul3A_911 : vector<4x1x1xf32>
        scf.yield %mul3A_979, %max3A_975, %add3A_980 : vector<4x42x128xf32>, vector<4x2x128xf32>, vector<4x1x1xf32>
      }
      %scan3A_895 = arith.constant 256 : i32
      scf.yield %scan3A_894#0, %scan3A_894#1, %scan3A_894#2 : vector<4x42x128xf32>, vector<4x2x128xf32>, vector<4x1x1xf32>
    } else {
      scf.yield %slice3A_136, %broadcast_in_dim3A_166, %cond3A_135#2 : vector<4x42x128xf32>, vector<4x2x128xf32>, vector<4x1x1xf32>
    }
    %slice3A_172 = vector.extract_strided_slice %cond3A_171#0 {offsets = [0, 2, 0], sizes = [4, 40, 128], strides = [1, 1, 1]} : vector<4x42x128xf32> to vector<4x40x128xf32>
    %slice3A_173 = vector.extract_strided_slice %get3A_24 {offsets = [0, 8, 0], sizes = [4, 40, 128], strides = [1, 1, 1]} : vector<4x48x128xf32> to vector<4x40x128xf32>
    %slice3A_174 = vector.extract_strided_slice %get3A_28 {offsets = [0, 8, 0], sizes = [4, 40, 128], strides = [1, 1, 1]} : vector<4x48x128xf32> to vector<4x40x128xf32>
    %slice3A_175 = vector.extract_strided_slice %get3A_32 {offsets = [0, 8, 0], sizes = [4, 40, 128], strides = [1, 1, 1]} : vector<4x48x128xf32> to vector<4x40x128xf32>
    %slice3A_176 = vector.extract_strided_slice %get3A_36 {offsets = [0, 8, 0], sizes = [4, 40, 128], strides = [1, 1, 1]} : vector<4x48x128xf32> to vector<4x40x128xf32>
    %sub3A_177 = arith.subf %slice3A_175, %slice3A_173 : vector<4x40x128xf32>
    %add3A_178 = arith.constant 1.000000e+00 : f32
    %add3A_179 = vector.broadcast %add3A_178 : f32 to vector<4x40x128xf32>
    %add3A_180 = arith.addf %sub3A_177, %add3A_179 : vector<4x40x128xf32>
    %sub3A_181 = arith.subf %slice3A_176, %slice3A_174 : vector<4x40x128xf32>
    %add3A_182 = arith.constant 1.000000e+00 : f32
    %add3A_183 = vector.broadcast %add3A_182 : f32 to vector<4x40x128xf32>
    %add3A_184 = arith.addf %sub3A_181, %add3A_183 : vector<4x40x128xf32>
    %mul3A_185 = arith.mulf %add3A_180, %add3A_184 : vector<4x40x128xf32>
    %slice3A_186 = vector.extract_strided_slice %add3A {offsets = [0, 8, 0], sizes = [4, 40, 128], strides = [1, 1, 1]} : vector<4x48x128xi32> to vector<4x40x128xi32>
    %sub3A_187 = arith.constant 1024 : i32
    %sub3A_188 = vector.broadcast %sub3A_187 : i32 to vector<4x40x128xi32>
    %sub3A_189 = arith.subi %slice3A_186, %sub3A_188 : vector<4x40x128xi32>
    %slice3A_190 = vector.extract_strided_slice %slice3A_173 {offsets = [0, 0, 0], sizes = [4, 2, 128], strides = [1, 1, 1]} : vector<4x40x128xf32> to vector<4x2x128xf32>
    %slice3A_191 = vector.extract_strided_slice %slice3A_174 {offsets = [0, 0, 0], sizes = [4, 2, 128], strides = [1, 1, 1]} : vector<4x40x128xf32> to vector<4x2x128xf32>
    %slice3A_192 = vector.extract_strided_slice %slice3A_175 {offsets = [0, 0, 0], sizes = [4, 2, 128], strides = [1, 1, 1]} : vector<4x40x128xf32> to vector<4x2x128xf32>
    %slice3A_193 = vector.extract_strided_slice %slice3A_176 {offsets = [0, 0, 0], sizes = [4, 2, 128], strides = [1, 1, 1]} : vector<4x40x128xf32> to vector<4x2x128xf32>
    %reduce_min3A_194 = vector.shape_cast %cond3A_171#2 : vector<4x1x1xf32> to vector<1x4x1x1xf32>
    %reduce_min3A_195 = arith.constant dense<0x7F800000> : vector<1xf32>
    %reduce_min3A_196 = vector.multi_reduction <minimumf>, %reduce_min3A_194, %reduce_min3A_195 [1, 2, 3] : vector<1x4x1x1xf32> to vector<1xf32>
    %reduce_min3A_197 = vector.shape_cast %reduce_min3A_196 : vector<1xf32> to vector<1x1x1x1xf32>
    %reduce_min3A_198 = vector.extract %reduce_min3A_197[0, 0, 0, 0] : f32 from vector<1x1x1x1xf32>
    %lt3A_199 = arith.constant 1.000000e+03 : f32
    %lt3A_200 = arith.cmpf olt, %reduce_min3A_198, %lt3A_199 : f32
    %broadcast_in_dim3A_201 = arith.constant 0.000000e+00 : f32
    %broadcast_in_dim3A_202 = vector.broadcast %broadcast_in_dim3A_201 : f32 to vector<4x2x128xf32>
    %convert_element_type3A_203 = arith.extui %lt3A_200 : i1 to i32
    %cond3A_204 = arith.constant 1.000000e+03 : f32
    %cond3A_205 = arith.constant 0 : i32
    %cond3A_206 = arith.cmpi ne, %convert_element_type3A_203, %cond3A_205 : i32
    %cond3A_207:3 = scf.if %cond3A_206 -> (vector<4x40x128xf32>, vector<4x2x128xf32>, vector<4x1x1xf32>) {
      %scan3A = arith.constant 0 : i32
      %scan3A_891 = arith.constant 256 : i32
      %scan3A_892 = arith.addi %scan3A, %scan3A_891 : i32
      %scan3A_893 = arith.constant 1 : i32
      %scan3A_894:3 = scf.for %scan3A_896 = %scan3A to %scan3A_892 step %scan3A_893 iter_args(%scan3A_897 = %slice3A_172, %scan3A_898 = %broadcast_in_dim3A_202, %scan3A_899 = %cond3A_171#2) -> (vector<4x40x128xf32>, vector<4x2x128xf32>, vector<4x1x1xf32>)  : i32 {
        %eq3A = vector.broadcast %scan3A_896 : i32 to vector<4x2x128xi32>
        %eq3A_900 = arith.cmpi eq, %add3A_19, %eq3A : vector<4x2x128xi32>
        %convert_element_type3A_901 = arith.extui %eq3A_900 : vector<4x2x128xi1> to vector<4x2x128xi32>
        %convert_element_type3A_902 = arith.sitofp %convert_element_type3A_901 : vector<4x2x128xi32> to vector<4x2x128xf32>
        %slice3A_903 = vector.extract_strided_slice %scan3A_897 {offsets = [0, 0, 0], sizes = [4, 2, 128], strides = [1, 1, 1]} : vector<4x40x128xf32> to vector<4x2x128xf32>
        %mul3A_904 = arith.mulf %slice3A_903, %convert_element_type3A_902 : vector<4x2x128xf32>
        %reduce_sum3A = arith.constant dense<0.000000e+00> : vector<4xf32>
        %reduce_sum3A_905 = vector.multi_reduction <add>, %mul3A_904, %reduce_sum3A [1, 2] : vector<4x2x128xf32> to vector<4xf32>
        %broadcast_in_dim3A_906 = vector.shape_cast %reduce_sum3A_905 : vector<4xf32> to vector<4x1x1xf32>
        %lt3A_907 = vector.broadcast %cond3A_204 : f32 to vector<4x1x1xf32>
        %lt3A_908 = arith.cmpf olt, %scan3A_899, %lt3A_907 : vector<4x1x1xf32>
        %convert_element_type3A_909 = arith.extui %lt3A_908 : vector<4x1x1xi1> to vector<4x1x1xi32>
        %convert_element_type3A_910 = arith.sitofp %convert_element_type3A_909 : vector<4x1x1xi32> to vector<4x1x1xf32>
        %mul3A_911 = arith.mulf %broadcast_in_dim3A_906, %convert_element_type3A_910 : vector<4x1x1xf32>
        %mul3A_912 = arith.mulf %slice3A_190, %convert_element_type3A_902 : vector<4x2x128xf32>
        %reduce_sum3A_913 = arith.constant dense<0.000000e+00> : vector<4xf32>
        %reduce_sum3A_914 = vector.multi_reduction <add>, %mul3A_912, %reduce_sum3A_913 [1, 2] : vector<4x2x128xf32> to vector<4xf32>
        %broadcast_in_dim3A_915 = vector.shape_cast %reduce_sum3A_914 : vector<4xf32> to vector<4x1x1xf32>
        %mul3A_916 = arith.mulf %slice3A_191, %convert_element_type3A_902 : vector<4x2x128xf32>
        %reduce_sum3A_917 = arith.constant dense<0.000000e+00> : vector<4xf32>
        %reduce_sum3A_918 = vector.multi_reduction <add>, %mul3A_916, %reduce_sum3A_917 [1, 2] : vector<4x2x128xf32> to vector<4xf32>
        %broadcast_in_dim3A_919 = vector.shape_cast %reduce_sum3A_918 : vector<4xf32> to vector<4x1x1xf32>
        %mul3A_920 = arith.mulf %slice3A_192, %convert_element_type3A_902 : vector<4x2x128xf32>
        %reduce_sum3A_921 = arith.constant dense<0.000000e+00> : vector<4xf32>
        %reduce_sum3A_922 = vector.multi_reduction <add>, %mul3A_920, %reduce_sum3A_921 [1, 2] : vector<4x2x128xf32> to vector<4xf32>
        %broadcast_in_dim3A_923 = vector.shape_cast %reduce_sum3A_922 : vector<4xf32> to vector<4x1x1xf32>
        %mul3A_924 = arith.mulf %slice3A_193, %convert_element_type3A_902 : vector<4x2x128xf32>
        %reduce_sum3A_925 = arith.constant dense<0.000000e+00> : vector<4xf32>
        %reduce_sum3A_926 = vector.multi_reduction <add>, %mul3A_924, %reduce_sum3A_925 [1, 2] : vector<4x2x128xf32> to vector<4xf32>
        %broadcast_in_dim3A_927 = vector.shape_cast %reduce_sum3A_926 : vector<4xf32> to vector<4x1x1xf32>
        %sub3A_928 = arith.subf %broadcast_in_dim3A_923, %broadcast_in_dim3A_915 : vector<4x1x1xf32>
        %add3A_929 = arith.constant 1.000000e+00 : f32
        %add3A_930 = vector.broadcast %add3A_929 : f32 to vector<4x1x1xf32>
        %add3A_931 = arith.addf %sub3A_928, %add3A_930 : vector<4x1x1xf32>
        %sub3A_932 = arith.subf %broadcast_in_dim3A_927, %broadcast_in_dim3A_919 : vector<4x1x1xf32>
        %add3A_933 = arith.constant 1.000000e+00 : f32
        %add3A_934 = vector.broadcast %add3A_933 : f32 to vector<4x1x1xf32>
        %add3A_935 = arith.addf %sub3A_932, %add3A_934 : vector<4x1x1xf32>
        %mul3A_936 = arith.mulf %add3A_931, %add3A_935 : vector<4x1x1xf32>
        %max3A = vector.broadcast %broadcast_in_dim3A_915 : vector<4x1x1xf32> to vector<4x40x128xf32>
        %max3A_937 = arith.maximumf %max3A, %slice3A_173 : vector<4x40x128xf32>
        %max3A_938 = vector.broadcast %broadcast_in_dim3A_919 : vector<4x1x1xf32> to vector<4x40x128xf32>
        %max3A_939 = arith.maximumf %max3A_938, %slice3A_174 : vector<4x40x128xf32>
        %min3A_940 = vector.broadcast %broadcast_in_dim3A_923 : vector<4x1x1xf32> to vector<4x40x128xf32>
        %min3A_941 = arith.minimumf %min3A_940, %slice3A_175 : vector<4x40x128xf32>
        %min3A_942 = vector.broadcast %broadcast_in_dim3A_927 : vector<4x1x1xf32> to vector<4x40x128xf32>
        %min3A_943 = arith.minimumf %min3A_942, %slice3A_176 : vector<4x40x128xf32>
        %sub3A_944 = arith.subf %min3A_941, %max3A_937 : vector<4x40x128xf32>
        %add3A_945 = arith.constant 1.000000e+00 : f32
        %add3A_946 = vector.broadcast %add3A_945 : f32 to vector<4x40x128xf32>
        %add3A_947 = arith.addf %sub3A_944, %add3A_946 : vector<4x40x128xf32>
        %max3A_948 = arith.constant 0.000000e+00 : f32
        %max3A_949 = vector.broadcast %max3A_948 : f32 to vector<4x40x128xf32>
        %max3A_950 = arith.maximumf %max3A_949, %add3A_947 : vector<4x40x128xf32>
        %sub3A_951 = arith.subf %min3A_943, %max3A_939 : vector<4x40x128xf32>
        %add3A_952 = arith.constant 1.000000e+00 : f32
        %add3A_953 = vector.broadcast %add3A_952 : f32 to vector<4x40x128xf32>
        %add3A_954 = arith.addf %sub3A_951, %add3A_953 : vector<4x40x128xf32>
        %max3A_955 = arith.constant 0.000000e+00 : f32
        %max3A_956 = vector.broadcast %max3A_955 : f32 to vector<4x40x128xf32>
        %max3A_957 = arith.maximumf %max3A_956, %add3A_954 : vector<4x40x128xf32>
        %mul3A_958 = arith.mulf %max3A_950, %max3A_957 : vector<4x40x128xf32>
        %add3A_959 = vector.broadcast %mul3A_936 : vector<4x1x1xf32> to vector<4x40x128xf32>
        %add3A_960 = arith.addf %add3A_959, %mul3A_185 : vector<4x40x128xf32>
        %sub3A_961 = arith.subf %add3A_960, %mul3A_958 : vector<4x40x128xf32>
        %div3A = arith.divf %mul3A_958, %sub3A_961 : vector<4x40x128xf32>
        %gt3A = arith.constant 0.000000e+00 : f32
        %gt3A_962 = vector.broadcast %gt3A : f32 to vector<4x1x1xf32>
        %gt3A_963 = arith.cmpf ogt, %mul3A_911, %gt3A_962 : vector<4x1x1xf32>
        %gt3A_964 = arith.constant 0.699999988 : f32
        %gt3A_965 = vector.broadcast %gt3A_964 : f32 to vector<4x40x128xf32>
        %gt3A_966 = arith.cmpf ogt, %div3A, %gt3A_965 : vector<4x40x128xf32>
        %and3A = vector.broadcast %gt3A_963 : vector<4x1x1xi1> to vector<4x40x128xi1>
        %and3A_967 = arith.andi %and3A, %gt3A_966 : vector<4x40x128xi1>
        %gt3A_968 = vector.broadcast %scan3A_896 : i32 to vector<4x40x128xi32>
        %gt3A_969 = arith.cmpi sgt, %sub3A_189, %gt3A_968 : vector<4x40x128xi32>
        %and3A_970 = arith.andi %and3A_967, %gt3A_969 : vector<4x40x128xi1>
        %convert_element_type3A_971 = arith.extui %and3A_970 : vector<4x40x128xi1> to vector<4x40x128xi32>
        %convert_element_type3A_972 = arith.sitofp %convert_element_type3A_971 : vector<4x40x128xi32> to vector<4x40x128xf32>
        %mul3A_973 = vector.broadcast %mul3A_911 : vector<4x1x1xf32> to vector<4x2x128xf32>
        %mul3A_974 = arith.mulf %mul3A_973, %convert_element_type3A_902 : vector<4x2x128xf32>
        %max3A_975 = arith.maximumf %scan3A_898, %mul3A_974 : vector<4x2x128xf32>
        %sub3A_976 = arith.constant 1.000000e+00 : f32
        %sub3A_977 = vector.broadcast %sub3A_976 : f32 to vector<4x40x128xf32>
        %sub3A_978 = arith.subf %sub3A_977, %convert_element_type3A_972 : vector<4x40x128xf32>
        %mul3A_979 = arith.mulf %scan3A_897, %sub3A_978 : vector<4x40x128xf32>
        %add3A_980 = arith.addf %scan3A_899, %mul3A_911 : vector<4x1x1xf32>
        scf.yield %mul3A_979, %max3A_975, %add3A_980 : vector<4x40x128xf32>, vector<4x2x128xf32>, vector<4x1x1xf32>
      }
      %scan3A_895 = arith.constant 256 : i32
      scf.yield %scan3A_894#0, %scan3A_894#1, %scan3A_894#2 : vector<4x40x128xf32>, vector<4x2x128xf32>, vector<4x1x1xf32>
    } else {
      scf.yield %slice3A_172, %broadcast_in_dim3A_202, %cond3A_171#2 : vector<4x40x128xf32>, vector<4x2x128xf32>, vector<4x1x1xf32>
    }
    %slice3A_208 = vector.extract_strided_slice %cond3A_207#0 {offsets = [0, 2, 0], sizes = [4, 38, 128], strides = [1, 1, 1]} : vector<4x40x128xf32> to vector<4x38x128xf32>
    %slice3A_209 = vector.extract_strided_slice %get3A_24 {offsets = [0, 10, 0], sizes = [4, 38, 128], strides = [1, 1, 1]} : vector<4x48x128xf32> to vector<4x38x128xf32>
    %slice3A_210 = vector.extract_strided_slice %get3A_28 {offsets = [0, 10, 0], sizes = [4, 38, 128], strides = [1, 1, 1]} : vector<4x48x128xf32> to vector<4x38x128xf32>
    %slice3A_211 = vector.extract_strided_slice %get3A_32 {offsets = [0, 10, 0], sizes = [4, 38, 128], strides = [1, 1, 1]} : vector<4x48x128xf32> to vector<4x38x128xf32>
    %slice3A_212 = vector.extract_strided_slice %get3A_36 {offsets = [0, 10, 0], sizes = [4, 38, 128], strides = [1, 1, 1]} : vector<4x48x128xf32> to vector<4x38x128xf32>
    %sub3A_213 = arith.subf %slice3A_211, %slice3A_209 : vector<4x38x128xf32>
    %add3A_214 = arith.constant 1.000000e+00 : f32
    %add3A_215 = vector.broadcast %add3A_214 : f32 to vector<4x38x128xf32>
    %add3A_216 = arith.addf %sub3A_213, %add3A_215 : vector<4x38x128xf32>
    %sub3A_217 = arith.subf %slice3A_212, %slice3A_210 : vector<4x38x128xf32>
    %add3A_218 = arith.constant 1.000000e+00 : f32
    %add3A_219 = vector.broadcast %add3A_218 : f32 to vector<4x38x128xf32>
    %add3A_220 = arith.addf %sub3A_217, %add3A_219 : vector<4x38x128xf32>
    %mul3A_221 = arith.mulf %add3A_216, %add3A_220 : vector<4x38x128xf32>
    %slice3A_222 = vector.extract_strided_slice %add3A {offsets = [0, 10, 0], sizes = [4, 38, 128], strides = [1, 1, 1]} : vector<4x48x128xi32> to vector<4x38x128xi32>
    %sub3A_223 = arith.constant 1280 : i32
    %sub3A_224 = vector.broadcast %sub3A_223 : i32 to vector<4x38x128xi32>
    %sub3A_225 = arith.subi %slice3A_222, %sub3A_224 : vector<4x38x128xi32>
    %slice3A_226 = vector.extract_strided_slice %slice3A_209 {offsets = [0, 0, 0], sizes = [4, 2, 128], strides = [1, 1, 1]} : vector<4x38x128xf32> to vector<4x2x128xf32>
    %slice3A_227 = vector.extract_strided_slice %slice3A_210 {offsets = [0, 0, 0], sizes = [4, 2, 128], strides = [1, 1, 1]} : vector<4x38x128xf32> to vector<4x2x128xf32>
    %slice3A_228 = vector.extract_strided_slice %slice3A_211 {offsets = [0, 0, 0], sizes = [4, 2, 128], strides = [1, 1, 1]} : vector<4x38x128xf32> to vector<4x2x128xf32>
    %slice3A_229 = vector.extract_strided_slice %slice3A_212 {offsets = [0, 0, 0], sizes = [4, 2, 128], strides = [1, 1, 1]} : vector<4x38x128xf32> to vector<4x2x128xf32>
    %reduce_min3A_230 = vector.shape_cast %cond3A_207#2 : vector<4x1x1xf32> to vector<1x4x1x1xf32>
    %reduce_min3A_231 = arith.constant dense<0x7F800000> : vector<1xf32>
    %reduce_min3A_232 = vector.multi_reduction <minimumf>, %reduce_min3A_230, %reduce_min3A_231 [1, 2, 3] : vector<1x4x1x1xf32> to vector<1xf32>
    %reduce_min3A_233 = vector.shape_cast %reduce_min3A_232 : vector<1xf32> to vector<1x1x1x1xf32>
    %reduce_min3A_234 = vector.extract %reduce_min3A_233[0, 0, 0, 0] : f32 from vector<1x1x1x1xf32>
    %lt3A_235 = arith.constant 1.000000e+03 : f32
    %lt3A_236 = arith.cmpf olt, %reduce_min3A_234, %lt3A_235 : f32
    %broadcast_in_dim3A_237 = arith.constant 0.000000e+00 : f32
    %broadcast_in_dim3A_238 = vector.broadcast %broadcast_in_dim3A_237 : f32 to vector<4x2x128xf32>
    %convert_element_type3A_239 = arith.extui %lt3A_236 : i1 to i32
    %cond3A_240 = arith.constant 1.000000e+03 : f32
    %cond3A_241 = arith.constant 0 : i32
    %cond3A_242 = arith.cmpi ne, %convert_element_type3A_239, %cond3A_241 : i32
    %cond3A_243:3 = scf.if %cond3A_242 -> (vector<4x38x128xf32>, vector<4x2x128xf32>, vector<4x1x1xf32>) {
      %scan3A = arith.constant 0 : i32
      %scan3A_891 = arith.constant 256 : i32
      %scan3A_892 = arith.addi %scan3A, %scan3A_891 : i32
      %scan3A_893 = arith.constant 1 : i32
      %scan3A_894:3 = scf.for %scan3A_896 = %scan3A to %scan3A_892 step %scan3A_893 iter_args(%scan3A_897 = %slice3A_208, %scan3A_898 = %broadcast_in_dim3A_238, %scan3A_899 = %cond3A_207#2) -> (vector<4x38x128xf32>, vector<4x2x128xf32>, vector<4x1x1xf32>)  : i32 {
        %eq3A = vector.broadcast %scan3A_896 : i32 to vector<4x2x128xi32>
        %eq3A_900 = arith.cmpi eq, %add3A_19, %eq3A : vector<4x2x128xi32>
        %convert_element_type3A_901 = arith.extui %eq3A_900 : vector<4x2x128xi1> to vector<4x2x128xi32>
        %convert_element_type3A_902 = arith.sitofp %convert_element_type3A_901 : vector<4x2x128xi32> to vector<4x2x128xf32>
        %slice3A_903 = vector.extract_strided_slice %scan3A_897 {offsets = [0, 0, 0], sizes = [4, 2, 128], strides = [1, 1, 1]} : vector<4x38x128xf32> to vector<4x2x128xf32>
        %mul3A_904 = arith.mulf %slice3A_903, %convert_element_type3A_902 : vector<4x2x128xf32>
        %reduce_sum3A = arith.constant dense<0.000000e+00> : vector<4xf32>
        %reduce_sum3A_905 = vector.multi_reduction <add>, %mul3A_904, %reduce_sum3A [1, 2] : vector<4x2x128xf32> to vector<4xf32>
        %broadcast_in_dim3A_906 = vector.shape_cast %reduce_sum3A_905 : vector<4xf32> to vector<4x1x1xf32>
        %lt3A_907 = vector.broadcast %cond3A_240 : f32 to vector<4x1x1xf32>
        %lt3A_908 = arith.cmpf olt, %scan3A_899, %lt3A_907 : vector<4x1x1xf32>
        %convert_element_type3A_909 = arith.extui %lt3A_908 : vector<4x1x1xi1> to vector<4x1x1xi32>
        %convert_element_type3A_910 = arith.sitofp %convert_element_type3A_909 : vector<4x1x1xi32> to vector<4x1x1xf32>
        %mul3A_911 = arith.mulf %broadcast_in_dim3A_906, %convert_element_type3A_910 : vector<4x1x1xf32>
        %mul3A_912 = arith.mulf %slice3A_226, %convert_element_type3A_902 : vector<4x2x128xf32>
        %reduce_sum3A_913 = arith.constant dense<0.000000e+00> : vector<4xf32>
        %reduce_sum3A_914 = vector.multi_reduction <add>, %mul3A_912, %reduce_sum3A_913 [1, 2] : vector<4x2x128xf32> to vector<4xf32>
        %broadcast_in_dim3A_915 = vector.shape_cast %reduce_sum3A_914 : vector<4xf32> to vector<4x1x1xf32>
        %mul3A_916 = arith.mulf %slice3A_227, %convert_element_type3A_902 : vector<4x2x128xf32>
        %reduce_sum3A_917 = arith.constant dense<0.000000e+00> : vector<4xf32>
        %reduce_sum3A_918 = vector.multi_reduction <add>, %mul3A_916, %reduce_sum3A_917 [1, 2] : vector<4x2x128xf32> to vector<4xf32>
        %broadcast_in_dim3A_919 = vector.shape_cast %reduce_sum3A_918 : vector<4xf32> to vector<4x1x1xf32>
        %mul3A_920 = arith.mulf %slice3A_228, %convert_element_type3A_902 : vector<4x2x128xf32>
        %reduce_sum3A_921 = arith.constant dense<0.000000e+00> : vector<4xf32>
        %reduce_sum3A_922 = vector.multi_reduction <add>, %mul3A_920, %reduce_sum3A_921 [1, 2] : vector<4x2x128xf32> to vector<4xf32>
        %broadcast_in_dim3A_923 = vector.shape_cast %reduce_sum3A_922 : vector<4xf32> to vector<4x1x1xf32>
        %mul3A_924 = arith.mulf %slice3A_229, %convert_element_type3A_902 : vector<4x2x128xf32>
        %reduce_sum3A_925 = arith.constant dense<0.000000e+00> : vector<4xf32>
        %reduce_sum3A_926 = vector.multi_reduction <add>, %mul3A_924, %reduce_sum3A_925 [1, 2] : vector<4x2x128xf32> to vector<4xf32>
        %broadcast_in_dim3A_927 = vector.shape_cast %reduce_sum3A_926 : vector<4xf32> to vector<4x1x1xf32>
        %sub3A_928 = arith.subf %broadcast_in_dim3A_923, %broadcast_in_dim3A_915 : vector<4x1x1xf32>
        %add3A_929 = arith.constant 1.000000e+00 : f32
        %add3A_930 = vector.broadcast %add3A_929 : f32 to vector<4x1x1xf32>
        %add3A_931 = arith.addf %sub3A_928, %add3A_930 : vector<4x1x1xf32>
        %sub3A_932 = arith.subf %broadcast_in_dim3A_927, %broadcast_in_dim3A_919 : vector<4x1x1xf32>
        %add3A_933 = arith.constant 1.000000e+00 : f32
        %add3A_934 = vector.broadcast %add3A_933 : f32 to vector<4x1x1xf32>
        %add3A_935 = arith.addf %sub3A_932, %add3A_934 : vector<4x1x1xf32>
        %mul3A_936 = arith.mulf %add3A_931, %add3A_935 : vector<4x1x1xf32>
        %max3A = vector.broadcast %broadcast_in_dim3A_915 : vector<4x1x1xf32> to vector<4x38x128xf32>
        %max3A_937 = arith.maximumf %max3A, %slice3A_209 : vector<4x38x128xf32>
        %max3A_938 = vector.broadcast %broadcast_in_dim3A_919 : vector<4x1x1xf32> to vector<4x38x128xf32>
        %max3A_939 = arith.maximumf %max3A_938, %slice3A_210 : vector<4x38x128xf32>
        %min3A_940 = vector.broadcast %broadcast_in_dim3A_923 : vector<4x1x1xf32> to vector<4x38x128xf32>
        %min3A_941 = arith.minimumf %min3A_940, %slice3A_211 : vector<4x38x128xf32>
        %min3A_942 = vector.broadcast %broadcast_in_dim3A_927 : vector<4x1x1xf32> to vector<4x38x128xf32>
        %min3A_943 = arith.minimumf %min3A_942, %slice3A_212 : vector<4x38x128xf32>
        %sub3A_944 = arith.subf %min3A_941, %max3A_937 : vector<4x38x128xf32>
        %add3A_945 = arith.constant 1.000000e+00 : f32
        %add3A_946 = vector.broadcast %add3A_945 : f32 to vector<4x38x128xf32>
        %add3A_947 = arith.addf %sub3A_944, %add3A_946 : vector<4x38x128xf32>
        %max3A_948 = arith.constant 0.000000e+00 : f32
        %max3A_949 = vector.broadcast %max3A_948 : f32 to vector<4x38x128xf32>
        %max3A_950 = arith.maximumf %max3A_949, %add3A_947 : vector<4x38x128xf32>
        %sub3A_951 = arith.subf %min3A_943, %max3A_939 : vector<4x38x128xf32>
        %add3A_952 = arith.constant 1.000000e+00 : f32
        %add3A_953 = vector.broadcast %add3A_952 : f32 to vector<4x38x128xf32>
        %add3A_954 = arith.addf %sub3A_951, %add3A_953 : vector<4x38x128xf32>
        %max3A_955 = arith.constant 0.000000e+00 : f32
        %max3A_956 = vector.broadcast %max3A_955 : f32 to vector<4x38x128xf32>
        %max3A_957 = arith.maximumf %max3A_956, %add3A_954 : vector<4x38x128xf32>
        %mul3A_958 = arith.mulf %max3A_950, %max3A_957 : vector<4x38x128xf32>
        %add3A_959 = vector.broadcast %mul3A_936 : vector<4x1x1xf32> to vector<4x38x128xf32>
        %add3A_960 = arith.addf %add3A_959, %mul3A_221 : vector<4x38x128xf32>
        %sub3A_961 = arith.subf %add3A_960, %mul3A_958 : vector<4x38x128xf32>
        %div3A = arith.divf %mul3A_958, %sub3A_961 : vector<4x38x128xf32>
        %gt3A = arith.constant 0.000000e+00 : f32
        %gt3A_962 = vector.broadcast %gt3A : f32 to vector<4x1x1xf32>
        %gt3A_963 = arith.cmpf ogt, %mul3A_911, %gt3A_962 : vector<4x1x1xf32>
        %gt3A_964 = arith.constant 0.699999988 : f32
        %gt3A_965 = vector.broadcast %gt3A_964 : f32 to vector<4x38x128xf32>
        %gt3A_966 = arith.cmpf ogt, %div3A, %gt3A_965 : vector<4x38x128xf32>
        %and3A = vector.broadcast %gt3A_963 : vector<4x1x1xi1> to vector<4x38x128xi1>
        %and3A_967 = arith.andi %and3A, %gt3A_966 : vector<4x38x128xi1>
        %gt3A_968 = vector.broadcast %scan3A_896 : i32 to vector<4x38x128xi32>
        %gt3A_969 = arith.cmpi sgt, %sub3A_225, %gt3A_968 : vector<4x38x128xi32>
        %and3A_970 = arith.andi %and3A_967, %gt3A_969 : vector<4x38x128xi1>
        %convert_element_type3A_971 = arith.extui %and3A_970 : vector<4x38x128xi1> to vector<4x38x128xi32>
        %convert_element_type3A_972 = arith.sitofp %convert_element_type3A_971 : vector<4x38x128xi32> to vector<4x38x128xf32>
        %mul3A_973 = vector.broadcast %mul3A_911 : vector<4x1x1xf32> to vector<4x2x128xf32>
        %mul3A_974 = arith.mulf %mul3A_973, %convert_element_type3A_902 : vector<4x2x128xf32>
        %max3A_975 = arith.maximumf %scan3A_898, %mul3A_974 : vector<4x2x128xf32>
        %sub3A_976 = arith.constant 1.000000e+00 : f32
        %sub3A_977 = vector.broadcast %sub3A_976 : f32 to vector<4x38x128xf32>
        %sub3A_978 = arith.subf %sub3A_977, %convert_element_type3A_972 : vector<4x38x128xf32>
        %mul3A_979 = arith.mulf %scan3A_897, %sub3A_978 : vector<4x38x128xf32>
        %add3A_980 = arith.addf %scan3A_899, %mul3A_911 : vector<4x1x1xf32>
        scf.yield %mul3A_979, %max3A_975, %add3A_980 : vector<4x38x128xf32>, vector<4x2x128xf32>, vector<4x1x1xf32>
      }
      %scan3A_895 = arith.constant 256 : i32
      scf.yield %scan3A_894#0, %scan3A_894#1, %scan3A_894#2 : vector<4x38x128xf32>, vector<4x2x128xf32>, vector<4x1x1xf32>
    } else {
      scf.yield %slice3A_208, %broadcast_in_dim3A_238, %cond3A_207#2 : vector<4x38x128xf32>, vector<4x2x128xf32>, vector<4x1x1xf32>
    }
    %slice3A_244 = vector.extract_strided_slice %cond3A_243#0 {offsets = [0, 2, 0], sizes = [4, 36, 128], strides = [1, 1, 1]} : vector<4x38x128xf32> to vector<4x36x128xf32>
    %slice3A_245 = vector.extract_strided_slice %get3A_24 {offsets = [0, 12, 0], sizes = [4, 36, 128], strides = [1, 1, 1]} : vector<4x48x128xf32> to vector<4x36x128xf32>
    %slice3A_246 = vector.extract_strided_slice %get3A_28 {offsets = [0, 12, 0], sizes = [4, 36, 128], strides = [1, 1, 1]} : vector<4x48x128xf32> to vector<4x36x128xf32>
    %slice3A_247 = vector.extract_strided_slice %get3A_32 {offsets = [0, 12, 0], sizes = [4, 36, 128], strides = [1, 1, 1]} : vector<4x48x128xf32> to vector<4x36x128xf32>
    %slice3A_248 = vector.extract_strided_slice %get3A_36 {offsets = [0, 12, 0], sizes = [4, 36, 128], strides = [1, 1, 1]} : vector<4x48x128xf32> to vector<4x36x128xf32>
    %sub3A_249 = arith.subf %slice3A_247, %slice3A_245 : vector<4x36x128xf32>
    %add3A_250 = arith.constant 1.000000e+00 : f32
    %add3A_251 = vector.broadcast %add3A_250 : f32 to vector<4x36x128xf32>
    %add3A_252 = arith.addf %sub3A_249, %add3A_251 : vector<4x36x128xf32>
    %sub3A_253 = arith.subf %slice3A_248, %slice3A_246 : vector<4x36x128xf32>
    %add3A_254 = arith.constant 1.000000e+00 : f32
    %add3A_255 = vector.broadcast %add3A_254 : f32 to vector<4x36x128xf32>
    %add3A_256 = arith.addf %sub3A_253, %add3A_255 : vector<4x36x128xf32>
    %mul3A_257 = arith.mulf %add3A_252, %add3A_256 : vector<4x36x128xf32>
    %slice3A_258 = vector.extract_strided_slice %add3A {offsets = [0, 12, 0], sizes = [4, 36, 128], strides = [1, 1, 1]} : vector<4x48x128xi32> to vector<4x36x128xi32>
    %sub3A_259 = arith.constant 1536 : i32
    %sub3A_260 = vector.broadcast %sub3A_259 : i32 to vector<4x36x128xi32>
    %sub3A_261 = arith.subi %slice3A_258, %sub3A_260 : vector<4x36x128xi32>
    %slice3A_262 = vector.extract_strided_slice %slice3A_245 {offsets = [0, 0, 0], sizes = [4, 2, 128], strides = [1, 1, 1]} : vector<4x36x128xf32> to vector<4x2x128xf32>
    %slice3A_263 = vector.extract_strided_slice %slice3A_246 {offsets = [0, 0, 0], sizes = [4, 2, 128], strides = [1, 1, 1]} : vector<4x36x128xf32> to vector<4x2x128xf32>
    %slice3A_264 = vector.extract_strided_slice %slice3A_247 {offsets = [0, 0, 0], sizes = [4, 2, 128], strides = [1, 1, 1]} : vector<4x36x128xf32> to vector<4x2x128xf32>
    %slice3A_265 = vector.extract_strided_slice %slice3A_248 {offsets = [0, 0, 0], sizes = [4, 2, 128], strides = [1, 1, 1]} : vector<4x36x128xf32> to vector<4x2x128xf32>
    %reduce_min3A_266 = vector.shape_cast %cond3A_243#2 : vector<4x1x1xf32> to vector<1x4x1x1xf32>
    %reduce_min3A_267 = arith.constant dense<0x7F800000> : vector<1xf32>
    %reduce_min3A_268 = vector.multi_reduction <minimumf>, %reduce_min3A_266, %reduce_min3A_267 [1, 2, 3] : vector<1x4x1x1xf32> to vector<1xf32>
    %reduce_min3A_269 = vector.shape_cast %reduce_min3A_268 : vector<1xf32> to vector<1x1x1x1xf32>
    %reduce_min3A_270 = vector.extract %reduce_min3A_269[0, 0, 0, 0] : f32 from vector<1x1x1x1xf32>
    %lt3A_271 = arith.constant 1.000000e+03 : f32
    %lt3A_272 = arith.cmpf olt, %reduce_min3A_270, %lt3A_271 : f32
    %broadcast_in_dim3A_273 = arith.constant 0.000000e+00 : f32
    %broadcast_in_dim3A_274 = vector.broadcast %broadcast_in_dim3A_273 : f32 to vector<4x2x128xf32>
    %convert_element_type3A_275 = arith.extui %lt3A_272 : i1 to i32
    %cond3A_276 = arith.constant 1.000000e+03 : f32
    %cond3A_277 = arith.constant 0 : i32
    %cond3A_278 = arith.cmpi ne, %convert_element_type3A_275, %cond3A_277 : i32
    %cond3A_279:3 = scf.if %cond3A_278 -> (vector<4x36x128xf32>, vector<4x2x128xf32>, vector<4x1x1xf32>) {
      %scan3A = arith.constant 0 : i32
      %scan3A_891 = arith.constant 256 : i32
      %scan3A_892 = arith.addi %scan3A, %scan3A_891 : i32
      %scan3A_893 = arith.constant 1 : i32
      %scan3A_894:3 = scf.for %scan3A_896 = %scan3A to %scan3A_892 step %scan3A_893 iter_args(%scan3A_897 = %slice3A_244, %scan3A_898 = %broadcast_in_dim3A_274, %scan3A_899 = %cond3A_243#2) -> (vector<4x36x128xf32>, vector<4x2x128xf32>, vector<4x1x1xf32>)  : i32 {
        %eq3A = vector.broadcast %scan3A_896 : i32 to vector<4x2x128xi32>
        %eq3A_900 = arith.cmpi eq, %add3A_19, %eq3A : vector<4x2x128xi32>
        %convert_element_type3A_901 = arith.extui %eq3A_900 : vector<4x2x128xi1> to vector<4x2x128xi32>
        %convert_element_type3A_902 = arith.sitofp %convert_element_type3A_901 : vector<4x2x128xi32> to vector<4x2x128xf32>
        %slice3A_903 = vector.extract_strided_slice %scan3A_897 {offsets = [0, 0, 0], sizes = [4, 2, 128], strides = [1, 1, 1]} : vector<4x36x128xf32> to vector<4x2x128xf32>
        %mul3A_904 = arith.mulf %slice3A_903, %convert_element_type3A_902 : vector<4x2x128xf32>
        %reduce_sum3A = arith.constant dense<0.000000e+00> : vector<4xf32>
        %reduce_sum3A_905 = vector.multi_reduction <add>, %mul3A_904, %reduce_sum3A [1, 2] : vector<4x2x128xf32> to vector<4xf32>
        %broadcast_in_dim3A_906 = vector.shape_cast %reduce_sum3A_905 : vector<4xf32> to vector<4x1x1xf32>
        %lt3A_907 = vector.broadcast %cond3A_276 : f32 to vector<4x1x1xf32>
        %lt3A_908 = arith.cmpf olt, %scan3A_899, %lt3A_907 : vector<4x1x1xf32>
        %convert_element_type3A_909 = arith.extui %lt3A_908 : vector<4x1x1xi1> to vector<4x1x1xi32>
        %convert_element_type3A_910 = arith.sitofp %convert_element_type3A_909 : vector<4x1x1xi32> to vector<4x1x1xf32>
        %mul3A_911 = arith.mulf %broadcast_in_dim3A_906, %convert_element_type3A_910 : vector<4x1x1xf32>
        %mul3A_912 = arith.mulf %slice3A_262, %convert_element_type3A_902 : vector<4x2x128xf32>
        %reduce_sum3A_913 = arith.constant dense<0.000000e+00> : vector<4xf32>
        %reduce_sum3A_914 = vector.multi_reduction <add>, %mul3A_912, %reduce_sum3A_913 [1, 2] : vector<4x2x128xf32> to vector<4xf32>
        %broadcast_in_dim3A_915 = vector.shape_cast %reduce_sum3A_914 : vector<4xf32> to vector<4x1x1xf32>
        %mul3A_916 = arith.mulf %slice3A_263, %convert_element_type3A_902 : vector<4x2x128xf32>
        %reduce_sum3A_917 = arith.constant dense<0.000000e+00> : vector<4xf32>
        %reduce_sum3A_918 = vector.multi_reduction <add>, %mul3A_916, %reduce_sum3A_917 [1, 2] : vector<4x2x128xf32> to vector<4xf32>
        %broadcast_in_dim3A_919 = vector.shape_cast %reduce_sum3A_918 : vector<4xf32> to vector<4x1x1xf32>
        %mul3A_920 = arith.mulf %slice3A_264, %convert_element_type3A_902 : vector<4x2x128xf32>
        %reduce_sum3A_921 = arith.constant dense<0.000000e+00> : vector<4xf32>
        %reduce_sum3A_922 = vector.multi_reduction <add>, %mul3A_920, %reduce_sum3A_921 [1, 2] : vector<4x2x128xf32> to vector<4xf32>
        %broadcast_in_dim3A_923 = vector.shape_cast %reduce_sum3A_922 : vector<4xf32> to vector<4x1x1xf32>
        %mul3A_924 = arith.mulf %slice3A_265, %convert_element_type3A_902 : vector<4x2x128xf32>
        %reduce_sum3A_925 = arith.constant dense<0.000000e+00> : vector<4xf32>
        %reduce_sum3A_926 = vector.multi_reduction <add>, %mul3A_924, %reduce_sum3A_925 [1, 2] : vector<4x2x128xf32> to vector<4xf32>
        %broadcast_in_dim3A_927 = vector.shape_cast %reduce_sum3A_926 : vector<4xf32> to vector<4x1x1xf32>
        %sub3A_928 = arith.subf %broadcast_in_dim3A_923, %broadcast_in_dim3A_915 : vector<4x1x1xf32>
        %add3A_929 = arith.constant 1.000000e+00 : f32
        %add3A_930 = vector.broadcast %add3A_929 : f32 to vector<4x1x1xf32>
        %add3A_931 = arith.addf %sub3A_928, %add3A_930 : vector<4x1x1xf32>
        %sub3A_932 = arith.subf %broadcast_in_dim3A_927, %broadcast_in_dim3A_919 : vector<4x1x1xf32>
        %add3A_933 = arith.constant 1.000000e+00 : f32
        %add3A_934 = vector.broadcast %add3A_933 : f32 to vector<4x1x1xf32>
        %add3A_935 = arith.addf %sub3A_932, %add3A_934 : vector<4x1x1xf32>
        %mul3A_936 = arith.mulf %add3A_931, %add3A_935 : vector<4x1x1xf32>
        %max3A = vector.broadcast %broadcast_in_dim3A_915 : vector<4x1x1xf32> to vector<4x36x128xf32>
        %max3A_937 = arith.maximumf %max3A, %slice3A_245 : vector<4x36x128xf32>
        %max3A_938 = vector.broadcast %broadcast_in_dim3A_919 : vector<4x1x1xf32> to vector<4x36x128xf32>
        %max3A_939 = arith.maximumf %max3A_938, %slice3A_246 : vector<4x36x128xf32>
        %min3A_940 = vector.broadcast %broadcast_in_dim3A_923 : vector<4x1x1xf32> to vector<4x36x128xf32>
        %min3A_941 = arith.minimumf %min3A_940, %slice3A_247 : vector<4x36x128xf32>
        %min3A_942 = vector.broadcast %broadcast_in_dim3A_927 : vector<4x1x1xf32> to vector<4x36x128xf32>
        %min3A_943 = arith.minimumf %min3A_942, %slice3A_248 : vector<4x36x128xf32>
        %sub3A_944 = arith.subf %min3A_941, %max3A_937 : vector<4x36x128xf32>
        %add3A_945 = arith.constant 1.000000e+00 : f32
        %add3A_946 = vector.broadcast %add3A_945 : f32 to vector<4x36x128xf32>
        %add3A_947 = arith.addf %sub3A_944, %add3A_946 : vector<4x36x128xf32>
        %max3A_948 = arith.constant 0.000000e+00 : f32
        %max3A_949 = vector.broadcast %max3A_948 : f32 to vector<4x36x128xf32>
        %max3A_950 = arith.maximumf %max3A_949, %add3A_947 : vector<4x36x128xf32>
        %sub3A_951 = arith.subf %min3A_943, %max3A_939 : vector<4x36x128xf32>
        %add3A_952 = arith.constant 1.000000e+00 : f32
        %add3A_953 = vector.broadcast %add3A_952 : f32 to vector<4x36x128xf32>
        %add3A_954 = arith.addf %sub3A_951, %add3A_953 : vector<4x36x128xf32>
        %max3A_955 = arith.constant 0.000000e+00 : f32
        %max3A_956 = vector.broadcast %max3A_955 : f32 to vector<4x36x128xf32>
        %max3A_957 = arith.maximumf %max3A_956, %add3A_954 : vector<4x36x128xf32>
        %mul3A_958 = arith.mulf %max3A_950, %max3A_957 : vector<4x36x128xf32>
        %add3A_959 = vector.broadcast %mul3A_936 : vector<4x1x1xf32> to vector<4x36x128xf32>
        %add3A_960 = arith.addf %add3A_959, %mul3A_257 : vector<4x36x128xf32>
        %sub3A_961 = arith.subf %add3A_960, %mul3A_958 : vector<4x36x128xf32>
        %div3A = arith.divf %mul3A_958, %sub3A_961 : vector<4x36x128xf32>
        %gt3A = arith.constant 0.000000e+00 : f32
        %gt3A_962 = vector.broadcast %gt3A : f32 to vector<4x1x1xf32>
        %gt3A_963 = arith.cmpf ogt, %mul3A_911, %gt3A_962 : vector<4x1x1xf32>
        %gt3A_964 = arith.constant 0.699999988 : f32
        %gt3A_965 = vector.broadcast %gt3A_964 : f32 to vector<4x36x128xf32>
        %gt3A_966 = arith.cmpf ogt, %div3A, %gt3A_965 : vector<4x36x128xf32>
        %and3A = vector.broadcast %gt3A_963 : vector<4x1x1xi1> to vector<4x36x128xi1>
        %and3A_967 = arith.andi %and3A, %gt3A_966 : vector<4x36x128xi1>
        %gt3A_968 = vector.broadcast %scan3A_896 : i32 to vector<4x36x128xi32>
        %gt3A_969 = arith.cmpi sgt, %sub3A_261, %gt3A_968 : vector<4x36x128xi32>
        %and3A_970 = arith.andi %and3A_967, %gt3A_969 : vector<4x36x128xi1>
        %convert_element_type3A_971 = arith.extui %and3A_970 : vector<4x36x128xi1> to vector<4x36x128xi32>
        %convert_element_type3A_972 = arith.sitofp %convert_element_type3A_971 : vector<4x36x128xi32> to vector<4x36x128xf32>
        %mul3A_973 = vector.broadcast %mul3A_911 : vector<4x1x1xf32> to vector<4x2x128xf32>
        %mul3A_974 = arith.mulf %mul3A_973, %convert_element_type3A_902 : vector<4x2x128xf32>
        %max3A_975 = arith.maximumf %scan3A_898, %mul3A_974 : vector<4x2x128xf32>
        %sub3A_976 = arith.constant 1.000000e+00 : f32
        %sub3A_977 = vector.broadcast %sub3A_976 : f32 to vector<4x36x128xf32>
        %sub3A_978 = arith.subf %sub3A_977, %convert_element_type3A_972 : vector<4x36x128xf32>
        %mul3A_979 = arith.mulf %scan3A_897, %sub3A_978 : vector<4x36x128xf32>
        %add3A_980 = arith.addf %scan3A_899, %mul3A_911 : vector<4x1x1xf32>
        scf.yield %mul3A_979, %max3A_975, %add3A_980 : vector<4x36x128xf32>, vector<4x2x128xf32>, vector<4x1x1xf32>
      }
      %scan3A_895 = arith.constant 256 : i32
      scf.yield %scan3A_894#0, %scan3A_894#1, %scan3A_894#2 : vector<4x36x128xf32>, vector<4x2x128xf32>, vector<4x1x1xf32>
    } else {
      scf.yield %slice3A_244, %broadcast_in_dim3A_274, %cond3A_243#2 : vector<4x36x128xf32>, vector<4x2x128xf32>, vector<4x1x1xf32>
    }
    %slice3A_280 = vector.extract_strided_slice %cond3A_279#0 {offsets = [0, 2, 0], sizes = [4, 34, 128], strides = [1, 1, 1]} : vector<4x36x128xf32> to vector<4x34x128xf32>
    %slice3A_281 = vector.extract_strided_slice %get3A_24 {offsets = [0, 14, 0], sizes = [4, 34, 128], strides = [1, 1, 1]} : vector<4x48x128xf32> to vector<4x34x128xf32>
    %slice3A_282 = vector.extract_strided_slice %get3A_28 {offsets = [0, 14, 0], sizes = [4, 34, 128], strides = [1, 1, 1]} : vector<4x48x128xf32> to vector<4x34x128xf32>
    %slice3A_283 = vector.extract_strided_slice %get3A_32 {offsets = [0, 14, 0], sizes = [4, 34, 128], strides = [1, 1, 1]} : vector<4x48x128xf32> to vector<4x34x128xf32>
    %slice3A_284 = vector.extract_strided_slice %get3A_36 {offsets = [0, 14, 0], sizes = [4, 34, 128], strides = [1, 1, 1]} : vector<4x48x128xf32> to vector<4x34x128xf32>
    %sub3A_285 = arith.subf %slice3A_283, %slice3A_281 : vector<4x34x128xf32>
    %add3A_286 = arith.constant 1.000000e+00 : f32
    %add3A_287 = vector.broadcast %add3A_286 : f32 to vector<4x34x128xf32>
    %add3A_288 = arith.addf %sub3A_285, %add3A_287 : vector<4x34x128xf32>
    %sub3A_289 = arith.subf %slice3A_284, %slice3A_282 : vector<4x34x128xf32>
    %add3A_290 = arith.constant 1.000000e+00 : f32
    %add3A_291 = vector.broadcast %add3A_290 : f32 to vector<4x34x128xf32>
    %add3A_292 = arith.addf %sub3A_289, %add3A_291 : vector<4x34x128xf32>
    %mul3A_293 = arith.mulf %add3A_288, %add3A_292 : vector<4x34x128xf32>
    %slice3A_294 = vector.extract_strided_slice %add3A {offsets = [0, 14, 0], sizes = [4, 34, 128], strides = [1, 1, 1]} : vector<4x48x128xi32> to vector<4x34x128xi32>
    %sub3A_295 = arith.constant 1792 : i32
    %sub3A_296 = vector.broadcast %sub3A_295 : i32 to vector<4x34x128xi32>
    %sub3A_297 = arith.subi %slice3A_294, %sub3A_296 : vector<4x34x128xi32>
    %slice3A_298 = vector.extract_strided_slice %slice3A_281 {offsets = [0, 0, 0], sizes = [4, 2, 128], strides = [1, 1, 1]} : vector<4x34x128xf32> to vector<4x2x128xf32>
    %slice3A_299 = vector.extract_strided_slice %slice3A_282 {offsets = [0, 0, 0], sizes = [4, 2, 128], strides = [1, 1, 1]} : vector<4x34x128xf32> to vector<4x2x128xf32>
    %slice3A_300 = vector.extract_strided_slice %slice3A_283 {offsets = [0, 0, 0], sizes = [4, 2, 128], strides = [1, 1, 1]} : vector<4x34x128xf32> to vector<4x2x128xf32>
    %slice3A_301 = vector.extract_strided_slice %slice3A_284 {offsets = [0, 0, 0], sizes = [4, 2, 128], strides = [1, 1, 1]} : vector<4x34x128xf32> to vector<4x2x128xf32>
    %reduce_min3A_302 = vector.shape_cast %cond3A_279#2 : vector<4x1x1xf32> to vector<1x4x1x1xf32>
    %reduce_min3A_303 = arith.constant dense<0x7F800000> : vector<1xf32>
    %reduce_min3A_304 = vector.multi_reduction <minimumf>, %reduce_min3A_302, %reduce_min3A_303 [1, 2, 3] : vector<1x4x1x1xf32> to vector<1xf32>
    %reduce_min3A_305 = vector.shape_cast %reduce_min3A_304 : vector<1xf32> to vector<1x1x1x1xf32>
    %reduce_min3A_306 = vector.extract %reduce_min3A_305[0, 0, 0, 0] : f32 from vector<1x1x1x1xf32>
    %lt3A_307 = arith.constant 1.000000e+03 : f32
    %lt3A_308 = arith.cmpf olt, %reduce_min3A_306, %lt3A_307 : f32
    %broadcast_in_dim3A_309 = arith.constant 0.000000e+00 : f32
    %broadcast_in_dim3A_310 = vector.broadcast %broadcast_in_dim3A_309 : f32 to vector<4x2x128xf32>
    %convert_element_type3A_311 = arith.extui %lt3A_308 : i1 to i32
    %cond3A_312 = arith.constant 1.000000e+03 : f32
    %cond3A_313 = arith.constant 0 : i32
    %cond3A_314 = arith.cmpi ne, %convert_element_type3A_311, %cond3A_313 : i32
    %cond3A_315:3 = scf.if %cond3A_314 -> (vector<4x34x128xf32>, vector<4x2x128xf32>, vector<4x1x1xf32>) {
      %scan3A = arith.constant 0 : i32
      %scan3A_891 = arith.constant 256 : i32
      %scan3A_892 = arith.addi %scan3A, %scan3A_891 : i32
      %scan3A_893 = arith.constant 1 : i32
      %scan3A_894:3 = scf.for %scan3A_896 = %scan3A to %scan3A_892 step %scan3A_893 iter_args(%scan3A_897 = %slice3A_280, %scan3A_898 = %broadcast_in_dim3A_310, %scan3A_899 = %cond3A_279#2) -> (vector<4x34x128xf32>, vector<4x2x128xf32>, vector<4x1x1xf32>)  : i32 {
        %eq3A = vector.broadcast %scan3A_896 : i32 to vector<4x2x128xi32>
        %eq3A_900 = arith.cmpi eq, %add3A_19, %eq3A : vector<4x2x128xi32>
        %convert_element_type3A_901 = arith.extui %eq3A_900 : vector<4x2x128xi1> to vector<4x2x128xi32>
        %convert_element_type3A_902 = arith.sitofp %convert_element_type3A_901 : vector<4x2x128xi32> to vector<4x2x128xf32>
        %slice3A_903 = vector.extract_strided_slice %scan3A_897 {offsets = [0, 0, 0], sizes = [4, 2, 128], strides = [1, 1, 1]} : vector<4x34x128xf32> to vector<4x2x128xf32>
        %mul3A_904 = arith.mulf %slice3A_903, %convert_element_type3A_902 : vector<4x2x128xf32>
        %reduce_sum3A = arith.constant dense<0.000000e+00> : vector<4xf32>
        %reduce_sum3A_905 = vector.multi_reduction <add>, %mul3A_904, %reduce_sum3A [1, 2] : vector<4x2x128xf32> to vector<4xf32>
        %broadcast_in_dim3A_906 = vector.shape_cast %reduce_sum3A_905 : vector<4xf32> to vector<4x1x1xf32>
        %lt3A_907 = vector.broadcast %cond3A_312 : f32 to vector<4x1x1xf32>
        %lt3A_908 = arith.cmpf olt, %scan3A_899, %lt3A_907 : vector<4x1x1xf32>
        %convert_element_type3A_909 = arith.extui %lt3A_908 : vector<4x1x1xi1> to vector<4x1x1xi32>
        %convert_element_type3A_910 = arith.sitofp %convert_element_type3A_909 : vector<4x1x1xi32> to vector<4x1x1xf32>
        %mul3A_911 = arith.mulf %broadcast_in_dim3A_906, %convert_element_type3A_910 : vector<4x1x1xf32>
        %mul3A_912 = arith.mulf %slice3A_298, %convert_element_type3A_902 : vector<4x2x128xf32>
        %reduce_sum3A_913 = arith.constant dense<0.000000e+00> : vector<4xf32>
        %reduce_sum3A_914 = vector.multi_reduction <add>, %mul3A_912, %reduce_sum3A_913 [1, 2] : vector<4x2x128xf32> to vector<4xf32>
        %broadcast_in_dim3A_915 = vector.shape_cast %reduce_sum3A_914 : vector<4xf32> to vector<4x1x1xf32>
        %mul3A_916 = arith.mulf %slice3A_299, %convert_element_type3A_902 : vector<4x2x128xf32>
        %reduce_sum3A_917 = arith.constant dense<0.000000e+00> : vector<4xf32>
        %reduce_sum3A_918 = vector.multi_reduction <add>, %mul3A_916, %reduce_sum3A_917 [1, 2] : vector<4x2x128xf32> to vector<4xf32>
        %broadcast_in_dim3A_919 = vector.shape_cast %reduce_sum3A_918 : vector<4xf32> to vector<4x1x1xf32>
        %mul3A_920 = arith.mulf %slice3A_300, %convert_element_type3A_902 : vector<4x2x128xf32>
        %reduce_sum3A_921 = arith.constant dense<0.000000e+00> : vector<4xf32>
        %reduce_sum3A_922 = vector.multi_reduction <add>, %mul3A_920, %reduce_sum3A_921 [1, 2] : vector<4x2x128xf32> to vector<4xf32>
        %broadcast_in_dim3A_923 = vector.shape_cast %reduce_sum3A_922 : vector<4xf32> to vector<4x1x1xf32>
        %mul3A_924 = arith.mulf %slice3A_301, %convert_element_type3A_902 : vector<4x2x128xf32>
        %reduce_sum3A_925 = arith.constant dense<0.000000e+00> : vector<4xf32>
        %reduce_sum3A_926 = vector.multi_reduction <add>, %mul3A_924, %reduce_sum3A_925 [1, 2] : vector<4x2x128xf32> to vector<4xf32>
        %broadcast_in_dim3A_927 = vector.shape_cast %reduce_sum3A_926 : vector<4xf32> to vector<4x1x1xf32>
        %sub3A_928 = arith.subf %broadcast_in_dim3A_923, %broadcast_in_dim3A_915 : vector<4x1x1xf32>
        %add3A_929 = arith.constant 1.000000e+00 : f32
        %add3A_930 = vector.broadcast %add3A_929 : f32 to vector<4x1x1xf32>
        %add3A_931 = arith.addf %sub3A_928, %add3A_930 : vector<4x1x1xf32>
        %sub3A_932 = arith.subf %broadcast_in_dim3A_927, %broadcast_in_dim3A_919 : vector<4x1x1xf32>
        %add3A_933 = arith.constant 1.000000e+00 : f32
        %add3A_934 = vector.broadcast %add3A_933 : f32 to vector<4x1x1xf32>
        %add3A_935 = arith.addf %sub3A_932, %add3A_934 : vector<4x1x1xf32>
        %mul3A_936 = arith.mulf %add3A_931, %add3A_935 : vector<4x1x1xf32>
        %max3A = vector.broadcast %broadcast_in_dim3A_915 : vector<4x1x1xf32> to vector<4x34x128xf32>
        %max3A_937 = arith.maximumf %max3A, %slice3A_281 : vector<4x34x128xf32>
        %max3A_938 = vector.broadcast %broadcast_in_dim3A_919 : vector<4x1x1xf32> to vector<4x34x128xf32>
        %max3A_939 = arith.maximumf %max3A_938, %slice3A_282 : vector<4x34x128xf32>
        %min3A_940 = vector.broadcast %broadcast_in_dim3A_923 : vector<4x1x1xf32> to vector<4x34x128xf32>
        %min3A_941 = arith.minimumf %min3A_940, %slice3A_283 : vector<4x34x128xf32>
        %min3A_942 = vector.broadcast %broadcast_in_dim3A_927 : vector<4x1x1xf32> to vector<4x34x128xf32>
        %min3A_943 = arith.minimumf %min3A_942, %slice3A_284 : vector<4x34x128xf32>
        %sub3A_944 = arith.subf %min3A_941, %max3A_937 : vector<4x34x128xf32>
        %add3A_945 = arith.constant 1.000000e+00 : f32
        %add3A_946 = vector.broadcast %add3A_945 : f32 to vector<4x34x128xf32>
        %add3A_947 = arith.addf %sub3A_944, %add3A_946 : vector<4x34x128xf32>
        %max3A_948 = arith.constant 0.000000e+00 : f32
        %max3A_949 = vector.broadcast %max3A_948 : f32 to vector<4x34x128xf32>
        %max3A_950 = arith.maximumf %max3A_949, %add3A_947 : vector<4x34x128xf32>
        %sub3A_951 = arith.subf %min3A_943, %max3A_939 : vector<4x34x128xf32>
        %add3A_952 = arith.constant 1.000000e+00 : f32
        %add3A_953 = vector.broadcast %add3A_952 : f32 to vector<4x34x128xf32>
        %add3A_954 = arith.addf %sub3A_951, %add3A_953 : vector<4x34x128xf32>
        %max3A_955 = arith.constant 0.000000e+00 : f32
        %max3A_956 = vector.broadcast %max3A_955 : f32 to vector<4x34x128xf32>
        %max3A_957 = arith.maximumf %max3A_956, %add3A_954 : vector<4x34x128xf32>
        %mul3A_958 = arith.mulf %max3A_950, %max3A_957 : vector<4x34x128xf32>
        %add3A_959 = vector.broadcast %mul3A_936 : vector<4x1x1xf32> to vector<4x34x128xf32>
        %add3A_960 = arith.addf %add3A_959, %mul3A_293 : vector<4x34x128xf32>
        %sub3A_961 = arith.subf %add3A_960, %mul3A_958 : vector<4x34x128xf32>
        %div3A = arith.divf %mul3A_958, %sub3A_961 : vector<4x34x128xf32>
        %gt3A = arith.constant 0.000000e+00 : f32
        %gt3A_962 = vector.broadcast %gt3A : f32 to vector<4x1x1xf32>
        %gt3A_963 = arith.cmpf ogt, %mul3A_911, %gt3A_962 : vector<4x1x1xf32>
        %gt3A_964 = arith.constant 0.699999988 : f32
        %gt3A_965 = vector.broadcast %gt3A_964 : f32 to vector<4x34x128xf32>
        %gt3A_966 = arith.cmpf ogt, %div3A, %gt3A_965 : vector<4x34x128xf32>
        %and3A = vector.broadcast %gt3A_963 : vector<4x1x1xi1> to vector<4x34x128xi1>
        %and3A_967 = arith.andi %and3A, %gt3A_966 : vector<4x34x128xi1>
        %gt3A_968 = vector.broadcast %scan3A_896 : i32 to vector<4x34x128xi32>
        %gt3A_969 = arith.cmpi sgt, %sub3A_297, %gt3A_968 : vector<4x34x128xi32>
        %and3A_970 = arith.andi %and3A_967, %gt3A_969 : vector<4x34x128xi1>
        %convert_element_type3A_971 = arith.extui %and3A_970 : vector<4x34x128xi1> to vector<4x34x128xi32>
        %convert_element_type3A_972 = arith.sitofp %convert_element_type3A_971 : vector<4x34x128xi32> to vector<4x34x128xf32>
        %mul3A_973 = vector.broadcast %mul3A_911 : vector<4x1x1xf32> to vector<4x2x128xf32>
        %mul3A_974 = arith.mulf %mul3A_973, %convert_element_type3A_902 : vector<4x2x128xf32>
        %max3A_975 = arith.maximumf %scan3A_898, %mul3A_974 : vector<4x2x128xf32>
        %sub3A_976 = arith.constant 1.000000e+00 : f32
        %sub3A_977 = vector.broadcast %sub3A_976 : f32 to vector<4x34x128xf32>
        %sub3A_978 = arith.subf %sub3A_977, %convert_element_type3A_972 : vector<4x34x128xf32>
        %mul3A_979 = arith.mulf %scan3A_897, %sub3A_978 : vector<4x34x128xf32>
        %add3A_980 = arith.addf %scan3A_899, %mul3A_911 : vector<4x1x1xf32>
        scf.yield %mul3A_979, %max3A_975, %add3A_980 : vector<4x34x128xf32>, vector<4x2x128xf32>, vector<4x1x1xf32>
      }
      %scan3A_895 = arith.constant 256 : i32
      scf.yield %scan3A_894#0, %scan3A_894#1, %scan3A_894#2 : vector<4x34x128xf32>, vector<4x2x128xf32>, vector<4x1x1xf32>
    } else {
      scf.yield %slice3A_280, %broadcast_in_dim3A_310, %cond3A_279#2 : vector<4x34x128xf32>, vector<4x2x128xf32>, vector<4x1x1xf32>
    }
    %slice3A_316 = vector.extract_strided_slice %cond3A_315#0 {offsets = [0, 2, 0], sizes = [4, 32, 128], strides = [1, 1, 1]} : vector<4x34x128xf32> to vector<4x32x128xf32>
    %slice3A_317 = vector.extract_strided_slice %get3A_24 {offsets = [0, 16, 0], sizes = [4, 32, 128], strides = [1, 1, 1]} : vector<4x48x128xf32> to vector<4x32x128xf32>
    %slice3A_318 = vector.extract_strided_slice %get3A_28 {offsets = [0, 16, 0], sizes = [4, 32, 128], strides = [1, 1, 1]} : vector<4x48x128xf32> to vector<4x32x128xf32>
    %slice3A_319 = vector.extract_strided_slice %get3A_32 {offsets = [0, 16, 0], sizes = [4, 32, 128], strides = [1, 1, 1]} : vector<4x48x128xf32> to vector<4x32x128xf32>
    %slice3A_320 = vector.extract_strided_slice %get3A_36 {offsets = [0, 16, 0], sizes = [4, 32, 128], strides = [1, 1, 1]} : vector<4x48x128xf32> to vector<4x32x128xf32>
    %sub3A_321 = arith.subf %slice3A_319, %slice3A_317 : vector<4x32x128xf32>
    %add3A_322 = arith.constant 1.000000e+00 : f32
    %add3A_323 = vector.broadcast %add3A_322 : f32 to vector<4x32x128xf32>
    %add3A_324 = arith.addf %sub3A_321, %add3A_323 : vector<4x32x128xf32>
    %sub3A_325 = arith.subf %slice3A_320, %slice3A_318 : vector<4x32x128xf32>
    %add3A_326 = arith.constant 1.000000e+00 : f32
    %add3A_327 = vector.broadcast %add3A_326 : f32 to vector<4x32x128xf32>
    %add3A_328 = arith.addf %sub3A_325, %add3A_327 : vector<4x32x128xf32>
    %mul3A_329 = arith.mulf %add3A_324, %add3A_328 : vector<4x32x128xf32>
    %slice3A_330 = vector.extract_strided_slice %add3A {offsets = [0, 16, 0], sizes = [4, 32, 128], strides = [1, 1, 1]} : vector<4x48x128xi32> to vector<4x32x128xi32>
    %sub3A_331 = arith.constant 2048 : i32
    %sub3A_332 = vector.broadcast %sub3A_331 : i32 to vector<4x32x128xi32>
    %sub3A_333 = arith.subi %slice3A_330, %sub3A_332 : vector<4x32x128xi32>
    %slice3A_334 = vector.extract_strided_slice %slice3A_317 {offsets = [0, 0, 0], sizes = [4, 2, 128], strides = [1, 1, 1]} : vector<4x32x128xf32> to vector<4x2x128xf32>
    %slice3A_335 = vector.extract_strided_slice %slice3A_318 {offsets = [0, 0, 0], sizes = [4, 2, 128], strides = [1, 1, 1]} : vector<4x32x128xf32> to vector<4x2x128xf32>
    %slice3A_336 = vector.extract_strided_slice %slice3A_319 {offsets = [0, 0, 0], sizes = [4, 2, 128], strides = [1, 1, 1]} : vector<4x32x128xf32> to vector<4x2x128xf32>
    %slice3A_337 = vector.extract_strided_slice %slice3A_320 {offsets = [0, 0, 0], sizes = [4, 2, 128], strides = [1, 1, 1]} : vector<4x32x128xf32> to vector<4x2x128xf32>
    %reduce_min3A_338 = vector.shape_cast %cond3A_315#2 : vector<4x1x1xf32> to vector<1x4x1x1xf32>
    %reduce_min3A_339 = arith.constant dense<0x7F800000> : vector<1xf32>
    %reduce_min3A_340 = vector.multi_reduction <minimumf>, %reduce_min3A_338, %reduce_min3A_339 [1, 2, 3] : vector<1x4x1x1xf32> to vector<1xf32>
    %reduce_min3A_341 = vector.shape_cast %reduce_min3A_340 : vector<1xf32> to vector<1x1x1x1xf32>
    %reduce_min3A_342 = vector.extract %reduce_min3A_341[0, 0, 0, 0] : f32 from vector<1x1x1x1xf32>
    %lt3A_343 = arith.constant 1.000000e+03 : f32
    %lt3A_344 = arith.cmpf olt, %reduce_min3A_342, %lt3A_343 : f32
    %broadcast_in_dim3A_345 = arith.constant 0.000000e+00 : f32
    %broadcast_in_dim3A_346 = vector.broadcast %broadcast_in_dim3A_345 : f32 to vector<4x2x128xf32>
    %convert_element_type3A_347 = arith.extui %lt3A_344 : i1 to i32
    %cond3A_348 = arith.constant 1.000000e+03 : f32
    %cond3A_349 = arith.constant 0 : i32
    %cond3A_350 = arith.cmpi ne, %convert_element_type3A_347, %cond3A_349 : i32
    %cond3A_351:3 = scf.if %cond3A_350 -> (vector<4x32x128xf32>, vector<4x2x128xf32>, vector<4x1x1xf32>) {
      %scan3A = arith.constant 0 : i32
      %scan3A_891 = arith.constant 256 : i32
      %scan3A_892 = arith.addi %scan3A, %scan3A_891 : i32
      %scan3A_893 = arith.constant 1 : i32
      %scan3A_894:3 = scf.for %scan3A_896 = %scan3A to %scan3A_892 step %scan3A_893 iter_args(%scan3A_897 = %slice3A_316, %scan3A_898 = %broadcast_in_dim3A_346, %scan3A_899 = %cond3A_315#2) -> (vector<4x32x128xf32>, vector<4x2x128xf32>, vector<4x1x1xf32>)  : i32 {
        %eq3A = vector.broadcast %scan3A_896 : i32 to vector<4x2x128xi32>
        %eq3A_900 = arith.cmpi eq, %add3A_19, %eq3A : vector<4x2x128xi32>
        %convert_element_type3A_901 = arith.extui %eq3A_900 : vector<4x2x128xi1> to vector<4x2x128xi32>
        %convert_element_type3A_902 = arith.sitofp %convert_element_type3A_901 : vector<4x2x128xi32> to vector<4x2x128xf32>
        %slice3A_903 = vector.extract_strided_slice %scan3A_897 {offsets = [0, 0, 0], sizes = [4, 2, 128], strides = [1, 1, 1]} : vector<4x32x128xf32> to vector<4x2x128xf32>
        %mul3A_904 = arith.mulf %slice3A_903, %convert_element_type3A_902 : vector<4x2x128xf32>
        %reduce_sum3A = arith.constant dense<0.000000e+00> : vector<4xf32>
        %reduce_sum3A_905 = vector.multi_reduction <add>, %mul3A_904, %reduce_sum3A [1, 2] : vector<4x2x128xf32> to vector<4xf32>
        %broadcast_in_dim3A_906 = vector.shape_cast %reduce_sum3A_905 : vector<4xf32> to vector<4x1x1xf32>
        %lt3A_907 = vector.broadcast %cond3A_348 : f32 to vector<4x1x1xf32>
        %lt3A_908 = arith.cmpf olt, %scan3A_899, %lt3A_907 : vector<4x1x1xf32>
        %convert_element_type3A_909 = arith.extui %lt3A_908 : vector<4x1x1xi1> to vector<4x1x1xi32>
        %convert_element_type3A_910 = arith.sitofp %convert_element_type3A_909 : vector<4x1x1xi32> to vector<4x1x1xf32>
        %mul3A_911 = arith.mulf %broadcast_in_dim3A_906, %convert_element_type3A_910 : vector<4x1x1xf32>
        %mul3A_912 = arith.mulf %slice3A_334, %convert_element_type3A_902 : vector<4x2x128xf32>
        %reduce_sum3A_913 = arith.constant dense<0.000000e+00> : vector<4xf32>
        %reduce_sum3A_914 = vector.multi_reduction <add>, %mul3A_912, %reduce_sum3A_913 [1, 2] : vector<4x2x128xf32> to vector<4xf32>
        %broadcast_in_dim3A_915 = vector.shape_cast %reduce_sum3A_914 : vector<4xf32> to vector<4x1x1xf32>
        %mul3A_916 = arith.mulf %slice3A_335, %convert_element_type3A_902 : vector<4x2x128xf32>
        %reduce_sum3A_917 = arith.constant dense<0.000000e+00> : vector<4xf32>
        %reduce_sum3A_918 = vector.multi_reduction <add>, %mul3A_916, %reduce_sum3A_917 [1, 2] : vector<4x2x128xf32> to vector<4xf32>
        %broadcast_in_dim3A_919 = vector.shape_cast %reduce_sum3A_918 : vector<4xf32> to vector<4x1x1xf32>
        %mul3A_920 = arith.mulf %slice3A_336, %convert_element_type3A_902 : vector<4x2x128xf32>
        %reduce_sum3A_921 = arith.constant dense<0.000000e+00> : vector<4xf32>
        %reduce_sum3A_922 = vector.multi_reduction <add>, %mul3A_920, %reduce_sum3A_921 [1, 2] : vector<4x2x128xf32> to vector<4xf32>
        %broadcast_in_dim3A_923 = vector.shape_cast %reduce_sum3A_922 : vector<4xf32> to vector<4x1x1xf32>
        %mul3A_924 = arith.mulf %slice3A_337, %convert_element_type3A_902 : vector<4x2x128xf32>
        %reduce_sum3A_925 = arith.constant dense<0.000000e+00> : vector<4xf32>
        %reduce_sum3A_926 = vector.multi_reduction <add>, %mul3A_924, %reduce_sum3A_925 [1, 2] : vector<4x2x128xf32> to vector<4xf32>
        %broadcast_in_dim3A_927 = vector.shape_cast %reduce_sum3A_926 : vector<4xf32> to vector<4x1x1xf32>
        %sub3A_928 = arith.subf %broadcast_in_dim3A_923, %broadcast_in_dim3A_915 : vector<4x1x1xf32>
        %add3A_929 = arith.constant 1.000000e+00 : f32
        %add3A_930 = vector.broadcast %add3A_929 : f32 to vector<4x1x1xf32>
        %add3A_931 = arith.addf %sub3A_928, %add3A_930 : vector<4x1x1xf32>
        %sub3A_932 = arith.subf %broadcast_in_dim3A_927, %broadcast_in_dim3A_919 : vector<4x1x1xf32>
        %add3A_933 = arith.constant 1.000000e+00 : f32
        %add3A_934 = vector.broadcast %add3A_933 : f32 to vector<4x1x1xf32>
        %add3A_935 = arith.addf %sub3A_932, %add3A_934 : vector<4x1x1xf32>
        %mul3A_936 = arith.mulf %add3A_931, %add3A_935 : vector<4x1x1xf32>
        %max3A = vector.broadcast %broadcast_in_dim3A_915 : vector<4x1x1xf32> to vector<4x32x128xf32>
        %max3A_937 = arith.maximumf %max3A, %slice3A_317 : vector<4x32x128xf32>
        %max3A_938 = vector.broadcast %broadcast_in_dim3A_919 : vector<4x1x1xf32> to vector<4x32x128xf32>
        %max3A_939 = arith.maximumf %max3A_938, %slice3A_318 : vector<4x32x128xf32>
        %min3A_940 = vector.broadcast %broadcast_in_dim3A_923 : vector<4x1x1xf32> to vector<4x32x128xf32>
        %min3A_941 = arith.minimumf %min3A_940, %slice3A_319 : vector<4x32x128xf32>
        %min3A_942 = vector.broadcast %broadcast_in_dim3A_927 : vector<4x1x1xf32> to vector<4x32x128xf32>
        %min3A_943 = arith.minimumf %min3A_942, %slice3A_320 : vector<4x32x128xf32>
        %sub3A_944 = arith.subf %min3A_941, %max3A_937 : vector<4x32x128xf32>
        %add3A_945 = arith.constant 1.000000e+00 : f32
        %add3A_946 = vector.broadcast %add3A_945 : f32 to vector<4x32x128xf32>
        %add3A_947 = arith.addf %sub3A_944, %add3A_946 : vector<4x32x128xf32>
        %max3A_948 = arith.constant 0.000000e+00 : f32
        %max3A_949 = vector.broadcast %max3A_948 : f32 to vector<4x32x128xf32>
        %max3A_950 = arith.maximumf %max3A_949, %add3A_947 : vector<4x32x128xf32>
        %sub3A_951 = arith.subf %min3A_943, %max3A_939 : vector<4x32x128xf32>
        %add3A_952 = arith.constant 1.000000e+00 : f32
        %add3A_953 = vector.broadcast %add3A_952 : f32 to vector<4x32x128xf32>
        %add3A_954 = arith.addf %sub3A_951, %add3A_953 : vector<4x32x128xf32>
        %max3A_955 = arith.constant 0.000000e+00 : f32
        %max3A_956 = vector.broadcast %max3A_955 : f32 to vector<4x32x128xf32>
        %max3A_957 = arith.maximumf %max3A_956, %add3A_954 : vector<4x32x128xf32>
        %mul3A_958 = arith.mulf %max3A_950, %max3A_957 : vector<4x32x128xf32>
        %add3A_959 = vector.broadcast %mul3A_936 : vector<4x1x1xf32> to vector<4x32x128xf32>
        %add3A_960 = arith.addf %add3A_959, %mul3A_329 : vector<4x32x128xf32>
        %sub3A_961 = arith.subf %add3A_960, %mul3A_958 : vector<4x32x128xf32>
        %div3A = arith.divf %mul3A_958, %sub3A_961 : vector<4x32x128xf32>
        %gt3A = arith.constant 0.000000e+00 : f32
        %gt3A_962 = vector.broadcast %gt3A : f32 to vector<4x1x1xf32>
        %gt3A_963 = arith.cmpf ogt, %mul3A_911, %gt3A_962 : vector<4x1x1xf32>
        %gt3A_964 = arith.constant 0.699999988 : f32
        %gt3A_965 = vector.broadcast %gt3A_964 : f32 to vector<4x32x128xf32>
        %gt3A_966 = arith.cmpf ogt, %div3A, %gt3A_965 : vector<4x32x128xf32>
        %and3A = vector.broadcast %gt3A_963 : vector<4x1x1xi1> to vector<4x32x128xi1>
        %and3A_967 = arith.andi %and3A, %gt3A_966 : vector<4x32x128xi1>
        %gt3A_968 = vector.broadcast %scan3A_896 : i32 to vector<4x32x128xi32>
        %gt3A_969 = arith.cmpi sgt, %sub3A_333, %gt3A_968 : vector<4x32x128xi32>
        %and3A_970 = arith.andi %and3A_967, %gt3A_969 : vector<4x32x128xi1>
        %convert_element_type3A_971 = arith.extui %and3A_970 : vector<4x32x128xi1> to vector<4x32x128xi32>
        %convert_element_type3A_972 = arith.sitofp %convert_element_type3A_971 : vector<4x32x128xi32> to vector<4x32x128xf32>
        %mul3A_973 = vector.broadcast %mul3A_911 : vector<4x1x1xf32> to vector<4x2x128xf32>
        %mul3A_974 = arith.mulf %mul3A_973, %convert_element_type3A_902 : vector<4x2x128xf32>
        %max3A_975 = arith.maximumf %scan3A_898, %mul3A_974 : vector<4x2x128xf32>
        %sub3A_976 = arith.constant 1.000000e+00 : f32
        %sub3A_977 = vector.broadcast %sub3A_976 : f32 to vector<4x32x128xf32>
        %sub3A_978 = arith.subf %sub3A_977, %convert_element_type3A_972 : vector<4x32x128xf32>
        %mul3A_979 = arith.mulf %scan3A_897, %sub3A_978 : vector<4x32x128xf32>
        %add3A_980 = arith.addf %scan3A_899, %mul3A_911 : vector<4x1x1xf32>
        scf.yield %mul3A_979, %max3A_975, %add3A_980 : vector<4x32x128xf32>, vector<4x2x128xf32>, vector<4x1x1xf32>
      }
      %scan3A_895 = arith.constant 256 : i32
      scf.yield %scan3A_894#0, %scan3A_894#1, %scan3A_894#2 : vector<4x32x128xf32>, vector<4x2x128xf32>, vector<4x1x1xf32>
    } else {
      scf.yield %slice3A_316, %broadcast_in_dim3A_346, %cond3A_315#2 : vector<4x32x128xf32>, vector<4x2x128xf32>, vector<4x1x1xf32>
    }
    %slice3A_352 = vector.extract_strided_slice %cond3A_351#0 {offsets = [0, 2, 0], sizes = [4, 30, 128], strides = [1, 1, 1]} : vector<4x32x128xf32> to vector<4x30x128xf32>
    %slice3A_353 = vector.extract_strided_slice %get3A_24 {offsets = [0, 18, 0], sizes = [4, 30, 128], strides = [1, 1, 1]} : vector<4x48x128xf32> to vector<4x30x128xf32>
    %slice3A_354 = vector.extract_strided_slice %get3A_28 {offsets = [0, 18, 0], sizes = [4, 30, 128], strides = [1, 1, 1]} : vector<4x48x128xf32> to vector<4x30x128xf32>
    %slice3A_355 = vector.extract_strided_slice %get3A_32 {offsets = [0, 18, 0], sizes = [4, 30, 128], strides = [1, 1, 1]} : vector<4x48x128xf32> to vector<4x30x128xf32>
    %slice3A_356 = vector.extract_strided_slice %get3A_36 {offsets = [0, 18, 0], sizes = [4, 30, 128], strides = [1, 1, 1]} : vector<4x48x128xf32> to vector<4x30x128xf32>
    %sub3A_357 = arith.subf %slice3A_355, %slice3A_353 : vector<4x30x128xf32>
    %add3A_358 = arith.constant 1.000000e+00 : f32
    %add3A_359 = vector.broadcast %add3A_358 : f32 to vector<4x30x128xf32>
    %add3A_360 = arith.addf %sub3A_357, %add3A_359 : vector<4x30x128xf32>
    %sub3A_361 = arith.subf %slice3A_356, %slice3A_354 : vector<4x30x128xf32>
    %add3A_362 = arith.constant 1.000000e+00 : f32
    %add3A_363 = vector.broadcast %add3A_362 : f32 to vector<4x30x128xf32>
    %add3A_364 = arith.addf %sub3A_361, %add3A_363 : vector<4x30x128xf32>
    %mul3A_365 = arith.mulf %add3A_360, %add3A_364 : vector<4x30x128xf32>
    %slice3A_366 = vector.extract_strided_slice %add3A {offsets = [0, 18, 0], sizes = [4, 30, 128], strides = [1, 1, 1]} : vector<4x48x128xi32> to vector<4x30x128xi32>
    %sub3A_367 = arith.constant 2304 : i32
    %sub3A_368 = vector.broadcast %sub3A_367 : i32 to vector<4x30x128xi32>
    %sub3A_369 = arith.subi %slice3A_366, %sub3A_368 : vector<4x30x128xi32>
    %slice3A_370 = vector.extract_strided_slice %slice3A_353 {offsets = [0, 0, 0], sizes = [4, 2, 128], strides = [1, 1, 1]} : vector<4x30x128xf32> to vector<4x2x128xf32>
    %slice3A_371 = vector.extract_strided_slice %slice3A_354 {offsets = [0, 0, 0], sizes = [4, 2, 128], strides = [1, 1, 1]} : vector<4x30x128xf32> to vector<4x2x128xf32>
    %slice3A_372 = vector.extract_strided_slice %slice3A_355 {offsets = [0, 0, 0], sizes = [4, 2, 128], strides = [1, 1, 1]} : vector<4x30x128xf32> to vector<4x2x128xf32>
    %slice3A_373 = vector.extract_strided_slice %slice3A_356 {offsets = [0, 0, 0], sizes = [4, 2, 128], strides = [1, 1, 1]} : vector<4x30x128xf32> to vector<4x2x128xf32>
    %reduce_min3A_374 = vector.shape_cast %cond3A_351#2 : vector<4x1x1xf32> to vector<1x4x1x1xf32>
    %reduce_min3A_375 = arith.constant dense<0x7F800000> : vector<1xf32>
    %reduce_min3A_376 = vector.multi_reduction <minimumf>, %reduce_min3A_374, %reduce_min3A_375 [1, 2, 3] : vector<1x4x1x1xf32> to vector<1xf32>
    %reduce_min3A_377 = vector.shape_cast %reduce_min3A_376 : vector<1xf32> to vector<1x1x1x1xf32>
    %reduce_min3A_378 = vector.extract %reduce_min3A_377[0, 0, 0, 0] : f32 from vector<1x1x1x1xf32>
    %lt3A_379 = arith.constant 1.000000e+03 : f32
    %lt3A_380 = arith.cmpf olt, %reduce_min3A_378, %lt3A_379 : f32
    %broadcast_in_dim3A_381 = arith.constant 0.000000e+00 : f32
    %broadcast_in_dim3A_382 = vector.broadcast %broadcast_in_dim3A_381 : f32 to vector<4x2x128xf32>
    %convert_element_type3A_383 = arith.extui %lt3A_380 : i1 to i32
    %cond3A_384 = arith.constant 1.000000e+03 : f32
    %cond3A_385 = arith.constant 0 : i32
    %cond3A_386 = arith.cmpi ne, %convert_element_type3A_383, %cond3A_385 : i32
    %cond3A_387:3 = scf.if %cond3A_386 -> (vector<4x30x128xf32>, vector<4x2x128xf32>, vector<4x1x1xf32>) {
      %scan3A = arith.constant 0 : i32
      %scan3A_891 = arith.constant 256 : i32
      %scan3A_892 = arith.addi %scan3A, %scan3A_891 : i32
      %scan3A_893 = arith.constant 1 : i32
      %scan3A_894:3 = scf.for %scan3A_896 = %scan3A to %scan3A_892 step %scan3A_893 iter_args(%scan3A_897 = %slice3A_352, %scan3A_898 = %broadcast_in_dim3A_382, %scan3A_899 = %cond3A_351#2) -> (vector<4x30x128xf32>, vector<4x2x128xf32>, vector<4x1x1xf32>)  : i32 {
        %eq3A = vector.broadcast %scan3A_896 : i32 to vector<4x2x128xi32>
        %eq3A_900 = arith.cmpi eq, %add3A_19, %eq3A : vector<4x2x128xi32>
        %convert_element_type3A_901 = arith.extui %eq3A_900 : vector<4x2x128xi1> to vector<4x2x128xi32>
        %convert_element_type3A_902 = arith.sitofp %convert_element_type3A_901 : vector<4x2x128xi32> to vector<4x2x128xf32>
        %slice3A_903 = vector.extract_strided_slice %scan3A_897 {offsets = [0, 0, 0], sizes = [4, 2, 128], strides = [1, 1, 1]} : vector<4x30x128xf32> to vector<4x2x128xf32>
        %mul3A_904 = arith.mulf %slice3A_903, %convert_element_type3A_902 : vector<4x2x128xf32>
        %reduce_sum3A = arith.constant dense<0.000000e+00> : vector<4xf32>
        %reduce_sum3A_905 = vector.multi_reduction <add>, %mul3A_904, %reduce_sum3A [1, 2] : vector<4x2x128xf32> to vector<4xf32>
        %broadcast_in_dim3A_906 = vector.shape_cast %reduce_sum3A_905 : vector<4xf32> to vector<4x1x1xf32>
        %lt3A_907 = vector.broadcast %cond3A_384 : f32 to vector<4x1x1xf32>
        %lt3A_908 = arith.cmpf olt, %scan3A_899, %lt3A_907 : vector<4x1x1xf32>
        %convert_element_type3A_909 = arith.extui %lt3A_908 : vector<4x1x1xi1> to vector<4x1x1xi32>
        %convert_element_type3A_910 = arith.sitofp %convert_element_type3A_909 : vector<4x1x1xi32> to vector<4x1x1xf32>
        %mul3A_911 = arith.mulf %broadcast_in_dim3A_906, %convert_element_type3A_910 : vector<4x1x1xf32>
        %mul3A_912 = arith.mulf %slice3A_370, %convert_element_type3A_902 : vector<4x2x128xf32>
        %reduce_sum3A_913 = arith.constant dense<0.000000e+00> : vector<4xf32>
        %reduce_sum3A_914 = vector.multi_reduction <add>, %mul3A_912, %reduce_sum3A_913 [1, 2] : vector<4x2x128xf32> to vector<4xf32>
        %broadcast_in_dim3A_915 = vector.shape_cast %reduce_sum3A_914 : vector<4xf32> to vector<4x1x1xf32>
        %mul3A_916 = arith.mulf %slice3A_371, %convert_element_type3A_902 : vector<4x2x128xf32>
        %reduce_sum3A_917 = arith.constant dense<0.000000e+00> : vector<4xf32>
        %reduce_sum3A_918 = vector.multi_reduction <add>, %mul3A_916, %reduce_sum3A_917 [1, 2] : vector<4x2x128xf32> to vector<4xf32>
        %broadcast_in_dim3A_919 = vector.shape_cast %reduce_sum3A_918 : vector<4xf32> to vector<4x1x1xf32>
        %mul3A_920 = arith.mulf %slice3A_372, %convert_element_type3A_902 : vector<4x2x128xf32>
        %reduce_sum3A_921 = arith.constant dense<0.000000e+00> : vector<4xf32>
        %reduce_sum3A_922 = vector.multi_reduction <add>, %mul3A_920, %reduce_sum3A_921 [1, 2] : vector<4x2x128xf32> to vector<4xf32>
        %broadcast_in_dim3A_923 = vector.shape_cast %reduce_sum3A_922 : vector<4xf32> to vector<4x1x1xf32>
        %mul3A_924 = arith.mulf %slice3A_373, %convert_element_type3A_902 : vector<4x2x128xf32>
        %reduce_sum3A_925 = arith.constant dense<0.000000e+00> : vector<4xf32>
        %reduce_sum3A_926 = vector.multi_reduction <add>, %mul3A_924, %reduce_sum3A_925 [1, 2] : vector<4x2x128xf32> to vector<4xf32>
        %broadcast_in_dim3A_927 = vector.shape_cast %reduce_sum3A_926 : vector<4xf32> to vector<4x1x1xf32>
        %sub3A_928 = arith.subf %broadcast_in_dim3A_923, %broadcast_in_dim3A_915 : vector<4x1x1xf32>
        %add3A_929 = arith.constant 1.000000e+00 : f32
        %add3A_930 = vector.broadcast %add3A_929 : f32 to vector<4x1x1xf32>
        %add3A_931 = arith.addf %sub3A_928, %add3A_930 : vector<4x1x1xf32>
        %sub3A_932 = arith.subf %broadcast_in_dim3A_927, %broadcast_in_dim3A_919 : vector<4x1x1xf32>
        %add3A_933 = arith.constant 1.000000e+00 : f32
        %add3A_934 = vector.broadcast %add3A_933 : f32 to vector<4x1x1xf32>
        %add3A_935 = arith.addf %sub3A_932, %add3A_934 : vector<4x1x1xf32>
        %mul3A_936 = arith.mulf %add3A_931, %add3A_935 : vector<4x1x1xf32>
        %max3A = vector.broadcast %broadcast_in_dim3A_915 : vector<4x1x1xf32> to vector<4x30x128xf32>
        %max3A_937 = arith.maximumf %max3A, %slice3A_353 : vector<4x30x128xf32>
        %max3A_938 = vector.broadcast %broadcast_in_dim3A_919 : vector<4x1x1xf32> to vector<4x30x128xf32>
        %max3A_939 = arith.maximumf %max3A_938, %slice3A_354 : vector<4x30x128xf32>
        %min3A_940 = vector.broadcast %broadcast_in_dim3A_923 : vector<4x1x1xf32> to vector<4x30x128xf32>
        %min3A_941 = arith.minimumf %min3A_940, %slice3A_355 : vector<4x30x128xf32>
        %min3A_942 = vector.broadcast %broadcast_in_dim3A_927 : vector<4x1x1xf32> to vector<4x30x128xf32>
        %min3A_943 = arith.minimumf %min3A_942, %slice3A_356 : vector<4x30x128xf32>
        %sub3A_944 = arith.subf %min3A_941, %max3A_937 : vector<4x30x128xf32>
        %add3A_945 = arith.constant 1.000000e+00 : f32
        %add3A_946 = vector.broadcast %add3A_945 : f32 to vector<4x30x128xf32>
        %add3A_947 = arith.addf %sub3A_944, %add3A_946 : vector<4x30x128xf32>
        %max3A_948 = arith.constant 0.000000e+00 : f32
        %max3A_949 = vector.broadcast %max3A_948 : f32 to vector<4x30x128xf32>
        %max3A_950 = arith.maximumf %max3A_949, %add3A_947 : vector<4x30x128xf32>
        %sub3A_951 = arith.subf %min3A_943, %max3A_939 : vector<4x30x128xf32>
        %add3A_952 = arith.constant 1.000000e+00 : f32
        %add3A_953 = vector.broadcast %add3A_952 : f32 to vector<4x30x128xf32>
        %add3A_954 = arith.addf %sub3A_951, %add3A_953 : vector<4x30x128xf32>
        %max3A_955 = arith.constant 0.000000e+00 : f32
        %max3A_956 = vector.broadcast %max3A_955 : f32 to vector<4x30x128xf32>
        %max3A_957 = arith.maximumf %max3A_956, %add3A_954 : vector<4x30x128xf32>
        %mul3A_958 = arith.mulf %max3A_950, %max3A_957 : vector<4x30x128xf32>
        %add3A_959 = vector.broadcast %mul3A_936 : vector<4x1x1xf32> to vector<4x30x128xf32>
        %add3A_960 = arith.addf %add3A_959, %mul3A_365 : vector<4x30x128xf32>
        %sub3A_961 = arith.subf %add3A_960, %mul3A_958 : vector<4x30x128xf32>
        %div3A = arith.divf %mul3A_958, %sub3A_961 : vector<4x30x128xf32>
        %gt3A = arith.constant 0.000000e+00 : f32
        %gt3A_962 = vector.broadcast %gt3A : f32 to vector<4x1x1xf32>
        %gt3A_963 = arith.cmpf ogt, %mul3A_911, %gt3A_962 : vector<4x1x1xf32>
        %gt3A_964 = arith.constant 0.699999988 : f32
        %gt3A_965 = vector.broadcast %gt3A_964 : f32 to vector<4x30x128xf32>
        %gt3A_966 = arith.cmpf ogt, %div3A, %gt3A_965 : vector<4x30x128xf32>
        %and3A = vector.broadcast %gt3A_963 : vector<4x1x1xi1> to vector<4x30x128xi1>
        %and3A_967 = arith.andi %and3A, %gt3A_966 : vector<4x30x128xi1>
        %gt3A_968 = vector.broadcast %scan3A_896 : i32 to vector<4x30x128xi32>
        %gt3A_969 = arith.cmpi sgt, %sub3A_369, %gt3A_968 : vector<4x30x128xi32>
        %and3A_970 = arith.andi %and3A_967, %gt3A_969 : vector<4x30x128xi1>
        %convert_element_type3A_971 = arith.extui %and3A_970 : vector<4x30x128xi1> to vector<4x30x128xi32>
        %convert_element_type3A_972 = arith.sitofp %convert_element_type3A_971 : vector<4x30x128xi32> to vector<4x30x128xf32>
        %mul3A_973 = vector.broadcast %mul3A_911 : vector<4x1x1xf32> to vector<4x2x128xf32>
        %mul3A_974 = arith.mulf %mul3A_973, %convert_element_type3A_902 : vector<4x2x128xf32>
        %max3A_975 = arith.maximumf %scan3A_898, %mul3A_974 : vector<4x2x128xf32>
        %sub3A_976 = arith.constant 1.000000e+00 : f32
        %sub3A_977 = vector.broadcast %sub3A_976 : f32 to vector<4x30x128xf32>
        %sub3A_978 = arith.subf %sub3A_977, %convert_element_type3A_972 : vector<4x30x128xf32>
        %mul3A_979 = arith.mulf %scan3A_897, %sub3A_978 : vector<4x30x128xf32>
        %add3A_980 = arith.addf %scan3A_899, %mul3A_911 : vector<4x1x1xf32>
        scf.yield %mul3A_979, %max3A_975, %add3A_980 : vector<4x30x128xf32>, vector<4x2x128xf32>, vector<4x1x1xf32>
      }
      %scan3A_895 = arith.constant 256 : i32
      scf.yield %scan3A_894#0, %scan3A_894#1, %scan3A_894#2 : vector<4x30x128xf32>, vector<4x2x128xf32>, vector<4x1x1xf32>
    } else {
      scf.yield %slice3A_352, %broadcast_in_dim3A_382, %cond3A_351#2 : vector<4x30x128xf32>, vector<4x2x128xf32>, vector<4x1x1xf32>
    }
    %slice3A_388 = vector.extract_strided_slice %cond3A_387#0 {offsets = [0, 2, 0], sizes = [4, 28, 128], strides = [1, 1, 1]} : vector<4x30x128xf32> to vector<4x28x128xf32>
    %slice3A_389 = vector.extract_strided_slice %get3A_24 {offsets = [0, 20, 0], sizes = [4, 28, 128], strides = [1, 1, 1]} : vector<4x48x128xf32> to vector<4x28x128xf32>
    %slice3A_390 = vector.extract_strided_slice %get3A_28 {offsets = [0, 20, 0], sizes = [4, 28, 128], strides = [1, 1, 1]} : vector<4x48x128xf32> to vector<4x28x128xf32>
    %slice3A_391 = vector.extract_strided_slice %get3A_32 {offsets = [0, 20, 0], sizes = [4, 28, 128], strides = [1, 1, 1]} : vector<4x48x128xf32> to vector<4x28x128xf32>
    %slice3A_392 = vector.extract_strided_slice %get3A_36 {offsets = [0, 20, 0], sizes = [4, 28, 128], strides = [1, 1, 1]} : vector<4x48x128xf32> to vector<4x28x128xf32>
    %sub3A_393 = arith.subf %slice3A_391, %slice3A_389 : vector<4x28x128xf32>
    %add3A_394 = arith.constant 1.000000e+00 : f32
    %add3A_395 = vector.broadcast %add3A_394 : f32 to vector<4x28x128xf32>
    %add3A_396 = arith.addf %sub3A_393, %add3A_395 : vector<4x28x128xf32>
    %sub3A_397 = arith.subf %slice3A_392, %slice3A_390 : vector<4x28x128xf32>
    %add3A_398 = arith.constant 1.000000e+00 : f32
    %add3A_399 = vector.broadcast %add3A_398 : f32 to vector<4x28x128xf32>
    %add3A_400 = arith.addf %sub3A_397, %add3A_399 : vector<4x28x128xf32>
    %mul3A_401 = arith.mulf %add3A_396, %add3A_400 : vector<4x28x128xf32>
    %slice3A_402 = vector.extract_strided_slice %add3A {offsets = [0, 20, 0], sizes = [4, 28, 128], strides = [1, 1, 1]} : vector<4x48x128xi32> to vector<4x28x128xi32>
    %sub3A_403 = arith.constant 2560 : i32
    %sub3A_404 = vector.broadcast %sub3A_403 : i32 to vector<4x28x128xi32>
    %sub3A_405 = arith.subi %slice3A_402, %sub3A_404 : vector<4x28x128xi32>
    %slice3A_406 = vector.extract_strided_slice %slice3A_389 {offsets = [0, 0, 0], sizes = [4, 2, 128], strides = [1, 1, 1]} : vector<4x28x128xf32> to vector<4x2x128xf32>
    %slice3A_407 = vector.extract_strided_slice %slice3A_390 {offsets = [0, 0, 0], sizes = [4, 2, 128], strides = [1, 1, 1]} : vector<4x28x128xf32> to vector<4x2x128xf32>
    %slice3A_408 = vector.extract_strided_slice %slice3A_391 {offsets = [0, 0, 0], sizes = [4, 2, 128], strides = [1, 1, 1]} : vector<4x28x128xf32> to vector<4x2x128xf32>
    %slice3A_409 = vector.extract_strided_slice %slice3A_392 {offsets = [0, 0, 0], sizes = [4, 2, 128], strides = [1, 1, 1]} : vector<4x28x128xf32> to vector<4x2x128xf32>
    %reduce_min3A_410 = vector.shape_cast %cond3A_387#2 : vector<4x1x1xf32> to vector<1x4x1x1xf32>
    %reduce_min3A_411 = arith.constant dense<0x7F800000> : vector<1xf32>
    %reduce_min3A_412 = vector.multi_reduction <minimumf>, %reduce_min3A_410, %reduce_min3A_411 [1, 2, 3] : vector<1x4x1x1xf32> to vector<1xf32>
    %reduce_min3A_413 = vector.shape_cast %reduce_min3A_412 : vector<1xf32> to vector<1x1x1x1xf32>
    %reduce_min3A_414 = vector.extract %reduce_min3A_413[0, 0, 0, 0] : f32 from vector<1x1x1x1xf32>
    %lt3A_415 = arith.constant 1.000000e+03 : f32
    %lt3A_416 = arith.cmpf olt, %reduce_min3A_414, %lt3A_415 : f32
    %broadcast_in_dim3A_417 = arith.constant 0.000000e+00 : f32
    %broadcast_in_dim3A_418 = vector.broadcast %broadcast_in_dim3A_417 : f32 to vector<4x2x128xf32>
    %convert_element_type3A_419 = arith.extui %lt3A_416 : i1 to i32
    %cond3A_420 = arith.constant 1.000000e+03 : f32
    %cond3A_421 = arith.constant 0 : i32
    %cond3A_422 = arith.cmpi ne, %convert_element_type3A_419, %cond3A_421 : i32
    %cond3A_423:3 = scf.if %cond3A_422 -> (vector<4x28x128xf32>, vector<4x2x128xf32>, vector<4x1x1xf32>) {
      %scan3A = arith.constant 0 : i32
      %scan3A_891 = arith.constant 256 : i32
      %scan3A_892 = arith.addi %scan3A, %scan3A_891 : i32
      %scan3A_893 = arith.constant 1 : i32
      %scan3A_894:3 = scf.for %scan3A_896 = %scan3A to %scan3A_892 step %scan3A_893 iter_args(%scan3A_897 = %slice3A_388, %scan3A_898 = %broadcast_in_dim3A_418, %scan3A_899 = %cond3A_387#2) -> (vector<4x28x128xf32>, vector<4x2x128xf32>, vector<4x1x1xf32>)  : i32 {
        %eq3A = vector.broadcast %scan3A_896 : i32 to vector<4x2x128xi32>
        %eq3A_900 = arith.cmpi eq, %add3A_19, %eq3A : vector<4x2x128xi32>
        %convert_element_type3A_901 = arith.extui %eq3A_900 : vector<4x2x128xi1> to vector<4x2x128xi32>
        %convert_element_type3A_902 = arith.sitofp %convert_element_type3A_901 : vector<4x2x128xi32> to vector<4x2x128xf32>
        %slice3A_903 = vector.extract_strided_slice %scan3A_897 {offsets = [0, 0, 0], sizes = [4, 2, 128], strides = [1, 1, 1]} : vector<4x28x128xf32> to vector<4x2x128xf32>
        %mul3A_904 = arith.mulf %slice3A_903, %convert_element_type3A_902 : vector<4x2x128xf32>
        %reduce_sum3A = arith.constant dense<0.000000e+00> : vector<4xf32>
        %reduce_sum3A_905 = vector.multi_reduction <add>, %mul3A_904, %reduce_sum3A [1, 2] : vector<4x2x128xf32> to vector<4xf32>
        %broadcast_in_dim3A_906 = vector.shape_cast %reduce_sum3A_905 : vector<4xf32> to vector<4x1x1xf32>
        %lt3A_907 = vector.broadcast %cond3A_420 : f32 to vector<4x1x1xf32>
        %lt3A_908 = arith.cmpf olt, %scan3A_899, %lt3A_907 : vector<4x1x1xf32>
        %convert_element_type3A_909 = arith.extui %lt3A_908 : vector<4x1x1xi1> to vector<4x1x1xi32>
        %convert_element_type3A_910 = arith.sitofp %convert_element_type3A_909 : vector<4x1x1xi32> to vector<4x1x1xf32>
        %mul3A_911 = arith.mulf %broadcast_in_dim3A_906, %convert_element_type3A_910 : vector<4x1x1xf32>
        %mul3A_912 = arith.mulf %slice3A_406, %convert_element_type3A_902 : vector<4x2x128xf32>
        %reduce_sum3A_913 = arith.constant dense<0.000000e+00> : vector<4xf32>
        %reduce_sum3A_914 = vector.multi_reduction <add>, %mul3A_912, %reduce_sum3A_913 [1, 2] : vector<4x2x128xf32> to vector<4xf32>
        %broadcast_in_dim3A_915 = vector.shape_cast %reduce_sum3A_914 : vector<4xf32> to vector<4x1x1xf32>
        %mul3A_916 = arith.mulf %slice3A_407, %convert_element_type3A_902 : vector<4x2x128xf32>
        %reduce_sum3A_917 = arith.constant dense<0.000000e+00> : vector<4xf32>
        %reduce_sum3A_918 = vector.multi_reduction <add>, %mul3A_916, %reduce_sum3A_917 [1, 2] : vector<4x2x128xf32> to vector<4xf32>
        %broadcast_in_dim3A_919 = vector.shape_cast %reduce_sum3A_918 : vector<4xf32> to vector<4x1x1xf32>
        %mul3A_920 = arith.mulf %slice3A_408, %convert_element_type3A_902 : vector<4x2x128xf32>
        %reduce_sum3A_921 = arith.constant dense<0.000000e+00> : vector<4xf32>
        %reduce_sum3A_922 = vector.multi_reduction <add>, %mul3A_920, %reduce_sum3A_921 [1, 2] : vector<4x2x128xf32> to vector<4xf32>
        %broadcast_in_dim3A_923 = vector.shape_cast %reduce_sum3A_922 : vector<4xf32> to vector<4x1x1xf32>
        %mul3A_924 = arith.mulf %slice3A_409, %convert_element_type3A_902 : vector<4x2x128xf32>
        %reduce_sum3A_925 = arith.constant dense<0.000000e+00> : vector<4xf32>
        %reduce_sum3A_926 = vector.multi_reduction <add>, %mul3A_924, %reduce_sum3A_925 [1, 2] : vector<4x2x128xf32> to vector<4xf32>
        %broadcast_in_dim3A_927 = vector.shape_cast %reduce_sum3A_926 : vector<4xf32> to vector<4x1x1xf32>
        %sub3A_928 = arith.subf %broadcast_in_dim3A_923, %broadcast_in_dim3A_915 : vector<4x1x1xf32>
        %add3A_929 = arith.constant 1.000000e+00 : f32
        %add3A_930 = vector.broadcast %add3A_929 : f32 to vector<4x1x1xf32>
        %add3A_931 = arith.addf %sub3A_928, %add3A_930 : vector<4x1x1xf32>
        %sub3A_932 = arith.subf %broadcast_in_dim3A_927, %broadcast_in_dim3A_919 : vector<4x1x1xf32>
        %add3A_933 = arith.constant 1.000000e+00 : f32
        %add3A_934 = vector.broadcast %add3A_933 : f32 to vector<4x1x1xf32>
        %add3A_935 = arith.addf %sub3A_932, %add3A_934 : vector<4x1x1xf32>
        %mul3A_936 = arith.mulf %add3A_931, %add3A_935 : vector<4x1x1xf32>
        %max3A = vector.broadcast %broadcast_in_dim3A_915 : vector<4x1x1xf32> to vector<4x28x128xf32>
        %max3A_937 = arith.maximumf %max3A, %slice3A_389 : vector<4x28x128xf32>
        %max3A_938 = vector.broadcast %broadcast_in_dim3A_919 : vector<4x1x1xf32> to vector<4x28x128xf32>
        %max3A_939 = arith.maximumf %max3A_938, %slice3A_390 : vector<4x28x128xf32>
        %min3A_940 = vector.broadcast %broadcast_in_dim3A_923 : vector<4x1x1xf32> to vector<4x28x128xf32>
        %min3A_941 = arith.minimumf %min3A_940, %slice3A_391 : vector<4x28x128xf32>
        %min3A_942 = vector.broadcast %broadcast_in_dim3A_927 : vector<4x1x1xf32> to vector<4x28x128xf32>
        %min3A_943 = arith.minimumf %min3A_942, %slice3A_392 : vector<4x28x128xf32>
        %sub3A_944 = arith.subf %min3A_941, %max3A_937 : vector<4x28x128xf32>
        %add3A_945 = arith.constant 1.000000e+00 : f32
        %add3A_946 = vector.broadcast %add3A_945 : f32 to vector<4x28x128xf32>
        %add3A_947 = arith.addf %sub3A_944, %add3A_946 : vector<4x28x128xf32>
        %max3A_948 = arith.constant 0.000000e+00 : f32
        %max3A_949 = vector.broadcast %max3A_948 : f32 to vector<4x28x128xf32>
        %max3A_950 = arith.maximumf %max3A_949, %add3A_947 : vector<4x28x128xf32>
        %sub3A_951 = arith.subf %min3A_943, %max3A_939 : vector<4x28x128xf32>
        %add3A_952 = arith.constant 1.000000e+00 : f32
        %add3A_953 = vector.broadcast %add3A_952 : f32 to vector<4x28x128xf32>
        %add3A_954 = arith.addf %sub3A_951, %add3A_953 : vector<4x28x128xf32>
        %max3A_955 = arith.constant 0.000000e+00 : f32
        %max3A_956 = vector.broadcast %max3A_955 : f32 to vector<4x28x128xf32>
        %max3A_957 = arith.maximumf %max3A_956, %add3A_954 : vector<4x28x128xf32>
        %mul3A_958 = arith.mulf %max3A_950, %max3A_957 : vector<4x28x128xf32>
        %add3A_959 = vector.broadcast %mul3A_936 : vector<4x1x1xf32> to vector<4x28x128xf32>
        %add3A_960 = arith.addf %add3A_959, %mul3A_401 : vector<4x28x128xf32>
        %sub3A_961 = arith.subf %add3A_960, %mul3A_958 : vector<4x28x128xf32>
        %div3A = arith.divf %mul3A_958, %sub3A_961 : vector<4x28x128xf32>
        %gt3A = arith.constant 0.000000e+00 : f32
        %gt3A_962 = vector.broadcast %gt3A : f32 to vector<4x1x1xf32>
        %gt3A_963 = arith.cmpf ogt, %mul3A_911, %gt3A_962 : vector<4x1x1xf32>
        %gt3A_964 = arith.constant 0.699999988 : f32
        %gt3A_965 = vector.broadcast %gt3A_964 : f32 to vector<4x28x128xf32>
        %gt3A_966 = arith.cmpf ogt, %div3A, %gt3A_965 : vector<4x28x128xf32>
        %and3A = vector.broadcast %gt3A_963 : vector<4x1x1xi1> to vector<4x28x128xi1>
        %and3A_967 = arith.andi %and3A, %gt3A_966 : vector<4x28x128xi1>
        %gt3A_968 = vector.broadcast %scan3A_896 : i32 to vector<4x28x128xi32>
        %gt3A_969 = arith.cmpi sgt, %sub3A_405, %gt3A_968 : vector<4x28x128xi32>
        %and3A_970 = arith.andi %and3A_967, %gt3A_969 : vector<4x28x128xi1>
        %convert_element_type3A_971 = arith.extui %and3A_970 : vector<4x28x128xi1> to vector<4x28x128xi32>
        %convert_element_type3A_972 = arith.sitofp %convert_element_type3A_971 : vector<4x28x128xi32> to vector<4x28x128xf32>
        %mul3A_973 = vector.broadcast %mul3A_911 : vector<4x1x1xf32> to vector<4x2x128xf32>
        %mul3A_974 = arith.mulf %mul3A_973, %convert_element_type3A_902 : vector<4x2x128xf32>
        %max3A_975 = arith.maximumf %scan3A_898, %mul3A_974 : vector<4x2x128xf32>
        %sub3A_976 = arith.constant 1.000000e+00 : f32
        %sub3A_977 = vector.broadcast %sub3A_976 : f32 to vector<4x28x128xf32>
        %sub3A_978 = arith.subf %sub3A_977, %convert_element_type3A_972 : vector<4x28x128xf32>
        %mul3A_979 = arith.mulf %scan3A_897, %sub3A_978 : vector<4x28x128xf32>
        %add3A_980 = arith.addf %scan3A_899, %mul3A_911 : vector<4x1x1xf32>
        scf.yield %mul3A_979, %max3A_975, %add3A_980 : vector<4x28x128xf32>, vector<4x2x128xf32>, vector<4x1x1xf32>
      }
      %scan3A_895 = arith.constant 256 : i32
      scf.yield %scan3A_894#0, %scan3A_894#1, %scan3A_894#2 : vector<4x28x128xf32>, vector<4x2x128xf32>, vector<4x1x1xf32>
    } else {
      scf.yield %slice3A_388, %broadcast_in_dim3A_418, %cond3A_387#2 : vector<4x28x128xf32>, vector<4x2x128xf32>, vector<4x1x1xf32>
    }
    %slice3A_424 = vector.extract_strided_slice %cond3A_423#0 {offsets = [0, 2, 0], sizes = [4, 26, 128], strides = [1, 1, 1]} : vector<4x28x128xf32> to vector<4x26x128xf32>
    %slice3A_425 = vector.extract_strided_slice %get3A_24 {offsets = [0, 22, 0], sizes = [4, 26, 128], strides = [1, 1, 1]} : vector<4x48x128xf32> to vector<4x26x128xf32>
    %slice3A_426 = vector.extract_strided_slice %get3A_28 {offsets = [0, 22, 0], sizes = [4, 26, 128], strides = [1, 1, 1]} : vector<4x48x128xf32> to vector<4x26x128xf32>
    %slice3A_427 = vector.extract_strided_slice %get3A_32 {offsets = [0, 22, 0], sizes = [4, 26, 128], strides = [1, 1, 1]} : vector<4x48x128xf32> to vector<4x26x128xf32>
    %slice3A_428 = vector.extract_strided_slice %get3A_36 {offsets = [0, 22, 0], sizes = [4, 26, 128], strides = [1, 1, 1]} : vector<4x48x128xf32> to vector<4x26x128xf32>
    %sub3A_429 = arith.subf %slice3A_427, %slice3A_425 : vector<4x26x128xf32>
    %add3A_430 = arith.constant 1.000000e+00 : f32
    %add3A_431 = vector.broadcast %add3A_430 : f32 to vector<4x26x128xf32>
    %add3A_432 = arith.addf %sub3A_429, %add3A_431 : vector<4x26x128xf32>
    %sub3A_433 = arith.subf %slice3A_428, %slice3A_426 : vector<4x26x128xf32>
    %add3A_434 = arith.constant 1.000000e+00 : f32
    %add3A_435 = vector.broadcast %add3A_434 : f32 to vector<4x26x128xf32>
    %add3A_436 = arith.addf %sub3A_433, %add3A_435 : vector<4x26x128xf32>
    %mul3A_437 = arith.mulf %add3A_432, %add3A_436 : vector<4x26x128xf32>
    %slice3A_438 = vector.extract_strided_slice %add3A {offsets = [0, 22, 0], sizes = [4, 26, 128], strides = [1, 1, 1]} : vector<4x48x128xi32> to vector<4x26x128xi32>
    %sub3A_439 = arith.constant 2816 : i32
    %sub3A_440 = vector.broadcast %sub3A_439 : i32 to vector<4x26x128xi32>
    %sub3A_441 = arith.subi %slice3A_438, %sub3A_440 : vector<4x26x128xi32>
    %slice3A_442 = vector.extract_strided_slice %slice3A_425 {offsets = [0, 0, 0], sizes = [4, 2, 128], strides = [1, 1, 1]} : vector<4x26x128xf32> to vector<4x2x128xf32>
    %slice3A_443 = vector.extract_strided_slice %slice3A_426 {offsets = [0, 0, 0], sizes = [4, 2, 128], strides = [1, 1, 1]} : vector<4x26x128xf32> to vector<4x2x128xf32>
    %slice3A_444 = vector.extract_strided_slice %slice3A_427 {offsets = [0, 0, 0], sizes = [4, 2, 128], strides = [1, 1, 1]} : vector<4x26x128xf32> to vector<4x2x128xf32>
    %slice3A_445 = vector.extract_strided_slice %slice3A_428 {offsets = [0, 0, 0], sizes = [4, 2, 128], strides = [1, 1, 1]} : vector<4x26x128xf32> to vector<4x2x128xf32>
    %reduce_min3A_446 = vector.shape_cast %cond3A_423#2 : vector<4x1x1xf32> to vector<1x4x1x1xf32>
    %reduce_min3A_447 = arith.constant dense<0x7F800000> : vector<1xf32>
    %reduce_min3A_448 = vector.multi_reduction <minimumf>, %reduce_min3A_446, %reduce_min3A_447 [1, 2, 3] : vector<1x4x1x1xf32> to vector<1xf32>
    %reduce_min3A_449 = vector.shape_cast %reduce_min3A_448 : vector<1xf32> to vector<1x1x1x1xf32>
    %reduce_min3A_450 = vector.extract %reduce_min3A_449[0, 0, 0, 0] : f32 from vector<1x1x1x1xf32>
    %lt3A_451 = arith.constant 1.000000e+03 : f32
    %lt3A_452 = arith.cmpf olt, %reduce_min3A_450, %lt3A_451 : f32
    %broadcast_in_dim3A_453 = arith.constant 0.000000e+00 : f32
    %broadcast_in_dim3A_454 = vector.broadcast %broadcast_in_dim3A_453 : f32 to vector<4x2x128xf32>
    %convert_element_type3A_455 = arith.extui %lt3A_452 : i1 to i32
    %cond3A_456 = arith.constant 1.000000e+03 : f32
    %cond3A_457 = arith.constant 0 : i32
    %cond3A_458 = arith.cmpi ne, %convert_element_type3A_455, %cond3A_457 : i32
    %cond3A_459:3 = scf.if %cond3A_458 -> (vector<4x26x128xf32>, vector<4x2x128xf32>, vector<4x1x1xf32>) {
      %scan3A = arith.constant 0 : i32
      %scan3A_891 = arith.constant 256 : i32
      %scan3A_892 = arith.addi %scan3A, %scan3A_891 : i32
      %scan3A_893 = arith.constant 1 : i32
      %scan3A_894:3 = scf.for %scan3A_896 = %scan3A to %scan3A_892 step %scan3A_893 iter_args(%scan3A_897 = %slice3A_424, %scan3A_898 = %broadcast_in_dim3A_454, %scan3A_899 = %cond3A_423#2) -> (vector<4x26x128xf32>, vector<4x2x128xf32>, vector<4x1x1xf32>)  : i32 {
        %eq3A = vector.broadcast %scan3A_896 : i32 to vector<4x2x128xi32>
        %eq3A_900 = arith.cmpi eq, %add3A_19, %eq3A : vector<4x2x128xi32>
        %convert_element_type3A_901 = arith.extui %eq3A_900 : vector<4x2x128xi1> to vector<4x2x128xi32>
        %convert_element_type3A_902 = arith.sitofp %convert_element_type3A_901 : vector<4x2x128xi32> to vector<4x2x128xf32>
        %slice3A_903 = vector.extract_strided_slice %scan3A_897 {offsets = [0, 0, 0], sizes = [4, 2, 128], strides = [1, 1, 1]} : vector<4x26x128xf32> to vector<4x2x128xf32>
        %mul3A_904 = arith.mulf %slice3A_903, %convert_element_type3A_902 : vector<4x2x128xf32>
        %reduce_sum3A = arith.constant dense<0.000000e+00> : vector<4xf32>
        %reduce_sum3A_905 = vector.multi_reduction <add>, %mul3A_904, %reduce_sum3A [1, 2] : vector<4x2x128xf32> to vector<4xf32>
        %broadcast_in_dim3A_906 = vector.shape_cast %reduce_sum3A_905 : vector<4xf32> to vector<4x1x1xf32>
        %lt3A_907 = vector.broadcast %cond3A_456 : f32 to vector<4x1x1xf32>
        %lt3A_908 = arith.cmpf olt, %scan3A_899, %lt3A_907 : vector<4x1x1xf32>
        %convert_element_type3A_909 = arith.extui %lt3A_908 : vector<4x1x1xi1> to vector<4x1x1xi32>
        %convert_element_type3A_910 = arith.sitofp %convert_element_type3A_909 : vector<4x1x1xi32> to vector<4x1x1xf32>
        %mul3A_911 = arith.mulf %broadcast_in_dim3A_906, %convert_element_type3A_910 : vector<4x1x1xf32>
        %mul3A_912 = arith.mulf %slice3A_442, %convert_element_type3A_902 : vector<4x2x128xf32>
        %reduce_sum3A_913 = arith.constant dense<0.000000e+00> : vector<4xf32>
        %reduce_sum3A_914 = vector.multi_reduction <add>, %mul3A_912, %reduce_sum3A_913 [1, 2] : vector<4x2x128xf32> to vector<4xf32>
        %broadcast_in_dim3A_915 = vector.shape_cast %reduce_sum3A_914 : vector<4xf32> to vector<4x1x1xf32>
        %mul3A_916 = arith.mulf %slice3A_443, %convert_element_type3A_902 : vector<4x2x128xf32>
        %reduce_sum3A_917 = arith.constant dense<0.000000e+00> : vector<4xf32>
        %reduce_sum3A_918 = vector.multi_reduction <add>, %mul3A_916, %reduce_sum3A_917 [1, 2] : vector<4x2x128xf32> to vector<4xf32>
        %broadcast_in_dim3A_919 = vector.shape_cast %reduce_sum3A_918 : vector<4xf32> to vector<4x1x1xf32>
        %mul3A_920 = arith.mulf %slice3A_444, %convert_element_type3A_902 : vector<4x2x128xf32>
        %reduce_sum3A_921 = arith.constant dense<0.000000e+00> : vector<4xf32>
        %reduce_sum3A_922 = vector.multi_reduction <add>, %mul3A_920, %reduce_sum3A_921 [1, 2] : vector<4x2x128xf32> to vector<4xf32>
        %broadcast_in_dim3A_923 = vector.shape_cast %reduce_sum3A_922 : vector<4xf32> to vector<4x1x1xf32>
        %mul3A_924 = arith.mulf %slice3A_445, %convert_element_type3A_902 : vector<4x2x128xf32>
        %reduce_sum3A_925 = arith.constant dense<0.000000e+00> : vector<4xf32>
        %reduce_sum3A_926 = vector.multi_reduction <add>, %mul3A_924, %reduce_sum3A_925 [1, 2] : vector<4x2x128xf32> to vector<4xf32>
        %broadcast_in_dim3A_927 = vector.shape_cast %reduce_sum3A_926 : vector<4xf32> to vector<4x1x1xf32>
        %sub3A_928 = arith.subf %broadcast_in_dim3A_923, %broadcast_in_dim3A_915 : vector<4x1x1xf32>
        %add3A_929 = arith.constant 1.000000e+00 : f32
        %add3A_930 = vector.broadcast %add3A_929 : f32 to vector<4x1x1xf32>
        %add3A_931 = arith.addf %sub3A_928, %add3A_930 : vector<4x1x1xf32>
        %sub3A_932 = arith.subf %broadcast_in_dim3A_927, %broadcast_in_dim3A_919 : vector<4x1x1xf32>
        %add3A_933 = arith.constant 1.000000e+00 : f32
        %add3A_934 = vector.broadcast %add3A_933 : f32 to vector<4x1x1xf32>
        %add3A_935 = arith.addf %sub3A_932, %add3A_934 : vector<4x1x1xf32>
        %mul3A_936 = arith.mulf %add3A_931, %add3A_935 : vector<4x1x1xf32>
        %max3A = vector.broadcast %broadcast_in_dim3A_915 : vector<4x1x1xf32> to vector<4x26x128xf32>
        %max3A_937 = arith.maximumf %max3A, %slice3A_425 : vector<4x26x128xf32>
        %max3A_938 = vector.broadcast %broadcast_in_dim3A_919 : vector<4x1x1xf32> to vector<4x26x128xf32>
        %max3A_939 = arith.maximumf %max3A_938, %slice3A_426 : vector<4x26x128xf32>
        %min3A_940 = vector.broadcast %broadcast_in_dim3A_923 : vector<4x1x1xf32> to vector<4x26x128xf32>
        %min3A_941 = arith.minimumf %min3A_940, %slice3A_427 : vector<4x26x128xf32>
        %min3A_942 = vector.broadcast %broadcast_in_dim3A_927 : vector<4x1x1xf32> to vector<4x26x128xf32>
        %min3A_943 = arith.minimumf %min3A_942, %slice3A_428 : vector<4x26x128xf32>
        %sub3A_944 = arith.subf %min3A_941, %max3A_937 : vector<4x26x128xf32>
        %add3A_945 = arith.constant 1.000000e+00 : f32
        %add3A_946 = vector.broadcast %add3A_945 : f32 to vector<4x26x128xf32>
        %add3A_947 = arith.addf %sub3A_944, %add3A_946 : vector<4x26x128xf32>
        %max3A_948 = arith.constant 0.000000e+00 : f32
        %max3A_949 = vector.broadcast %max3A_948 : f32 to vector<4x26x128xf32>
        %max3A_950 = arith.maximumf %max3A_949, %add3A_947 : vector<4x26x128xf32>
        %sub3A_951 = arith.subf %min3A_943, %max3A_939 : vector<4x26x128xf32>
        %add3A_952 = arith.constant 1.000000e+00 : f32
        %add3A_953 = vector.broadcast %add3A_952 : f32 to vector<4x26x128xf32>
        %add3A_954 = arith.addf %sub3A_951, %add3A_953 : vector<4x26x128xf32>
        %max3A_955 = arith.constant 0.000000e+00 : f32
        %max3A_956 = vector.broadcast %max3A_955 : f32 to vector<4x26x128xf32>
        %max3A_957 = arith.maximumf %max3A_956, %add3A_954 : vector<4x26x128xf32>
        %mul3A_958 = arith.mulf %max3A_950, %max3A_957 : vector<4x26x128xf32>
        %add3A_959 = vector.broadcast %mul3A_936 : vector<4x1x1xf32> to vector<4x26x128xf32>
        %add3A_960 = arith.addf %add3A_959, %mul3A_437 : vector<4x26x128xf32>
        %sub3A_961 = arith.subf %add3A_960, %mul3A_958 : vector<4x26x128xf32>
        %div3A = arith.divf %mul3A_958, %sub3A_961 : vector<4x26x128xf32>
        %gt3A = arith.constant 0.000000e+00 : f32
        %gt3A_962 = vector.broadcast %gt3A : f32 to vector<4x1x1xf32>
        %gt3A_963 = arith.cmpf ogt, %mul3A_911, %gt3A_962 : vector<4x1x1xf32>
        %gt3A_964 = arith.constant 0.699999988 : f32
        %gt3A_965 = vector.broadcast %gt3A_964 : f32 to vector<4x26x128xf32>
        %gt3A_966 = arith.cmpf ogt, %div3A, %gt3A_965 : vector<4x26x128xf32>
        %and3A = vector.broadcast %gt3A_963 : vector<4x1x1xi1> to vector<4x26x128xi1>
        %and3A_967 = arith.andi %and3A, %gt3A_966 : vector<4x26x128xi1>
        %gt3A_968 = vector.broadcast %scan3A_896 : i32 to vector<4x26x128xi32>
        %gt3A_969 = arith.cmpi sgt, %sub3A_441, %gt3A_968 : vector<4x26x128xi32>
        %and3A_970 = arith.andi %and3A_967, %gt3A_969 : vector<4x26x128xi1>
        %convert_element_type3A_971 = arith.extui %and3A_970 : vector<4x26x128xi1> to vector<4x26x128xi32>
        %convert_element_type3A_972 = arith.sitofp %convert_element_type3A_971 : vector<4x26x128xi32> to vector<4x26x128xf32>
        %mul3A_973 = vector.broadcast %mul3A_911 : vector<4x1x1xf32> to vector<4x2x128xf32>
        %mul3A_974 = arith.mulf %mul3A_973, %convert_element_type3A_902 : vector<4x2x128xf32>
        %max3A_975 = arith.maximumf %scan3A_898, %mul3A_974 : vector<4x2x128xf32>
        %sub3A_976 = arith.constant 1.000000e+00 : f32
        %sub3A_977 = vector.broadcast %sub3A_976 : f32 to vector<4x26x128xf32>
        %sub3A_978 = arith.subf %sub3A_977, %convert_element_type3A_972 : vector<4x26x128xf32>
        %mul3A_979 = arith.mulf %scan3A_897, %sub3A_978 : vector<4x26x128xf32>
        %add3A_980 = arith.addf %scan3A_899, %mul3A_911 : vector<4x1x1xf32>
        scf.yield %mul3A_979, %max3A_975, %add3A_980 : vector<4x26x128xf32>, vector<4x2x128xf32>, vector<4x1x1xf32>
      }
      %scan3A_895 = arith.constant 256 : i32
      scf.yield %scan3A_894#0, %scan3A_894#1, %scan3A_894#2 : vector<4x26x128xf32>, vector<4x2x128xf32>, vector<4x1x1xf32>
    } else {
      scf.yield %slice3A_424, %broadcast_in_dim3A_454, %cond3A_423#2 : vector<4x26x128xf32>, vector<4x2x128xf32>, vector<4x1x1xf32>
    }
    %slice3A_460 = vector.extract_strided_slice %cond3A_459#0 {offsets = [0, 2, 0], sizes = [4, 24, 128], strides = [1, 1, 1]} : vector<4x26x128xf32> to vector<4x24x128xf32>
    %slice3A_461 = vector.extract_strided_slice %get3A_24 {offsets = [0, 24, 0], sizes = [4, 24, 128], strides = [1, 1, 1]} : vector<4x48x128xf32> to vector<4x24x128xf32>
    %slice3A_462 = vector.extract_strided_slice %get3A_28 {offsets = [0, 24, 0], sizes = [4, 24, 128], strides = [1, 1, 1]} : vector<4x48x128xf32> to vector<4x24x128xf32>
    %slice3A_463 = vector.extract_strided_slice %get3A_32 {offsets = [0, 24, 0], sizes = [4, 24, 128], strides = [1, 1, 1]} : vector<4x48x128xf32> to vector<4x24x128xf32>
    %slice3A_464 = vector.extract_strided_slice %get3A_36 {offsets = [0, 24, 0], sizes = [4, 24, 128], strides = [1, 1, 1]} : vector<4x48x128xf32> to vector<4x24x128xf32>
    %sub3A_465 = arith.subf %slice3A_463, %slice3A_461 : vector<4x24x128xf32>
    %add3A_466 = arith.constant 1.000000e+00 : f32
    %add3A_467 = vector.broadcast %add3A_466 : f32 to vector<4x24x128xf32>
    %add3A_468 = arith.addf %sub3A_465, %add3A_467 : vector<4x24x128xf32>
    %sub3A_469 = arith.subf %slice3A_464, %slice3A_462 : vector<4x24x128xf32>
    %add3A_470 = arith.constant 1.000000e+00 : f32
    %add3A_471 = vector.broadcast %add3A_470 : f32 to vector<4x24x128xf32>
    %add3A_472 = arith.addf %sub3A_469, %add3A_471 : vector<4x24x128xf32>
    %mul3A_473 = arith.mulf %add3A_468, %add3A_472 : vector<4x24x128xf32>
    %slice3A_474 = vector.extract_strided_slice %add3A {offsets = [0, 24, 0], sizes = [4, 24, 128], strides = [1, 1, 1]} : vector<4x48x128xi32> to vector<4x24x128xi32>
    %sub3A_475 = arith.constant 3072 : i32
    %sub3A_476 = vector.broadcast %sub3A_475 : i32 to vector<4x24x128xi32>
    %sub3A_477 = arith.subi %slice3A_474, %sub3A_476 : vector<4x24x128xi32>
    %slice3A_478 = vector.extract_strided_slice %slice3A_461 {offsets = [0, 0, 0], sizes = [4, 2, 128], strides = [1, 1, 1]} : vector<4x24x128xf32> to vector<4x2x128xf32>
    %slice3A_479 = vector.extract_strided_slice %slice3A_462 {offsets = [0, 0, 0], sizes = [4, 2, 128], strides = [1, 1, 1]} : vector<4x24x128xf32> to vector<4x2x128xf32>
    %slice3A_480 = vector.extract_strided_slice %slice3A_463 {offsets = [0, 0, 0], sizes = [4, 2, 128], strides = [1, 1, 1]} : vector<4x24x128xf32> to vector<4x2x128xf32>
    %slice3A_481 = vector.extract_strided_slice %slice3A_464 {offsets = [0, 0, 0], sizes = [4, 2, 128], strides = [1, 1, 1]} : vector<4x24x128xf32> to vector<4x2x128xf32>
    %reduce_min3A_482 = vector.shape_cast %cond3A_459#2 : vector<4x1x1xf32> to vector<1x4x1x1xf32>
    %reduce_min3A_483 = arith.constant dense<0x7F800000> : vector<1xf32>
    %reduce_min3A_484 = vector.multi_reduction <minimumf>, %reduce_min3A_482, %reduce_min3A_483 [1, 2, 3] : vector<1x4x1x1xf32> to vector<1xf32>
    %reduce_min3A_485 = vector.shape_cast %reduce_min3A_484 : vector<1xf32> to vector<1x1x1x1xf32>
    %reduce_min3A_486 = vector.extract %reduce_min3A_485[0, 0, 0, 0] : f32 from vector<1x1x1x1xf32>
    %lt3A_487 = arith.constant 1.000000e+03 : f32
    %lt3A_488 = arith.cmpf olt, %reduce_min3A_486, %lt3A_487 : f32
    %broadcast_in_dim3A_489 = arith.constant 0.000000e+00 : f32
    %broadcast_in_dim3A_490 = vector.broadcast %broadcast_in_dim3A_489 : f32 to vector<4x2x128xf32>
    %convert_element_type3A_491 = arith.extui %lt3A_488 : i1 to i32
    %cond3A_492 = arith.constant 1.000000e+03 : f32
    %cond3A_493 = arith.constant 0 : i32
    %cond3A_494 = arith.cmpi ne, %convert_element_type3A_491, %cond3A_493 : i32
    %cond3A_495:3 = scf.if %cond3A_494 -> (vector<4x24x128xf32>, vector<4x2x128xf32>, vector<4x1x1xf32>) {
      %scan3A = arith.constant 0 : i32
      %scan3A_891 = arith.constant 256 : i32
      %scan3A_892 = arith.addi %scan3A, %scan3A_891 : i32
      %scan3A_893 = arith.constant 1 : i32
      %scan3A_894:3 = scf.for %scan3A_896 = %scan3A to %scan3A_892 step %scan3A_893 iter_args(%scan3A_897 = %slice3A_460, %scan3A_898 = %broadcast_in_dim3A_490, %scan3A_899 = %cond3A_459#2) -> (vector<4x24x128xf32>, vector<4x2x128xf32>, vector<4x1x1xf32>)  : i32 {
        %eq3A = vector.broadcast %scan3A_896 : i32 to vector<4x2x128xi32>
        %eq3A_900 = arith.cmpi eq, %add3A_19, %eq3A : vector<4x2x128xi32>
        %convert_element_type3A_901 = arith.extui %eq3A_900 : vector<4x2x128xi1> to vector<4x2x128xi32>
        %convert_element_type3A_902 = arith.sitofp %convert_element_type3A_901 : vector<4x2x128xi32> to vector<4x2x128xf32>
        %slice3A_903 = vector.extract_strided_slice %scan3A_897 {offsets = [0, 0, 0], sizes = [4, 2, 128], strides = [1, 1, 1]} : vector<4x24x128xf32> to vector<4x2x128xf32>
        %mul3A_904 = arith.mulf %slice3A_903, %convert_element_type3A_902 : vector<4x2x128xf32>
        %reduce_sum3A = arith.constant dense<0.000000e+00> : vector<4xf32>
        %reduce_sum3A_905 = vector.multi_reduction <add>, %mul3A_904, %reduce_sum3A [1, 2] : vector<4x2x128xf32> to vector<4xf32>
        %broadcast_in_dim3A_906 = vector.shape_cast %reduce_sum3A_905 : vector<4xf32> to vector<4x1x1xf32>
        %lt3A_907 = vector.broadcast %cond3A_492 : f32 to vector<4x1x1xf32>
        %lt3A_908 = arith.cmpf olt, %scan3A_899, %lt3A_907 : vector<4x1x1xf32>
        %convert_element_type3A_909 = arith.extui %lt3A_908 : vector<4x1x1xi1> to vector<4x1x1xi32>
        %convert_element_type3A_910 = arith.sitofp %convert_element_type3A_909 : vector<4x1x1xi32> to vector<4x1x1xf32>
        %mul3A_911 = arith.mulf %broadcast_in_dim3A_906, %convert_element_type3A_910 : vector<4x1x1xf32>
        %mul3A_912 = arith.mulf %slice3A_478, %convert_element_type3A_902 : vector<4x2x128xf32>
        %reduce_sum3A_913 = arith.constant dense<0.000000e+00> : vector<4xf32>
        %reduce_sum3A_914 = vector.multi_reduction <add>, %mul3A_912, %reduce_sum3A_913 [1, 2] : vector<4x2x128xf32> to vector<4xf32>
        %broadcast_in_dim3A_915 = vector.shape_cast %reduce_sum3A_914 : vector<4xf32> to vector<4x1x1xf32>
        %mul3A_916 = arith.mulf %slice3A_479, %convert_element_type3A_902 : vector<4x2x128xf32>
        %reduce_sum3A_917 = arith.constant dense<0.000000e+00> : vector<4xf32>
        %reduce_sum3A_918 = vector.multi_reduction <add>, %mul3A_916, %reduce_sum3A_917 [1, 2] : vector<4x2x128xf32> to vector<4xf32>
        %broadcast_in_dim3A_919 = vector.shape_cast %reduce_sum3A_918 : vector<4xf32> to vector<4x1x1xf32>
        %mul3A_920 = arith.mulf %slice3A_480, %convert_element_type3A_902 : vector<4x2x128xf32>
        %reduce_sum3A_921 = arith.constant dense<0.000000e+00> : vector<4xf32>
        %reduce_sum3A_922 = vector.multi_reduction <add>, %mul3A_920, %reduce_sum3A_921 [1, 2] : vector<4x2x128xf32> to vector<4xf32>
        %broadcast_in_dim3A_923 = vector.shape_cast %reduce_sum3A_922 : vector<4xf32> to vector<4x1x1xf32>
        %mul3A_924 = arith.mulf %slice3A_481, %convert_element_type3A_902 : vector<4x2x128xf32>
        %reduce_sum3A_925 = arith.constant dense<0.000000e+00> : vector<4xf32>
        %reduce_sum3A_926 = vector.multi_reduction <add>, %mul3A_924, %reduce_sum3A_925 [1, 2] : vector<4x2x128xf32> to vector<4xf32>
        %broadcast_in_dim3A_927 = vector.shape_cast %reduce_sum3A_926 : vector<4xf32> to vector<4x1x1xf32>
        %sub3A_928 = arith.subf %broadcast_in_dim3A_923, %broadcast_in_dim3A_915 : vector<4x1x1xf32>
        %add3A_929 = arith.constant 1.000000e+00 : f32
        %add3A_930 = vector.broadcast %add3A_929 : f32 to vector<4x1x1xf32>
        %add3A_931 = arith.addf %sub3A_928, %add3A_930 : vector<4x1x1xf32>
        %sub3A_932 = arith.subf %broadcast_in_dim3A_927, %broadcast_in_dim3A_919 : vector<4x1x1xf32>
        %add3A_933 = arith.constant 1.000000e+00 : f32
        %add3A_934 = vector.broadcast %add3A_933 : f32 to vector<4x1x1xf32>
        %add3A_935 = arith.addf %sub3A_932, %add3A_934 : vector<4x1x1xf32>
        %mul3A_936 = arith.mulf %add3A_931, %add3A_935 : vector<4x1x1xf32>
        %max3A = vector.broadcast %broadcast_in_dim3A_915 : vector<4x1x1xf32> to vector<4x24x128xf32>
        %max3A_937 = arith.maximumf %max3A, %slice3A_461 : vector<4x24x128xf32>
        %max3A_938 = vector.broadcast %broadcast_in_dim3A_919 : vector<4x1x1xf32> to vector<4x24x128xf32>
        %max3A_939 = arith.maximumf %max3A_938, %slice3A_462 : vector<4x24x128xf32>
        %min3A_940 = vector.broadcast %broadcast_in_dim3A_923 : vector<4x1x1xf32> to vector<4x24x128xf32>
        %min3A_941 = arith.minimumf %min3A_940, %slice3A_463 : vector<4x24x128xf32>
        %min3A_942 = vector.broadcast %broadcast_in_dim3A_927 : vector<4x1x1xf32> to vector<4x24x128xf32>
        %min3A_943 = arith.minimumf %min3A_942, %slice3A_464 : vector<4x24x128xf32>
        %sub3A_944 = arith.subf %min3A_941, %max3A_937 : vector<4x24x128xf32>
        %add3A_945 = arith.constant 1.000000e+00 : f32
        %add3A_946 = vector.broadcast %add3A_945 : f32 to vector<4x24x128xf32>
        %add3A_947 = arith.addf %sub3A_944, %add3A_946 : vector<4x24x128xf32>
        %max3A_948 = arith.constant 0.000000e+00 : f32
        %max3A_949 = vector.broadcast %max3A_948 : f32 to vector<4x24x128xf32>
        %max3A_950 = arith.maximumf %max3A_949, %add3A_947 : vector<4x24x128xf32>
        %sub3A_951 = arith.subf %min3A_943, %max3A_939 : vector<4x24x128xf32>
        %add3A_952 = arith.constant 1.000000e+00 : f32
        %add3A_953 = vector.broadcast %add3A_952 : f32 to vector<4x24x128xf32>
        %add3A_954 = arith.addf %sub3A_951, %add3A_953 : vector<4x24x128xf32>
        %max3A_955 = arith.constant 0.000000e+00 : f32
        %max3A_956 = vector.broadcast %max3A_955 : f32 to vector<4x24x128xf32>
        %max3A_957 = arith.maximumf %max3A_956, %add3A_954 : vector<4x24x128xf32>
        %mul3A_958 = arith.mulf %max3A_950, %max3A_957 : vector<4x24x128xf32>
        %add3A_959 = vector.broadcast %mul3A_936 : vector<4x1x1xf32> to vector<4x24x128xf32>
        %add3A_960 = arith.addf %add3A_959, %mul3A_473 : vector<4x24x128xf32>
        %sub3A_961 = arith.subf %add3A_960, %mul3A_958 : vector<4x24x128xf32>
        %div3A = arith.divf %mul3A_958, %sub3A_961 : vector<4x24x128xf32>
        %gt3A = arith.constant 0.000000e+00 : f32
        %gt3A_962 = vector.broadcast %gt3A : f32 to vector<4x1x1xf32>
        %gt3A_963 = arith.cmpf ogt, %mul3A_911, %gt3A_962 : vector<4x1x1xf32>
        %gt3A_964 = arith.constant 0.699999988 : f32
        %gt3A_965 = vector.broadcast %gt3A_964 : f32 to vector<4x24x128xf32>
        %gt3A_966 = arith.cmpf ogt, %div3A, %gt3A_965 : vector<4x24x128xf32>
        %and3A = vector.broadcast %gt3A_963 : vector<4x1x1xi1> to vector<4x24x128xi1>
        %and3A_967 = arith.andi %and3A, %gt3A_966 : vector<4x24x128xi1>
        %gt3A_968 = vector.broadcast %scan3A_896 : i32 to vector<4x24x128xi32>
        %gt3A_969 = arith.cmpi sgt, %sub3A_477, %gt3A_968 : vector<4x24x128xi32>
        %and3A_970 = arith.andi %and3A_967, %gt3A_969 : vector<4x24x128xi1>
        %convert_element_type3A_971 = arith.extui %and3A_970 : vector<4x24x128xi1> to vector<4x24x128xi32>
        %convert_element_type3A_972 = arith.sitofp %convert_element_type3A_971 : vector<4x24x128xi32> to vector<4x24x128xf32>
        %mul3A_973 = vector.broadcast %mul3A_911 : vector<4x1x1xf32> to vector<4x2x128xf32>
        %mul3A_974 = arith.mulf %mul3A_973, %convert_element_type3A_902 : vector<4x2x128xf32>
        %max3A_975 = arith.maximumf %scan3A_898, %mul3A_974 : vector<4x2x128xf32>
        %sub3A_976 = arith.constant 1.000000e+00 : f32
        %sub3A_977 = vector.broadcast %sub3A_976 : f32 to vector<4x24x128xf32>
        %sub3A_978 = arith.subf %sub3A_977, %convert_element_type3A_972 : vector<4x24x128xf32>
        %mul3A_979 = arith.mulf %scan3A_897, %sub3A_978 : vector<4x24x128xf32>
        %add3A_980 = arith.addf %scan3A_899, %mul3A_911 : vector<4x1x1xf32>
        scf.yield %mul3A_979, %max3A_975, %add3A_980 : vector<4x24x128xf32>, vector<4x2x128xf32>, vector<4x1x1xf32>
      }
      %scan3A_895 = arith.constant 256 : i32
      scf.yield %scan3A_894#0, %scan3A_894#1, %scan3A_894#2 : vector<4x24x128xf32>, vector<4x2x128xf32>, vector<4x1x1xf32>
    } else {
      scf.yield %slice3A_460, %broadcast_in_dim3A_490, %cond3A_459#2 : vector<4x24x128xf32>, vector<4x2x128xf32>, vector<4x1x1xf32>
    }
    %slice3A_496 = vector.extract_strided_slice %cond3A_495#0 {offsets = [0, 2, 0], sizes = [4, 22, 128], strides = [1, 1, 1]} : vector<4x24x128xf32> to vector<4x22x128xf32>
    %slice3A_497 = vector.extract_strided_slice %get3A_24 {offsets = [0, 26, 0], sizes = [4, 22, 128], strides = [1, 1, 1]} : vector<4x48x128xf32> to vector<4x22x128xf32>
    %slice3A_498 = vector.extract_strided_slice %get3A_28 {offsets = [0, 26, 0], sizes = [4, 22, 128], strides = [1, 1, 1]} : vector<4x48x128xf32> to vector<4x22x128xf32>
    %slice3A_499 = vector.extract_strided_slice %get3A_32 {offsets = [0, 26, 0], sizes = [4, 22, 128], strides = [1, 1, 1]} : vector<4x48x128xf32> to vector<4x22x128xf32>
    %slice3A_500 = vector.extract_strided_slice %get3A_36 {offsets = [0, 26, 0], sizes = [4, 22, 128], strides = [1, 1, 1]} : vector<4x48x128xf32> to vector<4x22x128xf32>
    %sub3A_501 = arith.subf %slice3A_499, %slice3A_497 : vector<4x22x128xf32>
    %add3A_502 = arith.constant 1.000000e+00 : f32
    %add3A_503 = vector.broadcast %add3A_502 : f32 to vector<4x22x128xf32>
    %add3A_504 = arith.addf %sub3A_501, %add3A_503 : vector<4x22x128xf32>
    %sub3A_505 = arith.subf %slice3A_500, %slice3A_498 : vector<4x22x128xf32>
    %add3A_506 = arith.constant 1.000000e+00 : f32
    %add3A_507 = vector.broadcast %add3A_506 : f32 to vector<4x22x128xf32>
    %add3A_508 = arith.addf %sub3A_505, %add3A_507 : vector<4x22x128xf32>
    %mul3A_509 = arith.mulf %add3A_504, %add3A_508 : vector<4x22x128xf32>
    %slice3A_510 = vector.extract_strided_slice %add3A {offsets = [0, 26, 0], sizes = [4, 22, 128], strides = [1, 1, 1]} : vector<4x48x128xi32> to vector<4x22x128xi32>
    %sub3A_511 = arith.constant 3328 : i32
    %sub3A_512 = vector.broadcast %sub3A_511 : i32 to vector<4x22x128xi32>
    %sub3A_513 = arith.subi %slice3A_510, %sub3A_512 : vector<4x22x128xi32>
    %slice3A_514 = vector.extract_strided_slice %slice3A_497 {offsets = [0, 0, 0], sizes = [4, 2, 128], strides = [1, 1, 1]} : vector<4x22x128xf32> to vector<4x2x128xf32>
    %slice3A_515 = vector.extract_strided_slice %slice3A_498 {offsets = [0, 0, 0], sizes = [4, 2, 128], strides = [1, 1, 1]} : vector<4x22x128xf32> to vector<4x2x128xf32>
    %slice3A_516 = vector.extract_strided_slice %slice3A_499 {offsets = [0, 0, 0], sizes = [4, 2, 128], strides = [1, 1, 1]} : vector<4x22x128xf32> to vector<4x2x128xf32>
    %slice3A_517 = vector.extract_strided_slice %slice3A_500 {offsets = [0, 0, 0], sizes = [4, 2, 128], strides = [1, 1, 1]} : vector<4x22x128xf32> to vector<4x2x128xf32>
    %reduce_min3A_518 = vector.shape_cast %cond3A_495#2 : vector<4x1x1xf32> to vector<1x4x1x1xf32>
    %reduce_min3A_519 = arith.constant dense<0x7F800000> : vector<1xf32>
    %reduce_min3A_520 = vector.multi_reduction <minimumf>, %reduce_min3A_518, %reduce_min3A_519 [1, 2, 3] : vector<1x4x1x1xf32> to vector<1xf32>
    %reduce_min3A_521 = vector.shape_cast %reduce_min3A_520 : vector<1xf32> to vector<1x1x1x1xf32>
    %reduce_min3A_522 = vector.extract %reduce_min3A_521[0, 0, 0, 0] : f32 from vector<1x1x1x1xf32>
    %lt3A_523 = arith.constant 1.000000e+03 : f32
    %lt3A_524 = arith.cmpf olt, %reduce_min3A_522, %lt3A_523 : f32
    %broadcast_in_dim3A_525 = arith.constant 0.000000e+00 : f32
    %broadcast_in_dim3A_526 = vector.broadcast %broadcast_in_dim3A_525 : f32 to vector<4x2x128xf32>
    %convert_element_type3A_527 = arith.extui %lt3A_524 : i1 to i32
    %cond3A_528 = arith.constant 1.000000e+03 : f32
    %cond3A_529 = arith.constant 0 : i32
    %cond3A_530 = arith.cmpi ne, %convert_element_type3A_527, %cond3A_529 : i32
    %cond3A_531:3 = scf.if %cond3A_530 -> (vector<4x22x128xf32>, vector<4x2x128xf32>, vector<4x1x1xf32>) {
      %scan3A = arith.constant 0 : i32
      %scan3A_891 = arith.constant 256 : i32
      %scan3A_892 = arith.addi %scan3A, %scan3A_891 : i32
      %scan3A_893 = arith.constant 1 : i32
      %scan3A_894:3 = scf.for %scan3A_896 = %scan3A to %scan3A_892 step %scan3A_893 iter_args(%scan3A_897 = %slice3A_496, %scan3A_898 = %broadcast_in_dim3A_526, %scan3A_899 = %cond3A_495#2) -> (vector<4x22x128xf32>, vector<4x2x128xf32>, vector<4x1x1xf32>)  : i32 {
        %eq3A = vector.broadcast %scan3A_896 : i32 to vector<4x2x128xi32>
        %eq3A_900 = arith.cmpi eq, %add3A_19, %eq3A : vector<4x2x128xi32>
        %convert_element_type3A_901 = arith.extui %eq3A_900 : vector<4x2x128xi1> to vector<4x2x128xi32>
        %convert_element_type3A_902 = arith.sitofp %convert_element_type3A_901 : vector<4x2x128xi32> to vector<4x2x128xf32>
        %slice3A_903 = vector.extract_strided_slice %scan3A_897 {offsets = [0, 0, 0], sizes = [4, 2, 128], strides = [1, 1, 1]} : vector<4x22x128xf32> to vector<4x2x128xf32>
        %mul3A_904 = arith.mulf %slice3A_903, %convert_element_type3A_902 : vector<4x2x128xf32>
        %reduce_sum3A = arith.constant dense<0.000000e+00> : vector<4xf32>
        %reduce_sum3A_905 = vector.multi_reduction <add>, %mul3A_904, %reduce_sum3A [1, 2] : vector<4x2x128xf32> to vector<4xf32>
        %broadcast_in_dim3A_906 = vector.shape_cast %reduce_sum3A_905 : vector<4xf32> to vector<4x1x1xf32>
        %lt3A_907 = vector.broadcast %cond3A_528 : f32 to vector<4x1x1xf32>
        %lt3A_908 = arith.cmpf olt, %scan3A_899, %lt3A_907 : vector<4x1x1xf32>
        %convert_element_type3A_909 = arith.extui %lt3A_908 : vector<4x1x1xi1> to vector<4x1x1xi32>
        %convert_element_type3A_910 = arith.sitofp %convert_element_type3A_909 : vector<4x1x1xi32> to vector<4x1x1xf32>
        %mul3A_911 = arith.mulf %broadcast_in_dim3A_906, %convert_element_type3A_910 : vector<4x1x1xf32>
        %mul3A_912 = arith.mulf %slice3A_514, %convert_element_type3A_902 : vector<4x2x128xf32>
        %reduce_sum3A_913 = arith.constant dense<0.000000e+00> : vector<4xf32>
        %reduce_sum3A_914 = vector.multi_reduction <add>, %mul3A_912, %reduce_sum3A_913 [1, 2] : vector<4x2x128xf32> to vector<4xf32>
        %broadcast_in_dim3A_915 = vector.shape_cast %reduce_sum3A_914 : vector<4xf32> to vector<4x1x1xf32>
        %mul3A_916 = arith.mulf %slice3A_515, %convert_element_type3A_902 : vector<4x2x128xf32>
        %reduce_sum3A_917 = arith.constant dense<0.000000e+00> : vector<4xf32>
        %reduce_sum3A_918 = vector.multi_reduction <add>, %mul3A_916, %reduce_sum3A_917 [1, 2] : vector<4x2x128xf32> to vector<4xf32>
        %broadcast_in_dim3A_919 = vector.shape_cast %reduce_sum3A_918 : vector<4xf32> to vector<4x1x1xf32>
        %mul3A_920 = arith.mulf %slice3A_516, %convert_element_type3A_902 : vector<4x2x128xf32>
        %reduce_sum3A_921 = arith.constant dense<0.000000e+00> : vector<4xf32>
        %reduce_sum3A_922 = vector.multi_reduction <add>, %mul3A_920, %reduce_sum3A_921 [1, 2] : vector<4x2x128xf32> to vector<4xf32>
        %broadcast_in_dim3A_923 = vector.shape_cast %reduce_sum3A_922 : vector<4xf32> to vector<4x1x1xf32>
        %mul3A_924 = arith.mulf %slice3A_517, %convert_element_type3A_902 : vector<4x2x128xf32>
        %reduce_sum3A_925 = arith.constant dense<0.000000e+00> : vector<4xf32>
        %reduce_sum3A_926 = vector.multi_reduction <add>, %mul3A_924, %reduce_sum3A_925 [1, 2] : vector<4x2x128xf32> to vector<4xf32>
        %broadcast_in_dim3A_927 = vector.shape_cast %reduce_sum3A_926 : vector<4xf32> to vector<4x1x1xf32>
        %sub3A_928 = arith.subf %broadcast_in_dim3A_923, %broadcast_in_dim3A_915 : vector<4x1x1xf32>
        %add3A_929 = arith.constant 1.000000e+00 : f32
        %add3A_930 = vector.broadcast %add3A_929 : f32 to vector<4x1x1xf32>
        %add3A_931 = arith.addf %sub3A_928, %add3A_930 : vector<4x1x1xf32>
        %sub3A_932 = arith.subf %broadcast_in_dim3A_927, %broadcast_in_dim3A_919 : vector<4x1x1xf32>
        %add3A_933 = arith.constant 1.000000e+00 : f32
        %add3A_934 = vector.broadcast %add3A_933 : f32 to vector<4x1x1xf32>
        %add3A_935 = arith.addf %sub3A_932, %add3A_934 : vector<4x1x1xf32>
        %mul3A_936 = arith.mulf %add3A_931, %add3A_935 : vector<4x1x1xf32>
        %max3A = vector.broadcast %broadcast_in_dim3A_915 : vector<4x1x1xf32> to vector<4x22x128xf32>
        %max3A_937 = arith.maximumf %max3A, %slice3A_497 : vector<4x22x128xf32>
        %max3A_938 = vector.broadcast %broadcast_in_dim3A_919 : vector<4x1x1xf32> to vector<4x22x128xf32>
        %max3A_939 = arith.maximumf %max3A_938, %slice3A_498 : vector<4x22x128xf32>
        %min3A_940 = vector.broadcast %broadcast_in_dim3A_923 : vector<4x1x1xf32> to vector<4x22x128xf32>
        %min3A_941 = arith.minimumf %min3A_940, %slice3A_499 : vector<4x22x128xf32>
        %min3A_942 = vector.broadcast %broadcast_in_dim3A_927 : vector<4x1x1xf32> to vector<4x22x128xf32>
        %min3A_943 = arith.minimumf %min3A_942, %slice3A_500 : vector<4x22x128xf32>
        %sub3A_944 = arith.subf %min3A_941, %max3A_937 : vector<4x22x128xf32>
        %add3A_945 = arith.constant 1.000000e+00 : f32
        %add3A_946 = vector.broadcast %add3A_945 : f32 to vector<4x22x128xf32>
        %add3A_947 = arith.addf %sub3A_944, %add3A_946 : vector<4x22x128xf32>
        %max3A_948 = arith.constant 0.000000e+00 : f32
        %max3A_949 = vector.broadcast %max3A_948 : f32 to vector<4x22x128xf32>
        %max3A_950 = arith.maximumf %max3A_949, %add3A_947 : vector<4x22x128xf32>
        %sub3A_951 = arith.subf %min3A_943, %max3A_939 : vector<4x22x128xf32>
        %add3A_952 = arith.constant 1.000000e+00 : f32
        %add3A_953 = vector.broadcast %add3A_952 : f32 to vector<4x22x128xf32>
        %add3A_954 = arith.addf %sub3A_951, %add3A_953 : vector<4x22x128xf32>
        %max3A_955 = arith.constant 0.000000e+00 : f32
        %max3A_956 = vector.broadcast %max3A_955 : f32 to vector<4x22x128xf32>
        %max3A_957 = arith.maximumf %max3A_956, %add3A_954 : vector<4x22x128xf32>
        %mul3A_958 = arith.mulf %max3A_950, %max3A_957 : vector<4x22x128xf32>
        %add3A_959 = vector.broadcast %mul3A_936 : vector<4x1x1xf32> to vector<4x22x128xf32>
        %add3A_960 = arith.addf %add3A_959, %mul3A_509 : vector<4x22x128xf32>
        %sub3A_961 = arith.subf %add3A_960, %mul3A_958 : vector<4x22x128xf32>
        %div3A = arith.divf %mul3A_958, %sub3A_961 : vector<4x22x128xf32>
        %gt3A = arith.constant 0.000000e+00 : f32
        %gt3A_962 = vector.broadcast %gt3A : f32 to vector<4x1x1xf32>
        %gt3A_963 = arith.cmpf ogt, %mul3A_911, %gt3A_962 : vector<4x1x1xf32>
        %gt3A_964 = arith.constant 0.699999988 : f32
        %gt3A_965 = vector.broadcast %gt3A_964 : f32 to vector<4x22x128xf32>
        %gt3A_966 = arith.cmpf ogt, %div3A, %gt3A_965 : vector<4x22x128xf32>
        %and3A = vector.broadcast %gt3A_963 : vector<4x1x1xi1> to vector<4x22x128xi1>
        %and3A_967 = arith.andi %and3A, %gt3A_966 : vector<4x22x128xi1>
        %gt3A_968 = vector.broadcast %scan3A_896 : i32 to vector<4x22x128xi32>
        %gt3A_969 = arith.cmpi sgt, %sub3A_513, %gt3A_968 : vector<4x22x128xi32>
        %and3A_970 = arith.andi %and3A_967, %gt3A_969 : vector<4x22x128xi1>
        %convert_element_type3A_971 = arith.extui %and3A_970 : vector<4x22x128xi1> to vector<4x22x128xi32>
        %convert_element_type3A_972 = arith.sitofp %convert_element_type3A_971 : vector<4x22x128xi32> to vector<4x22x128xf32>
        %mul3A_973 = vector.broadcast %mul3A_911 : vector<4x1x1xf32> to vector<4x2x128xf32>
        %mul3A_974 = arith.mulf %mul3A_973, %convert_element_type3A_902 : vector<4x2x128xf32>
        %max3A_975 = arith.maximumf %scan3A_898, %mul3A_974 : vector<4x2x128xf32>
        %sub3A_976 = arith.constant 1.000000e+00 : f32
        %sub3A_977 = vector.broadcast %sub3A_976 : f32 to vector<4x22x128xf32>
        %sub3A_978 = arith.subf %sub3A_977, %convert_element_type3A_972 : vector<4x22x128xf32>
        %mul3A_979 = arith.mulf %scan3A_897, %sub3A_978 : vector<4x22x128xf32>
        %add3A_980 = arith.addf %scan3A_899, %mul3A_911 : vector<4x1x1xf32>
        scf.yield %mul3A_979, %max3A_975, %add3A_980 : vector<4x22x128xf32>, vector<4x2x128xf32>, vector<4x1x1xf32>
      }
      %scan3A_895 = arith.constant 256 : i32
      scf.yield %scan3A_894#0, %scan3A_894#1, %scan3A_894#2 : vector<4x22x128xf32>, vector<4x2x128xf32>, vector<4x1x1xf32>
    } else {
      scf.yield %slice3A_496, %broadcast_in_dim3A_526, %cond3A_495#2 : vector<4x22x128xf32>, vector<4x2x128xf32>, vector<4x1x1xf32>
    }
    %slice3A_532 = vector.extract_strided_slice %cond3A_531#0 {offsets = [0, 2, 0], sizes = [4, 20, 128], strides = [1, 1, 1]} : vector<4x22x128xf32> to vector<4x20x128xf32>
    %slice3A_533 = vector.extract_strided_slice %get3A_24 {offsets = [0, 28, 0], sizes = [4, 20, 128], strides = [1, 1, 1]} : vector<4x48x128xf32> to vector<4x20x128xf32>
    %slice3A_534 = vector.extract_strided_slice %get3A_28 {offsets = [0, 28, 0], sizes = [4, 20, 128], strides = [1, 1, 1]} : vector<4x48x128xf32> to vector<4x20x128xf32>
    %slice3A_535 = vector.extract_strided_slice %get3A_32 {offsets = [0, 28, 0], sizes = [4, 20, 128], strides = [1, 1, 1]} : vector<4x48x128xf32> to vector<4x20x128xf32>
    %slice3A_536 = vector.extract_strided_slice %get3A_36 {offsets = [0, 28, 0], sizes = [4, 20, 128], strides = [1, 1, 1]} : vector<4x48x128xf32> to vector<4x20x128xf32>
    %sub3A_537 = arith.subf %slice3A_535, %slice3A_533 : vector<4x20x128xf32>
    %add3A_538 = arith.constant 1.000000e+00 : f32
    %add3A_539 = vector.broadcast %add3A_538 : f32 to vector<4x20x128xf32>
    %add3A_540 = arith.addf %sub3A_537, %add3A_539 : vector<4x20x128xf32>
    %sub3A_541 = arith.subf %slice3A_536, %slice3A_534 : vector<4x20x128xf32>
    %add3A_542 = arith.constant 1.000000e+00 : f32
    %add3A_543 = vector.broadcast %add3A_542 : f32 to vector<4x20x128xf32>
    %add3A_544 = arith.addf %sub3A_541, %add3A_543 : vector<4x20x128xf32>
    %mul3A_545 = arith.mulf %add3A_540, %add3A_544 : vector<4x20x128xf32>
    %slice3A_546 = vector.extract_strided_slice %add3A {offsets = [0, 28, 0], sizes = [4, 20, 128], strides = [1, 1, 1]} : vector<4x48x128xi32> to vector<4x20x128xi32>
    %sub3A_547 = arith.constant 3584 : i32
    %sub3A_548 = vector.broadcast %sub3A_547 : i32 to vector<4x20x128xi32>
    %sub3A_549 = arith.subi %slice3A_546, %sub3A_548 : vector<4x20x128xi32>
    %slice3A_550 = vector.extract_strided_slice %slice3A_533 {offsets = [0, 0, 0], sizes = [4, 2, 128], strides = [1, 1, 1]} : vector<4x20x128xf32> to vector<4x2x128xf32>
    %slice3A_551 = vector.extract_strided_slice %slice3A_534 {offsets = [0, 0, 0], sizes = [4, 2, 128], strides = [1, 1, 1]} : vector<4x20x128xf32> to vector<4x2x128xf32>
    %slice3A_552 = vector.extract_strided_slice %slice3A_535 {offsets = [0, 0, 0], sizes = [4, 2, 128], strides = [1, 1, 1]} : vector<4x20x128xf32> to vector<4x2x128xf32>
    %slice3A_553 = vector.extract_strided_slice %slice3A_536 {offsets = [0, 0, 0], sizes = [4, 2, 128], strides = [1, 1, 1]} : vector<4x20x128xf32> to vector<4x2x128xf32>
    %reduce_min3A_554 = vector.shape_cast %cond3A_531#2 : vector<4x1x1xf32> to vector<1x4x1x1xf32>
    %reduce_min3A_555 = arith.constant dense<0x7F800000> : vector<1xf32>
    %reduce_min3A_556 = vector.multi_reduction <minimumf>, %reduce_min3A_554, %reduce_min3A_555 [1, 2, 3] : vector<1x4x1x1xf32> to vector<1xf32>
    %reduce_min3A_557 = vector.shape_cast %reduce_min3A_556 : vector<1xf32> to vector<1x1x1x1xf32>
    %reduce_min3A_558 = vector.extract %reduce_min3A_557[0, 0, 0, 0] : f32 from vector<1x1x1x1xf32>
    %lt3A_559 = arith.constant 1.000000e+03 : f32
    %lt3A_560 = arith.cmpf olt, %reduce_min3A_558, %lt3A_559 : f32
    %broadcast_in_dim3A_561 = arith.constant 0.000000e+00 : f32
    %broadcast_in_dim3A_562 = vector.broadcast %broadcast_in_dim3A_561 : f32 to vector<4x2x128xf32>
    %convert_element_type3A_563 = arith.extui %lt3A_560 : i1 to i32
    %cond3A_564 = arith.constant 1.000000e+03 : f32
    %cond3A_565 = arith.constant 0 : i32
    %cond3A_566 = arith.cmpi ne, %convert_element_type3A_563, %cond3A_565 : i32
    %cond3A_567:3 = scf.if %cond3A_566 -> (vector<4x20x128xf32>, vector<4x2x128xf32>, vector<4x1x1xf32>) {
      %scan3A = arith.constant 0 : i32
      %scan3A_891 = arith.constant 256 : i32
      %scan3A_892 = arith.addi %scan3A, %scan3A_891 : i32
      %scan3A_893 = arith.constant 1 : i32
      %scan3A_894:3 = scf.for %scan3A_896 = %scan3A to %scan3A_892 step %scan3A_893 iter_args(%scan3A_897 = %slice3A_532, %scan3A_898 = %broadcast_in_dim3A_562, %scan3A_899 = %cond3A_531#2) -> (vector<4x20x128xf32>, vector<4x2x128xf32>, vector<4x1x1xf32>)  : i32 {
        %eq3A = vector.broadcast %scan3A_896 : i32 to vector<4x2x128xi32>
        %eq3A_900 = arith.cmpi eq, %add3A_19, %eq3A : vector<4x2x128xi32>
        %convert_element_type3A_901 = arith.extui %eq3A_900 : vector<4x2x128xi1> to vector<4x2x128xi32>
        %convert_element_type3A_902 = arith.sitofp %convert_element_type3A_901 : vector<4x2x128xi32> to vector<4x2x128xf32>
        %slice3A_903 = vector.extract_strided_slice %scan3A_897 {offsets = [0, 0, 0], sizes = [4, 2, 128], strides = [1, 1, 1]} : vector<4x20x128xf32> to vector<4x2x128xf32>
        %mul3A_904 = arith.mulf %slice3A_903, %convert_element_type3A_902 : vector<4x2x128xf32>
        %reduce_sum3A = arith.constant dense<0.000000e+00> : vector<4xf32>
        %reduce_sum3A_905 = vector.multi_reduction <add>, %mul3A_904, %reduce_sum3A [1, 2] : vector<4x2x128xf32> to vector<4xf32>
        %broadcast_in_dim3A_906 = vector.shape_cast %reduce_sum3A_905 : vector<4xf32> to vector<4x1x1xf32>
        %lt3A_907 = vector.broadcast %cond3A_564 : f32 to vector<4x1x1xf32>
        %lt3A_908 = arith.cmpf olt, %scan3A_899, %lt3A_907 : vector<4x1x1xf32>
        %convert_element_type3A_909 = arith.extui %lt3A_908 : vector<4x1x1xi1> to vector<4x1x1xi32>
        %convert_element_type3A_910 = arith.sitofp %convert_element_type3A_909 : vector<4x1x1xi32> to vector<4x1x1xf32>
        %mul3A_911 = arith.mulf %broadcast_in_dim3A_906, %convert_element_type3A_910 : vector<4x1x1xf32>
        %mul3A_912 = arith.mulf %slice3A_550, %convert_element_type3A_902 : vector<4x2x128xf32>
        %reduce_sum3A_913 = arith.constant dense<0.000000e+00> : vector<4xf32>
        %reduce_sum3A_914 = vector.multi_reduction <add>, %mul3A_912, %reduce_sum3A_913 [1, 2] : vector<4x2x128xf32> to vector<4xf32>
        %broadcast_in_dim3A_915 = vector.shape_cast %reduce_sum3A_914 : vector<4xf32> to vector<4x1x1xf32>
        %mul3A_916 = arith.mulf %slice3A_551, %convert_element_type3A_902 : vector<4x2x128xf32>
        %reduce_sum3A_917 = arith.constant dense<0.000000e+00> : vector<4xf32>
        %reduce_sum3A_918 = vector.multi_reduction <add>, %mul3A_916, %reduce_sum3A_917 [1, 2] : vector<4x2x128xf32> to vector<4xf32>
        %broadcast_in_dim3A_919 = vector.shape_cast %reduce_sum3A_918 : vector<4xf32> to vector<4x1x1xf32>
        %mul3A_920 = arith.mulf %slice3A_552, %convert_element_type3A_902 : vector<4x2x128xf32>
        %reduce_sum3A_921 = arith.constant dense<0.000000e+00> : vector<4xf32>
        %reduce_sum3A_922 = vector.multi_reduction <add>, %mul3A_920, %reduce_sum3A_921 [1, 2] : vector<4x2x128xf32> to vector<4xf32>
        %broadcast_in_dim3A_923 = vector.shape_cast %reduce_sum3A_922 : vector<4xf32> to vector<4x1x1xf32>
        %mul3A_924 = arith.mulf %slice3A_553, %convert_element_type3A_902 : vector<4x2x128xf32>
        %reduce_sum3A_925 = arith.constant dense<0.000000e+00> : vector<4xf32>
        %reduce_sum3A_926 = vector.multi_reduction <add>, %mul3A_924, %reduce_sum3A_925 [1, 2] : vector<4x2x128xf32> to vector<4xf32>
        %broadcast_in_dim3A_927 = vector.shape_cast %reduce_sum3A_926 : vector<4xf32> to vector<4x1x1xf32>
        %sub3A_928 = arith.subf %broadcast_in_dim3A_923, %broadcast_in_dim3A_915 : vector<4x1x1xf32>
        %add3A_929 = arith.constant 1.000000e+00 : f32
        %add3A_930 = vector.broadcast %add3A_929 : f32 to vector<4x1x1xf32>
        %add3A_931 = arith.addf %sub3A_928, %add3A_930 : vector<4x1x1xf32>
        %sub3A_932 = arith.subf %broadcast_in_dim3A_927, %broadcast_in_dim3A_919 : vector<4x1x1xf32>
        %add3A_933 = arith.constant 1.000000e+00 : f32
        %add3A_934 = vector.broadcast %add3A_933 : f32 to vector<4x1x1xf32>
        %add3A_935 = arith.addf %sub3A_932, %add3A_934 : vector<4x1x1xf32>
        %mul3A_936 = arith.mulf %add3A_931, %add3A_935 : vector<4x1x1xf32>
        %max3A = vector.broadcast %broadcast_in_dim3A_915 : vector<4x1x1xf32> to vector<4x20x128xf32>
        %max3A_937 = arith.maximumf %max3A, %slice3A_533 : vector<4x20x128xf32>
        %max3A_938 = vector.broadcast %broadcast_in_dim3A_919 : vector<4x1x1xf32> to vector<4x20x128xf32>
        %max3A_939 = arith.maximumf %max3A_938, %slice3A_534 : vector<4x20x128xf32>
        %min3A_940 = vector.broadcast %broadcast_in_dim3A_923 : vector<4x1x1xf32> to vector<4x20x128xf32>
        %min3A_941 = arith.minimumf %min3A_940, %slice3A_535 : vector<4x20x128xf32>
        %min3A_942 = vector.broadcast %broadcast_in_dim3A_927 : vector<4x1x1xf32> to vector<4x20x128xf32>
        %min3A_943 = arith.minimumf %min3A_942, %slice3A_536 : vector<4x20x128xf32>
        %sub3A_944 = arith.subf %min3A_941, %max3A_937 : vector<4x20x128xf32>
        %add3A_945 = arith.constant 1.000000e+00 : f32
        %add3A_946 = vector.broadcast %add3A_945 : f32 to vector<4x20x128xf32>
        %add3A_947 = arith.addf %sub3A_944, %add3A_946 : vector<4x20x128xf32>
        %max3A_948 = arith.constant 0.000000e+00 : f32
        %max3A_949 = vector.broadcast %max3A_948 : f32 to vector<4x20x128xf32>
        %max3A_950 = arith.maximumf %max3A_949, %add3A_947 : vector<4x20x128xf32>
        %sub3A_951 = arith.subf %min3A_943, %max3A_939 : vector<4x20x128xf32>
        %add3A_952 = arith.constant 1.000000e+00 : f32
        %add3A_953 = vector.broadcast %add3A_952 : f32 to vector<4x20x128xf32>
        %add3A_954 = arith.addf %sub3A_951, %add3A_953 : vector<4x20x128xf32>
        %max3A_955 = arith.constant 0.000000e+00 : f32
        %max3A_956 = vector.broadcast %max3A_955 : f32 to vector<4x20x128xf32>
        %max3A_957 = arith.maximumf %max3A_956, %add3A_954 : vector<4x20x128xf32>
        %mul3A_958 = arith.mulf %max3A_950, %max3A_957 : vector<4x20x128xf32>
        %add3A_959 = vector.broadcast %mul3A_936 : vector<4x1x1xf32> to vector<4x20x128xf32>
        %add3A_960 = arith.addf %add3A_959, %mul3A_545 : vector<4x20x128xf32>
        %sub3A_961 = arith.subf %add3A_960, %mul3A_958 : vector<4x20x128xf32>
        %div3A = arith.divf %mul3A_958, %sub3A_961 : vector<4x20x128xf32>
        %gt3A = arith.constant 0.000000e+00 : f32
        %gt3A_962 = vector.broadcast %gt3A : f32 to vector<4x1x1xf32>
        %gt3A_963 = arith.cmpf ogt, %mul3A_911, %gt3A_962 : vector<4x1x1xf32>
        %gt3A_964 = arith.constant 0.699999988 : f32
        %gt3A_965 = vector.broadcast %gt3A_964 : f32 to vector<4x20x128xf32>
        %gt3A_966 = arith.cmpf ogt, %div3A, %gt3A_965 : vector<4x20x128xf32>
        %and3A = vector.broadcast %gt3A_963 : vector<4x1x1xi1> to vector<4x20x128xi1>
        %and3A_967 = arith.andi %and3A, %gt3A_966 : vector<4x20x128xi1>
        %gt3A_968 = vector.broadcast %scan3A_896 : i32 to vector<4x20x128xi32>
        %gt3A_969 = arith.cmpi sgt, %sub3A_549, %gt3A_968 : vector<4x20x128xi32>
        %and3A_970 = arith.andi %and3A_967, %gt3A_969 : vector<4x20x128xi1>
        %convert_element_type3A_971 = arith.extui %and3A_970 : vector<4x20x128xi1> to vector<4x20x128xi32>
        %convert_element_type3A_972 = arith.sitofp %convert_element_type3A_971 : vector<4x20x128xi32> to vector<4x20x128xf32>
        %mul3A_973 = vector.broadcast %mul3A_911 : vector<4x1x1xf32> to vector<4x2x128xf32>
        %mul3A_974 = arith.mulf %mul3A_973, %convert_element_type3A_902 : vector<4x2x128xf32>
        %max3A_975 = arith.maximumf %scan3A_898, %mul3A_974 : vector<4x2x128xf32>
        %sub3A_976 = arith.constant 1.000000e+00 : f32
        %sub3A_977 = vector.broadcast %sub3A_976 : f32 to vector<4x20x128xf32>
        %sub3A_978 = arith.subf %sub3A_977, %convert_element_type3A_972 : vector<4x20x128xf32>
        %mul3A_979 = arith.mulf %scan3A_897, %sub3A_978 : vector<4x20x128xf32>
        %add3A_980 = arith.addf %scan3A_899, %mul3A_911 : vector<4x1x1xf32>
        scf.yield %mul3A_979, %max3A_975, %add3A_980 : vector<4x20x128xf32>, vector<4x2x128xf32>, vector<4x1x1xf32>
      }
      %scan3A_895 = arith.constant 256 : i32
      scf.yield %scan3A_894#0, %scan3A_894#1, %scan3A_894#2 : vector<4x20x128xf32>, vector<4x2x128xf32>, vector<4x1x1xf32>
    } else {
      scf.yield %slice3A_532, %broadcast_in_dim3A_562, %cond3A_531#2 : vector<4x20x128xf32>, vector<4x2x128xf32>, vector<4x1x1xf32>
    }
    %slice3A_568 = vector.extract_strided_slice %cond3A_567#0 {offsets = [0, 2, 0], sizes = [4, 18, 128], strides = [1, 1, 1]} : vector<4x20x128xf32> to vector<4x18x128xf32>
    %slice3A_569 = vector.extract_strided_slice %get3A_24 {offsets = [0, 30, 0], sizes = [4, 18, 128], strides = [1, 1, 1]} : vector<4x48x128xf32> to vector<4x18x128xf32>
    %slice3A_570 = vector.extract_strided_slice %get3A_28 {offsets = [0, 30, 0], sizes = [4, 18, 128], strides = [1, 1, 1]} : vector<4x48x128xf32> to vector<4x18x128xf32>
    %slice3A_571 = vector.extract_strided_slice %get3A_32 {offsets = [0, 30, 0], sizes = [4, 18, 128], strides = [1, 1, 1]} : vector<4x48x128xf32> to vector<4x18x128xf32>
    %slice3A_572 = vector.extract_strided_slice %get3A_36 {offsets = [0, 30, 0], sizes = [4, 18, 128], strides = [1, 1, 1]} : vector<4x48x128xf32> to vector<4x18x128xf32>
    %sub3A_573 = arith.subf %slice3A_571, %slice3A_569 : vector<4x18x128xf32>
    %add3A_574 = arith.constant 1.000000e+00 : f32
    %add3A_575 = vector.broadcast %add3A_574 : f32 to vector<4x18x128xf32>
    %add3A_576 = arith.addf %sub3A_573, %add3A_575 : vector<4x18x128xf32>
    %sub3A_577 = arith.subf %slice3A_572, %slice3A_570 : vector<4x18x128xf32>
    %add3A_578 = arith.constant 1.000000e+00 : f32
    %add3A_579 = vector.broadcast %add3A_578 : f32 to vector<4x18x128xf32>
    %add3A_580 = arith.addf %sub3A_577, %add3A_579 : vector<4x18x128xf32>
    %mul3A_581 = arith.mulf %add3A_576, %add3A_580 : vector<4x18x128xf32>
    %slice3A_582 = vector.extract_strided_slice %add3A {offsets = [0, 30, 0], sizes = [4, 18, 128], strides = [1, 1, 1]} : vector<4x48x128xi32> to vector<4x18x128xi32>
    %sub3A_583 = arith.constant 3840 : i32
    %sub3A_584 = vector.broadcast %sub3A_583 : i32 to vector<4x18x128xi32>
    %sub3A_585 = arith.subi %slice3A_582, %sub3A_584 : vector<4x18x128xi32>
    %slice3A_586 = vector.extract_strided_slice %slice3A_569 {offsets = [0, 0, 0], sizes = [4, 2, 128], strides = [1, 1, 1]} : vector<4x18x128xf32> to vector<4x2x128xf32>
    %slice3A_587 = vector.extract_strided_slice %slice3A_570 {offsets = [0, 0, 0], sizes = [4, 2, 128], strides = [1, 1, 1]} : vector<4x18x128xf32> to vector<4x2x128xf32>
    %slice3A_588 = vector.extract_strided_slice %slice3A_571 {offsets = [0, 0, 0], sizes = [4, 2, 128], strides = [1, 1, 1]} : vector<4x18x128xf32> to vector<4x2x128xf32>
    %slice3A_589 = vector.extract_strided_slice %slice3A_572 {offsets = [0, 0, 0], sizes = [4, 2, 128], strides = [1, 1, 1]} : vector<4x18x128xf32> to vector<4x2x128xf32>
    %reduce_min3A_590 = vector.shape_cast %cond3A_567#2 : vector<4x1x1xf32> to vector<1x4x1x1xf32>
    %reduce_min3A_591 = arith.constant dense<0x7F800000> : vector<1xf32>
    %reduce_min3A_592 = vector.multi_reduction <minimumf>, %reduce_min3A_590, %reduce_min3A_591 [1, 2, 3] : vector<1x4x1x1xf32> to vector<1xf32>
    %reduce_min3A_593 = vector.shape_cast %reduce_min3A_592 : vector<1xf32> to vector<1x1x1x1xf32>
    %reduce_min3A_594 = vector.extract %reduce_min3A_593[0, 0, 0, 0] : f32 from vector<1x1x1x1xf32>
    %lt3A_595 = arith.constant 1.000000e+03 : f32
    %lt3A_596 = arith.cmpf olt, %reduce_min3A_594, %lt3A_595 : f32
    %broadcast_in_dim3A_597 = arith.constant 0.000000e+00 : f32
    %broadcast_in_dim3A_598 = vector.broadcast %broadcast_in_dim3A_597 : f32 to vector<4x2x128xf32>
    %convert_element_type3A_599 = arith.extui %lt3A_596 : i1 to i32
    %cond3A_600 = arith.constant 1.000000e+03 : f32
    %cond3A_601 = arith.constant 0 : i32
    %cond3A_602 = arith.cmpi ne, %convert_element_type3A_599, %cond3A_601 : i32
    %cond3A_603:3 = scf.if %cond3A_602 -> (vector<4x18x128xf32>, vector<4x2x128xf32>, vector<4x1x1xf32>) {
      %scan3A = arith.constant 0 : i32
      %scan3A_891 = arith.constant 256 : i32
      %scan3A_892 = arith.addi %scan3A, %scan3A_891 : i32
      %scan3A_893 = arith.constant 1 : i32
      %scan3A_894:3 = scf.for %scan3A_896 = %scan3A to %scan3A_892 step %scan3A_893 iter_args(%scan3A_897 = %slice3A_568, %scan3A_898 = %broadcast_in_dim3A_598, %scan3A_899 = %cond3A_567#2) -> (vector<4x18x128xf32>, vector<4x2x128xf32>, vector<4x1x1xf32>)  : i32 {
        %eq3A = vector.broadcast %scan3A_896 : i32 to vector<4x2x128xi32>
        %eq3A_900 = arith.cmpi eq, %add3A_19, %eq3A : vector<4x2x128xi32>
        %convert_element_type3A_901 = arith.extui %eq3A_900 : vector<4x2x128xi1> to vector<4x2x128xi32>
        %convert_element_type3A_902 = arith.sitofp %convert_element_type3A_901 : vector<4x2x128xi32> to vector<4x2x128xf32>
        %slice3A_903 = vector.extract_strided_slice %scan3A_897 {offsets = [0, 0, 0], sizes = [4, 2, 128], strides = [1, 1, 1]} : vector<4x18x128xf32> to vector<4x2x128xf32>
        %mul3A_904 = arith.mulf %slice3A_903, %convert_element_type3A_902 : vector<4x2x128xf32>
        %reduce_sum3A = arith.constant dense<0.000000e+00> : vector<4xf32>
        %reduce_sum3A_905 = vector.multi_reduction <add>, %mul3A_904, %reduce_sum3A [1, 2] : vector<4x2x128xf32> to vector<4xf32>
        %broadcast_in_dim3A_906 = vector.shape_cast %reduce_sum3A_905 : vector<4xf32> to vector<4x1x1xf32>
        %lt3A_907 = vector.broadcast %cond3A_600 : f32 to vector<4x1x1xf32>
        %lt3A_908 = arith.cmpf olt, %scan3A_899, %lt3A_907 : vector<4x1x1xf32>
        %convert_element_type3A_909 = arith.extui %lt3A_908 : vector<4x1x1xi1> to vector<4x1x1xi32>
        %convert_element_type3A_910 = arith.sitofp %convert_element_type3A_909 : vector<4x1x1xi32> to vector<4x1x1xf32>
        %mul3A_911 = arith.mulf %broadcast_in_dim3A_906, %convert_element_type3A_910 : vector<4x1x1xf32>
        %mul3A_912 = arith.mulf %slice3A_586, %convert_element_type3A_902 : vector<4x2x128xf32>
        %reduce_sum3A_913 = arith.constant dense<0.000000e+00> : vector<4xf32>
        %reduce_sum3A_914 = vector.multi_reduction <add>, %mul3A_912, %reduce_sum3A_913 [1, 2] : vector<4x2x128xf32> to vector<4xf32>
        %broadcast_in_dim3A_915 = vector.shape_cast %reduce_sum3A_914 : vector<4xf32> to vector<4x1x1xf32>
        %mul3A_916 = arith.mulf %slice3A_587, %convert_element_type3A_902 : vector<4x2x128xf32>
        %reduce_sum3A_917 = arith.constant dense<0.000000e+00> : vector<4xf32>
        %reduce_sum3A_918 = vector.multi_reduction <add>, %mul3A_916, %reduce_sum3A_917 [1, 2] : vector<4x2x128xf32> to vector<4xf32>
        %broadcast_in_dim3A_919 = vector.shape_cast %reduce_sum3A_918 : vector<4xf32> to vector<4x1x1xf32>
        %mul3A_920 = arith.mulf %slice3A_588, %convert_element_type3A_902 : vector<4x2x128xf32>
        %reduce_sum3A_921 = arith.constant dense<0.000000e+00> : vector<4xf32>
        %reduce_sum3A_922 = vector.multi_reduction <add>, %mul3A_920, %reduce_sum3A_921 [1, 2] : vector<4x2x128xf32> to vector<4xf32>
        %broadcast_in_dim3A_923 = vector.shape_cast %reduce_sum3A_922 : vector<4xf32> to vector<4x1x1xf32>
        %mul3A_924 = arith.mulf %slice3A_589, %convert_element_type3A_902 : vector<4x2x128xf32>
        %reduce_sum3A_925 = arith.constant dense<0.000000e+00> : vector<4xf32>
        %reduce_sum3A_926 = vector.multi_reduction <add>, %mul3A_924, %reduce_sum3A_925 [1, 2] : vector<4x2x128xf32> to vector<4xf32>
        %broadcast_in_dim3A_927 = vector.shape_cast %reduce_sum3A_926 : vector<4xf32> to vector<4x1x1xf32>
        %sub3A_928 = arith.subf %broadcast_in_dim3A_923, %broadcast_in_dim3A_915 : vector<4x1x1xf32>
        %add3A_929 = arith.constant 1.000000e+00 : f32
        %add3A_930 = vector.broadcast %add3A_929 : f32 to vector<4x1x1xf32>
        %add3A_931 = arith.addf %sub3A_928, %add3A_930 : vector<4x1x1xf32>
        %sub3A_932 = arith.subf %broadcast_in_dim3A_927, %broadcast_in_dim3A_919 : vector<4x1x1xf32>
        %add3A_933 = arith.constant 1.000000e+00 : f32
        %add3A_934 = vector.broadcast %add3A_933 : f32 to vector<4x1x1xf32>
        %add3A_935 = arith.addf %sub3A_932, %add3A_934 : vector<4x1x1xf32>
        %mul3A_936 = arith.mulf %add3A_931, %add3A_935 : vector<4x1x1xf32>
        %max3A = vector.broadcast %broadcast_in_dim3A_915 : vector<4x1x1xf32> to vector<4x18x128xf32>
        %max3A_937 = arith.maximumf %max3A, %slice3A_569 : vector<4x18x128xf32>
        %max3A_938 = vector.broadcast %broadcast_in_dim3A_919 : vector<4x1x1xf32> to vector<4x18x128xf32>
        %max3A_939 = arith.maximumf %max3A_938, %slice3A_570 : vector<4x18x128xf32>
        %min3A_940 = vector.broadcast %broadcast_in_dim3A_923 : vector<4x1x1xf32> to vector<4x18x128xf32>
        %min3A_941 = arith.minimumf %min3A_940, %slice3A_571 : vector<4x18x128xf32>
        %min3A_942 = vector.broadcast %broadcast_in_dim3A_927 : vector<4x1x1xf32> to vector<4x18x128xf32>
        %min3A_943 = arith.minimumf %min3A_942, %slice3A_572 : vector<4x18x128xf32>
        %sub3A_944 = arith.subf %min3A_941, %max3A_937 : vector<4x18x128xf32>
        %add3A_945 = arith.constant 1.000000e+00 : f32
        %add3A_946 = vector.broadcast %add3A_945 : f32 to vector<4x18x128xf32>
        %add3A_947 = arith.addf %sub3A_944, %add3A_946 : vector<4x18x128xf32>
        %max3A_948 = arith.constant 0.000000e+00 : f32
        %max3A_949 = vector.broadcast %max3A_948 : f32 to vector<4x18x128xf32>
        %max3A_950 = arith.maximumf %max3A_949, %add3A_947 : vector<4x18x128xf32>
        %sub3A_951 = arith.subf %min3A_943, %max3A_939 : vector<4x18x128xf32>
        %add3A_952 = arith.constant 1.000000e+00 : f32
        %add3A_953 = vector.broadcast %add3A_952 : f32 to vector<4x18x128xf32>
        %add3A_954 = arith.addf %sub3A_951, %add3A_953 : vector<4x18x128xf32>
        %max3A_955 = arith.constant 0.000000e+00 : f32
        %max3A_956 = vector.broadcast %max3A_955 : f32 to vector<4x18x128xf32>
        %max3A_957 = arith.maximumf %max3A_956, %add3A_954 : vector<4x18x128xf32>
        %mul3A_958 = arith.mulf %max3A_950, %max3A_957 : vector<4x18x128xf32>
        %add3A_959 = vector.broadcast %mul3A_936 : vector<4x1x1xf32> to vector<4x18x128xf32>
        %add3A_960 = arith.addf %add3A_959, %mul3A_581 : vector<4x18x128xf32>
        %sub3A_961 = arith.subf %add3A_960, %mul3A_958 : vector<4x18x128xf32>
        %div3A = arith.divf %mul3A_958, %sub3A_961 : vector<4x18x128xf32>
        %gt3A = arith.constant 0.000000e+00 : f32
        %gt3A_962 = vector.broadcast %gt3A : f32 to vector<4x1x1xf32>
        %gt3A_963 = arith.cmpf ogt, %mul3A_911, %gt3A_962 : vector<4x1x1xf32>
        %gt3A_964 = arith.constant 0.699999988 : f32
        %gt3A_965 = vector.broadcast %gt3A_964 : f32 to vector<4x18x128xf32>
        %gt3A_966 = arith.cmpf ogt, %div3A, %gt3A_965 : vector<4x18x128xf32>
        %and3A = vector.broadcast %gt3A_963 : vector<4x1x1xi1> to vector<4x18x128xi1>
        %and3A_967 = arith.andi %and3A, %gt3A_966 : vector<4x18x128xi1>
        %gt3A_968 = vector.broadcast %scan3A_896 : i32 to vector<4x18x128xi32>
        %gt3A_969 = arith.cmpi sgt, %sub3A_585, %gt3A_968 : vector<4x18x128xi32>
        %and3A_970 = arith.andi %and3A_967, %gt3A_969 : vector<4x18x128xi1>
        %convert_element_type3A_971 = arith.extui %and3A_970 : vector<4x18x128xi1> to vector<4x18x128xi32>
        %convert_element_type3A_972 = arith.sitofp %convert_element_type3A_971 : vector<4x18x128xi32> to vector<4x18x128xf32>
        %mul3A_973 = vector.broadcast %mul3A_911 : vector<4x1x1xf32> to vector<4x2x128xf32>
        %mul3A_974 = arith.mulf %mul3A_973, %convert_element_type3A_902 : vector<4x2x128xf32>
        %max3A_975 = arith.maximumf %scan3A_898, %mul3A_974 : vector<4x2x128xf32>
        %sub3A_976 = arith.constant 1.000000e+00 : f32
        %sub3A_977 = vector.broadcast %sub3A_976 : f32 to vector<4x18x128xf32>
        %sub3A_978 = arith.subf %sub3A_977, %convert_element_type3A_972 : vector<4x18x128xf32>
        %mul3A_979 = arith.mulf %scan3A_897, %sub3A_978 : vector<4x18x128xf32>
        %add3A_980 = arith.addf %scan3A_899, %mul3A_911 : vector<4x1x1xf32>
        scf.yield %mul3A_979, %max3A_975, %add3A_980 : vector<4x18x128xf32>, vector<4x2x128xf32>, vector<4x1x1xf32>
      }
      %scan3A_895 = arith.constant 256 : i32
      scf.yield %scan3A_894#0, %scan3A_894#1, %scan3A_894#2 : vector<4x18x128xf32>, vector<4x2x128xf32>, vector<4x1x1xf32>
    } else {
      scf.yield %slice3A_568, %broadcast_in_dim3A_598, %cond3A_567#2 : vector<4x18x128xf32>, vector<4x2x128xf32>, vector<4x1x1xf32>
    }
    %slice3A_604 = vector.extract_strided_slice %cond3A_603#0 {offsets = [0, 2, 0], sizes = [4, 16, 128], strides = [1, 1, 1]} : vector<4x18x128xf32> to vector<4x16x128xf32>
    %slice3A_605 = vector.extract_strided_slice %get3A_24 {offsets = [0, 32, 0], sizes = [4, 16, 128], strides = [1, 1, 1]} : vector<4x48x128xf32> to vector<4x16x128xf32>
    %slice3A_606 = vector.extract_strided_slice %get3A_28 {offsets = [0, 32, 0], sizes = [4, 16, 128], strides = [1, 1, 1]} : vector<4x48x128xf32> to vector<4x16x128xf32>
    %slice3A_607 = vector.extract_strided_slice %get3A_32 {offsets = [0, 32, 0], sizes = [4, 16, 128], strides = [1, 1, 1]} : vector<4x48x128xf32> to vector<4x16x128xf32>
    %slice3A_608 = vector.extract_strided_slice %get3A_36 {offsets = [0, 32, 0], sizes = [4, 16, 128], strides = [1, 1, 1]} : vector<4x48x128xf32> to vector<4x16x128xf32>
    %sub3A_609 = arith.subf %slice3A_607, %slice3A_605 : vector<4x16x128xf32>
    %add3A_610 = arith.constant 1.000000e+00 : f32
    %add3A_611 = vector.broadcast %add3A_610 : f32 to vector<4x16x128xf32>
    %add3A_612 = arith.addf %sub3A_609, %add3A_611 : vector<4x16x128xf32>
    %sub3A_613 = arith.subf %slice3A_608, %slice3A_606 : vector<4x16x128xf32>
    %add3A_614 = arith.constant 1.000000e+00 : f32
    %add3A_615 = vector.broadcast %add3A_614 : f32 to vector<4x16x128xf32>
    %add3A_616 = arith.addf %sub3A_613, %add3A_615 : vector<4x16x128xf32>
    %mul3A_617 = arith.mulf %add3A_612, %add3A_616 : vector<4x16x128xf32>
    %slice3A_618 = vector.extract_strided_slice %add3A {offsets = [0, 32, 0], sizes = [4, 16, 128], strides = [1, 1, 1]} : vector<4x48x128xi32> to vector<4x16x128xi32>
    %sub3A_619 = arith.constant 4096 : i32
    %sub3A_620 = vector.broadcast %sub3A_619 : i32 to vector<4x16x128xi32>
    %sub3A_621 = arith.subi %slice3A_618, %sub3A_620 : vector<4x16x128xi32>
    %slice3A_622 = vector.extract_strided_slice %slice3A_605 {offsets = [0, 0, 0], sizes = [4, 2, 128], strides = [1, 1, 1]} : vector<4x16x128xf32> to vector<4x2x128xf32>
    %slice3A_623 = vector.extract_strided_slice %slice3A_606 {offsets = [0, 0, 0], sizes = [4, 2, 128], strides = [1, 1, 1]} : vector<4x16x128xf32> to vector<4x2x128xf32>
    %slice3A_624 = vector.extract_strided_slice %slice3A_607 {offsets = [0, 0, 0], sizes = [4, 2, 128], strides = [1, 1, 1]} : vector<4x16x128xf32> to vector<4x2x128xf32>
    %slice3A_625 = vector.extract_strided_slice %slice3A_608 {offsets = [0, 0, 0], sizes = [4, 2, 128], strides = [1, 1, 1]} : vector<4x16x128xf32> to vector<4x2x128xf32>
    %reduce_min3A_626 = vector.shape_cast %cond3A_603#2 : vector<4x1x1xf32> to vector<1x4x1x1xf32>
    %reduce_min3A_627 = arith.constant dense<0x7F800000> : vector<1xf32>
    %reduce_min3A_628 = vector.multi_reduction <minimumf>, %reduce_min3A_626, %reduce_min3A_627 [1, 2, 3] : vector<1x4x1x1xf32> to vector<1xf32>
    %reduce_min3A_629 = vector.shape_cast %reduce_min3A_628 : vector<1xf32> to vector<1x1x1x1xf32>
    %reduce_min3A_630 = vector.extract %reduce_min3A_629[0, 0, 0, 0] : f32 from vector<1x1x1x1xf32>
    %lt3A_631 = arith.constant 1.000000e+03 : f32
    %lt3A_632 = arith.cmpf olt, %reduce_min3A_630, %lt3A_631 : f32
    %broadcast_in_dim3A_633 = arith.constant 0.000000e+00 : f32
    %broadcast_in_dim3A_634 = vector.broadcast %broadcast_in_dim3A_633 : f32 to vector<4x2x128xf32>
    %convert_element_type3A_635 = arith.extui %lt3A_632 : i1 to i32
    %cond3A_636 = arith.constant 1.000000e+03 : f32
    %cond3A_637 = arith.constant 0 : i32
    %cond3A_638 = arith.cmpi ne, %convert_element_type3A_635, %cond3A_637 : i32
    %cond3A_639:3 = scf.if %cond3A_638 -> (vector<4x16x128xf32>, vector<4x2x128xf32>, vector<4x1x1xf32>) {
      %scan3A = arith.constant 0 : i32
      %scan3A_891 = arith.constant 256 : i32
      %scan3A_892 = arith.addi %scan3A, %scan3A_891 : i32
      %scan3A_893 = arith.constant 1 : i32
      %scan3A_894:3 = scf.for %scan3A_896 = %scan3A to %scan3A_892 step %scan3A_893 iter_args(%scan3A_897 = %slice3A_604, %scan3A_898 = %broadcast_in_dim3A_634, %scan3A_899 = %cond3A_603#2) -> (vector<4x16x128xf32>, vector<4x2x128xf32>, vector<4x1x1xf32>)  : i32 {
        %eq3A = vector.broadcast %scan3A_896 : i32 to vector<4x2x128xi32>
        %eq3A_900 = arith.cmpi eq, %add3A_19, %eq3A : vector<4x2x128xi32>
        %convert_element_type3A_901 = arith.extui %eq3A_900 : vector<4x2x128xi1> to vector<4x2x128xi32>
        %convert_element_type3A_902 = arith.sitofp %convert_element_type3A_901 : vector<4x2x128xi32> to vector<4x2x128xf32>
        %slice3A_903 = vector.extract_strided_slice %scan3A_897 {offsets = [0, 0, 0], sizes = [4, 2, 128], strides = [1, 1, 1]} : vector<4x16x128xf32> to vector<4x2x128xf32>
        %mul3A_904 = arith.mulf %slice3A_903, %convert_element_type3A_902 : vector<4x2x128xf32>
        %reduce_sum3A = arith.constant dense<0.000000e+00> : vector<4xf32>
        %reduce_sum3A_905 = vector.multi_reduction <add>, %mul3A_904, %reduce_sum3A [1, 2] : vector<4x2x128xf32> to vector<4xf32>
        %broadcast_in_dim3A_906 = vector.shape_cast %reduce_sum3A_905 : vector<4xf32> to vector<4x1x1xf32>
        %lt3A_907 = vector.broadcast %cond3A_636 : f32 to vector<4x1x1xf32>
        %lt3A_908 = arith.cmpf olt, %scan3A_899, %lt3A_907 : vector<4x1x1xf32>
        %convert_element_type3A_909 = arith.extui %lt3A_908 : vector<4x1x1xi1> to vector<4x1x1xi32>
        %convert_element_type3A_910 = arith.sitofp %convert_element_type3A_909 : vector<4x1x1xi32> to vector<4x1x1xf32>
        %mul3A_911 = arith.mulf %broadcast_in_dim3A_906, %convert_element_type3A_910 : vector<4x1x1xf32>
        %mul3A_912 = arith.mulf %slice3A_622, %convert_element_type3A_902 : vector<4x2x128xf32>
        %reduce_sum3A_913 = arith.constant dense<0.000000e+00> : vector<4xf32>
        %reduce_sum3A_914 = vector.multi_reduction <add>, %mul3A_912, %reduce_sum3A_913 [1, 2] : vector<4x2x128xf32> to vector<4xf32>
        %broadcast_in_dim3A_915 = vector.shape_cast %reduce_sum3A_914 : vector<4xf32> to vector<4x1x1xf32>
        %mul3A_916 = arith.mulf %slice3A_623, %convert_element_type3A_902 : vector<4x2x128xf32>
        %reduce_sum3A_917 = arith.constant dense<0.000000e+00> : vector<4xf32>
        %reduce_sum3A_918 = vector.multi_reduction <add>, %mul3A_916, %reduce_sum3A_917 [1, 2] : vector<4x2x128xf32> to vector<4xf32>
        %broadcast_in_dim3A_919 = vector.shape_cast %reduce_sum3A_918 : vector<4xf32> to vector<4x1x1xf32>
        %mul3A_920 = arith.mulf %slice3A_624, %convert_element_type3A_902 : vector<4x2x128xf32>
        %reduce_sum3A_921 = arith.constant dense<0.000000e+00> : vector<4xf32>
        %reduce_sum3A_922 = vector.multi_reduction <add>, %mul3A_920, %reduce_sum3A_921 [1, 2] : vector<4x2x128xf32> to vector<4xf32>
        %broadcast_in_dim3A_923 = vector.shape_cast %reduce_sum3A_922 : vector<4xf32> to vector<4x1x1xf32>
        %mul3A_924 = arith.mulf %slice3A_625, %convert_element_type3A_902 : vector<4x2x128xf32>
        %reduce_sum3A_925 = arith.constant dense<0.000000e+00> : vector<4xf32>
        %reduce_sum3A_926 = vector.multi_reduction <add>, %mul3A_924, %reduce_sum3A_925 [1, 2] : vector<4x2x128xf32> to vector<4xf32>
        %broadcast_in_dim3A_927 = vector.shape_cast %reduce_sum3A_926 : vector<4xf32> to vector<4x1x1xf32>
        %sub3A_928 = arith.subf %broadcast_in_dim3A_923, %broadcast_in_dim3A_915 : vector<4x1x1xf32>
        %add3A_929 = arith.constant 1.000000e+00 : f32
        %add3A_930 = vector.broadcast %add3A_929 : f32 to vector<4x1x1xf32>
        %add3A_931 = arith.addf %sub3A_928, %add3A_930 : vector<4x1x1xf32>
        %sub3A_932 = arith.subf %broadcast_in_dim3A_927, %broadcast_in_dim3A_919 : vector<4x1x1xf32>
        %add3A_933 = arith.constant 1.000000e+00 : f32
        %add3A_934 = vector.broadcast %add3A_933 : f32 to vector<4x1x1xf32>
        %add3A_935 = arith.addf %sub3A_932, %add3A_934 : vector<4x1x1xf32>
        %mul3A_936 = arith.mulf %add3A_931, %add3A_935 : vector<4x1x1xf32>
        %max3A = vector.broadcast %broadcast_in_dim3A_915 : vector<4x1x1xf32> to vector<4x16x128xf32>
        %max3A_937 = arith.maximumf %max3A, %slice3A_605 : vector<4x16x128xf32>
        %max3A_938 = vector.broadcast %broadcast_in_dim3A_919 : vector<4x1x1xf32> to vector<4x16x128xf32>
        %max3A_939 = arith.maximumf %max3A_938, %slice3A_606 : vector<4x16x128xf32>
        %min3A_940 = vector.broadcast %broadcast_in_dim3A_923 : vector<4x1x1xf32> to vector<4x16x128xf32>
        %min3A_941 = arith.minimumf %min3A_940, %slice3A_607 : vector<4x16x128xf32>
        %min3A_942 = vector.broadcast %broadcast_in_dim3A_927 : vector<4x1x1xf32> to vector<4x16x128xf32>
        %min3A_943 = arith.minimumf %min3A_942, %slice3A_608 : vector<4x16x128xf32>
        %sub3A_944 = arith.subf %min3A_941, %max3A_937 : vector<4x16x128xf32>
        %add3A_945 = arith.constant 1.000000e+00 : f32
        %add3A_946 = vector.broadcast %add3A_945 : f32 to vector<4x16x128xf32>
        %add3A_947 = arith.addf %sub3A_944, %add3A_946 : vector<4x16x128xf32>
        %max3A_948 = arith.constant 0.000000e+00 : f32
        %max3A_949 = vector.broadcast %max3A_948 : f32 to vector<4x16x128xf32>
        %max3A_950 = arith.maximumf %max3A_949, %add3A_947 : vector<4x16x128xf32>
        %sub3A_951 = arith.subf %min3A_943, %max3A_939 : vector<4x16x128xf32>
        %add3A_952 = arith.constant 1.000000e+00 : f32
        %add3A_953 = vector.broadcast %add3A_952 : f32 to vector<4x16x128xf32>
        %add3A_954 = arith.addf %sub3A_951, %add3A_953 : vector<4x16x128xf32>
        %max3A_955 = arith.constant 0.000000e+00 : f32
        %max3A_956 = vector.broadcast %max3A_955 : f32 to vector<4x16x128xf32>
        %max3A_957 = arith.maximumf %max3A_956, %add3A_954 : vector<4x16x128xf32>
        %mul3A_958 = arith.mulf %max3A_950, %max3A_957 : vector<4x16x128xf32>
        %add3A_959 = vector.broadcast %mul3A_936 : vector<4x1x1xf32> to vector<4x16x128xf32>
        %add3A_960 = arith.addf %add3A_959, %mul3A_617 : vector<4x16x128xf32>
        %sub3A_961 = arith.subf %add3A_960, %mul3A_958 : vector<4x16x128xf32>
        %div3A = arith.divf %mul3A_958, %sub3A_961 : vector<4x16x128xf32>
        %gt3A = arith.constant 0.000000e+00 : f32
        %gt3A_962 = vector.broadcast %gt3A : f32 to vector<4x1x1xf32>
        %gt3A_963 = arith.cmpf ogt, %mul3A_911, %gt3A_962 : vector<4x1x1xf32>
        %gt3A_964 = arith.constant 0.699999988 : f32
        %gt3A_965 = vector.broadcast %gt3A_964 : f32 to vector<4x16x128xf32>
        %gt3A_966 = arith.cmpf ogt, %div3A, %gt3A_965 : vector<4x16x128xf32>
        %and3A = vector.broadcast %gt3A_963 : vector<4x1x1xi1> to vector<4x16x128xi1>
        %and3A_967 = arith.andi %and3A, %gt3A_966 : vector<4x16x128xi1>
        %gt3A_968 = vector.broadcast %scan3A_896 : i32 to vector<4x16x128xi32>
        %gt3A_969 = arith.cmpi sgt, %sub3A_621, %gt3A_968 : vector<4x16x128xi32>
        %and3A_970 = arith.andi %and3A_967, %gt3A_969 : vector<4x16x128xi1>
        %convert_element_type3A_971 = arith.extui %and3A_970 : vector<4x16x128xi1> to vector<4x16x128xi32>
        %convert_element_type3A_972 = arith.sitofp %convert_element_type3A_971 : vector<4x16x128xi32> to vector<4x16x128xf32>
        %mul3A_973 = vector.broadcast %mul3A_911 : vector<4x1x1xf32> to vector<4x2x128xf32>
        %mul3A_974 = arith.mulf %mul3A_973, %convert_element_type3A_902 : vector<4x2x128xf32>
        %max3A_975 = arith.maximumf %scan3A_898, %mul3A_974 : vector<4x2x128xf32>
        %sub3A_976 = arith.constant 1.000000e+00 : f32
        %sub3A_977 = vector.broadcast %sub3A_976 : f32 to vector<4x16x128xf32>
        %sub3A_978 = arith.subf %sub3A_977, %convert_element_type3A_972 : vector<4x16x128xf32>
        %mul3A_979 = arith.mulf %scan3A_897, %sub3A_978 : vector<4x16x128xf32>
        %add3A_980 = arith.addf %scan3A_899, %mul3A_911 : vector<4x1x1xf32>
        scf.yield %mul3A_979, %max3A_975, %add3A_980 : vector<4x16x128xf32>, vector<4x2x128xf32>, vector<4x1x1xf32>
      }
      %scan3A_895 = arith.constant 256 : i32
      scf.yield %scan3A_894#0, %scan3A_894#1, %scan3A_894#2 : vector<4x16x128xf32>, vector<4x2x128xf32>, vector<4x1x1xf32>
    } else {
      scf.yield %slice3A_604, %broadcast_in_dim3A_634, %cond3A_603#2 : vector<4x16x128xf32>, vector<4x2x128xf32>, vector<4x1x1xf32>
    }
    %slice3A_640 = vector.extract_strided_slice %cond3A_639#0 {offsets = [0, 2, 0], sizes = [4, 14, 128], strides = [1, 1, 1]} : vector<4x16x128xf32> to vector<4x14x128xf32>
    %slice3A_641 = vector.extract_strided_slice %get3A_24 {offsets = [0, 34, 0], sizes = [4, 14, 128], strides = [1, 1, 1]} : vector<4x48x128xf32> to vector<4x14x128xf32>
    %slice3A_642 = vector.extract_strided_slice %get3A_28 {offsets = [0, 34, 0], sizes = [4, 14, 128], strides = [1, 1, 1]} : vector<4x48x128xf32> to vector<4x14x128xf32>
    %slice3A_643 = vector.extract_strided_slice %get3A_32 {offsets = [0, 34, 0], sizes = [4, 14, 128], strides = [1, 1, 1]} : vector<4x48x128xf32> to vector<4x14x128xf32>
    %slice3A_644 = vector.extract_strided_slice %get3A_36 {offsets = [0, 34, 0], sizes = [4, 14, 128], strides = [1, 1, 1]} : vector<4x48x128xf32> to vector<4x14x128xf32>
    %sub3A_645 = arith.subf %slice3A_643, %slice3A_641 : vector<4x14x128xf32>
    %add3A_646 = arith.constant 1.000000e+00 : f32
    %add3A_647 = vector.broadcast %add3A_646 : f32 to vector<4x14x128xf32>
    %add3A_648 = arith.addf %sub3A_645, %add3A_647 : vector<4x14x128xf32>
    %sub3A_649 = arith.subf %slice3A_644, %slice3A_642 : vector<4x14x128xf32>
    %add3A_650 = arith.constant 1.000000e+00 : f32
    %add3A_651 = vector.broadcast %add3A_650 : f32 to vector<4x14x128xf32>
    %add3A_652 = arith.addf %sub3A_649, %add3A_651 : vector<4x14x128xf32>
    %mul3A_653 = arith.mulf %add3A_648, %add3A_652 : vector<4x14x128xf32>
    %slice3A_654 = vector.extract_strided_slice %add3A {offsets = [0, 34, 0], sizes = [4, 14, 128], strides = [1, 1, 1]} : vector<4x48x128xi32> to vector<4x14x128xi32>
    %sub3A_655 = arith.constant 4352 : i32
    %sub3A_656 = vector.broadcast %sub3A_655 : i32 to vector<4x14x128xi32>
    %sub3A_657 = arith.subi %slice3A_654, %sub3A_656 : vector<4x14x128xi32>
    %slice3A_658 = vector.extract_strided_slice %slice3A_641 {offsets = [0, 0, 0], sizes = [4, 2, 128], strides = [1, 1, 1]} : vector<4x14x128xf32> to vector<4x2x128xf32>
    %slice3A_659 = vector.extract_strided_slice %slice3A_642 {offsets = [0, 0, 0], sizes = [4, 2, 128], strides = [1, 1, 1]} : vector<4x14x128xf32> to vector<4x2x128xf32>
    %slice3A_660 = vector.extract_strided_slice %slice3A_643 {offsets = [0, 0, 0], sizes = [4, 2, 128], strides = [1, 1, 1]} : vector<4x14x128xf32> to vector<4x2x128xf32>
    %slice3A_661 = vector.extract_strided_slice %slice3A_644 {offsets = [0, 0, 0], sizes = [4, 2, 128], strides = [1, 1, 1]} : vector<4x14x128xf32> to vector<4x2x128xf32>
    %reduce_min3A_662 = vector.shape_cast %cond3A_639#2 : vector<4x1x1xf32> to vector<1x4x1x1xf32>
    %reduce_min3A_663 = arith.constant dense<0x7F800000> : vector<1xf32>
    %reduce_min3A_664 = vector.multi_reduction <minimumf>, %reduce_min3A_662, %reduce_min3A_663 [1, 2, 3] : vector<1x4x1x1xf32> to vector<1xf32>
    %reduce_min3A_665 = vector.shape_cast %reduce_min3A_664 : vector<1xf32> to vector<1x1x1x1xf32>
    %reduce_min3A_666 = vector.extract %reduce_min3A_665[0, 0, 0, 0] : f32 from vector<1x1x1x1xf32>
    %lt3A_667 = arith.constant 1.000000e+03 : f32
    %lt3A_668 = arith.cmpf olt, %reduce_min3A_666, %lt3A_667 : f32
    %broadcast_in_dim3A_669 = arith.constant 0.000000e+00 : f32
    %broadcast_in_dim3A_670 = vector.broadcast %broadcast_in_dim3A_669 : f32 to vector<4x2x128xf32>
    %convert_element_type3A_671 = arith.extui %lt3A_668 : i1 to i32
    %cond3A_672 = arith.constant 1.000000e+03 : f32
    %cond3A_673 = arith.constant 0 : i32
    %cond3A_674 = arith.cmpi ne, %convert_element_type3A_671, %cond3A_673 : i32
    %cond3A_675:3 = scf.if %cond3A_674 -> (vector<4x14x128xf32>, vector<4x2x128xf32>, vector<4x1x1xf32>) {
      %scan3A = arith.constant 0 : i32
      %scan3A_891 = arith.constant 256 : i32
      %scan3A_892 = arith.addi %scan3A, %scan3A_891 : i32
      %scan3A_893 = arith.constant 1 : i32
      %scan3A_894:3 = scf.for %scan3A_896 = %scan3A to %scan3A_892 step %scan3A_893 iter_args(%scan3A_897 = %slice3A_640, %scan3A_898 = %broadcast_in_dim3A_670, %scan3A_899 = %cond3A_639#2) -> (vector<4x14x128xf32>, vector<4x2x128xf32>, vector<4x1x1xf32>)  : i32 {
        %eq3A = vector.broadcast %scan3A_896 : i32 to vector<4x2x128xi32>
        %eq3A_900 = arith.cmpi eq, %add3A_19, %eq3A : vector<4x2x128xi32>
        %convert_element_type3A_901 = arith.extui %eq3A_900 : vector<4x2x128xi1> to vector<4x2x128xi32>
        %convert_element_type3A_902 = arith.sitofp %convert_element_type3A_901 : vector<4x2x128xi32> to vector<4x2x128xf32>
        %slice3A_903 = vector.extract_strided_slice %scan3A_897 {offsets = [0, 0, 0], sizes = [4, 2, 128], strides = [1, 1, 1]} : vector<4x14x128xf32> to vector<4x2x128xf32>
        %mul3A_904 = arith.mulf %slice3A_903, %convert_element_type3A_902 : vector<4x2x128xf32>
        %reduce_sum3A = arith.constant dense<0.000000e+00> : vector<4xf32>
        %reduce_sum3A_905 = vector.multi_reduction <add>, %mul3A_904, %reduce_sum3A [1, 2] : vector<4x2x128xf32> to vector<4xf32>
        %broadcast_in_dim3A_906 = vector.shape_cast %reduce_sum3A_905 : vector<4xf32> to vector<4x1x1xf32>
        %lt3A_907 = vector.broadcast %cond3A_672 : f32 to vector<4x1x1xf32>
        %lt3A_908 = arith.cmpf olt, %scan3A_899, %lt3A_907 : vector<4x1x1xf32>
        %convert_element_type3A_909 = arith.extui %lt3A_908 : vector<4x1x1xi1> to vector<4x1x1xi32>
        %convert_element_type3A_910 = arith.sitofp %convert_element_type3A_909 : vector<4x1x1xi32> to vector<4x1x1xf32>
        %mul3A_911 = arith.mulf %broadcast_in_dim3A_906, %convert_element_type3A_910 : vector<4x1x1xf32>
        %mul3A_912 = arith.mulf %slice3A_658, %convert_element_type3A_902 : vector<4x2x128xf32>
        %reduce_sum3A_913 = arith.constant dense<0.000000e+00> : vector<4xf32>
        %reduce_sum3A_914 = vector.multi_reduction <add>, %mul3A_912, %reduce_sum3A_913 [1, 2] : vector<4x2x128xf32> to vector<4xf32>
        %broadcast_in_dim3A_915 = vector.shape_cast %reduce_sum3A_914 : vector<4xf32> to vector<4x1x1xf32>
        %mul3A_916 = arith.mulf %slice3A_659, %convert_element_type3A_902 : vector<4x2x128xf32>
        %reduce_sum3A_917 = arith.constant dense<0.000000e+00> : vector<4xf32>
        %reduce_sum3A_918 = vector.multi_reduction <add>, %mul3A_916, %reduce_sum3A_917 [1, 2] : vector<4x2x128xf32> to vector<4xf32>
        %broadcast_in_dim3A_919 = vector.shape_cast %reduce_sum3A_918 : vector<4xf32> to vector<4x1x1xf32>
        %mul3A_920 = arith.mulf %slice3A_660, %convert_element_type3A_902 : vector<4x2x128xf32>
        %reduce_sum3A_921 = arith.constant dense<0.000000e+00> : vector<4xf32>
        %reduce_sum3A_922 = vector.multi_reduction <add>, %mul3A_920, %reduce_sum3A_921 [1, 2] : vector<4x2x128xf32> to vector<4xf32>
        %broadcast_in_dim3A_923 = vector.shape_cast %reduce_sum3A_922 : vector<4xf32> to vector<4x1x1xf32>
        %mul3A_924 = arith.mulf %slice3A_661, %convert_element_type3A_902 : vector<4x2x128xf32>
        %reduce_sum3A_925 = arith.constant dense<0.000000e+00> : vector<4xf32>
        %reduce_sum3A_926 = vector.multi_reduction <add>, %mul3A_924, %reduce_sum3A_925 [1, 2] : vector<4x2x128xf32> to vector<4xf32>
        %broadcast_in_dim3A_927 = vector.shape_cast %reduce_sum3A_926 : vector<4xf32> to vector<4x1x1xf32>
        %sub3A_928 = arith.subf %broadcast_in_dim3A_923, %broadcast_in_dim3A_915 : vector<4x1x1xf32>
        %add3A_929 = arith.constant 1.000000e+00 : f32
        %add3A_930 = vector.broadcast %add3A_929 : f32 to vector<4x1x1xf32>
        %add3A_931 = arith.addf %sub3A_928, %add3A_930 : vector<4x1x1xf32>
        %sub3A_932 = arith.subf %broadcast_in_dim3A_927, %broadcast_in_dim3A_919 : vector<4x1x1xf32>
        %add3A_933 = arith.constant 1.000000e+00 : f32
        %add3A_934 = vector.broadcast %add3A_933 : f32 to vector<4x1x1xf32>
        %add3A_935 = arith.addf %sub3A_932, %add3A_934 : vector<4x1x1xf32>
        %mul3A_936 = arith.mulf %add3A_931, %add3A_935 : vector<4x1x1xf32>
        %max3A = vector.broadcast %broadcast_in_dim3A_915 : vector<4x1x1xf32> to vector<4x14x128xf32>
        %max3A_937 = arith.maximumf %max3A, %slice3A_641 : vector<4x14x128xf32>
        %max3A_938 = vector.broadcast %broadcast_in_dim3A_919 : vector<4x1x1xf32> to vector<4x14x128xf32>
        %max3A_939 = arith.maximumf %max3A_938, %slice3A_642 : vector<4x14x128xf32>
        %min3A_940 = vector.broadcast %broadcast_in_dim3A_923 : vector<4x1x1xf32> to vector<4x14x128xf32>
        %min3A_941 = arith.minimumf %min3A_940, %slice3A_643 : vector<4x14x128xf32>
        %min3A_942 = vector.broadcast %broadcast_in_dim3A_927 : vector<4x1x1xf32> to vector<4x14x128xf32>
        %min3A_943 = arith.minimumf %min3A_942, %slice3A_644 : vector<4x14x128xf32>
        %sub3A_944 = arith.subf %min3A_941, %max3A_937 : vector<4x14x128xf32>
        %add3A_945 = arith.constant 1.000000e+00 : f32
        %add3A_946 = vector.broadcast %add3A_945 : f32 to vector<4x14x128xf32>
        %add3A_947 = arith.addf %sub3A_944, %add3A_946 : vector<4x14x128xf32>
        %max3A_948 = arith.constant 0.000000e+00 : f32
        %max3A_949 = vector.broadcast %max3A_948 : f32 to vector<4x14x128xf32>
        %max3A_950 = arith.maximumf %max3A_949, %add3A_947 : vector<4x14x128xf32>
        %sub3A_951 = arith.subf %min3A_943, %max3A_939 : vector<4x14x128xf32>
        %add3A_952 = arith.constant 1.000000e+00 : f32
        %add3A_953 = vector.broadcast %add3A_952 : f32 to vector<4x14x128xf32>
        %add3A_954 = arith.addf %sub3A_951, %add3A_953 : vector<4x14x128xf32>
        %max3A_955 = arith.constant 0.000000e+00 : f32
        %max3A_956 = vector.broadcast %max3A_955 : f32 to vector<4x14x128xf32>
        %max3A_957 = arith.maximumf %max3A_956, %add3A_954 : vector<4x14x128xf32>
        %mul3A_958 = arith.mulf %max3A_950, %max3A_957 : vector<4x14x128xf32>
        %add3A_959 = vector.broadcast %mul3A_936 : vector<4x1x1xf32> to vector<4x14x128xf32>
        %add3A_960 = arith.addf %add3A_959, %mul3A_653 : vector<4x14x128xf32>
        %sub3A_961 = arith.subf %add3A_960, %mul3A_958 : vector<4x14x128xf32>
        %div3A = arith.divf %mul3A_958, %sub3A_961 : vector<4x14x128xf32>
        %gt3A = arith.constant 0.000000e+00 : f32
        %gt3A_962 = vector.broadcast %gt3A : f32 to vector<4x1x1xf32>
        %gt3A_963 = arith.cmpf ogt, %mul3A_911, %gt3A_962 : vector<4x1x1xf32>
        %gt3A_964 = arith.constant 0.699999988 : f32
        %gt3A_965 = vector.broadcast %gt3A_964 : f32 to vector<4x14x128xf32>
        %gt3A_966 = arith.cmpf ogt, %div3A, %gt3A_965 : vector<4x14x128xf32>
        %and3A = vector.broadcast %gt3A_963 : vector<4x1x1xi1> to vector<4x14x128xi1>
        %and3A_967 = arith.andi %and3A, %gt3A_966 : vector<4x14x128xi1>
        %gt3A_968 = vector.broadcast %scan3A_896 : i32 to vector<4x14x128xi32>
        %gt3A_969 = arith.cmpi sgt, %sub3A_657, %gt3A_968 : vector<4x14x128xi32>
        %and3A_970 = arith.andi %and3A_967, %gt3A_969 : vector<4x14x128xi1>
        %convert_element_type3A_971 = arith.extui %and3A_970 : vector<4x14x128xi1> to vector<4x14x128xi32>
        %convert_element_type3A_972 = arith.sitofp %convert_element_type3A_971 : vector<4x14x128xi32> to vector<4x14x128xf32>
        %mul3A_973 = vector.broadcast %mul3A_911 : vector<4x1x1xf32> to vector<4x2x128xf32>
        %mul3A_974 = arith.mulf %mul3A_973, %convert_element_type3A_902 : vector<4x2x128xf32>
        %max3A_975 = arith.maximumf %scan3A_898, %mul3A_974 : vector<4x2x128xf32>
        %sub3A_976 = arith.constant 1.000000e+00 : f32
        %sub3A_977 = vector.broadcast %sub3A_976 : f32 to vector<4x14x128xf32>
        %sub3A_978 = arith.subf %sub3A_977, %convert_element_type3A_972 : vector<4x14x128xf32>
        %mul3A_979 = arith.mulf %scan3A_897, %sub3A_978 : vector<4x14x128xf32>
        %add3A_980 = arith.addf %scan3A_899, %mul3A_911 : vector<4x1x1xf32>
        scf.yield %mul3A_979, %max3A_975, %add3A_980 : vector<4x14x128xf32>, vector<4x2x128xf32>, vector<4x1x1xf32>
      }
      %scan3A_895 = arith.constant 256 : i32
      scf.yield %scan3A_894#0, %scan3A_894#1, %scan3A_894#2 : vector<4x14x128xf32>, vector<4x2x128xf32>, vector<4x1x1xf32>
    } else {
      scf.yield %slice3A_640, %broadcast_in_dim3A_670, %cond3A_639#2 : vector<4x14x128xf32>, vector<4x2x128xf32>, vector<4x1x1xf32>
    }
    %slice3A_676 = vector.extract_strided_slice %cond3A_675#0 {offsets = [0, 2, 0], sizes = [4, 12, 128], strides = [1, 1, 1]} : vector<4x14x128xf32> to vector<4x12x128xf32>
    %slice3A_677 = vector.extract_strided_slice %get3A_24 {offsets = [0, 36, 0], sizes = [4, 12, 128], strides = [1, 1, 1]} : vector<4x48x128xf32> to vector<4x12x128xf32>
    %slice3A_678 = vector.extract_strided_slice %get3A_28 {offsets = [0, 36, 0], sizes = [4, 12, 128], strides = [1, 1, 1]} : vector<4x48x128xf32> to vector<4x12x128xf32>
    %slice3A_679 = vector.extract_strided_slice %get3A_32 {offsets = [0, 36, 0], sizes = [4, 12, 128], strides = [1, 1, 1]} : vector<4x48x128xf32> to vector<4x12x128xf32>
    %slice3A_680 = vector.extract_strided_slice %get3A_36 {offsets = [0, 36, 0], sizes = [4, 12, 128], strides = [1, 1, 1]} : vector<4x48x128xf32> to vector<4x12x128xf32>
    %sub3A_681 = arith.subf %slice3A_679, %slice3A_677 : vector<4x12x128xf32>
    %add3A_682 = arith.constant 1.000000e+00 : f32
    %add3A_683 = vector.broadcast %add3A_682 : f32 to vector<4x12x128xf32>
    %add3A_684 = arith.addf %sub3A_681, %add3A_683 : vector<4x12x128xf32>
    %sub3A_685 = arith.subf %slice3A_680, %slice3A_678 : vector<4x12x128xf32>
    %add3A_686 = arith.constant 1.000000e+00 : f32
    %add3A_687 = vector.broadcast %add3A_686 : f32 to vector<4x12x128xf32>
    %add3A_688 = arith.addf %sub3A_685, %add3A_687 : vector<4x12x128xf32>
    %mul3A_689 = arith.mulf %add3A_684, %add3A_688 : vector<4x12x128xf32>
    %slice3A_690 = vector.extract_strided_slice %add3A {offsets = [0, 36, 0], sizes = [4, 12, 128], strides = [1, 1, 1]} : vector<4x48x128xi32> to vector<4x12x128xi32>
    %sub3A_691 = arith.constant 4608 : i32
    %sub3A_692 = vector.broadcast %sub3A_691 : i32 to vector<4x12x128xi32>
    %sub3A_693 = arith.subi %slice3A_690, %sub3A_692 : vector<4x12x128xi32>
    %slice3A_694 = vector.extract_strided_slice %slice3A_677 {offsets = [0, 0, 0], sizes = [4, 2, 128], strides = [1, 1, 1]} : vector<4x12x128xf32> to vector<4x2x128xf32>
    %slice3A_695 = vector.extract_strided_slice %slice3A_678 {offsets = [0, 0, 0], sizes = [4, 2, 128], strides = [1, 1, 1]} : vector<4x12x128xf32> to vector<4x2x128xf32>
    %slice3A_696 = vector.extract_strided_slice %slice3A_679 {offsets = [0, 0, 0], sizes = [4, 2, 128], strides = [1, 1, 1]} : vector<4x12x128xf32> to vector<4x2x128xf32>
    %slice3A_697 = vector.extract_strided_slice %slice3A_680 {offsets = [0, 0, 0], sizes = [4, 2, 128], strides = [1, 1, 1]} : vector<4x12x128xf32> to vector<4x2x128xf32>
    %reduce_min3A_698 = vector.shape_cast %cond3A_675#2 : vector<4x1x1xf32> to vector<1x4x1x1xf32>
    %reduce_min3A_699 = arith.constant dense<0x7F800000> : vector<1xf32>
    %reduce_min3A_700 = vector.multi_reduction <minimumf>, %reduce_min3A_698, %reduce_min3A_699 [1, 2, 3] : vector<1x4x1x1xf32> to vector<1xf32>
    %reduce_min3A_701 = vector.shape_cast %reduce_min3A_700 : vector<1xf32> to vector<1x1x1x1xf32>
    %reduce_min3A_702 = vector.extract %reduce_min3A_701[0, 0, 0, 0] : f32 from vector<1x1x1x1xf32>
    %lt3A_703 = arith.constant 1.000000e+03 : f32
    %lt3A_704 = arith.cmpf olt, %reduce_min3A_702, %lt3A_703 : f32
    %broadcast_in_dim3A_705 = arith.constant 0.000000e+00 : f32
    %broadcast_in_dim3A_706 = vector.broadcast %broadcast_in_dim3A_705 : f32 to vector<4x2x128xf32>
    %convert_element_type3A_707 = arith.extui %lt3A_704 : i1 to i32
    %cond3A_708 = arith.constant 1.000000e+03 : f32
    %cond3A_709 = arith.constant 0 : i32
    %cond3A_710 = arith.cmpi ne, %convert_element_type3A_707, %cond3A_709 : i32
    %cond3A_711:3 = scf.if %cond3A_710 -> (vector<4x12x128xf32>, vector<4x2x128xf32>, vector<4x1x1xf32>) {
      %scan3A = arith.constant 0 : i32
      %scan3A_891 = arith.constant 256 : i32
      %scan3A_892 = arith.addi %scan3A, %scan3A_891 : i32
      %scan3A_893 = arith.constant 1 : i32
      %scan3A_894:3 = scf.for %scan3A_896 = %scan3A to %scan3A_892 step %scan3A_893 iter_args(%scan3A_897 = %slice3A_676, %scan3A_898 = %broadcast_in_dim3A_706, %scan3A_899 = %cond3A_675#2) -> (vector<4x12x128xf32>, vector<4x2x128xf32>, vector<4x1x1xf32>)  : i32 {
        %eq3A = vector.broadcast %scan3A_896 : i32 to vector<4x2x128xi32>
        %eq3A_900 = arith.cmpi eq, %add3A_19, %eq3A : vector<4x2x128xi32>
        %convert_element_type3A_901 = arith.extui %eq3A_900 : vector<4x2x128xi1> to vector<4x2x128xi32>
        %convert_element_type3A_902 = arith.sitofp %convert_element_type3A_901 : vector<4x2x128xi32> to vector<4x2x128xf32>
        %slice3A_903 = vector.extract_strided_slice %scan3A_897 {offsets = [0, 0, 0], sizes = [4, 2, 128], strides = [1, 1, 1]} : vector<4x12x128xf32> to vector<4x2x128xf32>
        %mul3A_904 = arith.mulf %slice3A_903, %convert_element_type3A_902 : vector<4x2x128xf32>
        %reduce_sum3A = arith.constant dense<0.000000e+00> : vector<4xf32>
        %reduce_sum3A_905 = vector.multi_reduction <add>, %mul3A_904, %reduce_sum3A [1, 2] : vector<4x2x128xf32> to vector<4xf32>
        %broadcast_in_dim3A_906 = vector.shape_cast %reduce_sum3A_905 : vector<4xf32> to vector<4x1x1xf32>
        %lt3A_907 = vector.broadcast %cond3A_708 : f32 to vector<4x1x1xf32>
        %lt3A_908 = arith.cmpf olt, %scan3A_899, %lt3A_907 : vector<4x1x1xf32>
        %convert_element_type3A_909 = arith.extui %lt3A_908 : vector<4x1x1xi1> to vector<4x1x1xi32>
        %convert_element_type3A_910 = arith.sitofp %convert_element_type3A_909 : vector<4x1x1xi32> to vector<4x1x1xf32>
        %mul3A_911 = arith.mulf %broadcast_in_dim3A_906, %convert_element_type3A_910 : vector<4x1x1xf32>
        %mul3A_912 = arith.mulf %slice3A_694, %convert_element_type3A_902 : vector<4x2x128xf32>
        %reduce_sum3A_913 = arith.constant dense<0.000000e+00> : vector<4xf32>
        %reduce_sum3A_914 = vector.multi_reduction <add>, %mul3A_912, %reduce_sum3A_913 [1, 2] : vector<4x2x128xf32> to vector<4xf32>
        %broadcast_in_dim3A_915 = vector.shape_cast %reduce_sum3A_914 : vector<4xf32> to vector<4x1x1xf32>
        %mul3A_916 = arith.mulf %slice3A_695, %convert_element_type3A_902 : vector<4x2x128xf32>
        %reduce_sum3A_917 = arith.constant dense<0.000000e+00> : vector<4xf32>
        %reduce_sum3A_918 = vector.multi_reduction <add>, %mul3A_916, %reduce_sum3A_917 [1, 2] : vector<4x2x128xf32> to vector<4xf32>
        %broadcast_in_dim3A_919 = vector.shape_cast %reduce_sum3A_918 : vector<4xf32> to vector<4x1x1xf32>
        %mul3A_920 = arith.mulf %slice3A_696, %convert_element_type3A_902 : vector<4x2x128xf32>
        %reduce_sum3A_921 = arith.constant dense<0.000000e+00> : vector<4xf32>
        %reduce_sum3A_922 = vector.multi_reduction <add>, %mul3A_920, %reduce_sum3A_921 [1, 2] : vector<4x2x128xf32> to vector<4xf32>
        %broadcast_in_dim3A_923 = vector.shape_cast %reduce_sum3A_922 : vector<4xf32> to vector<4x1x1xf32>
        %mul3A_924 = arith.mulf %slice3A_697, %convert_element_type3A_902 : vector<4x2x128xf32>
        %reduce_sum3A_925 = arith.constant dense<0.000000e+00> : vector<4xf32>
        %reduce_sum3A_926 = vector.multi_reduction <add>, %mul3A_924, %reduce_sum3A_925 [1, 2] : vector<4x2x128xf32> to vector<4xf32>
        %broadcast_in_dim3A_927 = vector.shape_cast %reduce_sum3A_926 : vector<4xf32> to vector<4x1x1xf32>
        %sub3A_928 = arith.subf %broadcast_in_dim3A_923, %broadcast_in_dim3A_915 : vector<4x1x1xf32>
        %add3A_929 = arith.constant 1.000000e+00 : f32
        %add3A_930 = vector.broadcast %add3A_929 : f32 to vector<4x1x1xf32>
        %add3A_931 = arith.addf %sub3A_928, %add3A_930 : vector<4x1x1xf32>
        %sub3A_932 = arith.subf %broadcast_in_dim3A_927, %broadcast_in_dim3A_919 : vector<4x1x1xf32>
        %add3A_933 = arith.constant 1.000000e+00 : f32
        %add3A_934 = vector.broadcast %add3A_933 : f32 to vector<4x1x1xf32>
        %add3A_935 = arith.addf %sub3A_932, %add3A_934 : vector<4x1x1xf32>
        %mul3A_936 = arith.mulf %add3A_931, %add3A_935 : vector<4x1x1xf32>
        %max3A = vector.broadcast %broadcast_in_dim3A_915 : vector<4x1x1xf32> to vector<4x12x128xf32>
        %max3A_937 = arith.maximumf %max3A, %slice3A_677 : vector<4x12x128xf32>
        %max3A_938 = vector.broadcast %broadcast_in_dim3A_919 : vector<4x1x1xf32> to vector<4x12x128xf32>
        %max3A_939 = arith.maximumf %max3A_938, %slice3A_678 : vector<4x12x128xf32>
        %min3A_940 = vector.broadcast %broadcast_in_dim3A_923 : vector<4x1x1xf32> to vector<4x12x128xf32>
        %min3A_941 = arith.minimumf %min3A_940, %slice3A_679 : vector<4x12x128xf32>
        %min3A_942 = vector.broadcast %broadcast_in_dim3A_927 : vector<4x1x1xf32> to vector<4x12x128xf32>
        %min3A_943 = arith.minimumf %min3A_942, %slice3A_680 : vector<4x12x128xf32>
        %sub3A_944 = arith.subf %min3A_941, %max3A_937 : vector<4x12x128xf32>
        %add3A_945 = arith.constant 1.000000e+00 : f32
        %add3A_946 = vector.broadcast %add3A_945 : f32 to vector<4x12x128xf32>
        %add3A_947 = arith.addf %sub3A_944, %add3A_946 : vector<4x12x128xf32>
        %max3A_948 = arith.constant 0.000000e+00 : f32
        %max3A_949 = vector.broadcast %max3A_948 : f32 to vector<4x12x128xf32>
        %max3A_950 = arith.maximumf %max3A_949, %add3A_947 : vector<4x12x128xf32>
        %sub3A_951 = arith.subf %min3A_943, %max3A_939 : vector<4x12x128xf32>
        %add3A_952 = arith.constant 1.000000e+00 : f32
        %add3A_953 = vector.broadcast %add3A_952 : f32 to vector<4x12x128xf32>
        %add3A_954 = arith.addf %sub3A_951, %add3A_953 : vector<4x12x128xf32>
        %max3A_955 = arith.constant 0.000000e+00 : f32
        %max3A_956 = vector.broadcast %max3A_955 : f32 to vector<4x12x128xf32>
        %max3A_957 = arith.maximumf %max3A_956, %add3A_954 : vector<4x12x128xf32>
        %mul3A_958 = arith.mulf %max3A_950, %max3A_957 : vector<4x12x128xf32>
        %add3A_959 = vector.broadcast %mul3A_936 : vector<4x1x1xf32> to vector<4x12x128xf32>
        %add3A_960 = arith.addf %add3A_959, %mul3A_689 : vector<4x12x128xf32>
        %sub3A_961 = arith.subf %add3A_960, %mul3A_958 : vector<4x12x128xf32>
        %div3A = arith.divf %mul3A_958, %sub3A_961 : vector<4x12x128xf32>
        %gt3A = arith.constant 0.000000e+00 : f32
        %gt3A_962 = vector.broadcast %gt3A : f32 to vector<4x1x1xf32>
        %gt3A_963 = arith.cmpf ogt, %mul3A_911, %gt3A_962 : vector<4x1x1xf32>
        %gt3A_964 = arith.constant 0.699999988 : f32
        %gt3A_965 = vector.broadcast %gt3A_964 : f32 to vector<4x12x128xf32>
        %gt3A_966 = arith.cmpf ogt, %div3A, %gt3A_965 : vector<4x12x128xf32>
        %and3A = vector.broadcast %gt3A_963 : vector<4x1x1xi1> to vector<4x12x128xi1>
        %and3A_967 = arith.andi %and3A, %gt3A_966 : vector<4x12x128xi1>
        %gt3A_968 = vector.broadcast %scan3A_896 : i32 to vector<4x12x128xi32>
        %gt3A_969 = arith.cmpi sgt, %sub3A_693, %gt3A_968 : vector<4x12x128xi32>
        %and3A_970 = arith.andi %and3A_967, %gt3A_969 : vector<4x12x128xi1>
        %convert_element_type3A_971 = arith.extui %and3A_970 : vector<4x12x128xi1> to vector<4x12x128xi32>
        %convert_element_type3A_972 = arith.sitofp %convert_element_type3A_971 : vector<4x12x128xi32> to vector<4x12x128xf32>
        %mul3A_973 = vector.broadcast %mul3A_911 : vector<4x1x1xf32> to vector<4x2x128xf32>
        %mul3A_974 = arith.mulf %mul3A_973, %convert_element_type3A_902 : vector<4x2x128xf32>
        %max3A_975 = arith.maximumf %scan3A_898, %mul3A_974 : vector<4x2x128xf32>
        %sub3A_976 = arith.constant 1.000000e+00 : f32
        %sub3A_977 = vector.broadcast %sub3A_976 : f32 to vector<4x12x128xf32>
        %sub3A_978 = arith.subf %sub3A_977, %convert_element_type3A_972 : vector<4x12x128xf32>
        %mul3A_979 = arith.mulf %scan3A_897, %sub3A_978 : vector<4x12x128xf32>
        %add3A_980 = arith.addf %scan3A_899, %mul3A_911 : vector<4x1x1xf32>
        scf.yield %mul3A_979, %max3A_975, %add3A_980 : vector<4x12x128xf32>, vector<4x2x128xf32>, vector<4x1x1xf32>
      }
      %scan3A_895 = arith.constant 256 : i32
      scf.yield %scan3A_894#0, %scan3A_894#1, %scan3A_894#2 : vector<4x12x128xf32>, vector<4x2x128xf32>, vector<4x1x1xf32>
    } else {
      scf.yield %slice3A_676, %broadcast_in_dim3A_706, %cond3A_675#2 : vector<4x12x128xf32>, vector<4x2x128xf32>, vector<4x1x1xf32>
    }
    %slice3A_712 = vector.extract_strided_slice %cond3A_711#0 {offsets = [0, 2, 0], sizes = [4, 10, 128], strides = [1, 1, 1]} : vector<4x12x128xf32> to vector<4x10x128xf32>
    %slice3A_713 = vector.extract_strided_slice %get3A_24 {offsets = [0, 38, 0], sizes = [4, 10, 128], strides = [1, 1, 1]} : vector<4x48x128xf32> to vector<4x10x128xf32>
    %slice3A_714 = vector.extract_strided_slice %get3A_28 {offsets = [0, 38, 0], sizes = [4, 10, 128], strides = [1, 1, 1]} : vector<4x48x128xf32> to vector<4x10x128xf32>
    %slice3A_715 = vector.extract_strided_slice %get3A_32 {offsets = [0, 38, 0], sizes = [4, 10, 128], strides = [1, 1, 1]} : vector<4x48x128xf32> to vector<4x10x128xf32>
    %slice3A_716 = vector.extract_strided_slice %get3A_36 {offsets = [0, 38, 0], sizes = [4, 10, 128], strides = [1, 1, 1]} : vector<4x48x128xf32> to vector<4x10x128xf32>
    %sub3A_717 = arith.subf %slice3A_715, %slice3A_713 : vector<4x10x128xf32>
    %add3A_718 = arith.constant 1.000000e+00 : f32
    %add3A_719 = vector.broadcast %add3A_718 : f32 to vector<4x10x128xf32>
    %add3A_720 = arith.addf %sub3A_717, %add3A_719 : vector<4x10x128xf32>
    %sub3A_721 = arith.subf %slice3A_716, %slice3A_714 : vector<4x10x128xf32>
    %add3A_722 = arith.constant 1.000000e+00 : f32
    %add3A_723 = vector.broadcast %add3A_722 : f32 to vector<4x10x128xf32>
    %add3A_724 = arith.addf %sub3A_721, %add3A_723 : vector<4x10x128xf32>
    %mul3A_725 = arith.mulf %add3A_720, %add3A_724 : vector<4x10x128xf32>
    %slice3A_726 = vector.extract_strided_slice %add3A {offsets = [0, 38, 0], sizes = [4, 10, 128], strides = [1, 1, 1]} : vector<4x48x128xi32> to vector<4x10x128xi32>
    %sub3A_727 = arith.constant 4864 : i32
    %sub3A_728 = vector.broadcast %sub3A_727 : i32 to vector<4x10x128xi32>
    %sub3A_729 = arith.subi %slice3A_726, %sub3A_728 : vector<4x10x128xi32>
    %slice3A_730 = vector.extract_strided_slice %slice3A_713 {offsets = [0, 0, 0], sizes = [4, 2, 128], strides = [1, 1, 1]} : vector<4x10x128xf32> to vector<4x2x128xf32>
    %slice3A_731 = vector.extract_strided_slice %slice3A_714 {offsets = [0, 0, 0], sizes = [4, 2, 128], strides = [1, 1, 1]} : vector<4x10x128xf32> to vector<4x2x128xf32>
    %slice3A_732 = vector.extract_strided_slice %slice3A_715 {offsets = [0, 0, 0], sizes = [4, 2, 128], strides = [1, 1, 1]} : vector<4x10x128xf32> to vector<4x2x128xf32>
    %slice3A_733 = vector.extract_strided_slice %slice3A_716 {offsets = [0, 0, 0], sizes = [4, 2, 128], strides = [1, 1, 1]} : vector<4x10x128xf32> to vector<4x2x128xf32>
    %reduce_min3A_734 = vector.shape_cast %cond3A_711#2 : vector<4x1x1xf32> to vector<1x4x1x1xf32>
    %reduce_min3A_735 = arith.constant dense<0x7F800000> : vector<1xf32>
    %reduce_min3A_736 = vector.multi_reduction <minimumf>, %reduce_min3A_734, %reduce_min3A_735 [1, 2, 3] : vector<1x4x1x1xf32> to vector<1xf32>
    %reduce_min3A_737 = vector.shape_cast %reduce_min3A_736 : vector<1xf32> to vector<1x1x1x1xf32>
    %reduce_min3A_738 = vector.extract %reduce_min3A_737[0, 0, 0, 0] : f32 from vector<1x1x1x1xf32>
    %lt3A_739 = arith.constant 1.000000e+03 : f32
    %lt3A_740 = arith.cmpf olt, %reduce_min3A_738, %lt3A_739 : f32
    %broadcast_in_dim3A_741 = arith.constant 0.000000e+00 : f32
    %broadcast_in_dim3A_742 = vector.broadcast %broadcast_in_dim3A_741 : f32 to vector<4x2x128xf32>
    %convert_element_type3A_743 = arith.extui %lt3A_740 : i1 to i32
    %cond3A_744 = arith.constant 1.000000e+03 : f32
    %cond3A_745 = arith.constant 0 : i32
    %cond3A_746 = arith.cmpi ne, %convert_element_type3A_743, %cond3A_745 : i32
    %cond3A_747:3 = scf.if %cond3A_746 -> (vector<4x10x128xf32>, vector<4x2x128xf32>, vector<4x1x1xf32>) {
      %scan3A = arith.constant 0 : i32
      %scan3A_891 = arith.constant 256 : i32
      %scan3A_892 = arith.addi %scan3A, %scan3A_891 : i32
      %scan3A_893 = arith.constant 1 : i32
      %scan3A_894:3 = scf.for %scan3A_896 = %scan3A to %scan3A_892 step %scan3A_893 iter_args(%scan3A_897 = %slice3A_712, %scan3A_898 = %broadcast_in_dim3A_742, %scan3A_899 = %cond3A_711#2) -> (vector<4x10x128xf32>, vector<4x2x128xf32>, vector<4x1x1xf32>)  : i32 {
        %eq3A = vector.broadcast %scan3A_896 : i32 to vector<4x2x128xi32>
        %eq3A_900 = arith.cmpi eq, %add3A_19, %eq3A : vector<4x2x128xi32>
        %convert_element_type3A_901 = arith.extui %eq3A_900 : vector<4x2x128xi1> to vector<4x2x128xi32>
        %convert_element_type3A_902 = arith.sitofp %convert_element_type3A_901 : vector<4x2x128xi32> to vector<4x2x128xf32>
        %slice3A_903 = vector.extract_strided_slice %scan3A_897 {offsets = [0, 0, 0], sizes = [4, 2, 128], strides = [1, 1, 1]} : vector<4x10x128xf32> to vector<4x2x128xf32>
        %mul3A_904 = arith.mulf %slice3A_903, %convert_element_type3A_902 : vector<4x2x128xf32>
        %reduce_sum3A = arith.constant dense<0.000000e+00> : vector<4xf32>
        %reduce_sum3A_905 = vector.multi_reduction <add>, %mul3A_904, %reduce_sum3A [1, 2] : vector<4x2x128xf32> to vector<4xf32>
        %broadcast_in_dim3A_906 = vector.shape_cast %reduce_sum3A_905 : vector<4xf32> to vector<4x1x1xf32>
        %lt3A_907 = vector.broadcast %cond3A_744 : f32 to vector<4x1x1xf32>
        %lt3A_908 = arith.cmpf olt, %scan3A_899, %lt3A_907 : vector<4x1x1xf32>
        %convert_element_type3A_909 = arith.extui %lt3A_908 : vector<4x1x1xi1> to vector<4x1x1xi32>
        %convert_element_type3A_910 = arith.sitofp %convert_element_type3A_909 : vector<4x1x1xi32> to vector<4x1x1xf32>
        %mul3A_911 = arith.mulf %broadcast_in_dim3A_906, %convert_element_type3A_910 : vector<4x1x1xf32>
        %mul3A_912 = arith.mulf %slice3A_730, %convert_element_type3A_902 : vector<4x2x128xf32>
        %reduce_sum3A_913 = arith.constant dense<0.000000e+00> : vector<4xf32>
        %reduce_sum3A_914 = vector.multi_reduction <add>, %mul3A_912, %reduce_sum3A_913 [1, 2] : vector<4x2x128xf32> to vector<4xf32>
        %broadcast_in_dim3A_915 = vector.shape_cast %reduce_sum3A_914 : vector<4xf32> to vector<4x1x1xf32>
        %mul3A_916 = arith.mulf %slice3A_731, %convert_element_type3A_902 : vector<4x2x128xf32>
        %reduce_sum3A_917 = arith.constant dense<0.000000e+00> : vector<4xf32>
        %reduce_sum3A_918 = vector.multi_reduction <add>, %mul3A_916, %reduce_sum3A_917 [1, 2] : vector<4x2x128xf32> to vector<4xf32>
        %broadcast_in_dim3A_919 = vector.shape_cast %reduce_sum3A_918 : vector<4xf32> to vector<4x1x1xf32>
        %mul3A_920 = arith.mulf %slice3A_732, %convert_element_type3A_902 : vector<4x2x128xf32>
        %reduce_sum3A_921 = arith.constant dense<0.000000e+00> : vector<4xf32>
        %reduce_sum3A_922 = vector.multi_reduction <add>, %mul3A_920, %reduce_sum3A_921 [1, 2] : vector<4x2x128xf32> to vector<4xf32>
        %broadcast_in_dim3A_923 = vector.shape_cast %reduce_sum3A_922 : vector<4xf32> to vector<4x1x1xf32>
        %mul3A_924 = arith.mulf %slice3A_733, %convert_element_type3A_902 : vector<4x2x128xf32>
        %reduce_sum3A_925 = arith.constant dense<0.000000e+00> : vector<4xf32>
        %reduce_sum3A_926 = vector.multi_reduction <add>, %mul3A_924, %reduce_sum3A_925 [1, 2] : vector<4x2x128xf32> to vector<4xf32>
        %broadcast_in_dim3A_927 = vector.shape_cast %reduce_sum3A_926 : vector<4xf32> to vector<4x1x1xf32>
        %sub3A_928 = arith.subf %broadcast_in_dim3A_923, %broadcast_in_dim3A_915 : vector<4x1x1xf32>
        %add3A_929 = arith.constant 1.000000e+00 : f32
        %add3A_930 = vector.broadcast %add3A_929 : f32 to vector<4x1x1xf32>
        %add3A_931 = arith.addf %sub3A_928, %add3A_930 : vector<4x1x1xf32>
        %sub3A_932 = arith.subf %broadcast_in_dim3A_927, %broadcast_in_dim3A_919 : vector<4x1x1xf32>
        %add3A_933 = arith.constant 1.000000e+00 : f32
        %add3A_934 = vector.broadcast %add3A_933 : f32 to vector<4x1x1xf32>
        %add3A_935 = arith.addf %sub3A_932, %add3A_934 : vector<4x1x1xf32>
        %mul3A_936 = arith.mulf %add3A_931, %add3A_935 : vector<4x1x1xf32>
        %max3A = vector.broadcast %broadcast_in_dim3A_915 : vector<4x1x1xf32> to vector<4x10x128xf32>
        %max3A_937 = arith.maximumf %max3A, %slice3A_713 : vector<4x10x128xf32>
        %max3A_938 = vector.broadcast %broadcast_in_dim3A_919 : vector<4x1x1xf32> to vector<4x10x128xf32>
        %max3A_939 = arith.maximumf %max3A_938, %slice3A_714 : vector<4x10x128xf32>
        %min3A_940 = vector.broadcast %broadcast_in_dim3A_923 : vector<4x1x1xf32> to vector<4x10x128xf32>
        %min3A_941 = arith.minimumf %min3A_940, %slice3A_715 : vector<4x10x128xf32>
        %min3A_942 = vector.broadcast %broadcast_in_dim3A_927 : vector<4x1x1xf32> to vector<4x10x128xf32>
        %min3A_943 = arith.minimumf %min3A_942, %slice3A_716 : vector<4x10x128xf32>
        %sub3A_944 = arith.subf %min3A_941, %max3A_937 : vector<4x10x128xf32>
        %add3A_945 = arith.constant 1.000000e+00 : f32
        %add3A_946 = vector.broadcast %add3A_945 : f32 to vector<4x10x128xf32>
        %add3A_947 = arith.addf %sub3A_944, %add3A_946 : vector<4x10x128xf32>
        %max3A_948 = arith.constant 0.000000e+00 : f32
        %max3A_949 = vector.broadcast %max3A_948 : f32 to vector<4x10x128xf32>
        %max3A_950 = arith.maximumf %max3A_949, %add3A_947 : vector<4x10x128xf32>
        %sub3A_951 = arith.subf %min3A_943, %max3A_939 : vector<4x10x128xf32>
        %add3A_952 = arith.constant 1.000000e+00 : f32
        %add3A_953 = vector.broadcast %add3A_952 : f32 to vector<4x10x128xf32>
        %add3A_954 = arith.addf %sub3A_951, %add3A_953 : vector<4x10x128xf32>
        %max3A_955 = arith.constant 0.000000e+00 : f32
        %max3A_956 = vector.broadcast %max3A_955 : f32 to vector<4x10x128xf32>
        %max3A_957 = arith.maximumf %max3A_956, %add3A_954 : vector<4x10x128xf32>
        %mul3A_958 = arith.mulf %max3A_950, %max3A_957 : vector<4x10x128xf32>
        %add3A_959 = vector.broadcast %mul3A_936 : vector<4x1x1xf32> to vector<4x10x128xf32>
        %add3A_960 = arith.addf %add3A_959, %mul3A_725 : vector<4x10x128xf32>
        %sub3A_961 = arith.subf %add3A_960, %mul3A_958 : vector<4x10x128xf32>
        %div3A = arith.divf %mul3A_958, %sub3A_961 : vector<4x10x128xf32>
        %gt3A = arith.constant 0.000000e+00 : f32
        %gt3A_962 = vector.broadcast %gt3A : f32 to vector<4x1x1xf32>
        %gt3A_963 = arith.cmpf ogt, %mul3A_911, %gt3A_962 : vector<4x1x1xf32>
        %gt3A_964 = arith.constant 0.699999988 : f32
        %gt3A_965 = vector.broadcast %gt3A_964 : f32 to vector<4x10x128xf32>
        %gt3A_966 = arith.cmpf ogt, %div3A, %gt3A_965 : vector<4x10x128xf32>
        %and3A = vector.broadcast %gt3A_963 : vector<4x1x1xi1> to vector<4x10x128xi1>
        %and3A_967 = arith.andi %and3A, %gt3A_966 : vector<4x10x128xi1>
        %gt3A_968 = vector.broadcast %scan3A_896 : i32 to vector<4x10x128xi32>
        %gt3A_969 = arith.cmpi sgt, %sub3A_729, %gt3A_968 : vector<4x10x128xi32>
        %and3A_970 = arith.andi %and3A_967, %gt3A_969 : vector<4x10x128xi1>
        %convert_element_type3A_971 = arith.extui %and3A_970 : vector<4x10x128xi1> to vector<4x10x128xi32>
        %convert_element_type3A_972 = arith.sitofp %convert_element_type3A_971 : vector<4x10x128xi32> to vector<4x10x128xf32>
        %mul3A_973 = vector.broadcast %mul3A_911 : vector<4x1x1xf32> to vector<4x2x128xf32>
        %mul3A_974 = arith.mulf %mul3A_973, %convert_element_type3A_902 : vector<4x2x128xf32>
        %max3A_975 = arith.maximumf %scan3A_898, %mul3A_974 : vector<4x2x128xf32>
        %sub3A_976 = arith.constant 1.000000e+00 : f32
        %sub3A_977 = vector.broadcast %sub3A_976 : f32 to vector<4x10x128xf32>
        %sub3A_978 = arith.subf %sub3A_977, %convert_element_type3A_972 : vector<4x10x128xf32>
        %mul3A_979 = arith.mulf %scan3A_897, %sub3A_978 : vector<4x10x128xf32>
        %add3A_980 = arith.addf %scan3A_899, %mul3A_911 : vector<4x1x1xf32>
        scf.yield %mul3A_979, %max3A_975, %add3A_980 : vector<4x10x128xf32>, vector<4x2x128xf32>, vector<4x1x1xf32>
      }
      %scan3A_895 = arith.constant 256 : i32
      scf.yield %scan3A_894#0, %scan3A_894#1, %scan3A_894#2 : vector<4x10x128xf32>, vector<4x2x128xf32>, vector<4x1x1xf32>
    } else {
      scf.yield %slice3A_712, %broadcast_in_dim3A_742, %cond3A_711#2 : vector<4x10x128xf32>, vector<4x2x128xf32>, vector<4x1x1xf32>
    }
    %slice3A_748 = vector.extract_strided_slice %cond3A_747#0 {offsets = [0, 2, 0], sizes = [4, 8, 128], strides = [1, 1, 1]} : vector<4x10x128xf32> to vector<4x8x128xf32>
    %slice3A_749 = vector.extract_strided_slice %get3A_24 {offsets = [0, 40, 0], sizes = [4, 8, 128], strides = [1, 1, 1]} : vector<4x48x128xf32> to vector<4x8x128xf32>
    %slice3A_750 = vector.extract_strided_slice %get3A_28 {offsets = [0, 40, 0], sizes = [4, 8, 128], strides = [1, 1, 1]} : vector<4x48x128xf32> to vector<4x8x128xf32>
    %slice3A_751 = vector.extract_strided_slice %get3A_32 {offsets = [0, 40, 0], sizes = [4, 8, 128], strides = [1, 1, 1]} : vector<4x48x128xf32> to vector<4x8x128xf32>
    %slice3A_752 = vector.extract_strided_slice %get3A_36 {offsets = [0, 40, 0], sizes = [4, 8, 128], strides = [1, 1, 1]} : vector<4x48x128xf32> to vector<4x8x128xf32>
    %sub3A_753 = arith.subf %slice3A_751, %slice3A_749 : vector<4x8x128xf32>
    %add3A_754 = arith.constant 1.000000e+00 : f32
    %add3A_755 = vector.broadcast %add3A_754 : f32 to vector<4x8x128xf32>
    %add3A_756 = arith.addf %sub3A_753, %add3A_755 : vector<4x8x128xf32>
    %sub3A_757 = arith.subf %slice3A_752, %slice3A_750 : vector<4x8x128xf32>
    %add3A_758 = arith.constant 1.000000e+00 : f32
    %add3A_759 = vector.broadcast %add3A_758 : f32 to vector<4x8x128xf32>
    %add3A_760 = arith.addf %sub3A_757, %add3A_759 : vector<4x8x128xf32>
    %mul3A_761 = arith.mulf %add3A_756, %add3A_760 : vector<4x8x128xf32>
    %slice3A_762 = vector.extract_strided_slice %add3A {offsets = [0, 40, 0], sizes = [4, 8, 128], strides = [1, 1, 1]} : vector<4x48x128xi32> to vector<4x8x128xi32>
    %sub3A_763 = arith.constant 5120 : i32
    %sub3A_764 = vector.broadcast %sub3A_763 : i32 to vector<4x8x128xi32>
    %sub3A_765 = arith.subi %slice3A_762, %sub3A_764 : vector<4x8x128xi32>
    %slice3A_766 = vector.extract_strided_slice %slice3A_749 {offsets = [0, 0, 0], sizes = [4, 2, 128], strides = [1, 1, 1]} : vector<4x8x128xf32> to vector<4x2x128xf32>
    %slice3A_767 = vector.extract_strided_slice %slice3A_750 {offsets = [0, 0, 0], sizes = [4, 2, 128], strides = [1, 1, 1]} : vector<4x8x128xf32> to vector<4x2x128xf32>
    %slice3A_768 = vector.extract_strided_slice %slice3A_751 {offsets = [0, 0, 0], sizes = [4, 2, 128], strides = [1, 1, 1]} : vector<4x8x128xf32> to vector<4x2x128xf32>
    %slice3A_769 = vector.extract_strided_slice %slice3A_752 {offsets = [0, 0, 0], sizes = [4, 2, 128], strides = [1, 1, 1]} : vector<4x8x128xf32> to vector<4x2x128xf32>
    %reduce_min3A_770 = vector.shape_cast %cond3A_747#2 : vector<4x1x1xf32> to vector<1x4x1x1xf32>
    %reduce_min3A_771 = arith.constant dense<0x7F800000> : vector<1xf32>
    %reduce_min3A_772 = vector.multi_reduction <minimumf>, %reduce_min3A_770, %reduce_min3A_771 [1, 2, 3] : vector<1x4x1x1xf32> to vector<1xf32>
    %reduce_min3A_773 = vector.shape_cast %reduce_min3A_772 : vector<1xf32> to vector<1x1x1x1xf32>
    %reduce_min3A_774 = vector.extract %reduce_min3A_773[0, 0, 0, 0] : f32 from vector<1x1x1x1xf32>
    %lt3A_775 = arith.constant 1.000000e+03 : f32
    %lt3A_776 = arith.cmpf olt, %reduce_min3A_774, %lt3A_775 : f32
    %broadcast_in_dim3A_777 = arith.constant 0.000000e+00 : f32
    %broadcast_in_dim3A_778 = vector.broadcast %broadcast_in_dim3A_777 : f32 to vector<4x2x128xf32>
    %convert_element_type3A_779 = arith.extui %lt3A_776 : i1 to i32
    %cond3A_780 = arith.constant 1.000000e+03 : f32
    %cond3A_781 = arith.constant 0 : i32
    %cond3A_782 = arith.cmpi ne, %convert_element_type3A_779, %cond3A_781 : i32
    %cond3A_783:3 = scf.if %cond3A_782 -> (vector<4x8x128xf32>, vector<4x2x128xf32>, vector<4x1x1xf32>) {
      %scan3A = arith.constant 0 : i32
      %scan3A_891 = arith.constant 256 : i32
      %scan3A_892 = arith.addi %scan3A, %scan3A_891 : i32
      %scan3A_893 = arith.constant 1 : i32
      %scan3A_894:3 = scf.for %scan3A_896 = %scan3A to %scan3A_892 step %scan3A_893 iter_args(%scan3A_897 = %slice3A_748, %scan3A_898 = %broadcast_in_dim3A_778, %scan3A_899 = %cond3A_747#2) -> (vector<4x8x128xf32>, vector<4x2x128xf32>, vector<4x1x1xf32>)  : i32 {
        %eq3A = vector.broadcast %scan3A_896 : i32 to vector<4x2x128xi32>
        %eq3A_900 = arith.cmpi eq, %add3A_19, %eq3A : vector<4x2x128xi32>
        %convert_element_type3A_901 = arith.extui %eq3A_900 : vector<4x2x128xi1> to vector<4x2x128xi32>
        %convert_element_type3A_902 = arith.sitofp %convert_element_type3A_901 : vector<4x2x128xi32> to vector<4x2x128xf32>
        %slice3A_903 = vector.extract_strided_slice %scan3A_897 {offsets = [0, 0, 0], sizes = [4, 2, 128], strides = [1, 1, 1]} : vector<4x8x128xf32> to vector<4x2x128xf32>
        %mul3A_904 = arith.mulf %slice3A_903, %convert_element_type3A_902 : vector<4x2x128xf32>
        %reduce_sum3A = arith.constant dense<0.000000e+00> : vector<4xf32>
        %reduce_sum3A_905 = vector.multi_reduction <add>, %mul3A_904, %reduce_sum3A [1, 2] : vector<4x2x128xf32> to vector<4xf32>
        %broadcast_in_dim3A_906 = vector.shape_cast %reduce_sum3A_905 : vector<4xf32> to vector<4x1x1xf32>
        %lt3A_907 = vector.broadcast %cond3A_780 : f32 to vector<4x1x1xf32>
        %lt3A_908 = arith.cmpf olt, %scan3A_899, %lt3A_907 : vector<4x1x1xf32>
        %convert_element_type3A_909 = arith.extui %lt3A_908 : vector<4x1x1xi1> to vector<4x1x1xi32>
        %convert_element_type3A_910 = arith.sitofp %convert_element_type3A_909 : vector<4x1x1xi32> to vector<4x1x1xf32>
        %mul3A_911 = arith.mulf %broadcast_in_dim3A_906, %convert_element_type3A_910 : vector<4x1x1xf32>
        %mul3A_912 = arith.mulf %slice3A_766, %convert_element_type3A_902 : vector<4x2x128xf32>
        %reduce_sum3A_913 = arith.constant dense<0.000000e+00> : vector<4xf32>
        %reduce_sum3A_914 = vector.multi_reduction <add>, %mul3A_912, %reduce_sum3A_913 [1, 2] : vector<4x2x128xf32> to vector<4xf32>
        %broadcast_in_dim3A_915 = vector.shape_cast %reduce_sum3A_914 : vector<4xf32> to vector<4x1x1xf32>
        %mul3A_916 = arith.mulf %slice3A_767, %convert_element_type3A_902 : vector<4x2x128xf32>
        %reduce_sum3A_917 = arith.constant dense<0.000000e+00> : vector<4xf32>
        %reduce_sum3A_918 = vector.multi_reduction <add>, %mul3A_916, %reduce_sum3A_917 [1, 2] : vector<4x2x128xf32> to vector<4xf32>
        %broadcast_in_dim3A_919 = vector.shape_cast %reduce_sum3A_918 : vector<4xf32> to vector<4x1x1xf32>
        %mul3A_920 = arith.mulf %slice3A_768, %convert_element_type3A_902 : vector<4x2x128xf32>
        %reduce_sum3A_921 = arith.constant dense<0.000000e+00> : vector<4xf32>
        %reduce_sum3A_922 = vector.multi_reduction <add>, %mul3A_920, %reduce_sum3A_921 [1, 2] : vector<4x2x128xf32> to vector<4xf32>
        %broadcast_in_dim3A_923 = vector.shape_cast %reduce_sum3A_922 : vector<4xf32> to vector<4x1x1xf32>
        %mul3A_924 = arith.mulf %slice3A_769, %convert_element_type3A_902 : vector<4x2x128xf32>
        %reduce_sum3A_925 = arith.constant dense<0.000000e+00> : vector<4xf32>
        %reduce_sum3A_926 = vector.multi_reduction <add>, %mul3A_924, %reduce_sum3A_925 [1, 2] : vector<4x2x128xf32> to vector<4xf32>
        %broadcast_in_dim3A_927 = vector.shape_cast %reduce_sum3A_926 : vector<4xf32> to vector<4x1x1xf32>
        %sub3A_928 = arith.subf %broadcast_in_dim3A_923, %broadcast_in_dim3A_915 : vector<4x1x1xf32>
        %add3A_929 = arith.constant 1.000000e+00 : f32
        %add3A_930 = vector.broadcast %add3A_929 : f32 to vector<4x1x1xf32>
        %add3A_931 = arith.addf %sub3A_928, %add3A_930 : vector<4x1x1xf32>
        %sub3A_932 = arith.subf %broadcast_in_dim3A_927, %broadcast_in_dim3A_919 : vector<4x1x1xf32>
        %add3A_933 = arith.constant 1.000000e+00 : f32
        %add3A_934 = vector.broadcast %add3A_933 : f32 to vector<4x1x1xf32>
        %add3A_935 = arith.addf %sub3A_932, %add3A_934 : vector<4x1x1xf32>
        %mul3A_936 = arith.mulf %add3A_931, %add3A_935 : vector<4x1x1xf32>
        %max3A = vector.broadcast %broadcast_in_dim3A_915 : vector<4x1x1xf32> to vector<4x8x128xf32>
        %max3A_937 = arith.maximumf %max3A, %slice3A_749 : vector<4x8x128xf32>
        %max3A_938 = vector.broadcast %broadcast_in_dim3A_919 : vector<4x1x1xf32> to vector<4x8x128xf32>
        %max3A_939 = arith.maximumf %max3A_938, %slice3A_750 : vector<4x8x128xf32>
        %min3A_940 = vector.broadcast %broadcast_in_dim3A_923 : vector<4x1x1xf32> to vector<4x8x128xf32>
        %min3A_941 = arith.minimumf %min3A_940, %slice3A_751 : vector<4x8x128xf32>
        %min3A_942 = vector.broadcast %broadcast_in_dim3A_927 : vector<4x1x1xf32> to vector<4x8x128xf32>
        %min3A_943 = arith.minimumf %min3A_942, %slice3A_752 : vector<4x8x128xf32>
        %sub3A_944 = arith.subf %min3A_941, %max3A_937 : vector<4x8x128xf32>
        %add3A_945 = arith.constant 1.000000e+00 : f32
        %add3A_946 = vector.broadcast %add3A_945 : f32 to vector<4x8x128xf32>
        %add3A_947 = arith.addf %sub3A_944, %add3A_946 : vector<4x8x128xf32>
        %max3A_948 = arith.constant 0.000000e+00 : f32
        %max3A_949 = vector.broadcast %max3A_948 : f32 to vector<4x8x128xf32>
        %max3A_950 = arith.maximumf %max3A_949, %add3A_947 : vector<4x8x128xf32>
        %sub3A_951 = arith.subf %min3A_943, %max3A_939 : vector<4x8x128xf32>
        %add3A_952 = arith.constant 1.000000e+00 : f32
        %add3A_953 = vector.broadcast %add3A_952 : f32 to vector<4x8x128xf32>
        %add3A_954 = arith.addf %sub3A_951, %add3A_953 : vector<4x8x128xf32>
        %max3A_955 = arith.constant 0.000000e+00 : f32
        %max3A_956 = vector.broadcast %max3A_955 : f32 to vector<4x8x128xf32>
        %max3A_957 = arith.maximumf %max3A_956, %add3A_954 : vector<4x8x128xf32>
        %mul3A_958 = arith.mulf %max3A_950, %max3A_957 : vector<4x8x128xf32>
        %add3A_959 = vector.broadcast %mul3A_936 : vector<4x1x1xf32> to vector<4x8x128xf32>
        %add3A_960 = arith.addf %add3A_959, %mul3A_761 : vector<4x8x128xf32>
        %sub3A_961 = arith.subf %add3A_960, %mul3A_958 : vector<4x8x128xf32>
        %div3A = arith.divf %mul3A_958, %sub3A_961 : vector<4x8x128xf32>
        %gt3A = arith.constant 0.000000e+00 : f32
        %gt3A_962 = vector.broadcast %gt3A : f32 to vector<4x1x1xf32>
        %gt3A_963 = arith.cmpf ogt, %mul3A_911, %gt3A_962 : vector<4x1x1xf32>
        %gt3A_964 = arith.constant 0.699999988 : f32
        %gt3A_965 = vector.broadcast %gt3A_964 : f32 to vector<4x8x128xf32>
        %gt3A_966 = arith.cmpf ogt, %div3A, %gt3A_965 : vector<4x8x128xf32>
        %and3A = vector.broadcast %gt3A_963 : vector<4x1x1xi1> to vector<4x8x128xi1>
        %and3A_967 = arith.andi %and3A, %gt3A_966 : vector<4x8x128xi1>
        %gt3A_968 = vector.broadcast %scan3A_896 : i32 to vector<4x8x128xi32>
        %gt3A_969 = arith.cmpi sgt, %sub3A_765, %gt3A_968 : vector<4x8x128xi32>
        %and3A_970 = arith.andi %and3A_967, %gt3A_969 : vector<4x8x128xi1>
        %convert_element_type3A_971 = arith.extui %and3A_970 : vector<4x8x128xi1> to vector<4x8x128xi32>
        %convert_element_type3A_972 = arith.sitofp %convert_element_type3A_971 : vector<4x8x128xi32> to vector<4x8x128xf32>
        %mul3A_973 = vector.broadcast %mul3A_911 : vector<4x1x1xf32> to vector<4x2x128xf32>
        %mul3A_974 = arith.mulf %mul3A_973, %convert_element_type3A_902 : vector<4x2x128xf32>
        %max3A_975 = arith.maximumf %scan3A_898, %mul3A_974 : vector<4x2x128xf32>
        %sub3A_976 = arith.constant 1.000000e+00 : f32
        %sub3A_977 = vector.broadcast %sub3A_976 : f32 to vector<4x8x128xf32>
        %sub3A_978 = arith.subf %sub3A_977, %convert_element_type3A_972 : vector<4x8x128xf32>
        %mul3A_979 = arith.mulf %scan3A_897, %sub3A_978 : vector<4x8x128xf32>
        %add3A_980 = arith.addf %scan3A_899, %mul3A_911 : vector<4x1x1xf32>
        scf.yield %mul3A_979, %max3A_975, %add3A_980 : vector<4x8x128xf32>, vector<4x2x128xf32>, vector<4x1x1xf32>
      }
      %scan3A_895 = arith.constant 256 : i32
      scf.yield %scan3A_894#0, %scan3A_894#1, %scan3A_894#2 : vector<4x8x128xf32>, vector<4x2x128xf32>, vector<4x1x1xf32>
    } else {
      scf.yield %slice3A_748, %broadcast_in_dim3A_778, %cond3A_747#2 : vector<4x8x128xf32>, vector<4x2x128xf32>, vector<4x1x1xf32>
    }
    %slice3A_784 = vector.extract_strided_slice %cond3A_783#0 {offsets = [0, 2, 0], sizes = [4, 6, 128], strides = [1, 1, 1]} : vector<4x8x128xf32> to vector<4x6x128xf32>
    %slice3A_785 = vector.extract_strided_slice %get3A_24 {offsets = [0, 42, 0], sizes = [4, 6, 128], strides = [1, 1, 1]} : vector<4x48x128xf32> to vector<4x6x128xf32>
    %slice3A_786 = vector.extract_strided_slice %get3A_28 {offsets = [0, 42, 0], sizes = [4, 6, 128], strides = [1, 1, 1]} : vector<4x48x128xf32> to vector<4x6x128xf32>
    %slice3A_787 = vector.extract_strided_slice %get3A_32 {offsets = [0, 42, 0], sizes = [4, 6, 128], strides = [1, 1, 1]} : vector<4x48x128xf32> to vector<4x6x128xf32>
    %slice3A_788 = vector.extract_strided_slice %get3A_36 {offsets = [0, 42, 0], sizes = [4, 6, 128], strides = [1, 1, 1]} : vector<4x48x128xf32> to vector<4x6x128xf32>
    %sub3A_789 = arith.subf %slice3A_787, %slice3A_785 : vector<4x6x128xf32>
    %add3A_790 = arith.constant 1.000000e+00 : f32
    %add3A_791 = vector.broadcast %add3A_790 : f32 to vector<4x6x128xf32>
    %add3A_792 = arith.addf %sub3A_789, %add3A_791 : vector<4x6x128xf32>
    %sub3A_793 = arith.subf %slice3A_788, %slice3A_786 : vector<4x6x128xf32>
    %add3A_794 = arith.constant 1.000000e+00 : f32
    %add3A_795 = vector.broadcast %add3A_794 : f32 to vector<4x6x128xf32>
    %add3A_796 = arith.addf %sub3A_793, %add3A_795 : vector<4x6x128xf32>
    %mul3A_797 = arith.mulf %add3A_792, %add3A_796 : vector<4x6x128xf32>
    %slice3A_798 = vector.extract_strided_slice %add3A {offsets = [0, 42, 0], sizes = [4, 6, 128], strides = [1, 1, 1]} : vector<4x48x128xi32> to vector<4x6x128xi32>
    %sub3A_799 = arith.constant 5376 : i32
    %sub3A_800 = vector.broadcast %sub3A_799 : i32 to vector<4x6x128xi32>
    %sub3A_801 = arith.subi %slice3A_798, %sub3A_800 : vector<4x6x128xi32>
    %slice3A_802 = vector.extract_strided_slice %slice3A_785 {offsets = [0, 0, 0], sizes = [4, 2, 128], strides = [1, 1, 1]} : vector<4x6x128xf32> to vector<4x2x128xf32>
    %slice3A_803 = vector.extract_strided_slice %slice3A_786 {offsets = [0, 0, 0], sizes = [4, 2, 128], strides = [1, 1, 1]} : vector<4x6x128xf32> to vector<4x2x128xf32>
    %slice3A_804 = vector.extract_strided_slice %slice3A_787 {offsets = [0, 0, 0], sizes = [4, 2, 128], strides = [1, 1, 1]} : vector<4x6x128xf32> to vector<4x2x128xf32>
    %slice3A_805 = vector.extract_strided_slice %slice3A_788 {offsets = [0, 0, 0], sizes = [4, 2, 128], strides = [1, 1, 1]} : vector<4x6x128xf32> to vector<4x2x128xf32>
    %reduce_min3A_806 = vector.shape_cast %cond3A_783#2 : vector<4x1x1xf32> to vector<1x4x1x1xf32>
    %reduce_min3A_807 = arith.constant dense<0x7F800000> : vector<1xf32>
    %reduce_min3A_808 = vector.multi_reduction <minimumf>, %reduce_min3A_806, %reduce_min3A_807 [1, 2, 3] : vector<1x4x1x1xf32> to vector<1xf32>
    %reduce_min3A_809 = vector.shape_cast %reduce_min3A_808 : vector<1xf32> to vector<1x1x1x1xf32>
    %reduce_min3A_810 = vector.extract %reduce_min3A_809[0, 0, 0, 0] : f32 from vector<1x1x1x1xf32>
    %lt3A_811 = arith.constant 1.000000e+03 : f32
    %lt3A_812 = arith.cmpf olt, %reduce_min3A_810, %lt3A_811 : f32
    %broadcast_in_dim3A_813 = arith.constant 0.000000e+00 : f32
    %broadcast_in_dim3A_814 = vector.broadcast %broadcast_in_dim3A_813 : f32 to vector<4x2x128xf32>
    %convert_element_type3A_815 = arith.extui %lt3A_812 : i1 to i32
    %cond3A_816 = arith.constant 1.000000e+03 : f32
    %cond3A_817 = arith.constant 0 : i32
    %cond3A_818 = arith.cmpi ne, %convert_element_type3A_815, %cond3A_817 : i32
    %cond3A_819:3 = scf.if %cond3A_818 -> (vector<4x6x128xf32>, vector<4x2x128xf32>, vector<4x1x1xf32>) {
      %scan3A = arith.constant 0 : i32
      %scan3A_891 = arith.constant 256 : i32
      %scan3A_892 = arith.addi %scan3A, %scan3A_891 : i32
      %scan3A_893 = arith.constant 1 : i32
      %scan3A_894:3 = scf.for %scan3A_896 = %scan3A to %scan3A_892 step %scan3A_893 iter_args(%scan3A_897 = %slice3A_784, %scan3A_898 = %broadcast_in_dim3A_814, %scan3A_899 = %cond3A_783#2) -> (vector<4x6x128xf32>, vector<4x2x128xf32>, vector<4x1x1xf32>)  : i32 {
        %eq3A = vector.broadcast %scan3A_896 : i32 to vector<4x2x128xi32>
        %eq3A_900 = arith.cmpi eq, %add3A_19, %eq3A : vector<4x2x128xi32>
        %convert_element_type3A_901 = arith.extui %eq3A_900 : vector<4x2x128xi1> to vector<4x2x128xi32>
        %convert_element_type3A_902 = arith.sitofp %convert_element_type3A_901 : vector<4x2x128xi32> to vector<4x2x128xf32>
        %slice3A_903 = vector.extract_strided_slice %scan3A_897 {offsets = [0, 0, 0], sizes = [4, 2, 128], strides = [1, 1, 1]} : vector<4x6x128xf32> to vector<4x2x128xf32>
        %mul3A_904 = arith.mulf %slice3A_903, %convert_element_type3A_902 : vector<4x2x128xf32>
        %reduce_sum3A = arith.constant dense<0.000000e+00> : vector<4xf32>
        %reduce_sum3A_905 = vector.multi_reduction <add>, %mul3A_904, %reduce_sum3A [1, 2] : vector<4x2x128xf32> to vector<4xf32>
        %broadcast_in_dim3A_906 = vector.shape_cast %reduce_sum3A_905 : vector<4xf32> to vector<4x1x1xf32>
        %lt3A_907 = vector.broadcast %cond3A_816 : f32 to vector<4x1x1xf32>
        %lt3A_908 = arith.cmpf olt, %scan3A_899, %lt3A_907 : vector<4x1x1xf32>
        %convert_element_type3A_909 = arith.extui %lt3A_908 : vector<4x1x1xi1> to vector<4x1x1xi32>
        %convert_element_type3A_910 = arith.sitofp %convert_element_type3A_909 : vector<4x1x1xi32> to vector<4x1x1xf32>
        %mul3A_911 = arith.mulf %broadcast_in_dim3A_906, %convert_element_type3A_910 : vector<4x1x1xf32>
        %mul3A_912 = arith.mulf %slice3A_802, %convert_element_type3A_902 : vector<4x2x128xf32>
        %reduce_sum3A_913 = arith.constant dense<0.000000e+00> : vector<4xf32>
        %reduce_sum3A_914 = vector.multi_reduction <add>, %mul3A_912, %reduce_sum3A_913 [1, 2] : vector<4x2x128xf32> to vector<4xf32>
        %broadcast_in_dim3A_915 = vector.shape_cast %reduce_sum3A_914 : vector<4xf32> to vector<4x1x1xf32>
        %mul3A_916 = arith.mulf %slice3A_803, %convert_element_type3A_902 : vector<4x2x128xf32>
        %reduce_sum3A_917 = arith.constant dense<0.000000e+00> : vector<4xf32>
        %reduce_sum3A_918 = vector.multi_reduction <add>, %mul3A_916, %reduce_sum3A_917 [1, 2] : vector<4x2x128xf32> to vector<4xf32>
        %broadcast_in_dim3A_919 = vector.shape_cast %reduce_sum3A_918 : vector<4xf32> to vector<4x1x1xf32>
        %mul3A_920 = arith.mulf %slice3A_804, %convert_element_type3A_902 : vector<4x2x128xf32>
        %reduce_sum3A_921 = arith.constant dense<0.000000e+00> : vector<4xf32>
        %reduce_sum3A_922 = vector.multi_reduction <add>, %mul3A_920, %reduce_sum3A_921 [1, 2] : vector<4x2x128xf32> to vector<4xf32>
        %broadcast_in_dim3A_923 = vector.shape_cast %reduce_sum3A_922 : vector<4xf32> to vector<4x1x1xf32>
        %mul3A_924 = arith.mulf %slice3A_805, %convert_element_type3A_902 : vector<4x2x128xf32>
        %reduce_sum3A_925 = arith.constant dense<0.000000e+00> : vector<4xf32>
        %reduce_sum3A_926 = vector.multi_reduction <add>, %mul3A_924, %reduce_sum3A_925 [1, 2] : vector<4x2x128xf32> to vector<4xf32>
        %broadcast_in_dim3A_927 = vector.shape_cast %reduce_sum3A_926 : vector<4xf32> to vector<4x1x1xf32>
        %sub3A_928 = arith.subf %broadcast_in_dim3A_923, %broadcast_in_dim3A_915 : vector<4x1x1xf32>
        %add3A_929 = arith.constant 1.000000e+00 : f32
        %add3A_930 = vector.broadcast %add3A_929 : f32 to vector<4x1x1xf32>
        %add3A_931 = arith.addf %sub3A_928, %add3A_930 : vector<4x1x1xf32>
        %sub3A_932 = arith.subf %broadcast_in_dim3A_927, %broadcast_in_dim3A_919 : vector<4x1x1xf32>
        %add3A_933 = arith.constant 1.000000e+00 : f32
        %add3A_934 = vector.broadcast %add3A_933 : f32 to vector<4x1x1xf32>
        %add3A_935 = arith.addf %sub3A_932, %add3A_934 : vector<4x1x1xf32>
        %mul3A_936 = arith.mulf %add3A_931, %add3A_935 : vector<4x1x1xf32>
        %max3A = vector.broadcast %broadcast_in_dim3A_915 : vector<4x1x1xf32> to vector<4x6x128xf32>
        %max3A_937 = arith.maximumf %max3A, %slice3A_785 : vector<4x6x128xf32>
        %max3A_938 = vector.broadcast %broadcast_in_dim3A_919 : vector<4x1x1xf32> to vector<4x6x128xf32>
        %max3A_939 = arith.maximumf %max3A_938, %slice3A_786 : vector<4x6x128xf32>
        %min3A_940 = vector.broadcast %broadcast_in_dim3A_923 : vector<4x1x1xf32> to vector<4x6x128xf32>
        %min3A_941 = arith.minimumf %min3A_940, %slice3A_787 : vector<4x6x128xf32>
        %min3A_942 = vector.broadcast %broadcast_in_dim3A_927 : vector<4x1x1xf32> to vector<4x6x128xf32>
        %min3A_943 = arith.minimumf %min3A_942, %slice3A_788 : vector<4x6x128xf32>
        %sub3A_944 = arith.subf %min3A_941, %max3A_937 : vector<4x6x128xf32>
        %add3A_945 = arith.constant 1.000000e+00 : f32
        %add3A_946 = vector.broadcast %add3A_945 : f32 to vector<4x6x128xf32>
        %add3A_947 = arith.addf %sub3A_944, %add3A_946 : vector<4x6x128xf32>
        %max3A_948 = arith.constant 0.000000e+00 : f32
        %max3A_949 = vector.broadcast %max3A_948 : f32 to vector<4x6x128xf32>
        %max3A_950 = arith.maximumf %max3A_949, %add3A_947 : vector<4x6x128xf32>
        %sub3A_951 = arith.subf %min3A_943, %max3A_939 : vector<4x6x128xf32>
        %add3A_952 = arith.constant 1.000000e+00 : f32
        %add3A_953 = vector.broadcast %add3A_952 : f32 to vector<4x6x128xf32>
        %add3A_954 = arith.addf %sub3A_951, %add3A_953 : vector<4x6x128xf32>
        %max3A_955 = arith.constant 0.000000e+00 : f32
        %max3A_956 = vector.broadcast %max3A_955 : f32 to vector<4x6x128xf32>
        %max3A_957 = arith.maximumf %max3A_956, %add3A_954 : vector<4x6x128xf32>
        %mul3A_958 = arith.mulf %max3A_950, %max3A_957 : vector<4x6x128xf32>
        %add3A_959 = vector.broadcast %mul3A_936 : vector<4x1x1xf32> to vector<4x6x128xf32>
        %add3A_960 = arith.addf %add3A_959, %mul3A_797 : vector<4x6x128xf32>
        %sub3A_961 = arith.subf %add3A_960, %mul3A_958 : vector<4x6x128xf32>
        %div3A = arith.divf %mul3A_958, %sub3A_961 : vector<4x6x128xf32>
        %gt3A = arith.constant 0.000000e+00 : f32
        %gt3A_962 = vector.broadcast %gt3A : f32 to vector<4x1x1xf32>
        %gt3A_963 = arith.cmpf ogt, %mul3A_911, %gt3A_962 : vector<4x1x1xf32>
        %gt3A_964 = arith.constant 0.699999988 : f32
        %gt3A_965 = vector.broadcast %gt3A_964 : f32 to vector<4x6x128xf32>
        %gt3A_966 = arith.cmpf ogt, %div3A, %gt3A_965 : vector<4x6x128xf32>
        %and3A = vector.broadcast %gt3A_963 : vector<4x1x1xi1> to vector<4x6x128xi1>
        %and3A_967 = arith.andi %and3A, %gt3A_966 : vector<4x6x128xi1>
        %gt3A_968 = vector.broadcast %scan3A_896 : i32 to vector<4x6x128xi32>
        %gt3A_969 = arith.cmpi sgt, %sub3A_801, %gt3A_968 : vector<4x6x128xi32>
        %and3A_970 = arith.andi %and3A_967, %gt3A_969 : vector<4x6x128xi1>
        %convert_element_type3A_971 = arith.extui %and3A_970 : vector<4x6x128xi1> to vector<4x6x128xi32>
        %convert_element_type3A_972 = arith.sitofp %convert_element_type3A_971 : vector<4x6x128xi32> to vector<4x6x128xf32>
        %mul3A_973 = vector.broadcast %mul3A_911 : vector<4x1x1xf32> to vector<4x2x128xf32>
        %mul3A_974 = arith.mulf %mul3A_973, %convert_element_type3A_902 : vector<4x2x128xf32>
        %max3A_975 = arith.maximumf %scan3A_898, %mul3A_974 : vector<4x2x128xf32>
        %sub3A_976 = arith.constant 1.000000e+00 : f32
        %sub3A_977 = vector.broadcast %sub3A_976 : f32 to vector<4x6x128xf32>
        %sub3A_978 = arith.subf %sub3A_977, %convert_element_type3A_972 : vector<4x6x128xf32>
        %mul3A_979 = arith.mulf %scan3A_897, %sub3A_978 : vector<4x6x128xf32>
        %add3A_980 = arith.addf %scan3A_899, %mul3A_911 : vector<4x1x1xf32>
        scf.yield %mul3A_979, %max3A_975, %add3A_980 : vector<4x6x128xf32>, vector<4x2x128xf32>, vector<4x1x1xf32>
      }
      %scan3A_895 = arith.constant 256 : i32
      scf.yield %scan3A_894#0, %scan3A_894#1, %scan3A_894#2 : vector<4x6x128xf32>, vector<4x2x128xf32>, vector<4x1x1xf32>
    } else {
      scf.yield %slice3A_784, %broadcast_in_dim3A_814, %cond3A_783#2 : vector<4x6x128xf32>, vector<4x2x128xf32>, vector<4x1x1xf32>
    }
    %slice3A_820 = vector.extract_strided_slice %cond3A_819#0 {offsets = [0, 2, 0], sizes = [4, 4, 128], strides = [1, 1, 1]} : vector<4x6x128xf32> to vector<4x4x128xf32>
    %slice3A_821 = vector.extract_strided_slice %get3A_24 {offsets = [0, 44, 0], sizes = [4, 4, 128], strides = [1, 1, 1]} : vector<4x48x128xf32> to vector<4x4x128xf32>
    %slice3A_822 = vector.extract_strided_slice %get3A_28 {offsets = [0, 44, 0], sizes = [4, 4, 128], strides = [1, 1, 1]} : vector<4x48x128xf32> to vector<4x4x128xf32>
    %slice3A_823 = vector.extract_strided_slice %get3A_32 {offsets = [0, 44, 0], sizes = [4, 4, 128], strides = [1, 1, 1]} : vector<4x48x128xf32> to vector<4x4x128xf32>
    %slice3A_824 = vector.extract_strided_slice %get3A_36 {offsets = [0, 44, 0], sizes = [4, 4, 128], strides = [1, 1, 1]} : vector<4x48x128xf32> to vector<4x4x128xf32>
    %sub3A_825 = arith.subf %slice3A_823, %slice3A_821 : vector<4x4x128xf32>
    %add3A_826 = arith.constant 1.000000e+00 : f32
    %add3A_827 = vector.broadcast %add3A_826 : f32 to vector<4x4x128xf32>
    %add3A_828 = arith.addf %sub3A_825, %add3A_827 : vector<4x4x128xf32>
    %sub3A_829 = arith.subf %slice3A_824, %slice3A_822 : vector<4x4x128xf32>
    %add3A_830 = arith.constant 1.000000e+00 : f32
    %add3A_831 = vector.broadcast %add3A_830 : f32 to vector<4x4x128xf32>
    %add3A_832 = arith.addf %sub3A_829, %add3A_831 : vector<4x4x128xf32>
    %mul3A_833 = arith.mulf %add3A_828, %add3A_832 : vector<4x4x128xf32>
    %slice3A_834 = vector.extract_strided_slice %add3A {offsets = [0, 44, 0], sizes = [4, 4, 128], strides = [1, 1, 1]} : vector<4x48x128xi32> to vector<4x4x128xi32>
    %sub3A_835 = arith.constant 5632 : i32
    %sub3A_836 = vector.broadcast %sub3A_835 : i32 to vector<4x4x128xi32>
    %sub3A_837 = arith.subi %slice3A_834, %sub3A_836 : vector<4x4x128xi32>
    %slice3A_838 = vector.extract_strided_slice %slice3A_821 {offsets = [0, 0, 0], sizes = [4, 2, 128], strides = [1, 1, 1]} : vector<4x4x128xf32> to vector<4x2x128xf32>
    %slice3A_839 = vector.extract_strided_slice %slice3A_822 {offsets = [0, 0, 0], sizes = [4, 2, 128], strides = [1, 1, 1]} : vector<4x4x128xf32> to vector<4x2x128xf32>
    %slice3A_840 = vector.extract_strided_slice %slice3A_823 {offsets = [0, 0, 0], sizes = [4, 2, 128], strides = [1, 1, 1]} : vector<4x4x128xf32> to vector<4x2x128xf32>
    %slice3A_841 = vector.extract_strided_slice %slice3A_824 {offsets = [0, 0, 0], sizes = [4, 2, 128], strides = [1, 1, 1]} : vector<4x4x128xf32> to vector<4x2x128xf32>
    %reduce_min3A_842 = vector.shape_cast %cond3A_819#2 : vector<4x1x1xf32> to vector<1x4x1x1xf32>
    %reduce_min3A_843 = arith.constant dense<0x7F800000> : vector<1xf32>
    %reduce_min3A_844 = vector.multi_reduction <minimumf>, %reduce_min3A_842, %reduce_min3A_843 [1, 2, 3] : vector<1x4x1x1xf32> to vector<1xf32>
    %reduce_min3A_845 = vector.shape_cast %reduce_min3A_844 : vector<1xf32> to vector<1x1x1x1xf32>
    %reduce_min3A_846 = vector.extract %reduce_min3A_845[0, 0, 0, 0] : f32 from vector<1x1x1x1xf32>
    %lt3A_847 = arith.constant 1.000000e+03 : f32
    %lt3A_848 = arith.cmpf olt, %reduce_min3A_846, %lt3A_847 : f32
    %broadcast_in_dim3A_849 = arith.constant 0.000000e+00 : f32
    %broadcast_in_dim3A_850 = vector.broadcast %broadcast_in_dim3A_849 : f32 to vector<4x2x128xf32>
    %convert_element_type3A_851 = arith.extui %lt3A_848 : i1 to i32
    %cond3A_852 = arith.constant 1.000000e+03 : f32
    %cond3A_853 = arith.constant 0 : i32
    %cond3A_854 = arith.cmpi ne, %convert_element_type3A_851, %cond3A_853 : i32
    %cond3A_855:3 = scf.if %cond3A_854 -> (vector<4x4x128xf32>, vector<4x2x128xf32>, vector<4x1x1xf32>) {
      %scan3A = arith.constant 0 : i32
      %scan3A_891 = arith.constant 256 : i32
      %scan3A_892 = arith.addi %scan3A, %scan3A_891 : i32
      %scan3A_893 = arith.constant 1 : i32
      %scan3A_894:3 = scf.for %scan3A_896 = %scan3A to %scan3A_892 step %scan3A_893 iter_args(%scan3A_897 = %slice3A_820, %scan3A_898 = %broadcast_in_dim3A_850, %scan3A_899 = %cond3A_819#2) -> (vector<4x4x128xf32>, vector<4x2x128xf32>, vector<4x1x1xf32>)  : i32 {
        %eq3A = vector.broadcast %scan3A_896 : i32 to vector<4x2x128xi32>
        %eq3A_900 = arith.cmpi eq, %add3A_19, %eq3A : vector<4x2x128xi32>
        %convert_element_type3A_901 = arith.extui %eq3A_900 : vector<4x2x128xi1> to vector<4x2x128xi32>
        %convert_element_type3A_902 = arith.sitofp %convert_element_type3A_901 : vector<4x2x128xi32> to vector<4x2x128xf32>
        %slice3A_903 = vector.extract_strided_slice %scan3A_897 {offsets = [0, 0, 0], sizes = [4, 2, 128], strides = [1, 1, 1]} : vector<4x4x128xf32> to vector<4x2x128xf32>
        %mul3A_904 = arith.mulf %slice3A_903, %convert_element_type3A_902 : vector<4x2x128xf32>
        %reduce_sum3A = arith.constant dense<0.000000e+00> : vector<4xf32>
        %reduce_sum3A_905 = vector.multi_reduction <add>, %mul3A_904, %reduce_sum3A [1, 2] : vector<4x2x128xf32> to vector<4xf32>
        %broadcast_in_dim3A_906 = vector.shape_cast %reduce_sum3A_905 : vector<4xf32> to vector<4x1x1xf32>
        %lt3A_907 = vector.broadcast %cond3A_852 : f32 to vector<4x1x1xf32>
        %lt3A_908 = arith.cmpf olt, %scan3A_899, %lt3A_907 : vector<4x1x1xf32>
        %convert_element_type3A_909 = arith.extui %lt3A_908 : vector<4x1x1xi1> to vector<4x1x1xi32>
        %convert_element_type3A_910 = arith.sitofp %convert_element_type3A_909 : vector<4x1x1xi32> to vector<4x1x1xf32>
        %mul3A_911 = arith.mulf %broadcast_in_dim3A_906, %convert_element_type3A_910 : vector<4x1x1xf32>
        %mul3A_912 = arith.mulf %slice3A_838, %convert_element_type3A_902 : vector<4x2x128xf32>
        %reduce_sum3A_913 = arith.constant dense<0.000000e+00> : vector<4xf32>
        %reduce_sum3A_914 = vector.multi_reduction <add>, %mul3A_912, %reduce_sum3A_913 [1, 2] : vector<4x2x128xf32> to vector<4xf32>
        %broadcast_in_dim3A_915 = vector.shape_cast %reduce_sum3A_914 : vector<4xf32> to vector<4x1x1xf32>
        %mul3A_916 = arith.mulf %slice3A_839, %convert_element_type3A_902 : vector<4x2x128xf32>
        %reduce_sum3A_917 = arith.constant dense<0.000000e+00> : vector<4xf32>
        %reduce_sum3A_918 = vector.multi_reduction <add>, %mul3A_916, %reduce_sum3A_917 [1, 2] : vector<4x2x128xf32> to vector<4xf32>
        %broadcast_in_dim3A_919 = vector.shape_cast %reduce_sum3A_918 : vector<4xf32> to vector<4x1x1xf32>
        %mul3A_920 = arith.mulf %slice3A_840, %convert_element_type3A_902 : vector<4x2x128xf32>
        %reduce_sum3A_921 = arith.constant dense<0.000000e+00> : vector<4xf32>
        %reduce_sum3A_922 = vector.multi_reduction <add>, %mul3A_920, %reduce_sum3A_921 [1, 2] : vector<4x2x128xf32> to vector<4xf32>
        %broadcast_in_dim3A_923 = vector.shape_cast %reduce_sum3A_922 : vector<4xf32> to vector<4x1x1xf32>
        %mul3A_924 = arith.mulf %slice3A_841, %convert_element_type3A_902 : vector<4x2x128xf32>
        %reduce_sum3A_925 = arith.constant dense<0.000000e+00> : vector<4xf32>
        %reduce_sum3A_926 = vector.multi_reduction <add>, %mul3A_924, %reduce_sum3A_925 [1, 2] : vector<4x2x128xf32> to vector<4xf32>
        %broadcast_in_dim3A_927 = vector.shape_cast %reduce_sum3A_926 : vector<4xf32> to vector<4x1x1xf32>
        %sub3A_928 = arith.subf %broadcast_in_dim3A_923, %broadcast_in_dim3A_915 : vector<4x1x1xf32>
        %add3A_929 = arith.constant 1.000000e+00 : f32
        %add3A_930 = vector.broadcast %add3A_929 : f32 to vector<4x1x1xf32>
        %add3A_931 = arith.addf %sub3A_928, %add3A_930 : vector<4x1x1xf32>
        %sub3A_932 = arith.subf %broadcast_in_dim3A_927, %broadcast_in_dim3A_919 : vector<4x1x1xf32>
        %add3A_933 = arith.constant 1.000000e+00 : f32
        %add3A_934 = vector.broadcast %add3A_933 : f32 to vector<4x1x1xf32>
        %add3A_935 = arith.addf %sub3A_932, %add3A_934 : vector<4x1x1xf32>
        %mul3A_936 = arith.mulf %add3A_931, %add3A_935 : vector<4x1x1xf32>
        %max3A = vector.broadcast %broadcast_in_dim3A_915 : vector<4x1x1xf32> to vector<4x4x128xf32>
        %max3A_937 = arith.maximumf %max3A, %slice3A_821 : vector<4x4x128xf32>
        %max3A_938 = vector.broadcast %broadcast_in_dim3A_919 : vector<4x1x1xf32> to vector<4x4x128xf32>
        %max3A_939 = arith.maximumf %max3A_938, %slice3A_822 : vector<4x4x128xf32>
        %min3A_940 = vector.broadcast %broadcast_in_dim3A_923 : vector<4x1x1xf32> to vector<4x4x128xf32>
        %min3A_941 = arith.minimumf %min3A_940, %slice3A_823 : vector<4x4x128xf32>
        %min3A_942 = vector.broadcast %broadcast_in_dim3A_927 : vector<4x1x1xf32> to vector<4x4x128xf32>
        %min3A_943 = arith.minimumf %min3A_942, %slice3A_824 : vector<4x4x128xf32>
        %sub3A_944 = arith.subf %min3A_941, %max3A_937 : vector<4x4x128xf32>
        %add3A_945 = arith.constant 1.000000e+00 : f32
        %add3A_946 = vector.broadcast %add3A_945 : f32 to vector<4x4x128xf32>
        %add3A_947 = arith.addf %sub3A_944, %add3A_946 : vector<4x4x128xf32>
        %max3A_948 = arith.constant 0.000000e+00 : f32
        %max3A_949 = vector.broadcast %max3A_948 : f32 to vector<4x4x128xf32>
        %max3A_950 = arith.maximumf %max3A_949, %add3A_947 : vector<4x4x128xf32>
        %sub3A_951 = arith.subf %min3A_943, %max3A_939 : vector<4x4x128xf32>
        %add3A_952 = arith.constant 1.000000e+00 : f32
        %add3A_953 = vector.broadcast %add3A_952 : f32 to vector<4x4x128xf32>
        %add3A_954 = arith.addf %sub3A_951, %add3A_953 : vector<4x4x128xf32>
        %max3A_955 = arith.constant 0.000000e+00 : f32
        %max3A_956 = vector.broadcast %max3A_955 : f32 to vector<4x4x128xf32>
        %max3A_957 = arith.maximumf %max3A_956, %add3A_954 : vector<4x4x128xf32>
        %mul3A_958 = arith.mulf %max3A_950, %max3A_957 : vector<4x4x128xf32>
        %add3A_959 = vector.broadcast %mul3A_936 : vector<4x1x1xf32> to vector<4x4x128xf32>
        %add3A_960 = arith.addf %add3A_959, %mul3A_833 : vector<4x4x128xf32>
        %sub3A_961 = arith.subf %add3A_960, %mul3A_958 : vector<4x4x128xf32>
        %div3A = arith.divf %mul3A_958, %sub3A_961 : vector<4x4x128xf32>
        %gt3A = arith.constant 0.000000e+00 : f32
        %gt3A_962 = vector.broadcast %gt3A : f32 to vector<4x1x1xf32>
        %gt3A_963 = arith.cmpf ogt, %mul3A_911, %gt3A_962 : vector<4x1x1xf32>
        %gt3A_964 = arith.constant 0.699999988 : f32
        %gt3A_965 = vector.broadcast %gt3A_964 : f32 to vector<4x4x128xf32>
        %gt3A_966 = arith.cmpf ogt, %div3A, %gt3A_965 : vector<4x4x128xf32>
        %and3A = vector.broadcast %gt3A_963 : vector<4x1x1xi1> to vector<4x4x128xi1>
        %and3A_967 = arith.andi %and3A, %gt3A_966 : vector<4x4x128xi1>
        %gt3A_968 = vector.broadcast %scan3A_896 : i32 to vector<4x4x128xi32>
        %gt3A_969 = arith.cmpi sgt, %sub3A_837, %gt3A_968 : vector<4x4x128xi32>
        %and3A_970 = arith.andi %and3A_967, %gt3A_969 : vector<4x4x128xi1>
        %convert_element_type3A_971 = arith.extui %and3A_970 : vector<4x4x128xi1> to vector<4x4x128xi32>
        %convert_element_type3A_972 = arith.sitofp %convert_element_type3A_971 : vector<4x4x128xi32> to vector<4x4x128xf32>
        %mul3A_973 = vector.broadcast %mul3A_911 : vector<4x1x1xf32> to vector<4x2x128xf32>
        %mul3A_974 = arith.mulf %mul3A_973, %convert_element_type3A_902 : vector<4x2x128xf32>
        %max3A_975 = arith.maximumf %scan3A_898, %mul3A_974 : vector<4x2x128xf32>
        %sub3A_976 = arith.constant 1.000000e+00 : f32
        %sub3A_977 = vector.broadcast %sub3A_976 : f32 to vector<4x4x128xf32>
        %sub3A_978 = arith.subf %sub3A_977, %convert_element_type3A_972 : vector<4x4x128xf32>
        %mul3A_979 = arith.mulf %scan3A_897, %sub3A_978 : vector<4x4x128xf32>
        %add3A_980 = arith.addf %scan3A_899, %mul3A_911 : vector<4x1x1xf32>
        scf.yield %mul3A_979, %max3A_975, %add3A_980 : vector<4x4x128xf32>, vector<4x2x128xf32>, vector<4x1x1xf32>
      }
      %scan3A_895 = arith.constant 256 : i32
      scf.yield %scan3A_894#0, %scan3A_894#1, %scan3A_894#2 : vector<4x4x128xf32>, vector<4x2x128xf32>, vector<4x1x1xf32>
    } else {
      scf.yield %slice3A_820, %broadcast_in_dim3A_850, %cond3A_819#2 : vector<4x4x128xf32>, vector<4x2x128xf32>, vector<4x1x1xf32>
    }
    %slice3A_856 = vector.extract_strided_slice %cond3A_855#0 {offsets = [0, 2, 0], sizes = [4, 2, 128], strides = [1, 1, 1]} : vector<4x4x128xf32> to vector<4x2x128xf32>
    %slice3A_857 = vector.extract_strided_slice %get3A_24 {offsets = [0, 46, 0], sizes = [4, 2, 128], strides = [1, 1, 1]} : vector<4x48x128xf32> to vector<4x2x128xf32>
    %slice3A_858 = vector.extract_strided_slice %get3A_28 {offsets = [0, 46, 0], sizes = [4, 2, 128], strides = [1, 1, 1]} : vector<4x48x128xf32> to vector<4x2x128xf32>
    %slice3A_859 = vector.extract_strided_slice %get3A_32 {offsets = [0, 46, 0], sizes = [4, 2, 128], strides = [1, 1, 1]} : vector<4x48x128xf32> to vector<4x2x128xf32>
    %slice3A_860 = vector.extract_strided_slice %get3A_36 {offsets = [0, 46, 0], sizes = [4, 2, 128], strides = [1, 1, 1]} : vector<4x48x128xf32> to vector<4x2x128xf32>
    %sub3A_861 = arith.subf %slice3A_859, %slice3A_857 : vector<4x2x128xf32>
    %add3A_862 = arith.constant 1.000000e+00 : f32
    %add3A_863 = vector.broadcast %add3A_862 : f32 to vector<4x2x128xf32>
    %add3A_864 = arith.addf %sub3A_861, %add3A_863 : vector<4x2x128xf32>
    %sub3A_865 = arith.subf %slice3A_860, %slice3A_858 : vector<4x2x128xf32>
    %add3A_866 = arith.constant 1.000000e+00 : f32
    %add3A_867 = vector.broadcast %add3A_866 : f32 to vector<4x2x128xf32>
    %add3A_868 = arith.addf %sub3A_865, %add3A_867 : vector<4x2x128xf32>
    %mul3A_869 = arith.mulf %add3A_864, %add3A_868 : vector<4x2x128xf32>
    %slice3A_870 = vector.extract_strided_slice %add3A {offsets = [0, 46, 0], sizes = [4, 2, 128], strides = [1, 1, 1]} : vector<4x48x128xi32> to vector<4x2x128xi32>
    %sub3A_871 = arith.constant 5888 : i32
    %sub3A_872 = vector.broadcast %sub3A_871 : i32 to vector<4x2x128xi32>
    %sub3A_873 = arith.subi %slice3A_870, %sub3A_872 : vector<4x2x128xi32>
    %reduce_min3A_874 = vector.shape_cast %cond3A_855#2 : vector<4x1x1xf32> to vector<1x4x1x1xf32>
    %reduce_min3A_875 = arith.constant dense<0x7F800000> : vector<1xf32>
    %reduce_min3A_876 = vector.multi_reduction <minimumf>, %reduce_min3A_874, %reduce_min3A_875 [1, 2, 3] : vector<1x4x1x1xf32> to vector<1xf32>
    %reduce_min3A_877 = vector.shape_cast %reduce_min3A_876 : vector<1xf32> to vector<1x1x1x1xf32>
    %reduce_min3A_878 = vector.extract %reduce_min3A_877[0, 0, 0, 0] : f32 from vector<1x1x1x1xf32>
    %lt3A_879 = arith.constant 1.000000e+03 : f32
    %lt3A_880 = arith.cmpf olt, %reduce_min3A_878, %lt3A_879 : f32
    %broadcast_in_dim3A_881 = arith.constant 0.000000e+00 : f32
    %broadcast_in_dim3A_882 = vector.broadcast %broadcast_in_dim3A_881 : f32 to vector<4x2x128xf32>
    %convert_element_type3A_883 = arith.extui %lt3A_880 : i1 to i32
    %cond3A_884 = arith.constant 1.000000e+03 : f32
    %cond3A_885 = arith.constant 0 : i32
    %cond3A_886 = arith.cmpi ne, %convert_element_type3A_883, %cond3A_885 : i32
    %cond3A_887 = scf.if %cond3A_886 -> (vector<4x2x128xf32>) {
      %scan3A = arith.constant 0 : i32
      %scan3A_891 = arith.constant 256 : i32
      %scan3A_892 = arith.addi %scan3A, %scan3A_891 : i32
      %scan3A_893 = arith.constant 1 : i32
      %scan3A_894:3 = scf.for %scan3A_896 = %scan3A to %scan3A_892 step %scan3A_893 iter_args(%scan3A_897 = %slice3A_856, %scan3A_898 = %broadcast_in_dim3A_882, %scan3A_899 = %cond3A_855#2) -> (vector<4x2x128xf32>, vector<4x2x128xf32>, vector<4x1x1xf32>)  : i32 {
        %eq3A = vector.broadcast %scan3A_896 : i32 to vector<4x2x128xi32>
        %eq3A_900 = arith.cmpi eq, %add3A_19, %eq3A : vector<4x2x128xi32>
        %convert_element_type3A_901 = arith.extui %eq3A_900 : vector<4x2x128xi1> to vector<4x2x128xi32>
        %convert_element_type3A_902 = arith.sitofp %convert_element_type3A_901 : vector<4x2x128xi32> to vector<4x2x128xf32>
        %mul3A_903 = arith.mulf %scan3A_897, %convert_element_type3A_902 : vector<4x2x128xf32>
        %reduce_sum3A = arith.constant dense<0.000000e+00> : vector<4xf32>
        %reduce_sum3A_904 = vector.multi_reduction <add>, %mul3A_903, %reduce_sum3A [1, 2] : vector<4x2x128xf32> to vector<4xf32>
        %broadcast_in_dim3A_905 = vector.shape_cast %reduce_sum3A_904 : vector<4xf32> to vector<4x1x1xf32>
        %lt3A_906 = vector.broadcast %cond3A_884 : f32 to vector<4x1x1xf32>
        %lt3A_907 = arith.cmpf olt, %scan3A_899, %lt3A_906 : vector<4x1x1xf32>
        %convert_element_type3A_908 = arith.extui %lt3A_907 : vector<4x1x1xi1> to vector<4x1x1xi32>
        %convert_element_type3A_909 = arith.sitofp %convert_element_type3A_908 : vector<4x1x1xi32> to vector<4x1x1xf32>
        %mul3A_910 = arith.mulf %broadcast_in_dim3A_905, %convert_element_type3A_909 : vector<4x1x1xf32>
        %mul3A_911 = arith.mulf %slice3A_857, %convert_element_type3A_902 : vector<4x2x128xf32>
        %reduce_sum3A_912 = arith.constant dense<0.000000e+00> : vector<4xf32>
        %reduce_sum3A_913 = vector.multi_reduction <add>, %mul3A_911, %reduce_sum3A_912 [1, 2] : vector<4x2x128xf32> to vector<4xf32>
        %broadcast_in_dim3A_914 = vector.shape_cast %reduce_sum3A_913 : vector<4xf32> to vector<4x1x1xf32>
        %mul3A_915 = arith.mulf %slice3A_858, %convert_element_type3A_902 : vector<4x2x128xf32>
        %reduce_sum3A_916 = arith.constant dense<0.000000e+00> : vector<4xf32>
        %reduce_sum3A_917 = vector.multi_reduction <add>, %mul3A_915, %reduce_sum3A_916 [1, 2] : vector<4x2x128xf32> to vector<4xf32>
        %broadcast_in_dim3A_918 = vector.shape_cast %reduce_sum3A_917 : vector<4xf32> to vector<4x1x1xf32>
        %mul3A_919 = arith.mulf %slice3A_859, %convert_element_type3A_902 : vector<4x2x128xf32>
        %reduce_sum3A_920 = arith.constant dense<0.000000e+00> : vector<4xf32>
        %reduce_sum3A_921 = vector.multi_reduction <add>, %mul3A_919, %reduce_sum3A_920 [1, 2] : vector<4x2x128xf32> to vector<4xf32>
        %broadcast_in_dim3A_922 = vector.shape_cast %reduce_sum3A_921 : vector<4xf32> to vector<4x1x1xf32>
        %mul3A_923 = arith.mulf %slice3A_860, %convert_element_type3A_902 : vector<4x2x128xf32>
        %reduce_sum3A_924 = arith.constant dense<0.000000e+00> : vector<4xf32>
        %reduce_sum3A_925 = vector.multi_reduction <add>, %mul3A_923, %reduce_sum3A_924 [1, 2] : vector<4x2x128xf32> to vector<4xf32>
        %broadcast_in_dim3A_926 = vector.shape_cast %reduce_sum3A_925 : vector<4xf32> to vector<4x1x1xf32>
        %sub3A_927 = arith.subf %broadcast_in_dim3A_922, %broadcast_in_dim3A_914 : vector<4x1x1xf32>
        %add3A_928 = arith.constant 1.000000e+00 : f32
        %add3A_929 = vector.broadcast %add3A_928 : f32 to vector<4x1x1xf32>
        %add3A_930 = arith.addf %sub3A_927, %add3A_929 : vector<4x1x1xf32>
        %sub3A_931 = arith.subf %broadcast_in_dim3A_926, %broadcast_in_dim3A_918 : vector<4x1x1xf32>
        %add3A_932 = arith.constant 1.000000e+00 : f32
        %add3A_933 = vector.broadcast %add3A_932 : f32 to vector<4x1x1xf32>
        %add3A_934 = arith.addf %sub3A_931, %add3A_933 : vector<4x1x1xf32>
        %mul3A_935 = arith.mulf %add3A_930, %add3A_934 : vector<4x1x1xf32>
        %max3A = vector.broadcast %broadcast_in_dim3A_914 : vector<4x1x1xf32> to vector<4x2x128xf32>
        %max3A_936 = arith.maximumf %max3A, %slice3A_857 : vector<4x2x128xf32>
        %max3A_937 = vector.broadcast %broadcast_in_dim3A_918 : vector<4x1x1xf32> to vector<4x2x128xf32>
        %max3A_938 = arith.maximumf %max3A_937, %slice3A_858 : vector<4x2x128xf32>
        %min3A_939 = vector.broadcast %broadcast_in_dim3A_922 : vector<4x1x1xf32> to vector<4x2x128xf32>
        %min3A_940 = arith.minimumf %min3A_939, %slice3A_859 : vector<4x2x128xf32>
        %min3A_941 = vector.broadcast %broadcast_in_dim3A_926 : vector<4x1x1xf32> to vector<4x2x128xf32>
        %min3A_942 = arith.minimumf %min3A_941, %slice3A_860 : vector<4x2x128xf32>
        %sub3A_943 = arith.subf %min3A_940, %max3A_936 : vector<4x2x128xf32>
        %add3A_944 = arith.constant 1.000000e+00 : f32
        %add3A_945 = vector.broadcast %add3A_944 : f32 to vector<4x2x128xf32>
        %add3A_946 = arith.addf %sub3A_943, %add3A_945 : vector<4x2x128xf32>
        %max3A_947 = arith.constant 0.000000e+00 : f32
        %max3A_948 = vector.broadcast %max3A_947 : f32 to vector<4x2x128xf32>
        %max3A_949 = arith.maximumf %max3A_948, %add3A_946 : vector<4x2x128xf32>
        %sub3A_950 = arith.subf %min3A_942, %max3A_938 : vector<4x2x128xf32>
        %add3A_951 = arith.constant 1.000000e+00 : f32
        %add3A_952 = vector.broadcast %add3A_951 : f32 to vector<4x2x128xf32>
        %add3A_953 = arith.addf %sub3A_950, %add3A_952 : vector<4x2x128xf32>
        %max3A_954 = arith.constant 0.000000e+00 : f32
        %max3A_955 = vector.broadcast %max3A_954 : f32 to vector<4x2x128xf32>
        %max3A_956 = arith.maximumf %max3A_955, %add3A_953 : vector<4x2x128xf32>
        %mul3A_957 = arith.mulf %max3A_949, %max3A_956 : vector<4x2x128xf32>
        %add3A_958 = vector.broadcast %mul3A_935 : vector<4x1x1xf32> to vector<4x2x128xf32>
        %add3A_959 = arith.addf %add3A_958, %mul3A_869 : vector<4x2x128xf32>
        %sub3A_960 = arith.subf %add3A_959, %mul3A_957 : vector<4x2x128xf32>
        %div3A = arith.divf %mul3A_957, %sub3A_960 : vector<4x2x128xf32>
        %gt3A = arith.constant 0.000000e+00 : f32
        %gt3A_961 = vector.broadcast %gt3A : f32 to vector<4x1x1xf32>
        %gt3A_962 = arith.cmpf ogt, %mul3A_910, %gt3A_961 : vector<4x1x1xf32>
        %gt3A_963 = arith.constant 0.699999988 : f32
        %gt3A_964 = vector.broadcast %gt3A_963 : f32 to vector<4x2x128xf32>
        %gt3A_965 = arith.cmpf ogt, %div3A, %gt3A_964 : vector<4x2x128xf32>
        %and3A = vector.broadcast %gt3A_962 : vector<4x1x1xi1> to vector<4x2x128xi1>
        %and3A_966 = arith.andi %and3A, %gt3A_965 : vector<4x2x128xi1>
        %gt3A_967 = vector.broadcast %scan3A_896 : i32 to vector<4x2x128xi32>
        %gt3A_968 = arith.cmpi sgt, %sub3A_873, %gt3A_967 : vector<4x2x128xi32>
        %and3A_969 = arith.andi %and3A_966, %gt3A_968 : vector<4x2x128xi1>
        %convert_element_type3A_970 = arith.extui %and3A_969 : vector<4x2x128xi1> to vector<4x2x128xi32>
        %convert_element_type3A_971 = arith.sitofp %convert_element_type3A_970 : vector<4x2x128xi32> to vector<4x2x128xf32>
        %mul3A_972 = vector.broadcast %mul3A_910 : vector<4x1x1xf32> to vector<4x2x128xf32>
        %mul3A_973 = arith.mulf %mul3A_972, %convert_element_type3A_902 : vector<4x2x128xf32>
        %max3A_974 = arith.maximumf %scan3A_898, %mul3A_973 : vector<4x2x128xf32>
        %sub3A_975 = arith.constant 1.000000e+00 : f32
        %sub3A_976 = vector.broadcast %sub3A_975 : f32 to vector<4x2x128xf32>
        %sub3A_977 = arith.subf %sub3A_976, %convert_element_type3A_971 : vector<4x2x128xf32>
        %mul3A_978 = arith.mulf %scan3A_897, %sub3A_977 : vector<4x2x128xf32>
        %add3A_979 = arith.addf %scan3A_899, %mul3A_910 : vector<4x1x1xf32>
        scf.yield %mul3A_978, %max3A_974, %add3A_979 : vector<4x2x128xf32>, vector<4x2x128xf32>, vector<4x1x1xf32>
      }
      %scan3A_895 = arith.constant 256 : i32
      scf.yield %scan3A_894#1 : vector<4x2x128xf32>
    } else {
      scf.yield %broadcast_in_dim3A_882 : vector<4x2x128xf32>
    }
    %concatenate3A = tpu.concatenate %cond3A_63#1, %cond3A_99#1, %cond3A_135#1, %cond3A_171#1, %cond3A_207#1, %cond3A_243#1, %cond3A_279#1, %cond3A_315#1, %cond3A_351#1, %cond3A_387#1, %cond3A_423#1, %cond3A_459#1, %cond3A_495#1, %cond3A_531#1, %cond3A_567#1, %cond3A_603#1, %cond3A_639#1, %cond3A_675#1, %cond3A_711#1, %cond3A_747#1, %cond3A_783#1, %cond3A_819#1, %cond3A_855#1, %cond3A_887 in 1 : vector<4x2x128xf32>, vector<4x2x128xf32>, vector<4x2x128xf32>, vector<4x2x128xf32>, vector<4x2x128xf32>, vector<4x2x128xf32>, vector<4x2x128xf32>, vector<4x2x128xf32>, vector<4x2x128xf32>, vector<4x2x128xf32>, vector<4x2x128xf32>, vector<4x2x128xf32>, vector<4x2x128xf32>, vector<4x2x128xf32>, vector<4x2x128xf32>, vector<4x2x128xf32>, vector<4x2x128xf32>, vector<4x2x128xf32>, vector<4x2x128xf32>, vector<4x2x128xf32>, vector<4x2x128xf32>, vector<4x2x128xf32>, vector<4x2x128xf32>, vector<4x2x128xf32> -> vector<4x48x128xf32>
    %swap3A = arith.constant 0 : index
    %swap3A_888 = arith.constant 0 : index
    %swap3A_889 = arith.constant 0 : index
    %swap3A_890 = vector.load %arg5[%swap3A, %swap3A_888, %swap3A_889] : memref<4x48x128xf32, #tpu.memory_space<vmem>>, vector<4x48x128xf32>
    tpu.vector_store %arg5[%swap3A, %swap3A_888, %swap3A_889], %concatenate3A {strides = array<i32>} : memref<4x48x128xf32, #tpu.memory_space<vmem>>, vector<4x48x128xf32>,
    return
  }
}

</mosaic_0001>

<sc_bundles>
// kernel: kernel.12.cloned.1.call-start
scs
__scs_entry_jumppad:
0x0: {  	(pc) =	sbr.rel $0x88, $3  }
0x1: {  	(tag) =	ssettag $0x0;
	lr =	simm.s32 $0x1  }
0x2: {  	[smem:$0x3F9F] =	sst lr;
	_ =	strace $0xD0000000  }
0x3: {  	_ = 	snop  }
0x4: {  	_ = 	snop  }
0x5: {  	_ = 	snop  }
0x6: {  	_ = 	snop  }
0x7: {  	_ = 	snop  }
__scs_overlays_trampoline_lowered:
0x8: {  	[smem:$0x3FAE] =	sst s0  }
0x9: {  	[smem:$0x3FAF] =	sst s1  }
0xa: {  	[smem:$0x3FB0] =	sst s2  }
0xb: {  	[smem:$0x3FB1] =	sst s3  }
0xc: {  	[smem:$0x3FB2] =	sst s4  }
0xd: {  	[smem:$0x3FB3] =	sst s5  }
0xe: {  	[smem:$0x3FB4] =	sst s6  }
0xf: {  	[smem:$0x3FB5] =	sst s7  }
0x10: {  	[smem:$0x3FB6] =	sst s8  }
0x11: {  	[smem:$0x3FB7] =	sst s9;
	s0 =	simm.s32 @!p0 $0x0  }
0x12: {  	s1 =	sld [smem:$0x3F9D];
	s0 =	simm.s32 @p0 $0x1  }
0x13: {  	[smem:$0x3FB8] =	sst s0;
	s0 =	simm.s32 @!p1 $0x0  }
0x14: {  	s2 =	sld [smem:$0x3F9C];
	s0 =	simm.s32 @p1 $0x1  }
0x15: {  	[smem:$0x3FB9] =	sst s0;
	s0 =	simm.s32 @!p2 $0x0  }
0x16: {  	s3 =	sld [smem:$0x3FDB];
	s0 =	simm.s32 @p2 $0x1  }
0x17: {  	s4 =	simm.s32 $0x1BF5;
	[smem:$0x3FBB] =	sst s0  }
0x18: {  	s0 =	sld [smem:$0x3F9E];
	_ =	swait.ge [sflag:s4], $0x0  }
0x19: {  	s7 =	sld [smem:$0x3F9F]  }
0x1a: {  	s8 =	sadd.s32 $0xFFFFE003, lr  }
0x1b: {  	s9 =	sadd.s32 $0xFFFFFEF7, lr;
	s5 =	simm.s32 $0xFFFFFFFF;
	p2 =	slt.u32 s8, $0xFFFFF086  }
0x1c: {  	p1 =	slt.u32 s9, $0xF7A;
	s5 =	simm.s32 @!p2 $0x0  }
0x1d: {  	s5 =	simm.s32 @p1 $0x1;
	p0 =	seq.s32 s7, s2  }
0x1e: {  	s7 =	smul.u32 @!p0 $0xF7A, s2;
	p2 =	seq.s32 @!p0 s5, $0x0  }
0x1f: {  	s9 =	smul.u32 $0xF7A, s1;
	s8 =	simm.s32 @!p0 $0x1BF5;
	p2 =	por !p2, p0  }
0x20: {  	[sflag:s8] =	ssyncset.s32 @!p0 $0xFFFFF086;
	s6 =	sadd.s32 @!p0 s3, s7;
	s7 =	simm.s32 @!p0 $0x108  }
0x21: {  	s3 =	sadd.s32 s3, s9;
	s6 =	sadd.s32 @!p0 $0x88, s6;
	s7 =	simm.s32 @p2 $0x1082  }
0x22: {  	[simem:s7], [sflag:s8] =	dma.local @!p0 [hbm:s6], $0xF7A  }
0x23: {  	s9 =	sor.u32 $0xD0000000, s2;
	s6 =	simm.s32 $0x108;
	_ =	swait.ge @!p0 [sflag:s8], $0x0  }
0x24: {  	s3 =	sadd.s32 $0x88, s3;
	s6 =	simm.s32 @!p1 $0x1082;
	[sflag:s4] =	ssyncset.s32 $0xFFFFF086  }
0x25: {  	[simem:s6], [sflag:s4] =	dma.local [hbm:s3], $0xF7A  }
0x26: {  	[smem:$0x3F9F] =	sst s1;
	(tag) =	ssettag s2;
	_ =	strace s9  }
0x27: {  	s1 =	sld [smem:$0x3FAF]  }
0x28: {  	s2 =	sld [smem:$0x3FB0]  }
0x29: {  	s4 =	sld [smem:$0x3FB2]  }
0x2a: {  	p0 =	seq.s32 s5, $0x0;
	s5 =	sld [smem:$0x3FB3]  }
0x2b: {  	s6 =	sld [smem:$0x3FB4]  }
0x2c: {  	s7 =	sld [smem:$0x3FB5]  }
0x2d: {  	s3 =	simm.s32 $0x108;
	s8 =	sld [smem:$0x3FB6]  }
0x2e: {  	s3 =	simm.s32 @!p0 $0x1082;
	s9 =	sld [smem:$0x3FB7]  }
0x2f: {  	lr =	sadd.s32 s0, s3;
	s0 =	sld [smem:$0x3FAE]  }
0x30: {  	s3 =	sld [smem:$0x3FB1]  }
0x31: {  	[smem:$0x3FBA] =	sst s10  }
0x32: {  	s10 =	sld [smem:$0x3FB8];
	_ =	sdelay $0x3  }
0x33: {  	p0 =	seq.s32 s10, $0x1;
	s10 =	sld [smem:$0x3FBA];
	_ =	sdelay $0x3  }
0x34: {  	[smem:$0x3FBA] =	sst s10  }
0x35: {  	s10 =	sld [smem:$0x3FB9];
	_ =	sdelay $0x3  }
0x36: {  	p1 =	seq.s32 s10, $0x1;
	s10 =	sld [smem:$0x3FBA];
	_ =	sdelay $0x3  }
0x37: {  	[smem:$0x3FBA] =	sst s10  }
0x38: {  	s10 =	sld [smem:$0x3FBB]  }
0x39: {  	_ = 	snop;
	(pc) =	sbr.ind lr, $3  }
0x3a: {  	_ = 	snop  }
0x3b: {  	_ = 	snop  }
0x3c: {  	p2 =	seq.s32 s10, $0x1;
	s10 =	sld [smem:$0x3FBA]  }
0x3d: {  	_ =	shalt  }
0x3e: {  	_ =	shalt  }
0x3f: {  	_ =	shalt  }
0x40: {  	_ =	shalt  }
0x41: {  	_ =	shalt  }
0x42: {  	_ =	shalt  }
0x43: {  	_ =	shalt  }
0x44: {  	_ =	shalt  }
0x45: {  	_ =	shalt  }
0x46: {  	_ =	shalt  }
0x47: {  	_ =	shalt  }
0x48: {  	_ =	shalt  }
0x49: {  	_ =	shalt  }
0x4a: {  	_ =	shalt  }
0x4b: {  	_ =	shalt  }
0x4c: {  	_ =	shalt  }
0x4d: {  	_ =	shalt  }
0x4e: {  	_ =	shalt  }
0x4f: {  	_ =	shalt  }
0x50: {  	_ =	shalt  }
0x51: {  	_ =	shalt  }
0x52: {  	_ =	shalt  }
0x53: {  	_ =	shalt  }
0x54: {  	_ =	shalt  }
0x55: {  	_ =	shalt  }
0x56: {  	_ =	shalt  }
0x57: {  	_ =	shalt  }
0x58: {  	_ =	shalt  }
0x59: {  	_ =	shalt  }
0x5a: {  	_ =	shalt  }
0x5b: {  	_ =	shalt  }
0x5c: {  	_ =	shalt  }
0x5d: {  	_ =	shalt  }
0x5e: {  	_ =	shalt  }
0x5f: {  	_ =	shalt  }
0x60: {  	_ =	shalt  }
0x61: {  	_ =	shalt  }
0x62: {  	_ =	shalt  }
0x63: {  	_ =	shalt  }
0x64: {  	_ =	shalt  }
0x65: {  	_ =	shalt  }
0x66: {  	_ =	shalt  }
0x67: {  	_ =	shalt  }
0x68: {  	_ =	shalt  }
0x69: {  	_ =	shalt  }
0x6a: {  	_ =	shalt  }
0x6b: {  	_ =	shalt  }
0x6c: {  	_ =	shalt  }
0x6d: {  	_ =	shalt  }
0x6e: {  	_ =	shalt  }
0x6f: {  	_ =	shalt  }
0x70: {  	_ =	shalt  }
0x71: {  	_ =	shalt  }
0x72: {  	_ =	shalt  }
0x73: {  	_ =	shalt  }
0x74: {  	_ =	shalt  }
0x75: {  	_ =	shalt  }
0x76: {  	_ =	shalt  }
0x77: {  	_ =	shalt  }
0x78: {  	_ =	shalt  }
0x79: {  	_ =	shalt  }
0x7a: {  	_ =	shalt  }
0x7b: {  	_ =	shalt  }
0x7c: {  	_ =	shalt  }
0x7d: {  	_ =	shalt  }
0x7e: {  	_ =	shalt  }
0x7f: {  	_ =	shalt  }
0x80: {  	_ =	shalt  }
0x81: {  	_ =	shalt  }
0x82: {  	_ =	shalt  }
0x83: {  	_ =	shalt  }
0x84: {  	_ =	shalt  }
0x85: {  	_ =	shalt  }
0x86: {  	_ =	shalt  }
0x87: {  	_ =	shalt  }
.Lfunc_end0:
.L_simem_size_0:
called_computation.1_lowered:
.L_overlay_start_0:
0x88: {  	s2 =	sld [smem:$0x3FD9]  }
0x89: {  	s3 =	sld [smem:$0x3FFE];
	_ =	sdelay $0x1  }
0x8a: {  	s1 =	srdreg.scid  }
0x8b: {  	s0 =	sand.u32 $0x1, s1  }
0x8c: {  	s16 =	sshll.u32 s0, $0xA;
	s2 =	sadd.s32 s3, s2  }
0x8d: {  	s2 =	sadd.s32 s2, s16  }
0x8e: {  	[smem:$0x3FC6] =	sst s2  }
0x8f: {  	_ = 	snop  }
0x90: {  	(tm) =	ssettm $0x1  }
0x91: {  	s17 =	sld [smem:$0x3FFB];
	_ =	sdelay $0x3  }
0x92: {  	_ =	strace s17  }
0x93: {  	s2 =	sld [smem:$0x3FFC];
	_ =	sdelay $0x3  }
0x94: {  	_ =	strace s2  }
0x95: {  	s2 =	sld [smem:$0x3FFD];
	_ =	sdelay $0x3  }
0x96: {  	_ =	strace s2  }
0x97: {  	_ =	strace $0x8FFFFFFF  }
0x98: {  	s18 =	sld [smem:$0x3FDB];
	_ =	sdelay $0x1  }
0x99: {  	s19 =	simm.s32 $_scs_section_size  }
0x9a: {  	s4 =	simm.s32 $_size__tile_overlayer_lowered;
	s5 =	simm.s32 $_tile_overlayer_lowered  }
0x9b: {  	s22 =	simm.s32 $0x1BFF;
	s21 =	sshll.u32 s5, $0x1;
	s2 =	sadd.s32 s19, s18  }
0x9c: {  	s6 =	simm.s32 $0x0;
	s20 =	sshll.u32 s4, $0x1;
	s4 =	sadd.s32 s21, s2  }
0x9d: {  	[timem:s6], [sflag:s22] =	dma.local [hbm:s4], s20  }
0x9e: {  	_ =	swait.ge [sflag:s22], s20  }
0x9f: {  	s3 =	ssub.s32 $0x0, s20;
	[sflag:s22] =	ssyncset.done $0x0  }
0xa0: {  	[sflag:s22] =	ssyncadd.s32 s3;
	_ =	sdelay $0x1  }
0xa1: {  	s23 =	simm.s32 $0x1B8B  }
0xa2: {  	_ =	swait.ge [sflag:s23], $0x1  }
0xa3: {  	[sflag:s23] =	ssyncset.done $0x0  }
0xa4: {  	s25 =	simm.s32 $0x1B8E;
	s24 =	sld [smem:$0x3FFE];
	[sflag:s23] =	ssyncadd.s32 $0xFFFFFFFF  }
0xa5: {  	s26 =	simm.s32 $execute0_lowered;
	[smem:$0x3FD2] =	sst s25  }
0xa6: {  	s4 =	sshll.u32 s26, $0x1;
	_ =	strace $0x80000049;
	[dreg:$0x1] =	wrdreg $0xFFFFFFFF  }
0xa7: {  	s28 =	simm.s32 $_size_execute0_lowered;
	s2 =	sadd.s32 s2, s4;
	[dreg:$0x0] =	wrdreg $0x0  }
0xa8: {  	s4 =	sshll.u32 s28, $0x1;
	[dreg:$0x2] =	wrdreg s2  }
0xa9: {  	[dreg:$0x3] =	wrdreg s4  }
0xaa: {  	[dreg:$0x4] =	wrdreg $0xC0  }
0xab: {  	_ =	task [dreg:s6], $0x5FFFF  }
0xac: {  	[dreg:$0x1] =	wrdreg $0xFFFFFFFF  }
0xad: {  	[dreg:$0x0] =	wrdreg $0x60  }
0xae: {  	[dreg:$0x2] =	wrdreg s24  }
0xaf: {  	[dreg:$0x3] =	wrdreg $0x9  }
0xb0: {  	_ =	task.clear_ibuf [dreg:s6], $0x4FFFF;
	_ =	strace $0x90000049  }
0xb1: {  	s29 =	simm.s32 $0x9;
	_ =	strace $0x8000004B  }
0xb2: {  	_ =	swait.ge [sflag:s29], $0x1  }
0xb3: {  	[sflag:s29] =	ssyncadd.s32 $0xFFFFFFFF  }
0xb4: {  	_ =	strace $0x9000004B  }
0xb5: {  	_ =	sfence  }
0xb6: {  	s30 =	sld [smem:$0x0];
	_ =	sdelay $0x2  }
0xb7: {  	s31 =	sshll.u32 s1, $0xD;
	s1 =	sshrl.u32 s1, $0x2  }
0xb8: {  	s3 =	sand.u32 $0x4000, s31;
	s1 =	sadd.s32 s1, s30  }
0xb9: {  	s0 =	sor.u32 s3, s0;
	s1 =	sshll.u32 s1, $0x11  }
0xba: {  	s0 =	sor.u32 s1, s0  }
0xbb: {  	s0 =	sadd.s32 $0x8F2B, s0  }
0xbc: {  	[sflag:s0] =	ssyncadd.remote.s32 $0x1  }
0xbd: {  	_ =	sfence.sel $0xFFFF  }
0xbe: {  	[dreg:$0x0] =	wrdreg $0xFFFFFFFF;
	(pc) =	sbr.abs _section_cstart, $3  }
0xbf: {  	[dreg:$0x1] =	wrdreg $0xFFFFFFFF  }
0xc0: {  	_ =	task.clear_ibuf [dreg:s6], $0x2FFFF;
	_ =	strace $0x9FFFFFFF  }
0xc1: {  	(tm) =	ssettm $0x7FFFFFFF  }
tec
execute0_lowered:
.L_overlay_start_1:
0x0: {  	(tag) =	ssettag $0x1  }
0x1: {  	s0 =	srdreg.scid  }
0x2: {  	s9 =	sand.u32 $0x1, s0  }
0x3: {  	s1 =	stileid.u32;
	s4 =	sshll.u32 s9, $0x4  }
0x4: {  	s4 =	sor.u32 s1, s4  }
0x5: {  	p0 =	sgt.u32 s4, $0x3  }
.Ltmp0:
0x6: {  	_ = 	snop;
	(pc) =	sbr.rel @p0 .LBB2_5-.Ltmp0, $4  }
0x7: {  	_ = 	snop  }
0x8: {  	s3 =	rddreg [dreg:$0x0];
	s2 =	simm.s32 $0x0  }
0x9: {  	[smem:$0x7FF] =	sst s2  }
0xa: {  	s0 =	rddreg [dreg:$0x1];
	_ =	strace $0x8000004A  }
0xb: {  	s13 =	sshll.u32 s1, $0x4  }
0xc: {  	s14 =	sadd.s32 $0x800, s3;
	s15 =	ssub.s32 $0x2, s9;
	s17 =	simm.s32 $0x1  }
0xd: {  	s18 =	simm.s32 $0x2000;
	s19 =	simm.s32 $0x4000;
	s20 =	simm.s32 $0x6000  }
0xe: {  	s21 =	simm.s32 $0x8000;
	s22 =	simm.s32 $0xA000;
	s23 =	simm.s32 $0xC000  }
0xf: {  	s24 =	simm.s32 $0xD800;
	s25 =	simm.s32 $0xF000;
	s26 =	simm.s32 $0x10800  }
0x10: {  	s28 =	simm.s32 $0x12000;
	s12 =	sadd.s32 s13, s3;
	s16 =	sshrl.u32 s15, $0x1  }
0x11: {  	s13 =	sadd.s32 s14, s13;
	s3 =	sadd.s32 $0x11000, s12;
	s4 =	sadd.s32 $0x12000, s12  }
0x12: {  	s5 =	sadd.s32 $0x13000, s12;
	s6 =	sadd.s32 $0x14000, s12;
	s7 =	sadd.s32 $0x15000, s12  }
0x13: {  	s8 =	sadd.s32 $0x1800, s12;
	s9 =	sadd.s32 $0x2400, s12;
	s10 =	sadd.s32 $0x3000, s12  }
0x14: {  	s11 =	sadd.s32 $0x3C00, s12;
	s12 =	sadd.s32 $0x4800, s12;
	s15 =	ssub.s32 s15, s16  }
0x15: {  	s16 =	simm.s32 $0x200;
	s14 =	smax.u32 s15, $0x1;
	s15 =	simm.s32 $0x80  }
.LBB2_2:
0x16: {  	s29 =	simm.s32 $0x0  }
0x17: {  	[tilespmem:s29], [sflag:$0x1] =	stream.strided.gather [hbm4b:s13+s15], $0x2000, s16, s15, $0x38;
	[tilespmem:$0x13800] =	vst v63  }
0x18: {  	_ =	swait.ge [sflag:s17], $0x2000  }
0x19: {  	[sflag:s17] =	ssyncset.done $0x0  }
0x1a: {  	[sflag:s17] =	ssyncadd.s32 $0xFFFFE000  }
0x1b: {  	[tilespmem:s18], [sflag:$0x1] =	stream.strided.gather [hbm4b:s3+s15], $0x2000, s16, s15, $0x38;
	[tilespmem:$0x13800] =	vst v63  }
0x1c: {  	_ =	swait.ge [sflag:s17], $0x2000  }
0x1d: {  	[sflag:s17] =	ssyncset.done $0x0  }
0x1e: {  	[sflag:s17] =	ssyncadd.s32 $0xFFFFE000  }
0x1f: {  	[tilespmem:s19], [sflag:$0x1] =	stream.strided.gather [hbm4b:s4+s15], $0x2000, s16, s15, $0x38;
	[tilespmem:$0x13800] =	vst v63  }
0x20: {  	_ =	swait.ge [sflag:s17], $0x2000  }
0x21: {  	[sflag:s17] =	ssyncset.done $0x0  }
0x22: {  	[sflag:s17] =	ssyncadd.s32 $0xFFFFE000  }
0x23: {  	[tilespmem:s20], [sflag:$0x1] =	stream.strided.gather [hbm4b:s5+s15], $0x2000, s16, s15, $0x38;
	[tilespmem:$0x13800] =	vst v63  }
0x24: {  	_ =	swait.ge [sflag:s17], $0x2000  }
0x25: {  	[sflag:s17] =	ssyncset.done $0x0  }
0x26: {  	[sflag:s17] =	ssyncadd.s32 $0xFFFFE000  }
0x27: {  	[tilespmem:s21], [sflag:$0x1] =	stream.strided.gather [hbm4b:s6+s15], $0x2000, s16, s15, $0x38;
	[tilespmem:$0x13800] =	vst v63  }
0x28: {  	_ =	swait.ge [sflag:s17], $0x2000  }
0x29: {  	[sflag:s17] =	ssyncset.done $0x0  }
0x2a: {  	[sflag:s17] =	ssyncadd.s32 $0xFFFFE000  }
0x2b: {  	[tilespmem:s22], [sflag:$0x1] =	stream.strided.gather [hbm4b:s7+s15], $0x2000, s16, s15, $0x38;
	[tilespmem:$0x13800] =	vst v63  }
0x2c: {  	_ =	swait.ge [sflag:s17], $0x2000  }
0x2d: {  	[sflag:s17] =	ssyncset.done $0x0  }
0x2e: {  	s30 =	simm.s32 $0x40;
	s29 =	simm.s32 $0x0;
	[sflag:s17] =	ssyncadd.s32 $0xFFFFE000  }
.LBB2_3:
0x2f: {  	p0 =	sne.s32 s30, $0x7FC0;
	v0 =	vld [tilespmem:s29+$0x0]  }
0x30: {  	v1 =	vld [tilespmem:s29+$0x2000];
	_ =	sdelay $0x3  }
0x31: {  	vm0 =	vlt.s32 v0, $0x1800  }
0x32: {  	v0 =	vnsel vm0, $0x0, v0;
	_ =	sdelay $0x4  }
0x33: {  	[tilespmem:v0+s23+$0x0] =	vst.idx.msk vm0, v1  }
0x34: {  	v1 =	vld [tilespmem:s29+$0x4000];
	_ =	sdelay $0x4  }
0x35: {  	[tilespmem:v0+s24+$0x0] =	vst.idx.msk vm0, v1  }
0x36: {  	v1 =	vld [tilespmem:s29+$0x6000];
	_ =	sdelay $0x4  }
0x37: {  	[tilespmem:v0+s25+$0x0] =	vst.idx.msk vm0, v1  }
0x38: {  	v1 =	vld [tilespmem:s29+$0x8000];
	_ =	sdelay $0x4  }
0x39: {  	[tilespmem:v0+s26+$0x0] =	vst.idx.msk vm0, v1  }
0x3a: {  	v1 =	vld [tilespmem:s29+$0xA000]  }
.Ltmp1:
0x3b: {  	(pc) =	sbr.rel @p0 .LBB2_3-.Ltmp1, $2  }
0x3c: {  	_ =	sdelay $0x2  }
0x3d: {  	s29 =	sshra.s32 s30, $0x2;
	s30 =	sadd.s32 $0x40, s30;
	[tilespmem:v0+s28+$0x0] =	vst.idx.msk vm0, v1  }
0x3e: {  	v0 =	vld [tilespmem:s29+$0x0];
	_ =	sdelay $0x4  }
0x3f: {  	vm0 =	vlt.s32 v0, $0x1800  }
0x40: {  	v1 =	vld [tilespmem:s29+$0x2000];
	v0 =	vnsel vm0, $0x0, v0;
	_ =	sdelay $0x4  }
0x41: {  	[tilespmem:v0+s23+$0x0] =	vst.idx.msk vm0, v1  }
0x42: {  	v1 =	vld [tilespmem:s29+$0x4000];
	_ =	sdelay $0x4  }
0x43: {  	[tilespmem:v0+s24+$0x0] =	vst.idx.msk vm0, v1  }
0x44: {  	v1 =	vld [tilespmem:s29+$0x6000];
	_ =	sdelay $0x4  }
0x45: {  	[tilespmem:v0+s25+$0x0] =	vst.idx.msk vm0, v1  }
0x46: {  	v1 =	vld [tilespmem:s29+$0x8000];
	_ =	sdelay $0x4  }
0x47: {  	[tilespmem:v0+s26+$0x0] =	vst.idx.msk vm0, v1  }
0x48: {  	v1 =	vld [tilespmem:s29+$0xA000];
	_ =	sdelay $0x4  }
0x49: {  	[tilespmem:v0+s28+$0x0] =	vst.idx.msk vm0, v1  }
0x4a: {  	[hbm4b:s8+s15] =	stream.strided.scatter [tilespmem:s23], [sflag:$0x1], $0x1800, s16, s15, $0x38;
	[tilespmem:$0x13800] =	vst v63  }
0x4b: {  	_ =	swait.ge [sflag:s17], $0x1800  }
0x4c: {  	[sflag:s17] =	ssyncset.done $0x0  }
0x4d: {  	[sflag:s17] =	ssyncadd.s32 $0xFFFFE800  }
0x4e: {  	[hbm4b:s9+s15] =	stream.strided.scatter [tilespmem:s24], [sflag:$0x1], $0x1800, s16, s15, $0x38;
	[tilespmem:$0x13800] =	vst v63  }
0x4f: {  	_ =	swait.ge [sflag:s17], $0x1800  }
0x50: {  	[sflag:s17] =	ssyncset.done $0x0  }
0x51: {  	[sflag:s17] =	ssyncadd.s32 $0xFFFFE800  }
0x52: {  	[hbm4b:s10+s15] =	stream.strided.scatter [tilespmem:s25], [sflag:$0x1], $0x1800, s16, s15, $0x38;
	[tilespmem:$0x13800] =	vst v63  }
0x53: {  	_ =	swait.ge [sflag:s17], $0x1800  }
0x54: {  	[sflag:s17] =	ssyncset.done $0x0  }
0x55: {  	[sflag:s17] =	ssyncadd.s32 $0xFFFFE800  }
0x56: {  	[hbm4b:s11+s15] =	stream.strided.scatter [tilespmem:s26], [sflag:$0x1], $0x1800, s16, s15, $0x38;
	[tilespmem:$0x13800] =	vst v63  }
0x57: {  	s2 =	sadd.s32 $0x1, s2;
	_ =	swait.ge [sflag:s17], $0x1800  }
0x58: {  	p0 =	sne.s32 s2, s14;
	[sflag:s17] =	ssyncset.done $0x0  }
.Ltmp2:
0x59: {  	[sflag:s17] =	ssyncadd.s32 $0xFFFFE800;
	(pc) =	sbr.rel @p0 .LBB2_2-.Ltmp2, $4  }
0x5a: {  	[hbm4b:s12+s15] =	stream.strided.scatter [tilespmem:s28], [sflag:$0x1], $0x1800, s16, s15, $0x38;
	[tilespmem:$0x13800] =	vst v63  }
0x5b: {  	_ =	swait.ge [sflag:s17], $0x1800  }
0x5c: {  	[sflag:s17] =	ssyncset.done $0x0  }
0x5d: {  	[sflag:s17] =	ssyncadd.s32 $0xFFFFE800  }
.LBB2_5:
0x5e: {  	_ =	sfence.sel $0x180000  }
0x5f: {  	[bflag:$0x0] =	sbarrier.arrive $0xFFFF  }
0x60: {  	p0 =	sne.s32 s1, $0x0;
	_ =	strace $0x9000004A  }
0x61: {  	s0 =	sadd.s32 @!p0 $0x100000, s0;
	[bflag:$0x2] =	sbarrier.arrive $0xFFFF  }
0x62: {  	[sflag:s0] =	ssyncadd.tile.s32 @!p0 $0x1;
	_ =	shalt  }
.Lfunc_end2:
_tile_overlayer_lowered:
.L_overlay_start_2:
0x63: {  	(tag) =	ssettag $0x2  }
0x64: {  	s0 =	rddreg [dreg:$0x0];
	s2 =	stileid.u32  }
0x65: {  	s1 =	rddreg [dreg:$0x1];
	p0 =	sne.s32 s2, $0x0  }
0x66: {  	s3 =	rddreg [dreg:$0x2];
	[bflag:$0x3] =	sbarrier.arrive $0xFFFF;
	s2 =	simm.s32 @!p0 $0x1C01  }
0x67: {  	[timem:s3], [sflag:s2] =	dma.local @!p0 [hbm:s0], s1  }
0x68: {  	s0 =	simm.s32 @!p0 $0x1  }
0x69: {  	_ =	swait.ge @!p0 [sflag:s0], s1  }
0x6a: {  	s1 =	ssub.s32 @!p0 $0x0, s1;
	[sflag:s0] =	ssyncset.done @!p0 $0x0  }
0x6b: {  	[sflag:s0] =	ssyncadd.s32 @!p0 s1  }
0x6c: {  	[bflag:$0x3] =	sbarrier.arrive $0xFFFF  }
0x6d: {  	_ =	shalt  }

// kernel: kernel.15.cloned.1.call-start
scs
__scs_entry_jumppad:
0x0: {  	(pc) =	sbr.rel $0x88, $3  }
0x1: {  	(tag) =	ssettag $0x0;
	lr =	simm.s32 $0x1  }
0x2: {  	[smem:$0x3F9F] =	sst lr;
	_ =	strace $0xD0000000  }
0x3: {  	_ = 	snop  }
0x4: {  	_ = 	snop  }
0x5: {  	_ = 	snop  }
0x6: {  	_ = 	snop  }
0x7: {  	_ = 	snop  }
__scs_overlays_trampoline_lowered:
0x8: {  	[smem:$0x3FAE] =	sst s0  }
0x9: {  	[smem:$0x3FAF] =	sst s1  }
0xa: {  	[smem:$0x3FB0] =	sst s2  }
0xb: {  	[smem:$0x3FB1] =	sst s3  }
0xc: {  	[smem:$0x3FB2] =	sst s4  }
0xd: {  	[smem:$0x3FB3] =	sst s5  }
0xe: {  	[smem:$0x3FB4] =	sst s6  }
0xf: {  	[smem:$0x3FB5] =	sst s7  }
0x10: {  	[smem:$0x3FB6] =	sst s8  }
0x11: {  	[smem:$0x3FB7] =	sst s9;
	s0 =	simm.s32 @!p0 $0x0  }
0x12: {  	s1 =	sld [smem:$0x3F9D];
	s0 =	simm.s32 @p0 $0x1  }
0x13: {  	[smem:$0x3FB8] =	sst s0;
	s0 =	simm.s32 @!p1 $0x0  }
0x14: {  	s2 =	sld [smem:$0x3F9C];
	s0 =	simm.s32 @p1 $0x1  }
0x15: {  	[smem:$0x3FB9] =	sst s0;
	s0 =	simm.s32 @!p2 $0x0  }
0x16: {  	s3 =	sld [smem:$0x3FDB];
	s0 =	simm.s32 @p2 $0x1  }
0x17: {  	s4 =	simm.s32 $0x1BF5;
	[smem:$0x3FBB] =	sst s0  }
0x18: {  	s0 =	sld [smem:$0x3F9E];
	_ =	swait.ge [sflag:s4], $0x0  }
0x19: {  	s7 =	sld [smem:$0x3F9F]  }
0x1a: {  	s8 =	sadd.s32 $0xFFFFE003, lr  }
0x1b: {  	s9 =	sadd.s32 $0xFFFFFEF7, lr;
	s5 =	simm.s32 $0xFFFFFFFF;
	p2 =	slt.u32 s8, $0xFFFFF086  }
0x1c: {  	p1 =	slt.u32 s9, $0xF7A;
	s5 =	simm.s32 @!p2 $0x0  }
0x1d: {  	s5 =	simm.s32 @p1 $0x1;
	p0 =	seq.s32 s7, s2  }
0x1e: {  	s7 =	smul.u32 @!p0 $0xF7A, s2;
	p2 =	seq.s32 @!p0 s5, $0x0  }
0x1f: {  	s9 =	smul.u32 $0xF7A, s1;
	s8 =	simm.s32 @!p0 $0x1BF5;
	p2 =	por !p2, p0  }
0x20: {  	[sflag:s8] =	ssyncset.s32 @!p0 $0xFFFFF086;
	s6 =	sadd.s32 @!p0 s3, s7;
	s7 =	simm.s32 @!p0 $0x108  }
0x21: {  	s3 =	sadd.s32 s3, s9;
	s6 =	sadd.s32 @!p0 $0x88, s6;
	s7 =	simm.s32 @p2 $0x1082  }
0x22: {  	[simem:s7], [sflag:s8] =	dma.local @!p0 [hbm:s6], $0xF7A  }
0x23: {  	s9 =	sor.u32 $0xD0000000, s2;
	s6 =	simm.s32 $0x108;
	_ =	swait.ge @!p0 [sflag:s8], $0x0  }
0x24: {  	s3 =	sadd.s32 $0x88, s3;
	s6 =	simm.s32 @!p1 $0x1082;
	[sflag:s4] =	ssyncset.s32 $0xFFFFF086  }
0x25: {  	[simem:s6], [sflag:s4] =	dma.local [hbm:s3], $0xF7A  }
0x26: {  	[smem:$0x3F9F] =	sst s1;
	(tag) =	ssettag s2;
	_ =	strace s9  }
0x27: {  	s1 =	sld [smem:$0x3FAF]  }
0x28: {  	s2 =	sld [smem:$0x3FB0]  }
0x29: {  	s4 =	sld [smem:$0x3FB2]  }
0x2a: {  	p0 =	seq.s32 s5, $0x0;
	s5 =	sld [smem:$0x3FB3]  }
0x2b: {  	s6 =	sld [smem:$0x3FB4]  }
0x2c: {  	s7 =	sld [smem:$0x3FB5]  }
0x2d: {  	s3 =	simm.s32 $0x108;
	s8 =	sld [smem:$0x3FB6]  }
0x2e: {  	s3 =	simm.s32 @!p0 $0x1082;
	s9 =	sld [smem:$0x3FB7]  }
0x2f: {  	lr =	sadd.s32 s0, s3;
	s0 =	sld [smem:$0x3FAE]  }
0x30: {  	s3 =	sld [smem:$0x3FB1]  }
0x31: {  	[smem:$0x3FBA] =	sst s10  }
0x32: {  	s10 =	sld [smem:$0x3FB8];
	_ =	sdelay $0x3  }
0x33: {  	p0 =	seq.s32 s10, $0x1;
	s10 =	sld [smem:$0x3FBA];
	_ =	sdelay $0x3  }
0x34: {  	[smem:$0x3FBA] =	sst s10  }
0x35: {  	s10 =	sld [smem:$0x3FB9];
	_ =	sdelay $0x3  }
0x36: {  	p1 =	seq.s32 s10, $0x1;
	s10 =	sld [smem:$0x3FBA];
	_ =	sdelay $0x3  }
0x37: {  	[smem:$0x3FBA] =	sst s10  }
0x38: {  	s10 =	sld [smem:$0x3FBB]  }
0x39: {  	_ = 	snop;
	(pc) =	sbr.ind lr, $3  }
0x3a: {  	_ = 	snop  }
0x3b: {  	_ = 	snop  }
0x3c: {  	p2 =	seq.s32 s10, $0x1;
	s10 =	sld [smem:$0x3FBA]  }
0x3d: {  	_ =	shalt  }
0x3e: {  	_ =	shalt  }
0x3f: {  	_ =	shalt  }
0x40: {  	_ =	shalt  }
0x41: {  	_ =	shalt  }
0x42: {  	_ =	shalt  }
0x43: {  	_ =	shalt  }
0x44: {  	_ =	shalt  }
0x45: {  	_ =	shalt  }
0x46: {  	_ =	shalt  }
0x47: {  	_ =	shalt  }
0x48: {  	_ =	shalt  }
0x49: {  	_ =	shalt  }
0x4a: {  	_ =	shalt  }
0x4b: {  	_ =	shalt  }
0x4c: {  	_ =	shalt  }
0x4d: {  	_ =	shalt  }
0x4e: {  	_ =	shalt  }
0x4f: {  	_ =	shalt  }
0x50: {  	_ =	shalt  }
0x51: {  	_ =	shalt  }
0x52: {  	_ =	shalt  }
0x53: {  	_ =	shalt  }
0x54: {  	_ =	shalt  }
0x55: {  	_ =	shalt  }
0x56: {  	_ =	shalt  }
0x57: {  	_ =	shalt  }
0x58: {  	_ =	shalt  }
0x59: {  	_ =	shalt  }
0x5a: {  	_ =	shalt  }
0x5b: {  	_ =	shalt  }
0x5c: {  	_ =	shalt  }
0x5d: {  	_ =	shalt  }
0x5e: {  	_ =	shalt  }
0x5f: {  	_ =	shalt  }
0x60: {  	_ =	shalt  }
0x61: {  	_ =	shalt  }
0x62: {  	_ =	shalt  }
0x63: {  	_ =	shalt  }
0x64: {  	_ =	shalt  }
0x65: {  	_ =	shalt  }
0x66: {  	_ =	shalt  }
0x67: {  	_ =	shalt  }
0x68: {  	_ =	shalt  }
0x69: {  	_ =	shalt  }
0x6a: {  	_ =	shalt  }
0x6b: {  	_ =	shalt  }
0x6c: {  	_ =	shalt  }
0x6d: {  	_ =	shalt  }
0x6e: {  	_ =	shalt  }
0x6f: {  	_ =	shalt  }
0x70: {  	_ =	shalt  }
0x71: {  	_ =	shalt  }
0x72: {  	_ =	shalt  }
0x73: {  	_ =	shalt  }
0x74: {  	_ =	shalt  }
0x75: {  	_ =	shalt  }
0x76: {  	_ =	shalt  }
0x77: {  	_ =	shalt  }
0x78: {  	_ =	shalt  }
0x79: {  	_ =	shalt  }
0x7a: {  	_ =	shalt  }
0x7b: {  	_ =	shalt  }
0x7c: {  	_ =	shalt  }
0x7d: {  	_ =	shalt  }
0x7e: {  	_ =	shalt  }
0x7f: {  	_ =	shalt  }
0x80: {  	_ =	shalt  }
0x81: {  	_ =	shalt  }
0x82: {  	_ =	shalt  }
0x83: {  	_ =	shalt  }
0x84: {  	_ =	shalt  }
0x85: {  	_ =	shalt  }
0x86: {  	_ =	shalt  }
0x87: {  	_ =	shalt  }
.Lfunc_end0:
.L_simem_size_0:
called_computation.2_lowered:
.L_overlay_start_0:
0x88: {  	s2 =	sld [smem:$0x3FD9]  }
0x89: {  	s3 =	sld [smem:$0x3FFE];
	_ =	sdelay $0x1  }
0x8a: {  	s1 =	srdreg.scid  }
0x8b: {  	s0 =	sand.u32 $0x1, s1  }
0x8c: {  	s14 =	sshll.u32 s0, $0xA;
	s2 =	sadd.s32 s3, s2  }
0x8d: {  	s2 =	sadd.s32 s2, s14  }
0x8e: {  	[smem:$0x3FC6] =	sst s2  }
0x8f: {  	_ = 	snop  }
0x90: {  	s2 =	sld [smem:$0x3FD0];
	_ =	sdelay $0x2  }
0x91: {  	s15 =	simm.s32 $0xA;
	s4 =	simm.s32 $0x10  }
0x92: {  	[smem:s4], [sflag:s15] =	dma.local [hbm:s2], $0x1  }
0x93: {  	_ =	swait.eq [sflag:s15], $0x1  }
0x94: {  	[sflag:s15] =	ssyncset.done $0x0  }
0x95: {  	s16 =	sld [smem:$0x10];
	[sflag:s15] =	ssyncadd.s32 $0xFFFFFFFF  }
0x96: {  	s17 =	sld [smem:$0x11];
	(tm) =	ssettm $0x1  }
0x97: {  	s18 =	sld [smem:$0x3FFB];
	_ =	sdelay $0x3  }
0x98: {  	_ =	strace s18  }
0x99: {  	s4 =	sld [smem:$0x3FFC];
	_ =	sdelay $0x3  }
0x9a: {  	_ =	strace s4  }
0x9b: {  	s4 =	sld [smem:$0x3FFD];
	_ =	sdelay $0x3  }
0x9c: {  	_ =	strace s4  }
0x9d: {  	_ =	strace $0x8FFFFFFF  }
0x9e: {  	s19 =	sld [smem:$0x3FDB];
	_ =	sdelay $0x1  }
0x9f: {  	s5 =	simm.s32 $_scs_section_size  }
0xa0: {  	s6 =	simm.s32 $_size__tile_overlayer_lowered;
	s7 =	simm.s32 $_tile_overlayer_lowered  }
0xa1: {  	s22 =	simm.s32 $0x1BFF;
	s21 =	sshll.u32 s7, $0x1;
	s4 =	sadd.s32 s5, s19  }
0xa2: {  	s8 =	simm.s32 $0x0;
	s20 =	sshll.u32 s6, $0x1;
	s6 =	sadd.s32 s21, s4  }
0xa3: {  	[timem:s8], [sflag:s22] =	dma.local [hbm:s6], s20  }
0xa4: {  	_ =	swait.ge [sflag:s22], s20  }
0xa5: {  	s5 =	ssub.s32 $0x0, s20;
	[sflag:s22] =	ssyncset.done $0x0  }
0xa6: {  	[sflag:s22] =	ssyncadd.s32 s5;
	_ =	sdelay $0x1  }
0xa7: {  	s23 =	simm.s32 $0x1B8B  }
0xa8: {  	_ =	swait.ge [sflag:s23], $0x1  }
0xa9: {  	[sflag:s23] =	ssyncset.done $0x0  }
0xaa: {  	s25 =	simm.s32 $0x1B8E;
	s24 =	sld [smem:$0x3FFE];
	[sflag:s23] =	ssyncadd.s32 $0xFFFFFFFF  }
0xab: {  	s26 =	simm.s32 $execute0_lowered;
	[smem:$0x3FD2] =	sst s25  }
0xac: {  	s6 =	sshll.u32 s26, $0x1;
	_ =	strace $0x8000004C;
	[dreg:$0x1] =	wrdreg $0xFFFFFFFF  }
0xad: {  	s28 =	simm.s32 $_size_execute0_lowered;
	s4 =	sadd.s32 s4, s6;
	[dreg:$0x0] =	wrdreg $0x0  }
0xae: {  	s6 =	sshll.u32 s28, $0x1;
	[dreg:$0x2] =	wrdreg s4  }
0xaf: {  	[dreg:$0x3] =	wrdreg s6  }
0xb0: {  	[dreg:$0x4] =	wrdreg $0xC0  }
0xb1: {  	_ =	task [dreg:s8], $0x5FFFF  }
0xb2: {  	[dreg:$0x1] =	wrdreg $0xFFFFFFFF  }
0xb3: {  	[dreg:$0x0] =	wrdreg $0x60  }
0xb4: {  	[dreg:$0x2] =	wrdreg s24  }
0xb5: {  	[dreg:$0x3] =	wrdreg s16  }
0xb6: {  	[dreg:$0x4] =	wrdreg s17  }
0xb7: {  	[dreg:$0x5] =	wrdreg $0x9  }
0xb8: {  	_ =	task.clear_ibuf [dreg:s8], $0x6FFFF;
	_ =	strace $0x9000004C  }
0xb9: {  	s29 =	simm.s32 $0x9;
	_ =	strace $0x8000004E  }
0xba: {  	_ =	swait.ge [sflag:s29], $0x1  }
0xbb: {  	[sflag:s29] =	ssyncadd.s32 $0xFFFFFFFF  }
0xbc: {  	_ =	strace $0x9000004E  }
0xbd: {  	_ =	sfence  }
0xbe: {  	s30 =	sld [smem:$0x0];
	_ =	sdelay $0x2  }
0xbf: {  	s31 =	sshll.u32 s1, $0xD;
	s1 =	sshrl.u32 s1, $0x2  }
0xc0: {  	s3 =	sand.u32 $0x4000, s31;
	s1 =	sadd.s32 s1, s30  }
0xc1: {  	s0 =	sor.u32 s3, s0;
	s1 =	sshll.u32 s1, $0x11  }
0xc2: {  	s0 =	sor.u32 s1, s0  }
0xc3: {  	s0 =	sadd.s32 $0x8F2B, s0  }
0xc4: {  	[sflag:s0] =	ssyncadd.remote.s32 $0x1  }
0xc5: {  	_ =	sfence.sel $0xFFFF  }
0xc6: {  	[dreg:$0x0] =	wrdreg $0xFFFFFFFF;
	(pc) =	sbr.abs _section_cstart, $3  }
0xc7: {  	[dreg:$0x1] =	wrdreg $0xFFFFFFFF  }
0xc8: {  	_ =	task.clear_ibuf [dreg:s8], $0x2FFFF;
	_ =	strace $0x9FFFFFFF  }
0xc9: {  	(tm) =	ssettm $0x7FFFFFFF  }
tec
execute0_lowered:
.L_overlay_start_1:
0x0: {  	(tag) =	ssettag $0x1  }
0x1: {  	s0 =	srdreg.scid  }
0x2: {  	s6 =	sand.u32 $0x1, s0  }
0x3: {  	s1 =	stileid.u32;
	s4 =	sshll.u32 s6, $0x4  }
0x4: {  	s4 =	sor.u32 s1, s4  }
0x5: {  	p0 =	sgt.u32 s4, $0x3  }
.Ltmp0:
0x6: {  	s3 =	rddreg [dreg:$0x0];
	(pc) =	sbr.rel @p0 .LBB2_9-.Ltmp0, $4  }
0x7: {  	s8 =	rddreg [dreg:$0x1]  }
0x8: {  	s9 =	rddreg [dreg:$0x2];
	s2 =	simm.s32 $0x0  }
0x9: {  	[smem:$0x7FF] =	sst s2  }
0xa: {  	s0 =	rddreg [dreg:$0x3];
	_ =	strace $0x8000004D  }
0xb: {  	s10 =	sshll.u32 s1, $0x4  }
0xc: {  	s11 =	sadd.s32 $0x800, s3;
	s12 =	ssub.s32 $0x2, s6;
	s14 =	simm.s32 $0x1  }
0xd: {  	s15 =	simm.s32 $0x1800;
	s16 =	simm.s32 $0x3000;
	s17 =	simm.s32 $0x4800  }
0xe: {  	s18 =	simm.s32 $0x6000;
	s19 =	simm.s32 $0x7800;
	s20 =	simm.s32 $0xA000  }
0xf: {  	s21 =	simm.s32 $0x9000;
	s7 =	sadd.s32 s10, s3;
	s13 =	sshrl.u32 s12, $0x1  }
0x10: {  	s8 =	sadd.s32 s8, s10;
	s9 =	sadd.s32 s9, s10;
	s10 =	sadd.s32 s11, s10  }
0x11: {  	s3 =	sadd.s32 $0x1800, s7;
	s4 =	sadd.s32 $0x2400, s7;
	s5 =	sadd.s32 $0x3000, s7  }
0x12: {  	s6 =	sadd.s32 $0x3C00, s7;
	s7 =	sadd.s32 $0x4800, s7;
	s12 =	ssub.s32 s12, s13  }
0x13: {  	v0 =	vimm.f32 $0.0e+00;
	v1 =	vimm.s32 $0x0;
	s13 =	simm.s32 $0x200;
	s11 =	smax.u32 s12, $0x1;
	s12 =	simm.s32 $0x80  }
.LBB2_2:
0x14: {  	s22 =	simm.s32 $0x0  }
0x15: {  	[tilespmem:s22], [sflag:$0x1] =	stream.strided.gather [hbm4b:s10+s12], $0x1800, s13, s12, $0x38;
	[tilespmem:$0xA400] =	vst v63  }
0x16: {  	_ =	swait.ge [sflag:s14], $0x1800  }
0x17: {  	[sflag:s14] =	ssyncset.done $0x0  }
0x18: {  	[sflag:s14] =	ssyncadd.s32 $0xFFFFE800  }
0x19: {  	[tilespmem:s15], [sflag:$0x1] =	stream.strided.gather [hbm4b:s3+s12], $0x1800, s13, s12, $0x38;
	[tilespmem:$0xA400] =	vst v63  }
0x1a: {  	_ =	swait.ge [sflag:s14], $0x1800  }
0x1b: {  	[sflag:s14] =	ssyncset.done $0x0  }
0x1c: {  	[sflag:s14] =	ssyncadd.s32 $0xFFFFE800  }
0x1d: {  	[tilespmem:s16], [sflag:$0x1] =	stream.strided.gather [hbm4b:s4+s12], $0x1800, s13, s12, $0x38;
	[tilespmem:$0xA400] =	vst v63  }
0x1e: {  	_ =	swait.ge [sflag:s14], $0x1800  }
0x1f: {  	[sflag:s14] =	ssyncset.done $0x0  }
0x20: {  	[sflag:s14] =	ssyncadd.s32 $0xFFFFE800  }
0x21: {  	[tilespmem:s17], [sflag:$0x1] =	stream.strided.gather [hbm4b:s5+s12], $0x1800, s13, s12, $0x38;
	[tilespmem:$0xA400] =	vst v63  }
0x22: {  	_ =	swait.ge [sflag:s14], $0x1800  }
0x23: {  	[sflag:s14] =	ssyncset.done $0x0  }
0x24: {  	[sflag:s14] =	ssyncadd.s32 $0xFFFFE800  }
0x25: {  	[tilespmem:s18], [sflag:$0x1] =	stream.strided.gather [hbm4b:s6+s12], $0x1800, s13, s12, $0x38;
	[tilespmem:$0xA400] =	vst v63  }
0x26: {  	_ =	swait.ge [sflag:s14], $0x1800  }
0x27: {  	[sflag:s14] =	ssyncset.done $0x0  }
0x28: {  	[sflag:s14] =	ssyncadd.s32 $0xFFFFE800  }
0x29: {  	[tilespmem:s19], [sflag:$0x1] =	stream.strided.gather [hbm4b:s7+s12], $0x1800, s13, s12, $0x38;
	[tilespmem:$0xA400] =	vst v63  }
0x2a: {  	_ =	swait.ge [sflag:s14], $0x1800  }
0x2b: {  	[sflag:s14] =	ssyncset.done $0x0  }
0x2c: {  	s23 =	simm.s32 $0x40;
	s24 =	simm.s32 $0x0;
	[sflag:s14] =	ssyncadd.s32 $0xFFFFE800  }
.LBB2_3:
0x2d: {  	p0 =	sne.s32 s23, $0x3FC0;
	[tilespmem:s24+$0x9000] =	vst v0;
	s24 =	smov.u32 s23;
	s23 =	sadd.s32 $0x40, s23  }
.Ltmp1:
0x2e: {  	(pc) =	sbr.rel @p0 .LBB2_3-.Ltmp1, $2  }
0x2f: {  	_ =	sdelay $0x2  }
0x30: {  	s24 =	sshra.s32 s24, $0x2  }
0x31: {  	[tilespmem:s24+$0x9000] =	vst v0  }
.LBB2_5:
0x32: {  	p0 =	sne.s32 s22, $0xFC0  }
.Ltmp2:
0x33: {  	_ = 	snop;
	(pc) =	sbr.rel @p0 .LBB2_5-.Ltmp2, $3  }
0x34: {  	_ =	sdelay $0x1  }
0x35: {  	s23 =	sshra.s32 s22, $0x2  }
0x36: {  	s22 =	sadd.s32 $0x40, s22;
	[tilespmem:s23+$0xA000] =	vst v0  }
0x37: {  	s23 =	simm.s32 $0x0;
	s22 =	simm.s32 $0x0;
	s24 =	simm.s32 $0x40  }
.LBB2_7:
0x38: {  	p0 =	sne.s32 s24, $0x5FC0;
	v2 =	vld [tilespmem:s22+$0x0]  }
0x39: {  	v3 =	vld [tilespmem:s22+$0x7800];
	_ =	sdelay $0x3  }
0x3a: {  	vm0 =	vgt.f32 v2, $5.000000000e-01  }
0x3b: {  	v2 =	vsel vm0, $0x1, v1  }
0x3c: {  	(xrf0) =	vadd.scan.msk.s32 $0xffff, v2;
	_ =	sdelay $0x2  }
0x3d: {  	v2 =	vmov s23  }
0x3e: {  	v2 =	vadd.s32 $0xFFFFFFFF, v2  }
0x3f: {  	v2 =	vbroadcast v2, $0x0  }
0x40: {  	v4, _, _ =	vpop (xrf0)  }
0x41: {  	v2 =	vadd.s32 v4, v2;
	(v2sf) =	vpush v4, $0xF  }
0x42: {  	vm1 =	vlt.s32 v2, $0x3E8  }
0x43: {  	vm0 =	vmand vm0, vm1  }
0x44: {  	v2 =	vnsel vm0, $0x0, v2;
	_ =	sdelay $0x4  }
0x45: {  	[tilespmem:v2+s20+$0x0] =	vst.idx.msk vm0, v3  }
0x46: {  	v2 =	vshll.u32 v2, $0x2;
	v3 =	vld [tilespmem:s22+$0x1800];
	_ =	sdelay $0x4  }
0x47: {  	[tilespmem:v2+s21+$0x0] =	vst.idx.msk vm0, v3  }
0x48: {  	v4 =	vor.u32 $0x1, v2;
	v3 =	vld [tilespmem:s22+$0x3000];
	s25 =	spop (v2sf)  }
0x49: {  	s23 =	sadd.s32 s23, s25;
	_ =	sdelay $0x3  }
0x4a: {  	[tilespmem:v4+s21+$0x0] =	vst.idx.msk vm0, v3  }
0x4b: {  	v4 =	vor.u32 $0x2, v2;
	v3 =	vld [tilespmem:s22+$0x4800];
	_ =	sdelay $0x4  }
0x4c: {  	[tilespmem:v4+s21+$0x0] =	vst.idx.msk vm0, v3  }
0x4d: {  	v2 =	vor.u32 $0x3, v2;
	v3 =	vld [tilespmem:s22+$0x6000]  }
.Ltmp3:
0x4e: {  	(pc) =	sbr.rel @p0 .LBB2_7-.Ltmp3, $2  }
0x4f: {  	_ =	sdelay $0x2  }
0x50: {  	s22 =	sshra.s32 s24, $0x2;
	s24 =	sadd.s32 $0x40, s24;
	[tilespmem:v2+s21+$0x0] =	vst.idx.msk vm0, v3  }
0x51: {  	v2 =	vld [tilespmem:s22+$0x0];
	_ =	sdelay $0x4  }
0x52: {  	vm0 =	vgt.f32 v2, $5.000000000e-01  }
0x53: {  	v2 =	vsel vm0, $0x1, v1  }
0x54: {  	(xrf0) =	vadd.scan.msk.s32 $0xffff, v2;
	_ =	sdelay $0x2  }
0x55: {  	v2 =	vmov s23  }
0x56: {  	v2 =	vadd.s32 $0xFFFFFFFF, v2  }
0x57: {  	v2 =	vbroadcast v2, $0x0  }
0x58: {  	v3, _, _ =	vpop (xrf0)  }
0x59: {  	v2 =	vadd.s32 v3, v2  }
0x5a: {  	vm1 =	vlt.s32 v2, $0x3E8  }
0x5b: {  	vm0 =	vmand vm0, vm1  }
0x5c: {  	v4 =	vld [tilespmem:s22+$0x7800];
	v2 =	vnsel vm0, $0x0, v2;
	_ =	sdelay $0x4  }
0x5d: {  	[tilespmem:v2+s20+$0x0] =	vst.idx.msk vm0, v4  }
0x5e: {  	v2 =	vshll.u32 v2, $0x2;
	v4 =	vld [tilespmem:s22+$0x1800];
	_ =	sdelay $0x4  }
0x5f: {  	[tilespmem:v2+s21+$0x0] =	vst.idx.msk vm0, v4  }
0x60: {  	v5 =	vor.u32 $0x1, v2;
	v4 =	vld [tilespmem:s22+$0x3000];
	_ =	sdelay $0x1  }
0x61: {  	(v2sf) =	vpush v3, $0xF;
	_ =	sdelay $0x2  }
0x62: {  	[tilespmem:v5+s21+$0x0] =	vst.idx.msk vm0, v4  }
0x63: {  	v63 =	vor.u32 $0x2, v2;
	v3 =	vld [tilespmem:s22+$0x4800];
	_ =	sdelay $0x4  }
0x64: {  	[tilespmem:v63+s21+$0x0] =	vst.idx.msk vm0, v3  }
0x65: {  	v2 =	vor.u32 $0x3, v2;
	v3 =	vld [tilespmem:s22+$0x6000];
	_ =	sdelay $0x4  }
0x66: {  	s31 =	spop (v2sf);
	[tilespmem:v2+s21+$0x0] =	vst.idx.msk vm0, v3  }
0x67: {  	[hbm4b:s8+s12] =	stream.strided.scatter [tilespmem:s21], [sflag:$0x1], $0x1000, s13, s12, $0x38;
	[tilespmem:$0xA400] =	vst v63  }
0x68: {  	s2 =	sadd.s32 $0x1, s2;
	_ =	swait.ge [sflag:s14], $0x1000  }
0x69: {  	p0 =	sne.s32 s2, s11;
	[sflag:s14] =	ssyncset.done $0x0  }
.Ltmp4:
0x6a: {  	[sflag:s14] =	ssyncadd.s32 $0xFFFFF000;
	(pc) =	sbr.rel @p0 .LBB2_2-.Ltmp4, $4  }
0x6b: {  	[hbm4b:s9+s12] =	stream.strided.scatter [tilespmem:s20], [sflag:$0x1], $0x400, s13, s12, $0x38;
	[tilespmem:$0xA400] =	vst v63  }
0x6c: {  	_ =	swait.ge [sflag:s14], $0x400  }
0x6d: {  	[sflag:s14] =	ssyncset.done $0x0  }
0x6e: {  	[sflag:s14] =	ssyncadd.s32 $0xFFFFFC00  }
.LBB2_9:
0x6f: {  	_ =	sfence.sel $0x180000  }
0x70: {  	[bflag:$0x0] =	sbarrier.arrive $0xFFFF  }
0x71: {  	p0 =	sne.s32 s1, $0x0;
	_ =	strace $0x9000004D  }
0x72: {  	s0 =	sadd.s32 @!p0 $0x100000, s0;
	[bflag:$0x2] =	sbarrier.arrive $0xFFFF  }
0x73: {  	[sflag:s0] =	ssyncadd.tile.s32 @!p0 $0x1;
	_ =	shalt  }
.Lfunc_end2:
_tile_overlayer_lowered:
.L_overlay_start_2:
0x74: {  	(tag) =	ssettag $0x2  }
0x75: {  	s0 =	rddreg [dreg:$0x0];
	s2 =	stileid.u32  }
0x76: {  	s1 =	rddreg [dreg:$0x1];
	p0 =	sne.s32 s2, $0x0  }
0x77: {  	s3 =	rddreg [dreg:$0x2];
	[bflag:$0x3] =	sbarrier.arrive $0xFFFF;
	s2 =	simm.s32 @!p0 $0x1C01  }
0x78: {  	[timem:s3], [sflag:s2] =	dma.local @!p0 [hbm:s0], s1  }
0x79: {  	s0 =	simm.s32 @!p0 $0x1  }
0x7a: {  	_ =	swait.ge @!p0 [sflag:s0], s1  }
0x7b: {  	s1 =	ssub.s32 @!p0 $0x0, s1;
	[sflag:s0] =	ssyncset.done @!p0 $0x0  }
0x7c: {  	[sflag:s0] =	ssyncadd.s32 @!p0 s1  }
0x7d: {  	[bflag:$0x3] =	sbarrier.arrive $0xFFFF  }
0x7e: {  	_ =	shalt  }

// kernel: kernel.9.cloned.1.call-start
scs
__scs_entry_jumppad:
0x0: {  	(pc) =	sbr.rel $0x88, $3  }
0x1: {  	(tag) =	ssettag $0x0;
	lr =	simm.s32 $0x1  }
0x2: {  	[smem:$0x3F9F] =	sst lr;
	_ =	strace $0xD0000000  }
0x3: {  	_ = 	snop  }
0x4: {  	_ = 	snop  }
0x5: {  	_ = 	snop  }
0x6: {  	_ = 	snop  }
0x7: {  	_ = 	snop  }
__scs_overlays_trampoline_lowered:
0x8: {  	[smem:$0x3FAE] =	sst s0  }
0x9: {  	[smem:$0x3FAF] =	sst s1  }
0xa: {  	[smem:$0x3FB0] =	sst s2  }
0xb: {  	[smem:$0x3FB1] =	sst s3  }
0xc: {  	[smem:$0x3FB2] =	sst s4  }
0xd: {  	[smem:$0x3FB3] =	sst s5  }
0xe: {  	[smem:$0x3FB4] =	sst s6  }
0xf: {  	[smem:$0x3FB5] =	sst s7  }
0x10: {  	[smem:$0x3FB6] =	sst s8  }
0x11: {  	[smem:$0x3FB7] =	sst s9;
	s0 =	simm.s32 @!p0 $0x0  }
0x12: {  	s1 =	sld [smem:$0x3F9D];
	s0 =	simm.s32 @p0 $0x1  }
0x13: {  	[smem:$0x3FB8] =	sst s0;
	s0 =	simm.s32 @!p1 $0x0  }
0x14: {  	s2 =	sld [smem:$0x3F9C];
	s0 =	simm.s32 @p1 $0x1  }
0x15: {  	[smem:$0x3FB9] =	sst s0;
	s0 =	simm.s32 @!p2 $0x0  }
0x16: {  	s3 =	sld [smem:$0x3FDB];
	s0 =	simm.s32 @p2 $0x1  }
0x17: {  	s4 =	simm.s32 $0x1BF5;
	[smem:$0x3FBB] =	sst s0  }
0x18: {  	s0 =	sld [smem:$0x3F9E];
	_ =	swait.ge [sflag:s4], $0x0  }
0x19: {  	s7 =	sld [smem:$0x3F9F]  }
0x1a: {  	s8 =	sadd.s32 $0xFFFFE003, lr  }
0x1b: {  	s9 =	sadd.s32 $0xFFFFFEF7, lr;
	s5 =	simm.s32 $0xFFFFFFFF;
	p2 =	slt.u32 s8, $0xFFFFF086  }
0x1c: {  	p1 =	slt.u32 s9, $0xF7A;
	s5 =	simm.s32 @!p2 $0x0  }
0x1d: {  	s5 =	simm.s32 @p1 $0x1;
	p0 =	seq.s32 s7, s2  }
0x1e: {  	s7 =	smul.u32 @!p0 $0xF7A, s2;
	p2 =	seq.s32 @!p0 s5, $0x0  }
0x1f: {  	s9 =	smul.u32 $0xF7A, s1;
	s8 =	simm.s32 @!p0 $0x1BF5;
	p2 =	por !p2, p0  }
0x20: {  	[sflag:s8] =	ssyncset.s32 @!p0 $0xFFFFF086;
	s6 =	sadd.s32 @!p0 s3, s7;
	s7 =	simm.s32 @!p0 $0x108  }
0x21: {  	s3 =	sadd.s32 s3, s9;
	s6 =	sadd.s32 @!p0 $0x88, s6;
	s7 =	simm.s32 @p2 $0x1082  }
0x22: {  	[simem:s7], [sflag:s8] =	dma.local @!p0 [hbm:s6], $0xF7A  }
0x23: {  	s9 =	sor.u32 $0xD0000000, s2;
	s6 =	simm.s32 $0x108;
	_ =	swait.ge @!p0 [sflag:s8], $0x0  }
0x24: {  	s3 =	sadd.s32 $0x88, s3;
	s6 =	simm.s32 @!p1 $0x1082;
	[sflag:s4] =	ssyncset.s32 $0xFFFFF086  }
0x25: {  	[simem:s6], [sflag:s4] =	dma.local [hbm:s3], $0xF7A  }
0x26: {  	[smem:$0x3F9F] =	sst s1;
	(tag) =	ssettag s2;
	_ =	strace s9  }
0x27: {  	s1 =	sld [smem:$0x3FAF]  }
0x28: {  	s2 =	sld [smem:$0x3FB0]  }
0x29: {  	s4 =	sld [smem:$0x3FB2]  }
0x2a: {  	p0 =	seq.s32 s5, $0x0;
	s5 =	sld [smem:$0x3FB3]  }
0x2b: {  	s6 =	sld [smem:$0x3FB4]  }
0x2c: {  	s7 =	sld [smem:$0x3FB5]  }
0x2d: {  	s3 =	simm.s32 $0x108;
	s8 =	sld [smem:$0x3FB6]  }
0x2e: {  	s3 =	simm.s32 @!p0 $0x1082;
	s9 =	sld [smem:$0x3FB7]  }
0x2f: {  	lr =	sadd.s32 s0, s3;
	s0 =	sld [smem:$0x3FAE]  }
0x30: {  	s3 =	sld [smem:$0x3FB1]  }
0x31: {  	[smem:$0x3FBA] =	sst s10  }
0x32: {  	s10 =	sld [smem:$0x3FB8];
	_ =	sdelay $0x3  }
0x33: {  	p0 =	seq.s32 s10, $0x1;
	s10 =	sld [smem:$0x3FBA];
	_ =	sdelay $0x3  }
0x34: {  	[smem:$0x3FBA] =	sst s10  }
0x35: {  	s10 =	sld [smem:$0x3FB9];
	_ =	sdelay $0x3  }
0x36: {  	p1 =	seq.s32 s10, $0x1;
	s10 =	sld [smem:$0x3FBA];
	_ =	sdelay $0x3  }
0x37: {  	[smem:$0x3FBA] =	sst s10  }
0x38: {  	s10 =	sld [smem:$0x3FBB]  }
0x39: {  	_ = 	snop;
	(pc) =	sbr.ind lr, $3  }
0x3a: {  	_ = 	snop  }
0x3b: {  	_ = 	snop  }
0x3c: {  	p2 =	seq.s32 s10, $0x1;
	s10 =	sld [smem:$0x3FBA]  }
0x3d: {  	_ =	shalt  }
0x3e: {  	_ =	shalt  }
0x3f: {  	_ =	shalt  }
0x40: {  	_ =	shalt  }
0x41: {  	_ =	shalt  }
0x42: {  	_ =	shalt  }
0x43: {  	_ =	shalt  }
0x44: {  	_ =	shalt  }
0x45: {  	_ =	shalt  }
0x46: {  	_ =	shalt  }
0x47: {  	_ =	shalt  }
0x48: {  	_ =	shalt  }
0x49: {  	_ =	shalt  }
0x4a: {  	_ =	shalt  }
0x4b: {  	_ =	shalt  }
0x4c: {  	_ =	shalt  }
0x4d: {  	_ =	shalt  }
0x4e: {  	_ =	shalt  }
0x4f: {  	_ =	shalt  }
0x50: {  	_ =	shalt  }
0x51: {  	_ =	shalt  }
0x52: {  	_ =	shalt  }
0x53: {  	_ =	shalt  }
0x54: {  	_ =	shalt  }
0x55: {  	_ =	shalt  }
0x56: {  	_ =	shalt  }
0x57: {  	_ =	shalt  }
0x58: {  	_ =	shalt  }
0x59: {  	_ =	shalt  }
0x5a: {  	_ =	shalt  }
0x5b: {  	_ =	shalt  }
0x5c: {  	_ =	shalt  }
0x5d: {  	_ =	shalt  }
0x5e: {  	_ =	shalt  }
0x5f: {  	_ =	shalt  }
0x60: {  	_ =	shalt  }
0x61: {  	_ =	shalt  }
0x62: {  	_ =	shalt  }
0x63: {  	_ =	shalt  }
0x64: {  	_ =	shalt  }
0x65: {  	_ =	shalt  }
0x66: {  	_ =	shalt  }
0x67: {  	_ =	shalt  }
0x68: {  	_ =	shalt  }
0x69: {  	_ =	shalt  }
0x6a: {  	_ =	shalt  }
0x6b: {  	_ =	shalt  }
0x6c: {  	_ =	shalt  }
0x6d: {  	_ =	shalt  }
0x6e: {  	_ =	shalt  }
0x6f: {  	_ =	shalt  }
0x70: {  	_ =	shalt  }
0x71: {  	_ =	shalt  }
0x72: {  	_ =	shalt  }
0x73: {  	_ =	shalt  }
0x74: {  	_ =	shalt  }
0x75: {  	_ =	shalt  }
0x76: {  	_ =	shalt  }
0x77: {  	_ =	shalt  }
0x78: {  	_ =	shalt  }
0x79: {  	_ =	shalt  }
0x7a: {  	_ =	shalt  }
0x7b: {  	_ =	shalt  }
0x7c: {  	_ =	shalt  }
0x7d: {  	_ =	shalt  }
0x7e: {  	_ =	shalt  }
0x7f: {  	_ =	shalt  }
0x80: {  	_ =	shalt  }
0x81: {  	_ =	shalt  }
0x82: {  	_ =	shalt  }
0x83: {  	_ =	shalt  }
0x84: {  	_ =	shalt  }
0x85: {  	_ =	shalt  }
0x86: {  	_ =	shalt  }
0x87: {  	_ =	shalt  }
.Lfunc_end0:
.L_simem_size_0:
called_computation_lowered:
.L_overlay_start_0:
0x88: {  	s2 =	sld [smem:$0x3FD9]  }
0x89: {  	s3 =	sld [smem:$0x3FFE];
	_ =	sdelay $0x1  }
0x8a: {  	s1 =	srdreg.scid  }
0x8b: {  	s0 =	sand.u32 $0x1, s1  }
0x8c: {  	s16 =	sshll.u32 s0, $0xA;
	s2 =	sadd.s32 s3, s2  }
0x8d: {  	s2 =	sadd.s32 s2, s16  }
0x8e: {  	[smem:$0x3FC6] =	sst s2  }
0x8f: {  	_ = 	snop  }
0x90: {  	(tm) =	ssettm $0x1  }
0x91: {  	s17 =	sld [smem:$0x3FFB];
	_ =	sdelay $0x3  }
0x92: {  	_ =	strace s17  }
0x93: {  	s2 =	sld [smem:$0x3FFC];
	_ =	sdelay $0x3  }
0x94: {  	_ =	strace s2  }
0x95: {  	s2 =	sld [smem:$0x3FFD];
	_ =	sdelay $0x3  }
0x96: {  	_ =	strace s2  }
0x97: {  	_ =	strace $0x8FFFFFFF  }
0x98: {  	s18 =	sld [smem:$0x3FDB];
	_ =	sdelay $0x1  }
0x99: {  	s19 =	simm.s32 $_scs_section_size  }
0x9a: {  	s4 =	simm.s32 $_size__tile_overlayer_lowered;
	s5 =	simm.s32 $_tile_overlayer_lowered  }
0x9b: {  	s22 =	simm.s32 $0x1BFF;
	s21 =	sshll.u32 s5, $0x1;
	s2 =	sadd.s32 s19, s18  }
0x9c: {  	s6 =	simm.s32 $0x0;
	s20 =	sshll.u32 s4, $0x1;
	s4 =	sadd.s32 s21, s2  }
0x9d: {  	[timem:s6], [sflag:s22] =	dma.local [hbm:s4], s20  }
0x9e: {  	_ =	swait.ge [sflag:s22], s20  }
0x9f: {  	s3 =	ssub.s32 $0x0, s20;
	[sflag:s22] =	ssyncset.done $0x0  }
0xa0: {  	[sflag:s22] =	ssyncadd.s32 s3;
	_ =	sdelay $0x1  }
0xa1: {  	s23 =	simm.s32 $0x1B8B  }
0xa2: {  	_ =	swait.ge [sflag:s23], $0x1  }
0xa3: {  	[sflag:s23] =	ssyncset.done $0x0  }
0xa4: {  	s25 =	simm.s32 $0x1B8E;
	s24 =	sld [smem:$0x3FFE];
	[sflag:s23] =	ssyncadd.s32 $0xFFFFFFFF  }
0xa5: {  	s26 =	simm.s32 $execute0_lowered;
	[smem:$0x3FD2] =	sst s25  }
0xa6: {  	s4 =	sshll.u32 s26, $0x1;
	_ =	strace $0x80000046;
	[dreg:$0x1] =	wrdreg $0xFFFFFFFF  }
0xa7: {  	s28 =	simm.s32 $_size_execute0_lowered;
	s2 =	sadd.s32 s2, s4;
	[dreg:$0x0] =	wrdreg $0x0  }
0xa8: {  	s4 =	sshll.u32 s28, $0x1;
	[dreg:$0x2] =	wrdreg s2  }
0xa9: {  	[dreg:$0x3] =	wrdreg s4  }
0xaa: {  	[dreg:$0x4] =	wrdreg $0xC0  }
0xab: {  	_ =	task [dreg:s6], $0x5FFFF  }
0xac: {  	[dreg:$0x1] =	wrdreg $0xFFFFFFFF  }
0xad: {  	[dreg:$0x0] =	wrdreg $0x60  }
0xae: {  	[dreg:$0x2] =	wrdreg s24  }
0xaf: {  	[dreg:$0x3] =	wrdreg $0x9  }
0xb0: {  	_ =	task.clear_ibuf [dreg:s6], $0x4FFFF;
	_ =	strace $0x90000046  }
0xb1: {  	s29 =	simm.s32 $0x9;
	_ =	strace $0x80000048  }
0xb2: {  	_ =	swait.ge [sflag:s29], $0x1  }
0xb3: {  	[sflag:s29] =	ssyncadd.s32 $0xFFFFFFFF  }
0xb4: {  	_ =	strace $0x90000048  }
0xb5: {  	_ =	sfence  }
0xb6: {  	s30 =	sld [smem:$0x0];
	_ =	sdelay $0x2  }
0xb7: {  	s31 =	sshll.u32 s1, $0xD;
	s1 =	sshrl.u32 s1, $0x2  }
0xb8: {  	s3 =	sand.u32 $0x4000, s31;
	s1 =	sadd.s32 s1, s30  }
0xb9: {  	s0 =	sor.u32 s3, s0;
	s1 =	sshll.u32 s1, $0x11  }
0xba: {  	s0 =	sor.u32 s1, s0  }
0xbb: {  	s0 =	sadd.s32 $0x8F2B, s0  }
0xbc: {  	[sflag:s0] =	ssyncadd.remote.s32 $0x1  }
0xbd: {  	_ =	sfence.sel $0xFFFF  }
0xbe: {  	[dreg:$0x0] =	wrdreg $0xFFFFFFFF;
	(pc) =	sbr.abs _section_cstart, $3  }
0xbf: {  	[dreg:$0x1] =	wrdreg $0xFFFFFFFF  }
0xc0: {  	_ =	task.clear_ibuf [dreg:s6], $0x2FFFF;
	_ =	strace $0x9FFFFFFF  }
0xc1: {  	(tm) =	ssettm $0x7FFFFFFF  }
tec
execute0_lowered:
.L_overlay_start_1:
0x0: {  	(tag) =	ssettag $0x1  }
0x1: {  	s0 =	srdreg.scid  }
0x2: {  	s0 =	sand.u32 $0x1, s0  }
0x3: {  	s1 =	stileid.u32;
	s3 =	sshll.u32 s0, $0x4  }
0x4: {  	s3 =	sor.u32 s1, s3  }
0x5: {  	p0 =	sgt.u32 s3, $0x3  }
.Ltmp0:
0x6: {  	_ = 	snop;
	(pc) =	sbr.rel @p0 .LBB2_9-.Ltmp0, $4  }
0x7: {  	_ = 	snop  }
0x8: {  	s2 =	simm.s32 $0x0  }
0x9: {  	[smem:$0x7FF] =	sst s2  }
0xa: {  	s10 =	rddreg [dreg:$0x0];
	_ =	strace $0x80000047  }
0xb: {  	s3 =	sadd.s32 $0x800, s10  }
0xc: {  	s4 =	sadd.s32 $0xE400, s10;
	s5 =	sadd.s32 $0xB800, s10;
	s6 =	sadd.s32 $0x8C00, s10  }
0xd: {  	s7 =	sadd.s32 $0x6000, s10;
	s1 =	stileid.u32;
	s9 =	sadd.s32 $0x3400, s10  }
0xe: {  	s0 =	ssub.s32 $0x2, s0;
	s16 =	simm.s32 $0x80;
	s17 =	simm.s32 $0x200  }
0xf: {  	s18 =	simm.s32 $0x1;
	s19 =	simm.s32 $0x2C00;
	s20 =	simm.s32 $0x5800  }
0x10: {  	s21 =	simm.s32 $0x8400;
	s22 =	simm.s32 $0xB000;
	s23 =	simm.s32 $0xDC00  }
0x11: {  	s24 =	simm.s32 $0x10800;
	s25 =	simm.s32 $0x12800;
	s26 =	simm.s32 $0x14800  }
0x12: {  	s28 =	simm.s32 $0x16800;
	s8 =	sshll.u32 s1, $0x4;
	s15 =	sshrl.u32 s0, $0x1  }
0x13: {  	s29 =	simm.s32 $0x18800;
	s14 =	sadd.s32 s8, s10;
	s0 =	ssub.s32 s0, s15  }
0x14: {  	s10 =	sadd.s32 $0x11000, s14;
	s11 =	sadd.s32 $0x12000, s14;
	s12 =	sadd.s32 $0x13000, s14  }
0x15: {  	v0 =	vimm.f32 $0.0e+00;
	v1 =	vimm.f32 $-9.999999680e+37;
	v2 =	vimm.s32 $0x0;
	s13 =	sadd.s32 $0x14000, s14;
	s14 =	sadd.s32 $0x15000, s14;
	s15 =	smax.u32 s0, $0x1  }
.LBB2_2:
0x16: {  	s30 =	simm.s32 $0x0;
	s31 =	simm.s32 $0x40;
	s0 =	simm.s32 $0x0  }
.LBB2_3:
0x17: {  	p0 =	sne.s32 s31, $0x7FC0;
	[tilespmem:s0+$0x18800] =	vst v1;
	s1 =	smov.u32 s31;
	s31 =	sadd.s32 $0x40, s31  }
.Ltmp1:
0x18: {  	[tilespmem:s0+$0x16800] =	vst v0;
	(pc) =	sbr.rel @p0 .LBB2_3-.Ltmp1, $4  }
0x19: {  	[tilespmem:s0+$0x14800] =	vst v0  }
0x1a: {  	[tilespmem:s0+$0x10800] =	vst v0  }
0x1b: {  	[tilespmem:s0+$0x12800] =	vst v0  }
0x1c: {  	s0 =	sshra.s32 s1, $0x2  }
0x1d: {  	[tilespmem:s0+$0x18800] =	vst v1  }
0x1e: {  	[tilespmem:s0+$0x16800] =	vst v0  }
0x1f: {  	[tilespmem:s0+$0x14800] =	vst v0  }
0x20: {  	[tilespmem:s0+$0x10800] =	vst v0  }
0x21: {  	[tilespmem:s0+$0x12800] =	vst v0;
	p1 =	por $0x1, $0x1;
	s0 =	simm.s32 $0x0  }
.LBB2_5:
0x22: {  	s0 =	sor.u32 s8, s0  }
0x23: {  	s31 =	simm.s32 $0x0;
	s1 =	sadd.s32 s3, s0  }
0x24: {  	[tilespmem:s31], [sflag:$0x1] =	stream.strided.gather [hbm4b:s1+s16], $0x2C00, s17, s16, $0x38;
	[tilespmem:$0x1A800] =	vst v63  }
0x25: {  	_ =	swait.ge [sflag:s18], $0x2C00  }
0x26: {  	[sflag:s18] =	ssyncset.done $0x0  }
0x27: {  	s1 =	sadd.s32 s4, s0;
	[sflag:s18] =	ssyncadd.s32 $0xFFFFD400  }
0x28: {  	[tilespmem:s19], [sflag:$0x1] =	stream.strided.gather [hbm4b:s1+s16], $0x2C00, s17, s16, $0x38;
	[tilespmem:$0x1A800] =	vst v63  }
0x29: {  	_ =	swait.ge [sflag:s18], $0x2C00  }
0x2a: {  	[sflag:s18] =	ssyncset.done $0x0  }
0x2b: {  	s1 =	sadd.s32 s5, s0;
	[sflag:s18] =	ssyncadd.s32 $0xFFFFD400  }
0x2c: {  	[tilespmem:s20], [sflag:$0x1] =	stream.strided.gather [hbm4b:s1+s16], $0x2C00, s17, s16, $0x38;
	[tilespmem:$0x1A800] =	vst v63  }
0x2d: {  	_ =	swait.ge [sflag:s18], $0x2C00  }
0x2e: {  	[sflag:s18] =	ssyncset.done $0x0  }
0x2f: {  	s1 =	sadd.s32 s6, s0;
	[sflag:s18] =	ssyncadd.s32 $0xFFFFD400  }
0x30: {  	[tilespmem:s21], [sflag:$0x1] =	stream.strided.gather [hbm4b:s1+s16], $0x2C00, s17, s16, $0x38;
	[tilespmem:$0x1A800] =	vst v63  }
0x31: {  	_ =	swait.ge [sflag:s18], $0x2C00  }
0x32: {  	[sflag:s18] =	ssyncset.done $0x0  }
0x33: {  	s1 =	sadd.s32 s7, s0;
	[sflag:s18] =	ssyncadd.s32 $0xFFFFD400  }
0x34: {  	[tilespmem:s22], [sflag:$0x1] =	stream.strided.gather [hbm4b:s1+s16], $0x2C00, s17, s16, $0x38;
	[tilespmem:$0x1A800] =	vst v63  }
0x35: {  	_ =	swait.ge [sflag:s18], $0x2C00  }
0x36: {  	[sflag:s18] =	ssyncset.done $0x0  }
0x37: {  	s0 =	sadd.s32 s9, s0;
	[sflag:s18] =	ssyncadd.s32 $0xFFFFD400  }
0x38: {  	[tilespmem:s23], [sflag:$0x1] =	stream.strided.gather [hbm4b:s0+s16], $0x2C00, s17, s16, $0x38;
	[tilespmem:$0x1A800] =	vst v63  }
0x39: {  	_ =	swait.ge [sflag:s18], $0x2C00  }
0x3a: {  	p0 =	por p1, p1;
	[sflag:s18] =	ssyncset.done $0x0  }
0x3b: {  	s31 =	simm.s32 $0x0;
	s0 =	simm.s32 $0x40;
	[sflag:s18] =	ssyncadd.s32 $0xFFFFD400  }
.LBB2_6:
0x3c: {  	p1 =	sne.s32 s0, $0xAFC0;
	v3 =	vld [tilespmem:s31+$0x0]  }
0x3d: {  	v4 =	vld [tilespmem:s31+$0x2C00];
	_ =	sdelay $0x3  }
0x3e: {  	vm0 =	vgt.f32 v3, $5.000000000e-01  }
0x3f: {  	v3 =	vsel vm0, $0x1, v2  }
0x40: {  	(xrf0) =	vadd.scan.msk.s32 $0xffff, v3;
	_ =	sdelay $0x2  }
0x41: {  	v3 =	vmov s30  }
0x42: {  	v3 =	vadd.s32 $0xFFFFFFFF, v3  }
0x43: {  	v3 =	vbroadcast v3, $0x0  }
0x44: {  	v5, _, _ =	vpop (xrf0)  }
0x45: {  	v3 =	vadd.s32 v5, v3;
	(v2sf) =	vpush v5, $0xF  }
0x46: {  	vm1 =	vlt.s32 v3, $0x2000  }
0x47: {  	vm0 =	vmand vm0, vm1  }
0x48: {  	v3 =	vnsel vm0, $0x0, v3;
	_ =	sdelay $0x4  }
0x49: {  	[tilespmem:v3+s24+$0x0] =	vst.idx.msk vm0, v4  }
0x4a: {  	v4 =	vld [tilespmem:s31+$0x5800];
	_ =	sdelay $0x4  }
0x4b: {  	[tilespmem:v3+s25+$0x0] =	vst.idx.msk vm0, v4  }
0x4c: {  	v4 =	vld [tilespmem:s31+$0x8400];
	s1 =	spop (v2sf)  }
0x4d: {  	s30 =	sadd.s32 s30, s1;
	_ =	sdelay $0x3  }
0x4e: {  	[tilespmem:v3+s26+$0x0] =	vst.idx.msk vm0, v4  }
0x4f: {  	v4 =	vld [tilespmem:s31+$0xB000];
	_ =	sdelay $0x4  }
0x50: {  	[tilespmem:v3+s28+$0x0] =	vst.idx.msk vm0, v4  }
0x51: {  	v4 =	vld [tilespmem:s31+$0xDC00]  }
.Ltmp2:
0x52: {  	(pc) =	sbr.rel @p1 .LBB2_6-.Ltmp2, $2  }
0x53: {  	_ =	sdelay $0x2  }
0x54: {  	s31 =	sshra.s32 s0, $0x2;
	s0 =	sadd.s32 $0x40, s0;
	[tilespmem:v3+s29+$0x0] =	vst.idx.msk vm0, v4  }
0x55: {  	v3 =	vld [tilespmem:s31+$0x0];
	_ =	sdelay $0x4  }
0x56: {  	vm0 =	vgt.f32 v3, $5.000000000e-01  }
0x57: {  	v3 =	vsel vm0, $0x1, v2  }
0x58: {  	(xrf0) =	vadd.scan.msk.s32 $0xffff, v3;
	_ =	sdelay $0x2  }
0x59: {  	v3 =	vmov s30  }
0x5a: {  	v3 =	vadd.s32 $0xFFFFFFFF, v3  }
0x5b: {  	v3 =	vbroadcast v3, $0x0  }
0x5c: {  	v4, _, _ =	vpop (xrf0)  }
0x5d: {  	v3 =	vadd.s32 v4, v3  }
0x5e: {  	vm1 =	vlt.s32 v3, $0x2000  }
0x5f: {  	vm0 =	vmand vm0, vm1  }
0x60: {  	v5 =	vld [tilespmem:s31+$0x2C00];
	v3 =	vnsel vm0, $0x0, v3;
	_ =	sdelay $0x4  }
0x61: {  	[tilespmem:v3+s24+$0x0] =	vst.idx.msk vm0, v5  }
0x62: {  	v5 =	vld [tilespmem:s31+$0x5800];
	_ =	sdelay $0x4  }
0x63: {  	[tilespmem:v3+s25+$0x0] =	vst.idx.msk vm0, v5  }
0x64: {  	v5 =	vld [tilespmem:s31+$0x8400]  }
0x65: {  	(v2sf) =	vpush v4, $0xF;
	_ =	sdelay $0x3  }
0x66: {  	[tilespmem:v3+s26+$0x0] =	vst.idx.msk vm0, v5  }
0x67: {  	v63 =	vld [tilespmem:s31+$0xB000];
	_ =	sdelay $0x4  }
0x68: {  	[tilespmem:v3+s28+$0x0] =	vst.idx.msk vm0, v63  }
0x69: {  	v4 =	vld [tilespmem:s31+$0xDC00]  }
.Ltmp3:
0x6a: {  	_ = 	snop;
	(pc) =	sbr.rel @p0 .LBB2_5-.Ltmp3, $3  }
0x6b: {  	_ =	sdelay $0x1  }
0x6c: {  	s0 =	spop (v2sf)  }
0x6d: {  	p1 =	por $0x0, $0x0;
	s30 =	sadd.s32 s30, s0;
	s0 =	simm.s32 $0x1600;
	[tilespmem:v3+s29+$0x0] =	vst.idx.msk vm0, v4  }
0x6e: {  	[hbm4b:s10+s16] =	stream.strided.scatter [tilespmem:s24], [sflag:$0x1], $0x2000, s17, s16, $0x38;
	[tilespmem:$0x1A800] =	vst v63  }
0x6f: {  	_ =	swait.ge [sflag:s18], $0x2000  }
0x70: {  	[sflag:s18] =	ssyncset.done $0x0  }
0x71: {  	[sflag:s18] =	ssyncadd.s32 $0xFFFFE000  }
0x72: {  	[hbm4b:s11+s16] =	stream.strided.scatter [tilespmem:s25], [sflag:$0x1], $0x2000, s17, s16, $0x38;
	[tilespmem:$0x1A800] =	vst v63  }
0x73: {  	_ =	swait.ge [sflag:s18], $0x2000  }
0x74: {  	[sflag:s18] =	ssyncset.done $0x0  }
0x75: {  	[sflag:s18] =	ssyncadd.s32 $0xFFFFE000  }
0x76: {  	[hbm4b:s12+s16] =	stream.strided.scatter [tilespmem:s26], [sflag:$0x1], $0x2000, s17, s16, $0x38;
	[tilespmem:$0x1A800] =	vst v63  }
0x77: {  	_ =	swait.ge [sflag:s18], $0x2000  }
0x78: {  	[sflag:s18] =	ssyncset.done $0x0  }
0x79: {  	[sflag:s18] =	ssyncadd.s32 $0xFFFFE000  }
0x7a: {  	[hbm4b:s13+s16] =	stream.strided.scatter [tilespmem:s28], [sflag:$0x1], $0x2000, s17, s16, $0x38;
	[tilespmem:$0x1A800] =	vst v63  }
0x7b: {  	s2 =	sadd.s32 $0x1, s2;
	_ =	swait.ge [sflag:s18], $0x2000  }
0x7c: {  	p0 =	sne.s32 s2, s15;
	[sflag:s18] =	ssyncset.done $0x0  }
.Ltmp4:
0x7d: {  	[sflag:s18] =	ssyncadd.s32 $0xFFFFE000;
	(pc) =	sbr.rel @p0 .LBB2_2-.Ltmp4, $4  }
0x7e: {  	[hbm4b:s14+s16] =	stream.strided.scatter [tilespmem:s29], [sflag:$0x1], $0x2000, s17, s16, $0x38;
	[tilespmem:$0x1A800] =	vst v63  }
0x7f: {  	_ =	swait.ge [sflag:s18], $0x2000  }
0x80: {  	[sflag:s18] =	ssyncset.done $0x0  }
0x81: {  	[sflag:s18] =	ssyncadd.s32 $0xFFFFE000  }
.LBB2_9:
0x82: {  	_ =	sfence.sel $0x180000  }
0x83: {  	[bflag:$0x0] =	sbarrier.arrive $0xFFFF  }
0x84: {  	_ =	strace $0x90000047  }
0x85: {  	s0 =	stileid.u32;
	[bflag:$0x2] =	sbarrier.arrive $0xFFFF  }
0x86: {  	p0 =	sne.s32 s0, $0x0;
	s0 =	rddreg [dreg:$0x1]  }
0x87: {  	s0 =	sadd.s32 @!p0 $0x100000, s0  }
0x88: {  	[sflag:s0] =	ssyncadd.tile.s32 @!p0 $0x1;
	_ =	shalt  }
.Lfunc_end2:
_tile_overlayer_lowered:
.L_overlay_start_2:
0x89: {  	(tag) =	ssettag $0x2  }
0x8a: {  	s0 =	rddreg [dreg:$0x0];
	s2 =	stileid.u32  }
0x8b: {  	s1 =	rddreg [dreg:$0x1];
	p0 =	sne.s32 s2, $0x0  }
0x8c: {  	s3 =	rddreg [dreg:$0x2];
	[bflag:$0x3] =	sbarrier.arrive $0xFFFF;
	s2 =	simm.s32 @!p0 $0x1C01  }
0x8d: {  	[timem:s3], [sflag:s2] =	dma.local @!p0 [hbm:s0], s1  }
0x8e: {  	s0 =	simm.s32 @!p0 $0x1  }
0x8f: {  	_ =	swait.ge @!p0 [sflag:s0], s1  }
0x90: {  	s1 =	ssub.s32 @!p0 $0x0, s1;
	[sflag:s0] =	ssyncset.done @!p0 $0x0  }
0x91: {  	[sflag:s0] =	ssyncadd.s32 @!p0 s1  }
0x92: {  	[bflag:$0x3] =	sbarrier.arrive $0xFFFF  }
0x93: {  	_ =	shalt  }

</sc_bundles>
